<compile_context>
chip_gen: v7x
topology: tpu7x:2x2x1
jax: 0.10.2.dev20260603
libtpu: 0.0.44.dev20260713+nightly
codegen_flags: <defaults>
</compile_context>

<pallas_src>
import functools

import jax
import jax.numpy as jnp
from jax import lax
from jax.experimental import pallas as pl
from jax.experimental.pallas import tpu as pltpu
from jax.experimental.pallas import tpu_sc as plsc

HASH_SIZE = 10240
EMB_DIM = 128
D_MODEL = 2048
P1 = 31337
P2 = 179424673
P2_HI = P2 >> 16
P2_LO = P2 & 0xFFFF

NC, NS, LANES = 2, 16, 16
NW = NC * NS
GATHER_CHUNK = 128


def _i32(v):
    return jnp.int32(v)


def _mod5_small(e):
    q = lax.shift_right_logical(e * _i32(52429), _i32(18))
    return e - _i32(5) * q


def _trigram_hash(t, m1, m2):
    lo_part = m1 * _i32(P2_LO)
    hi_term = m1 * _i32(P2_HI)
    lo32 = lax.shift_left(hi_term, _i32(16)) + lo_part
    hi32 = lax.shift_right_logical(
        hi_term + lax.shift_right_logical(lo_part, _i32(16)), _i32(16))
    xlo = lax.bitwise_xor(lax.bitwise_xor(lo32, m2 * _i32(P1)), t)
    a2048 = lax.bitwise_and(xlo, _i32(2047))
    d = (lax.bitwise_and(xlo, _i32(0xFFFF))
         + lax.shift_right_logical(xlo, _i32(16)))
    d2 = (lax.bitwise_and(d, _i32(0xFFFF))
          + lax.shift_right_logical(d, _i32(16)))
    r5 = _mod5_small(d2 + hi32)
    ra = _mod5_small(a2048)
    k = _mod5_small(_i32(2) * (r5 + _i32(5) - ra))
    return a2048 + _i32(2048) * k


def _sc_hash_gather(t_flat, m1_flat, m2_flat, table):
    n = t_flat.shape[0]
    row_words = table.shape[1]
    b_per_w = n // NW
    n_chunks = b_per_w // GATHER_CHUNK
    mesh = plsc.VectorSubcoreMesh(core_axis_name="c", subcore_axis_name="s")

    @functools.partial(
        pl.kernel,
        mesh=mesh,
        out_type=jax.ShapeDtypeStruct((n, row_words), table.dtype),
        scratch_types=[
            pltpu.VMEM((b_per_w,), jnp.int32),
            pltpu.VMEM((b_per_w,), jnp.int32),
            pltpu.VMEM((b_per_w,), jnp.int32),
            pltpu.VMEM((b_per_w,), jnp.int32),
            pltpu.VMEM((b_per_w, row_words), table.dtype),
            pltpu.SemaphoreType.DMA,
            pltpu.SemaphoreType.DMA((n_chunks,)),
            pltpu.SemaphoreType.DMA((n_chunks,)),
        ],
    )
    def k(t_hbm, m1_hbm, m2_hbm, table_hbm, out_hbm,
          t_v, m1_v, m2_v, idx_v, rows_v, sem, gsem, wsem):
        wid = lax.axis_index("s") * _i32(NC) + lax.axis_index("c")
        base = wid * _i32(b_per_w)
        in_copies = [
            pltpu.async_copy(t_hbm.at[pl.ds(base, b_per_w)], t_v, sem),
            pltpu.async_copy(m1_hbm.at[pl.ds(base, b_per_w)], m1_v, sem),
            pltpu.async_copy(m2_hbm.at[pl.ds(base, b_per_w)], m2_v, sem),
        ]
        for cp in in_copies:
            cp.wait()

        for i in range(0, b_per_w, LANES):
            slc = pl.ds(i, LANES)
            h = _trigram_hash(t_v.at[slc][...], m1_v.at[slc][...],
                              m2_v.at[slc][...])
            idx_v.at[slc][...] = h

        gathers = []
        for c in range(n_chunks):
            cs = pl.ds(c * GATHER_CHUNK, GATHER_CHUNK)
            gathers.append(pltpu.async_copy(
                table_hbm.at[idx_v.at[cs]], rows_v.at[cs], gsem.at[_i32(c)]))
        writes = []
        for c in range(n_chunks):
            cs = pl.ds(c * GATHER_CHUNK, GATHER_CHUNK)
            gathers[c].wait()
            writes.append(pltpu.async_copy(
                rows_v.at[cs],
                out_hbm.at[pl.ds(base + _i32(c * GATHER_CHUNK),
                                 GATHER_CHUNK)],
                wsem.at[_i32(c)]))
        for wr in writes:
            wr.wait()

    return k(t_flat, m1_flat, m2_flat, table)


def _mm_body(e_ref, w_ref, o_ref):
    emb = e_ref[...].astype(jnp.bfloat16)
    w = w_ref[...].astype(jnp.bfloat16)
    o_ref[...] = lax.dot_general(
        emb, w, (((1,), (1,)), ((), ())),
        preferred_element_type=jnp.float32)


def _project(emb, W, bm=1024):
    n = emb.shape[0]
    return pl.pallas_call(
        _mm_body,
        grid=(n // bm,),
        in_specs=[
            pl.BlockSpec((bm, EMB_DIM), lambda i: (i, jnp.int32(0))),
            pl.BlockSpec((D_MODEL, EMB_DIM),
                         lambda i: (jnp.int32(0), jnp.int32(0))),
        ],
        out_specs=pl.BlockSpec((bm, D_MODEL), lambda i: (i, jnp.int32(0))),
        out_shape=jax.ShapeDtypeStruct((n, D_MODEL), jnp.float32),
    )(emb, W)


def kernel(input_ids, table, W):
    b, s = input_ids.shape
    n = b * s
    ids32 = input_ids.astype(jnp.int32)
    m1 = jnp.pad(ids32[:, :-1], ((0, 0), (1, 0)))
    m2 = jnp.pad(ids32[:, :-2], ((0, 0), (2, 0)))
    emb = _sc_hash_gather(ids32.reshape(n), m1.reshape(n), m2.reshape(n),
                          table)
    out = _project(emb, W)
    return out.reshape(b, s, D_MODEL)

# --- scband reference (transcript-rebuilt; emitter-appended) ---
"""Pipeline reference for scband-trigram-hash-47519518163603 (READ-ONLY COPY).

The authoritative reference and input builder live on the scoring server;
editing this copy changes nothing except your own understanding.
"""

import jax, jax.numpy as jnp
import numpy as np

jax.config.update("jax_enable_x64", True)

HASH_SIZE = 10240
EMB_DIM = 128
D_MODEL = 2048
P1 = 31337
P2 = 179424673


def setup_inputs(seed: int = 0) -> dict:
    key = jax.random.key(seed)
    k1, k2, k3 = jax.random.split(key, 3)
    input_ids = jax.random.randint(k1, (4, 4096), 0, 50000, dtype=jnp.int64)
    table = jax.random.normal(k2, (HASH_SIZE, EMB_DIM), dtype=jnp.float32) * 0.02
    # nn.init.orthogonal_ on proj.weight [d_model, emb_dim]: orthonormal columns via QR
    Wr = jax.random.normal(k3, (D_MODEL, EMB_DIM), dtype=jnp.float32)
    q, _ = jnp.linalg.qr(Wr)
    W = q.astype(jnp.float32)  # [D_MODEL, EMB_DIM]
    return {"input_ids": input_ids, "table": table, "W": W}


def reference(input_ids, table, W):
    # t_i = input_ids; t_minus_1 / t_minus_2 are right-shifted copies padded with 0
    t_i = input_ids
    t_m1 = jnp.pad(input_ids[:, :-1], ((0, 0), (1, 0)), constant_values=0)
    t_m2 = jnp.pad(input_ids[:, :-2], ((0, 0), (2, 0)), constant_values=0)
    # python precedence: (t_m2*P1) ^ (t_m1*P2) ^ t_i, then mod hash_size (int64 math)
    h = (t_m2 * P1 ^ t_m1 * P2 ^ t_i) % HASH_SIZE
    emb = jnp.take(table, h, axis=0)  # [B, T, EMB_DIM]
    out = emb @ W.T  # nn.Linear(emb_dim, d_model, bias=False)
    return out

if __name__ == "__main__":
    import jax
    _d = setup_inputs()
    print(jax.jit(kernel)(*tuple(_d.values())))

</pallas_src>

<mosaic_0001>
#map = affine_map<(d0, d1) -> (0)>
#map1 = affine_map<(d0, d1) -> (0, 0)>
module attributes {stable_mosaic.version = 14 : i64} {
  func.func @k(%arg0: i32, %arg1: i32, %arg2: memref<16384xi32, #tpu.memory_space<hbm>>, %arg3: memref<16384xi32, #tpu.memory_space<hbm>>, %arg4: memref<16384xi32, #tpu.memory_space<hbm>>, %arg5: memref<10240x128xf32, #tpu.memory_space<hbm>>, %arg6: memref<16384x128xf32, #tpu.memory_space<hbm>>, %arg7: memref<512xi32, #tpu.memory_space<vmem>>, %arg8: memref<512xi32, #tpu.memory_space<vmem>>, %arg9: memref<512xi32, #tpu.memory_space<vmem>>, %arg10: memref<512xi32, #tpu.memory_space<vmem>>, %arg11: memref<512x128xf32, #tpu.memory_space<vmem>>, %arg12: memref<!tpu.dma_semaphore, #tpu.memory_space<semaphore_mem>>, %arg13: memref<4x!tpu.dma_semaphore, #tpu.memory_space<semaphore_mem>>, %arg14: memref<4x!tpu.dma_semaphore, #tpu.memory_space<semaphore_mem>>) attributes {dimension_semantics = [#tpu.dimension_semantics<core_parallel>, #tpu.dimension_semantics<subcore_parallel>], iteration_bounds = array<i64: 2, 16>, scalar_prefetch = 0 : i64, scratch_operands = 8 : i64, tpu.core_type = #tpu.core_type<sc_vector_subcore>, window_params = [{transform_indices = #map}, {transform_indices = #map}, {transform_indices = #map}, {transform_indices = #map1}, {transform_indices = #map1}]} {
    %mul3A = arith.constant 2 : i32
    %mul3A_0 = arith.muli %arg1, %mul3A : i32
    %add3A = arith.addi %mul3A_0, %arg0 : i32
    %mul3A_1 = arith.constant 512 : i32
    %mul3A_2 = arith.muli %add3A, %mul3A_1 : i32
    %dma_start3A = tpu.memref_slice %arg2[%mul3A_2] : memref<16384xi32, #tpu.memory_space<hbm>> -> memref<512xi32, #tpu.memory_space<hbm>>
    %dma_start3A_3 = tpu.memref_slice %arg2[%mul3A_2] : memref<16384xi32, #tpu.memory_space<hbm>> -> memref<512xi32, #tpu.memory_space<hbm>>
    tpu.enqueue_dma source(%dma_start3A_3 : memref<512xi32, #tpu.memory_space<hbm>>) target(%arg7 : memref<512xi32, #tpu.memory_space<vmem>>) target_semaphore(%arg12 : memref<!tpu.dma_semaphore, #tpu.memory_space<semaphore_mem>>)
    %dma_start3A_4 = tpu.memref_slice %arg3[%mul3A_2] : memref<16384xi32, #tpu.memory_space<hbm>> -> memref<512xi32, #tpu.memory_space<hbm>>
    %dma_start3A_5 = tpu.memref_slice %arg3[%mul3A_2] : memref<16384xi32, #tpu.memory_space<hbm>> -> memref<512xi32, #tpu.memory_space<hbm>>
    tpu.enqueue_dma source(%dma_start3A_5 : memref<512xi32, #tpu.memory_space<hbm>>) target(%arg8 : memref<512xi32, #tpu.memory_space<vmem>>) target_semaphore(%arg12 : memref<!tpu.dma_semaphore, #tpu.memory_space<semaphore_mem>>)
    %dma_start3A_6 = tpu.memref_slice %arg4[%mul3A_2] : memref<16384xi32, #tpu.memory_space<hbm>> -> memref<512xi32, #tpu.memory_space<hbm>>
    %dma_start3A_7 = tpu.memref_slice %arg4[%mul3A_2] : memref<16384xi32, #tpu.memory_space<hbm>> -> memref<512xi32, #tpu.memory_space<hbm>>
    tpu.enqueue_dma source(%dma_start3A_7 : memref<512xi32, #tpu.memory_space<hbm>>) target(%arg9 : memref<512xi32, #tpu.memory_space<vmem>>) target_semaphore(%arg12 : memref<!tpu.dma_semaphore, #tpu.memory_space<semaphore_mem>>)
    %dma_wait3A = tpu.memref_slice %arg2[%mul3A_2] : memref<16384xi32, #tpu.memory_space<hbm>> -> memref<512xi32, #tpu.memory_space<hbm>>
    %dma_wait3A_8 = tpu.memref_slice %arg2[%mul3A_2] : memref<16384xi32, #tpu.memory_space<hbm>> -> memref<512xi32, #tpu.memory_space<hbm>>
    tpu.wait_dma2 semaphore(%arg12 : memref<!tpu.dma_semaphore, #tpu.memory_space<semaphore_mem>>) src(%dma_wait3A_8 : memref<512xi32, #tpu.memory_space<hbm>>) dst(%arg7 : memref<512xi32, #tpu.memory_space<vmem>>)
    %dma_wait3A_9 = tpu.memref_slice %arg3[%mul3A_2] : memref<16384xi32, #tpu.memory_space<hbm>> -> memref<512xi32, #tpu.memory_space<hbm>>
    %dma_wait3A_10 = tpu.memref_slice %arg3[%mul3A_2] : memref<16384xi32, #tpu.memory_space<hbm>> -> memref<512xi32, #tpu.memory_space<hbm>>
    tpu.wait_dma2 semaphore(%arg12 : memref<!tpu.dma_semaphore, #tpu.memory_space<semaphore_mem>>) src(%dma_wait3A_10 : memref<512xi32, #tpu.memory_space<hbm>>) dst(%arg8 : memref<512xi32, #tpu.memory_space<vmem>>)
    %dma_wait3A_11 = tpu.memref_slice %arg4[%mul3A_2] : memref<16384xi32, #tpu.memory_space<hbm>> -> memref<512xi32, #tpu.memory_space<hbm>>
    %dma_wait3A_12 = tpu.memref_slice %arg4[%mul3A_2] : memref<16384xi32, #tpu.memory_space<hbm>> -> memref<512xi32, #tpu.memory_space<hbm>>
    tpu.wait_dma2 semaphore(%arg12 : memref<!tpu.dma_semaphore, #tpu.memory_space<semaphore_mem>>) src(%dma_wait3A_12 : memref<512xi32, #tpu.memory_space<hbm>>) dst(%arg9 : memref<512xi32, #tpu.memory_space<vmem>>)
    %get3A = arith.constant 0 : index
    %get3A_13 = tpu.vector_load %arg7[%get3A] {strides = array<i32>} : memref<512xi32, #tpu.memory_space<vmem>>, vector<16xi32>,
    %get3A_14 = vector.shape_cast %get3A_13 : vector<16xi32> to vector<16xi32>
    %get3A_15 = arith.constant 0 : index
    %get3A_16 = tpu.vector_load %arg8[%get3A_15] {strides = array<i32>} : memref<512xi32, #tpu.memory_space<vmem>>, vector<16xi32>,
    %get3A_17 = vector.shape_cast %get3A_16 : vector<16xi32> to vector<16xi32>
    %get3A_18 = arith.constant 0 : index
    %get3A_19 = tpu.vector_load %arg9[%get3A_18] {strides = array<i32>} : memref<512xi32, #tpu.memory_space<vmem>>, vector<16xi32>,
    %get3A_20 = vector.shape_cast %get3A_19 : vector<16xi32> to vector<16xi32>
    %mul3A_21 = arith.constant 52641 : i32
    %mul3A_22 = vector.broadcast %mul3A_21 : i32 to vector<16xi32>
    %mul3A_23 = arith.muli %get3A_17, %mul3A_22 : vector<16xi32>
    %mul3A_24 = arith.constant 2737 : i32
    %mul3A_25 = vector.broadcast %mul3A_24 : i32 to vector<16xi32>
    %mul3A_26 = arith.muli %get3A_17, %mul3A_25 : vector<16xi32>
    %shift_left3A = arith.constant 16 : i32
    %shift_left3A_27 = vector.broadcast %shift_left3A : i32 to vector<16xi32>
    %shift_left3A_28 = arith.shli %mul3A_26, %shift_left3A_27 : vector<16xi32>
    %add3A_29 = arith.addi %shift_left3A_28, %mul3A_23 : vector<16xi32>
    %shift_right_logical3A = arith.constant 16 : i32
    %shift_right_logical3A_30 = vector.broadcast %shift_right_logical3A : i32 to vector<16xi32>
    %shift_right_logical3A_31 = arith.shrui %mul3A_23, %shift_right_logical3A_30 : vector<16xi32>
    %add3A_32 = arith.addi %mul3A_26, %shift_right_logical3A_31 : vector<16xi32>
    %shift_right_logical3A_33 = arith.constant 16 : i32
    %shift_right_logical3A_34 = vector.broadcast %shift_right_logical3A_33 : i32 to vector<16xi32>
    %shift_right_logical3A_35 = arith.shrui %add3A_32, %shift_right_logical3A_34 : vector<16xi32>
    %mul3A_36 = arith.constant 31337 : i32
    %mul3A_37 = vector.broadcast %mul3A_36 : i32 to vector<16xi32>
    %mul3A_38 = arith.muli %get3A_20, %mul3A_37 : vector<16xi32>
    %xor3A = arith.xori %add3A_29, %mul3A_38 : vector<16xi32>
    %xor3A_39 = arith.xori %xor3A, %get3A_14 : vector<16xi32>
    %and3A = arith.constant 2047 : i32
    %and3A_40 = vector.broadcast %and3A : i32 to vector<16xi32>
    %and3A_41 = arith.andi %xor3A_39, %and3A_40 : vector<16xi32>
    %and3A_42 = arith.constant 65535 : i32
    %and3A_43 = vector.broadcast %and3A_42 : i32 to vector<16xi32>
    %and3A_44 = arith.andi %xor3A_39, %and3A_43 : vector<16xi32>
    %shift_right_logical3A_45 = arith.constant 16 : i32
    %shift_right_logical3A_46 = vector.broadcast %shift_right_logical3A_45 : i32 to vector<16xi32>
    %shift_right_logical3A_47 = arith.shrui %xor3A_39, %shift_right_logical3A_46 : vector<16xi32>
    %add3A_48 = arith.addi %and3A_44, %shift_right_logical3A_47 : vector<16xi32>
    %and3A_49 = arith.constant 65535 : i32
    %and3A_50 = vector.broadcast %and3A_49 : i32 to vector<16xi32>
    %and3A_51 = arith.andi %add3A_48, %and3A_50 : vector<16xi32>
    %shift_right_logical3A_52 = arith.constant 16 : i32
    %shift_right_logical3A_53 = vector.broadcast %shift_right_logical3A_52 : i32 to vector<16xi32>
    %shift_right_logical3A_54 = arith.shrui %add3A_48, %shift_right_logical3A_53 : vector<16xi32>
    %add3A_55 = arith.addi %and3A_51, %shift_right_logical3A_54 : vector<16xi32>
    %add3A_56 = arith.addi %add3A_55, %shift_right_logical3A_35 : vector<16xi32>
    %mul3A_57 = arith.constant 52429 : i32
    %mul3A_58 = vector.broadcast %mul3A_57 : i32 to vector<16xi32>
    %mul3A_59 = arith.muli %add3A_56, %mul3A_58 : vector<16xi32>
    %shift_right_logical3A_60 = arith.constant 18 : i32
    %shift_right_logical3A_61 = vector.broadcast %shift_right_logical3A_60 : i32 to vector<16xi32>
    %shift_right_logical3A_62 = arith.shrui %mul3A_59, %shift_right_logical3A_61 : vector<16xi32>
    %mul3A_63 = arith.constant 5 : i32
    %mul3A_64 = vector.broadcast %mul3A_63 : i32 to vector<16xi32>
    %mul3A_65 = arith.muli %mul3A_64, %shift_right_logical3A_62 : vector<16xi32>
    %sub3A = arith.subi %add3A_56, %mul3A_65 : vector<16xi32>
    %mul3A_66 = arith.constant 52429 : i32
    %mul3A_67 = vector.broadcast %mul3A_66 : i32 to vector<16xi32>
    %mul3A_68 = arith.muli %and3A_41, %mul3A_67 : vector<16xi32>
    %shift_right_logical3A_69 = arith.constant 18 : i32
    %shift_right_logical3A_70 = vector.broadcast %shift_right_logical3A_69 : i32 to vector<16xi32>
    %shift_right_logical3A_71 = arith.shrui %mul3A_68, %shift_right_logical3A_70 : vector<16xi32>
    %mul3A_72 = arith.constant 5 : i32
    %mul3A_73 = vector.broadcast %mul3A_72 : i32 to vector<16xi32>
    %mul3A_74 = arith.muli %mul3A_73, %shift_right_logical3A_71 : vector<16xi32>
    %sub3A_75 = arith.subi %and3A_41, %mul3A_74 : vector<16xi32>
    %add3A_76 = arith.constant 5 : i32
    %add3A_77 = vector.broadcast %add3A_76 : i32 to vector<16xi32>
    %add3A_78 = arith.addi %sub3A, %add3A_77 : vector<16xi32>
    %sub3A_79 = arith.subi %add3A_78, %sub3A_75 : vector<16xi32>
    %mul3A_80 = arith.constant 2 : i32
    %mul3A_81 = vector.broadcast %mul3A_80 : i32 to vector<16xi32>
    %mul3A_82 = arith.muli %mul3A_81, %sub3A_79 : vector<16xi32>
    %mul3A_83 = arith.constant 52429 : i32
    %mul3A_84 = vector.broadcast %mul3A_83 : i32 to vector<16xi32>
    %mul3A_85 = arith.muli %mul3A_82, %mul3A_84 : vector<16xi32>
    %shift_right_logical3A_86 = arith.constant 18 : i32
    %shift_right_logical3A_87 = vector.broadcast %shift_right_logical3A_86 : i32 to vector<16xi32>
    %shift_right_logical3A_88 = arith.shrui %mul3A_85, %shift_right_logical3A_87 : vector<16xi32>
    %mul3A_89 = arith.constant 5 : i32
    %mul3A_90 = vector.broadcast %mul3A_89 : i32 to vector<16xi32>
    %mul3A_91 = arith.muli %mul3A_90, %shift_right_logical3A_88 : vector<16xi32>
    %sub3A_92 = arith.subi %mul3A_82, %mul3A_91 : vector<16xi32>
    %mul3A_93 = arith.constant 2048 : i32
    %mul3A_94 = vector.broadcast %mul3A_93 : i32 to vector<16xi32>
    %mul3A_95 = arith.muli %mul3A_94, %sub3A_92 : vector<16xi32>
    %add3A_96 = arith.addi %and3A_41, %mul3A_95 : vector<16xi32>
    %swap3A = arith.constant 0 : index
    %swap3A_97 = tpu.vector_load %arg10[%swap3A] {strides = array<i32>} : memref<512xi32, #tpu.memory_space<vmem>>, vector<16xi32>,
    %swap3A_98 = vector.shape_cast %swap3A_97 : vector<16xi32> to vector<16xi32>
    %swap3A_99 = vector.shape_cast %add3A_96 : vector<16xi32> to vector<16xi32>
    tpu.vector_store %arg10[%swap3A], %swap3A_99 {strides = array<i32>} : memref<512xi32, #tpu.memory_space<vmem>>, vector<16xi32>,
    %get3A_100 = arith.constant 16 : index
    %get3A_101 = tpu.vector_load %arg7[%get3A_100] {strides = array<i32>} : memref<512xi32, #tpu.memory_space<vmem>>, vector<16xi32>,
    %get3A_102 = vector.shape_cast %get3A_101 : vector<16xi32> to vector<16xi32>
    %get3A_103 = arith.constant 16 : index
    %get3A_104 = tpu.vector_load %arg8[%get3A_103] {strides = array<i32>} : memref<512xi32, #tpu.memory_space<vmem>>, vector<16xi32>,
    %get3A_105 = vector.shape_cast %get3A_104 : vector<16xi32> to vector<16xi32>
    %get3A_106 = arith.constant 16 : index
    %get3A_107 = tpu.vector_load %arg9[%get3A_106] {strides = array<i32>} : memref<512xi32, #tpu.memory_space<vmem>>, vector<16xi32>,
    %get3A_108 = vector.shape_cast %get3A_107 : vector<16xi32> to vector<16xi32>
    %mul3A_109 = arith.constant 52641 : i32
    %mul3A_110 = vector.broadcast %mul3A_109 : i32 to vector<16xi32>
    %mul3A_111 = arith.muli %get3A_105, %mul3A_110 : vector<16xi32>
    %mul3A_112 = arith.constant 2737 : i32
    %mul3A_113 = vector.broadcast %mul3A_112 : i32 to vector<16xi32>
    %mul3A_114 = arith.muli %get3A_105, %mul3A_113 : vector<16xi32>
    %shift_left3A_115 = arith.constant 16 : i32
    %shift_left3A_116 = vector.broadcast %shift_left3A_115 : i32 to vector<16xi32>
    %shift_left3A_117 = arith.shli %mul3A_114, %shift_left3A_116 : vector<16xi32>
    %add3A_118 = arith.addi %shift_left3A_117, %mul3A_111 : vector<16xi32>
    %shift_right_logical3A_119 = arith.constant 16 : i32
    %shift_right_logical3A_120 = vector.broadcast %shift_right_logical3A_119 : i32 to vector<16xi32>
    %shift_right_logical3A_121 = arith.shrui %mul3A_111, %shift_right_logical3A_120 : vector<16xi32>
    %add3A_122 = arith.addi %mul3A_114, %shift_right_logical3A_121 : vector<16xi32>
    %shift_right_logical3A_123 = arith.constant 16 : i32
    %shift_right_logical3A_124 = vector.broadcast %shift_right_logical3A_123 : i32 to vector<16xi32>
    %shift_right_logical3A_125 = arith.shrui %add3A_122, %shift_right_logical3A_124 : vector<16xi32>
    %mul3A_126 = arith.constant 31337 : i32
    %mul3A_127 = vector.broadcast %mul3A_126 : i32 to vector<16xi32>
    %mul3A_128 = arith.muli %get3A_108, %mul3A_127 : vector<16xi32>
    %xor3A_129 = arith.xori %add3A_118, %mul3A_128 : vector<16xi32>
    %xor3A_130 = arith.xori %xor3A_129, %get3A_102 : vector<16xi32>
    %and3A_131 = arith.constant 2047 : i32
    %and3A_132 = vector.broadcast %and3A_131 : i32 to vector<16xi32>
    %and3A_133 = arith.andi %xor3A_130, %and3A_132 : vector<16xi32>
    %and3A_134 = arith.constant 65535 : i32
    %and3A_135 = vector.broadcast %and3A_134 : i32 to vector<16xi32>
    %and3A_136 = arith.andi %xor3A_130, %and3A_135 : vector<16xi32>
    %shift_right_logical3A_137 = arith.constant 16 : i32
    %shift_right_logical3A_138 = vector.broadcast %shift_right_logical3A_137 : i32 to vector<16xi32>
    %shift_right_logical3A_139 = arith.shrui %xor3A_130, %shift_right_logical3A_138 : vector<16xi32>
    %add3A_140 = arith.addi %and3A_136, %shift_right_logical3A_139 : vector<16xi32>
    %and3A_141 = arith.constant 65535 : i32
    %and3A_142 = vector.broadcast %and3A_141 : i32 to vector<16xi32>
    %and3A_143 = arith.andi %add3A_140, %and3A_142 : vector<16xi32>
    %shift_right_logical3A_144 = arith.constant 16 : i32
    %shift_right_logical3A_145 = vector.broadcast %shift_right_logical3A_144 : i32 to vector<16xi32>
    %shift_right_logical3A_146 = arith.shrui %add3A_140, %shift_right_logical3A_145 : vector<16xi32>
    %add3A_147 = arith.addi %and3A_143, %shift_right_logical3A_146 : vector<16xi32>
    %add3A_148 = arith.addi %add3A_147, %shift_right_logical3A_125 : vector<16xi32>
    %mul3A_149 = arith.constant 52429 : i32
    %mul3A_150 = vector.broadcast %mul3A_149 : i32 to vector<16xi32>
    %mul3A_151 = arith.muli %add3A_148, %mul3A_150 : vector<16xi32>
    %shift_right_logical3A_152 = arith.constant 18 : i32
    %shift_right_logical3A_153 = vector.broadcast %shift_right_logical3A_152 : i32 to vector<16xi32>
    %shift_right_logical3A_154 = arith.shrui %mul3A_151, %shift_right_logical3A_153 : vector<16xi32>
    %mul3A_155 = arith.constant 5 : i32
    %mul3A_156 = vector.broadcast %mul3A_155 : i32 to vector<16xi32>
    %mul3A_157 = arith.muli %mul3A_156, %shift_right_logical3A_154 : vector<16xi32>
    %sub3A_158 = arith.subi %add3A_148, %mul3A_157 : vector<16xi32>
    %mul3A_159 = arith.constant 52429 : i32
    %mul3A_160 = vector.broadcast %mul3A_159 : i32 to vector<16xi32>
    %mul3A_161 = arith.muli %and3A_133, %mul3A_160 : vector<16xi32>
    %shift_right_logical3A_162 = arith.constant 18 : i32
    %shift_right_logical3A_163 = vector.broadcast %shift_right_logical3A_162 : i32 to vector<16xi32>
    %shift_right_logical3A_164 = arith.shrui %mul3A_161, %shift_right_logical3A_163 : vector<16xi32>
    %mul3A_165 = arith.constant 5 : i32
    %mul3A_166 = vector.broadcast %mul3A_165 : i32 to vector<16xi32>
    %mul3A_167 = arith.muli %mul3A_166, %shift_right_logical3A_164 : vector<16xi32>
    %sub3A_168 = arith.subi %and3A_133, %mul3A_167 : vector<16xi32>
    %add3A_169 = arith.constant 5 : i32
    %add3A_170 = vector.broadcast %add3A_169 : i32 to vector<16xi32>
    %add3A_171 = arith.addi %sub3A_158, %add3A_170 : vector<16xi32>
    %sub3A_172 = arith.subi %add3A_171, %sub3A_168 : vector<16xi32>
    %mul3A_173 = arith.constant 2 : i32
    %mul3A_174 = vector.broadcast %mul3A_173 : i32 to vector<16xi32>
    %mul3A_175 = arith.muli %mul3A_174, %sub3A_172 : vector<16xi32>
    %mul3A_176 = arith.constant 52429 : i32
    %mul3A_177 = vector.broadcast %mul3A_176 : i32 to vector<16xi32>
    %mul3A_178 = arith.muli %mul3A_175, %mul3A_177 : vector<16xi32>
    %shift_right_logical3A_179 = arith.constant 18 : i32
    %shift_right_logical3A_180 = vector.broadcast %shift_right_logical3A_179 : i32 to vector<16xi32>
    %shift_right_logical3A_181 = arith.shrui %mul3A_178, %shift_right_logical3A_180 : vector<16xi32>
    %mul3A_182 = arith.constant 5 : i32
    %mul3A_183 = vector.broadcast %mul3A_182 : i32 to vector<16xi32>
    %mul3A_184 = arith.muli %mul3A_183, %shift_right_logical3A_181 : vector<16xi32>
    %sub3A_185 = arith.subi %mul3A_175, %mul3A_184 : vector<16xi32>
    %mul3A_186 = arith.constant 2048 : i32
    %mul3A_187 = vector.broadcast %mul3A_186 : i32 to vector<16xi32>
    %mul3A_188 = arith.muli %mul3A_187, %sub3A_185 : vector<16xi32>
    %add3A_189 = arith.addi %and3A_133, %mul3A_188 : vector<16xi32>
    %swap3A_190 = arith.constant 16 : index
    %swap3A_191 = tpu.vector_load %arg10[%swap3A_190] {strides = array<i32>} : memref<512xi32, #tpu.memory_space<vmem>>, vector<16xi32>,
    %swap3A_192 = vector.shape_cast %swap3A_191 : vector<16xi32> to vector<16xi32>
    %swap3A_193 = vector.shape_cast %add3A_189 : vector<16xi32> to vector<16xi32>
    tpu.vector_store %arg10[%swap3A_190], %swap3A_193 {strides = array<i32>} : memref<512xi32, #tpu.memory_space<vmem>>, vector<16xi32>,
    %get3A_194 = arith.constant 32 : index
    %get3A_195 = tpu.vector_load %arg7[%get3A_194] {strides = array<i32>} : memref<512xi32, #tpu.memory_space<vmem>>, vector<16xi32>,
    %get3A_196 = vector.shape_cast %get3A_195 : vector<16xi32> to vector<16xi32>
    %get3A_197 = arith.constant 32 : index
    %get3A_198 = tpu.vector_load %arg8[%get3A_197] {strides = array<i32>} : memref<512xi32, #tpu.memory_space<vmem>>, vector<16xi32>,
    %get3A_199 = vector.shape_cast %get3A_198 : vector<16xi32> to vector<16xi32>
    %get3A_200 = arith.constant 32 : index
    %get3A_201 = tpu.vector_load %arg9[%get3A_200] {strides = array<i32>} : memref<512xi32, #tpu.memory_space<vmem>>, vector<16xi32>,
    %get3A_202 = vector.shape_cast %get3A_201 : vector<16xi32> to vector<16xi32>
    %mul3A_203 = arith.constant 52641 : i32
    %mul3A_204 = vector.broadcast %mul3A_203 : i32 to vector<16xi32>
    %mul3A_205 = arith.muli %get3A_199, %mul3A_204 : vector<16xi32>
    %mul3A_206 = arith.constant 2737 : i32
    %mul3A_207 = vector.broadcast %mul3A_206 : i32 to vector<16xi32>
    %mul3A_208 = arith.muli %get3A_199, %mul3A_207 : vector<16xi32>
    %shift_left3A_209 = arith.constant 16 : i32
    %shift_left3A_210 = vector.broadcast %shift_left3A_209 : i32 to vector<16xi32>
    %shift_left3A_211 = arith.shli %mul3A_208, %shift_left3A_210 : vector<16xi32>
    %add3A_212 = arith.addi %shift_left3A_211, %mul3A_205 : vector<16xi32>
    %shift_right_logical3A_213 = arith.constant 16 : i32
    %shift_right_logical3A_214 = vector.broadcast %shift_right_logical3A_213 : i32 to vector<16xi32>
    %shift_right_logical3A_215 = arith.shrui %mul3A_205, %shift_right_logical3A_214 : vector<16xi32>
    %add3A_216 = arith.addi %mul3A_208, %shift_right_logical3A_215 : vector<16xi32>
    %shift_right_logical3A_217 = arith.constant 16 : i32
    %shift_right_logical3A_218 = vector.broadcast %shift_right_logical3A_217 : i32 to vector<16xi32>
    %shift_right_logical3A_219 = arith.shrui %add3A_216, %shift_right_logical3A_218 : vector<16xi32>
    %mul3A_220 = arith.constant 31337 : i32
    %mul3A_221 = vector.broadcast %mul3A_220 : i32 to vector<16xi32>
    %mul3A_222 = arith.muli %get3A_202, %mul3A_221 : vector<16xi32>
    %xor3A_223 = arith.xori %add3A_212, %mul3A_222 : vector<16xi32>
    %xor3A_224 = arith.xori %xor3A_223, %get3A_196 : vector<16xi32>
    %and3A_225 = arith.constant 2047 : i32
    %and3A_226 = vector.broadcast %and3A_225 : i32 to vector<16xi32>
    %and3A_227 = arith.andi %xor3A_224, %and3A_226 : vector<16xi32>
    %and3A_228 = arith.constant 65535 : i32
    %and3A_229 = vector.broadcast %and3A_228 : i32 to vector<16xi32>
    %and3A_230 = arith.andi %xor3A_224, %and3A_229 : vector<16xi32>
    %shift_right_logical3A_231 = arith.constant 16 : i32
    %shift_right_logical3A_232 = vector.broadcast %shift_right_logical3A_231 : i32 to vector<16xi32>
    %shift_right_logical3A_233 = arith.shrui %xor3A_224, %shift_right_logical3A_232 : vector<16xi32>
    %add3A_234 = arith.addi %and3A_230, %shift_right_logical3A_233 : vector<16xi32>
    %and3A_235 = arith.constant 65535 : i32
    %and3A_236 = vector.broadcast %and3A_235 : i32 to vector<16xi32>
    %and3A_237 = arith.andi %add3A_234, %and3A_236 : vector<16xi32>
    %shift_right_logical3A_238 = arith.constant 16 : i32
    %shift_right_logical3A_239 = vector.broadcast %shift_right_logical3A_238 : i32 to vector<16xi32>
    %shift_right_logical3A_240 = arith.shrui %add3A_234, %shift_right_logical3A_239 : vector<16xi32>
    %add3A_241 = arith.addi %and3A_237, %shift_right_logical3A_240 : vector<16xi32>
    %add3A_242 = arith.addi %add3A_241, %shift_right_logical3A_219 : vector<16xi32>
    %mul3A_243 = arith.constant 52429 : i32
    %mul3A_244 = vector.broadcast %mul3A_243 : i32 to vector<16xi32>
    %mul3A_245 = arith.muli %add3A_242, %mul3A_244 : vector<16xi32>
    %shift_right_logical3A_246 = arith.constant 18 : i32
    %shift_right_logical3A_247 = vector.broadcast %shift_right_logical3A_246 : i32 to vector<16xi32>
    %shift_right_logical3A_248 = arith.shrui %mul3A_245, %shift_right_logical3A_247 : vector<16xi32>
    %mul3A_249 = arith.constant 5 : i32
    %mul3A_250 = vector.broadcast %mul3A_249 : i32 to vector<16xi32>
    %mul3A_251 = arith.muli %mul3A_250, %shift_right_logical3A_248 : vector<16xi32>
    %sub3A_252 = arith.subi %add3A_242, %mul3A_251 : vector<16xi32>
    %mul3A_253 = arith.constant 52429 : i32
    %mul3A_254 = vector.broadcast %mul3A_253 : i32 to vector<16xi32>
    %mul3A_255 = arith.muli %and3A_227, %mul3A_254 : vector<16xi32>
    %shift_right_logical3A_256 = arith.constant 18 : i32
    %shift_right_logical3A_257 = vector.broadcast %shift_right_logical3A_256 : i32 to vector<16xi32>
    %shift_right_logical3A_258 = arith.shrui %mul3A_255, %shift_right_logical3A_257 : vector<16xi32>
    %mul3A_259 = arith.constant 5 : i32
    %mul3A_260 = vector.broadcast %mul3A_259 : i32 to vector<16xi32>
    %mul3A_261 = arith.muli %mul3A_260, %shift_right_logical3A_258 : vector<16xi32>
    %sub3A_262 = arith.subi %and3A_227, %mul3A_261 : vector<16xi32>
    %add3A_263 = arith.constant 5 : i32
    %add3A_264 = vector.broadcast %add3A_263 : i32 to vector<16xi32>
    %add3A_265 = arith.addi %sub3A_252, %add3A_264 : vector<16xi32>
    %sub3A_266 = arith.subi %add3A_265, %sub3A_262 : vector<16xi32>
    %mul3A_267 = arith.constant 2 : i32
    %mul3A_268 = vector.broadcast %mul3A_267 : i32 to vector<16xi32>
    %mul3A_269 = arith.muli %mul3A_268, %sub3A_266 : vector<16xi32>
    %mul3A_270 = arith.constant 52429 : i32
    %mul3A_271 = vector.broadcast %mul3A_270 : i32 to vector<16xi32>
    %mul3A_272 = arith.muli %mul3A_269, %mul3A_271 : vector<16xi32>
    %shift_right_logical3A_273 = arith.constant 18 : i32
    %shift_right_logical3A_274 = vector.broadcast %shift_right_logical3A_273 : i32 to vector<16xi32>
    %shift_right_logical3A_275 = arith.shrui %mul3A_272, %shift_right_logical3A_274 : vector<16xi32>
    %mul3A_276 = arith.constant 5 : i32
    %mul3A_277 = vector.broadcast %mul3A_276 : i32 to vector<16xi32>
    %mul3A_278 = arith.muli %mul3A_277, %shift_right_logical3A_275 : vector<16xi32>
    %sub3A_279 = arith.subi %mul3A_269, %mul3A_278 : vector<16xi32>
    %mul3A_280 = arith.constant 2048 : i32
    %mul3A_281 = vector.broadcast %mul3A_280 : i32 to vector<16xi32>
    %mul3A_282 = arith.muli %mul3A_281, %sub3A_279 : vector<16xi32>
    %add3A_283 = arith.addi %and3A_227, %mul3A_282 : vector<16xi32>
    %swap3A_284 = arith.constant 32 : index
    %swap3A_285 = tpu.vector_load %arg10[%swap3A_284] {strides = array<i32>} : memref<512xi32, #tpu.memory_space<vmem>>, vector<16xi32>,
    %swap3A_286 = vector.shape_cast %swap3A_285 : vector<16xi32> to vector<16xi32>
    %swap3A_287 = vector.shape_cast %add3A_283 : vector<16xi32> to vector<16xi32>
    tpu.vector_store %arg10[%swap3A_284], %swap3A_287 {strides = array<i32>} : memref<512xi32, #tpu.memory_space<vmem>>, vector<16xi32>,
    %get3A_288 = arith.constant 48 : index
    %get3A_289 = tpu.vector_load %arg7[%get3A_288] {strides = array<i32>} : memref<512xi32, #tpu.memory_space<vmem>>, vector<16xi32>,
    %get3A_290 = vector.shape_cast %get3A_289 : vector<16xi32> to vector<16xi32>
    %get3A_291 = arith.constant 48 : index
    %get3A_292 = tpu.vector_load %arg8[%get3A_291] {strides = array<i32>} : memref<512xi32, #tpu.memory_space<vmem>>, vector<16xi32>,
    %get3A_293 = vector.shape_cast %get3A_292 : vector<16xi32> to vector<16xi32>
    %get3A_294 = arith.constant 48 : index
    %get3A_295 = tpu.vector_load %arg9[%get3A_294] {strides = array<i32>} : memref<512xi32, #tpu.memory_space<vmem>>, vector<16xi32>,
    %get3A_296 = vector.shape_cast %get3A_295 : vector<16xi32> to vector<16xi32>
    %mul3A_297 = arith.constant 52641 : i32
    %mul3A_298 = vector.broadcast %mul3A_297 : i32 to vector<16xi32>
    %mul3A_299 = arith.muli %get3A_293, %mul3A_298 : vector<16xi32>
    %mul3A_300 = arith.constant 2737 : i32
    %mul3A_301 = vector.broadcast %mul3A_300 : i32 to vector<16xi32>
    %mul3A_302 = arith.muli %get3A_293, %mul3A_301 : vector<16xi32>
    %shift_left3A_303 = arith.constant 16 : i32
    %shift_left3A_304 = vector.broadcast %shift_left3A_303 : i32 to vector<16xi32>
    %shift_left3A_305 = arith.shli %mul3A_302, %shift_left3A_304 : vector<16xi32>
    %add3A_306 = arith.addi %shift_left3A_305, %mul3A_299 : vector<16xi32>
    %shift_right_logical3A_307 = arith.constant 16 : i32
    %shift_right_logical3A_308 = vector.broadcast %shift_right_logical3A_307 : i32 to vector<16xi32>
    %shift_right_logical3A_309 = arith.shrui %mul3A_299, %shift_right_logical3A_308 : vector<16xi32>
    %add3A_310 = arith.addi %mul3A_302, %shift_right_logical3A_309 : vector<16xi32>
    %shift_right_logical3A_311 = arith.constant 16 : i32
    %shift_right_logical3A_312 = vector.broadcast %shift_right_logical3A_311 : i32 to vector<16xi32>
    %shift_right_logical3A_313 = arith.shrui %add3A_310, %shift_right_logical3A_312 : vector<16xi32>
    %mul3A_314 = arith.constant 31337 : i32
    %mul3A_315 = vector.broadcast %mul3A_314 : i32 to vector<16xi32>
    %mul3A_316 = arith.muli %get3A_296, %mul3A_315 : vector<16xi32>
    %xor3A_317 = arith.xori %add3A_306, %mul3A_316 : vector<16xi32>
    %xor3A_318 = arith.xori %xor3A_317, %get3A_290 : vector<16xi32>
    %and3A_319 = arith.constant 2047 : i32
    %and3A_320 = vector.broadcast %and3A_319 : i32 to vector<16xi32>
    %and3A_321 = arith.andi %xor3A_318, %and3A_320 : vector<16xi32>
    %and3A_322 = arith.constant 65535 : i32
    %and3A_323 = vector.broadcast %and3A_322 : i32 to vector<16xi32>
    %and3A_324 = arith.andi %xor3A_318, %and3A_323 : vector<16xi32>
    %shift_right_logical3A_325 = arith.constant 16 : i32
    %shift_right_logical3A_326 = vector.broadcast %shift_right_logical3A_325 : i32 to vector<16xi32>
    %shift_right_logical3A_327 = arith.shrui %xor3A_318, %shift_right_logical3A_326 : vector<16xi32>
    %add3A_328 = arith.addi %and3A_324, %shift_right_logical3A_327 : vector<16xi32>
    %and3A_329 = arith.constant 65535 : i32
    %and3A_330 = vector.broadcast %and3A_329 : i32 to vector<16xi32>
    %and3A_331 = arith.andi %add3A_328, %and3A_330 : vector<16xi32>
    %shift_right_logical3A_332 = arith.constant 16 : i32
    %shift_right_logical3A_333 = vector.broadcast %shift_right_logical3A_332 : i32 to vector<16xi32>
    %shift_right_logical3A_334 = arith.shrui %add3A_328, %shift_right_logical3A_333 : vector<16xi32>
    %add3A_335 = arith.addi %and3A_331, %shift_right_logical3A_334 : vector<16xi32>
    %add3A_336 = arith.addi %add3A_335, %shift_right_logical3A_313 : vector<16xi32>
    %mul3A_337 = arith.constant 52429 : i32
    %mul3A_338 = vector.broadcast %mul3A_337 : i32 to vector<16xi32>
    %mul3A_339 = arith.muli %add3A_336, %mul3A_338 : vector<16xi32>
    %shift_right_logical3A_340 = arith.constant 18 : i32
    %shift_right_logical3A_341 = vector.broadcast %shift_right_logical3A_340 : i32 to vector<16xi32>
    %shift_right_logical3A_342 = arith.shrui %mul3A_339, %shift_right_logical3A_341 : vector<16xi32>
    %mul3A_343 = arith.constant 5 : i32
    %mul3A_344 = vector.broadcast %mul3A_343 : i32 to vector<16xi32>
    %mul3A_345 = arith.muli %mul3A_344, %shift_right_logical3A_342 : vector<16xi32>
    %sub3A_346 = arith.subi %add3A_336, %mul3A_345 : vector<16xi32>
    %mul3A_347 = arith.constant 52429 : i32
    %mul3A_348 = vector.broadcast %mul3A_347 : i32 to vector<16xi32>
    %mul3A_349 = arith.muli %and3A_321, %mul3A_348 : vector<16xi32>
    %shift_right_logical3A_350 = arith.constant 18 : i32
    %shift_right_logical3A_351 = vector.broadcast %shift_right_logical3A_350 : i32 to vector<16xi32>
    %shift_right_logical3A_352 = arith.shrui %mul3A_349, %shift_right_logical3A_351 : vector<16xi32>
    %mul3A_353 = arith.constant 5 : i32
    %mul3A_354 = vector.broadcast %mul3A_353 : i32 to vector<16xi32>
    %mul3A_355 = arith.muli %mul3A_354, %shift_right_logical3A_352 : vector<16xi32>
    %sub3A_356 = arith.subi %and3A_321, %mul3A_355 : vector<16xi32>
    %add3A_357 = arith.constant 5 : i32
    %add3A_358 = vector.broadcast %add3A_357 : i32 to vector<16xi32>
    %add3A_359 = arith.addi %sub3A_346, %add3A_358 : vector<16xi32>
    %sub3A_360 = arith.subi %add3A_359, %sub3A_356 : vector<16xi32>
    %mul3A_361 = arith.constant 2 : i32
    %mul3A_362 = vector.broadcast %mul3A_361 : i32 to vector<16xi32>
    %mul3A_363 = arith.muli %mul3A_362, %sub3A_360 : vector<16xi32>
    %mul3A_364 = arith.constant 52429 : i32
    %mul3A_365 = vector.broadcast %mul3A_364 : i32 to vector<16xi32>
    %mul3A_366 = arith.muli %mul3A_363, %mul3A_365 : vector<16xi32>
    %shift_right_logical3A_367 = arith.constant 18 : i32
    %shift_right_logical3A_368 = vector.broadcast %shift_right_logical3A_367 : i32 to vector<16xi32>
    %shift_right_logical3A_369 = arith.shrui %mul3A_366, %shift_right_logical3A_368 : vector<16xi32>
    %mul3A_370 = arith.constant 5 : i32
    %mul3A_371 = vector.broadcast %mul3A_370 : i32 to vector<16xi32>
    %mul3A_372 = arith.muli %mul3A_371, %shift_right_logical3A_369 : vector<16xi32>
    %sub3A_373 = arith.subi %mul3A_363, %mul3A_372 : vector<16xi32>
    %mul3A_374 = arith.constant 2048 : i32
    %mul3A_375 = vector.broadcast %mul3A_374 : i32 to vector<16xi32>
    %mul3A_376 = arith.muli %mul3A_375, %sub3A_373 : vector<16xi32>
    %add3A_377 = arith.addi %and3A_321, %mul3A_376 : vector<16xi32>
    %swap3A_378 = arith.constant 48 : index
    %swap3A_379 = tpu.vector_load %arg10[%swap3A_378] {strides = array<i32>} : memref<512xi32, #tpu.memory_space<vmem>>, vector<16xi32>,
    %swap3A_380 = vector.shape_cast %swap3A_379 : vector<16xi32> to vector<16xi32>
    %swap3A_381 = vector.shape_cast %add3A_377 : vector<16xi32> to vector<16xi32>
    tpu.vector_store %arg10[%swap3A_378], %swap3A_381 {strides = array<i32>} : memref<512xi32, #tpu.memory_space<vmem>>, vector<16xi32>,
    %get3A_382 = arith.constant 64 : index
    %get3A_383 = tpu.vector_load %arg7[%get3A_382] {strides = array<i32>} : memref<512xi32, #tpu.memory_space<vmem>>, vector<16xi32>,
    %get3A_384 = vector.shape_cast %get3A_383 : vector<16xi32> to vector<16xi32>
    %get3A_385 = arith.constant 64 : index
    %get3A_386 = tpu.vector_load %arg8[%get3A_385] {strides = array<i32>} : memref<512xi32, #tpu.memory_space<vmem>>, vector<16xi32>,
    %get3A_387 = vector.shape_cast %get3A_386 : vector<16xi32> to vector<16xi32>
    %get3A_388 = arith.constant 64 : index
    %get3A_389 = tpu.vector_load %arg9[%get3A_388] {strides = array<i32>} : memref<512xi32, #tpu.memory_space<vmem>>, vector<16xi32>,
    %get3A_390 = vector.shape_cast %get3A_389 : vector<16xi32> to vector<16xi32>
    %mul3A_391 = arith.constant 52641 : i32
    %mul3A_392 = vector.broadcast %mul3A_391 : i32 to vector<16xi32>
    %mul3A_393 = arith.muli %get3A_387, %mul3A_392 : vector<16xi32>
    %mul3A_394 = arith.constant 2737 : i32
    %mul3A_395 = vector.broadcast %mul3A_394 : i32 to vector<16xi32>
    %mul3A_396 = arith.muli %get3A_387, %mul3A_395 : vector<16xi32>
    %shift_left3A_397 = arith.constant 16 : i32
    %shift_left3A_398 = vector.broadcast %shift_left3A_397 : i32 to vector<16xi32>
    %shift_left3A_399 = arith.shli %mul3A_396, %shift_left3A_398 : vector<16xi32>
    %add3A_400 = arith.addi %shift_left3A_399, %mul3A_393 : vector<16xi32>
    %shift_right_logical3A_401 = arith.constant 16 : i32
    %shift_right_logical3A_402 = vector.broadcast %shift_right_logical3A_401 : i32 to vector<16xi32>
    %shift_right_logical3A_403 = arith.shrui %mul3A_393, %shift_right_logical3A_402 : vector<16xi32>
    %add3A_404 = arith.addi %mul3A_396, %shift_right_logical3A_403 : vector<16xi32>
    %shift_right_logical3A_405 = arith.constant 16 : i32
    %shift_right_logical3A_406 = vector.broadcast %shift_right_logical3A_405 : i32 to vector<16xi32>
    %shift_right_logical3A_407 = arith.shrui %add3A_404, %shift_right_logical3A_406 : vector<16xi32>
    %mul3A_408 = arith.constant 31337 : i32
    %mul3A_409 = vector.broadcast %mul3A_408 : i32 to vector<16xi32>
    %mul3A_410 = arith.muli %get3A_390, %mul3A_409 : vector<16xi32>
    %xor3A_411 = arith.xori %add3A_400, %mul3A_410 : vector<16xi32>
    %xor3A_412 = arith.xori %xor3A_411, %get3A_384 : vector<16xi32>
    %and3A_413 = arith.constant 2047 : i32
    %and3A_414 = vector.broadcast %and3A_413 : i32 to vector<16xi32>
    %and3A_415 = arith.andi %xor3A_412, %and3A_414 : vector<16xi32>
    %and3A_416 = arith.constant 65535 : i32
    %and3A_417 = vector.broadcast %and3A_416 : i32 to vector<16xi32>
    %and3A_418 = arith.andi %xor3A_412, %and3A_417 : vector<16xi32>
    %shift_right_logical3A_419 = arith.constant 16 : i32
    %shift_right_logical3A_420 = vector.broadcast %shift_right_logical3A_419 : i32 to vector<16xi32>
    %shift_right_logical3A_421 = arith.shrui %xor3A_412, %shift_right_logical3A_420 : vector<16xi32>
    %add3A_422 = arith.addi %and3A_418, %shift_right_logical3A_421 : vector<16xi32>
    %and3A_423 = arith.constant 65535 : i32
    %and3A_424 = vector.broadcast %and3A_423 : i32 to vector<16xi32>
    %and3A_425 = arith.andi %add3A_422, %and3A_424 : vector<16xi32>
    %shift_right_logical3A_426 = arith.constant 16 : i32
    %shift_right_logical3A_427 = vector.broadcast %shift_right_logical3A_426 : i32 to vector<16xi32>
    %shift_right_logical3A_428 = arith.shrui %add3A_422, %shift_right_logical3A_427 : vector<16xi32>
    %add3A_429 = arith.addi %and3A_425, %shift_right_logical3A_428 : vector<16xi32>
    %add3A_430 = arith.addi %add3A_429, %shift_right_logical3A_407 : vector<16xi32>
    %mul3A_431 = arith.constant 52429 : i32
    %mul3A_432 = vector.broadcast %mul3A_431 : i32 to vector<16xi32>
    %mul3A_433 = arith.muli %add3A_430, %mul3A_432 : vector<16xi32>
    %shift_right_logical3A_434 = arith.constant 18 : i32
    %shift_right_logical3A_435 = vector.broadcast %shift_right_logical3A_434 : i32 to vector<16xi32>
    %shift_right_logical3A_436 = arith.shrui %mul3A_433, %shift_right_logical3A_435 : vector<16xi32>
    %mul3A_437 = arith.constant 5 : i32
    %mul3A_438 = vector.broadcast %mul3A_437 : i32 to vector<16xi32>
    %mul3A_439 = arith.muli %mul3A_438, %shift_right_logical3A_436 : vector<16xi32>
    %sub3A_440 = arith.subi %add3A_430, %mul3A_439 : vector<16xi32>
    %mul3A_441 = arith.constant 52429 : i32
    %mul3A_442 = vector.broadcast %mul3A_441 : i32 to vector<16xi32>
    %mul3A_443 = arith.muli %and3A_415, %mul3A_442 : vector<16xi32>
    %shift_right_logical3A_444 = arith.constant 18 : i32
    %shift_right_logical3A_445 = vector.broadcast %shift_right_logical3A_444 : i32 to vector<16xi32>
    %shift_right_logical3A_446 = arith.shrui %mul3A_443, %shift_right_logical3A_445 : vector<16xi32>
    %mul3A_447 = arith.constant 5 : i32
    %mul3A_448 = vector.broadcast %mul3A_447 : i32 to vector<16xi32>
    %mul3A_449 = arith.muli %mul3A_448, %shift_right_logical3A_446 : vector<16xi32>
    %sub3A_450 = arith.subi %and3A_415, %mul3A_449 : vector<16xi32>
    %add3A_451 = arith.constant 5 : i32
    %add3A_452 = vector.broadcast %add3A_451 : i32 to vector<16xi32>
    %add3A_453 = arith.addi %sub3A_440, %add3A_452 : vector<16xi32>
    %sub3A_454 = arith.subi %add3A_453, %sub3A_450 : vector<16xi32>
    %mul3A_455 = arith.constant 2 : i32
    %mul3A_456 = vector.broadcast %mul3A_455 : i32 to vector<16xi32>
    %mul3A_457 = arith.muli %mul3A_456, %sub3A_454 : vector<16xi32>
    %mul3A_458 = arith.constant 52429 : i32
    %mul3A_459 = vector.broadcast %mul3A_458 : i32 to vector<16xi32>
    %mul3A_460 = arith.muli %mul3A_457, %mul3A_459 : vector<16xi32>
    %shift_right_logical3A_461 = arith.constant 18 : i32
    %shift_right_logical3A_462 = vector.broadcast %shift_right_logical3A_461 : i32 to vector<16xi32>
    %shift_right_logical3A_463 = arith.shrui %mul3A_460, %shift_right_logical3A_462 : vector<16xi32>
    %mul3A_464 = arith.constant 5 : i32
    %mul3A_465 = vector.broadcast %mul3A_464 : i32 to vector<16xi32>
    %mul3A_466 = arith.muli %mul3A_465, %shift_right_logical3A_463 : vector<16xi32>
    %sub3A_467 = arith.subi %mul3A_457, %mul3A_466 : vector<16xi32>
    %mul3A_468 = arith.constant 2048 : i32
    %mul3A_469 = vector.broadcast %mul3A_468 : i32 to vector<16xi32>
    %mul3A_470 = arith.muli %mul3A_469, %sub3A_467 : vector<16xi32>
    %add3A_471 = arith.addi %and3A_415, %mul3A_470 : vector<16xi32>
    %swap3A_472 = arith.constant 64 : index
    %swap3A_473 = tpu.vector_load %arg10[%swap3A_472] {strides = array<i32>} : memref<512xi32, #tpu.memory_space<vmem>>, vector<16xi32>,
    %swap3A_474 = vector.shape_cast %swap3A_473 : vector<16xi32> to vector<16xi32>
    %swap3A_475 = vector.shape_cast %add3A_471 : vector<16xi32> to vector<16xi32>
    tpu.vector_store %arg10[%swap3A_472], %swap3A_475 {strides = array<i32>} : memref<512xi32, #tpu.memory_space<vmem>>, vector<16xi32>,
    %get3A_476 = arith.constant 80 : index
    %get3A_477 = tpu.vector_load %arg7[%get3A_476] {strides = array<i32>} : memref<512xi32, #tpu.memory_space<vmem>>, vector<16xi32>,
    %get3A_478 = vector.shape_cast %get3A_477 : vector<16xi32> to vector<16xi32>
    %get3A_479 = arith.constant 80 : index
    %get3A_480 = tpu.vector_load %arg8[%get3A_479] {strides = array<i32>} : memref<512xi32, #tpu.memory_space<vmem>>, vector<16xi32>,
    %get3A_481 = vector.shape_cast %get3A_480 : vector<16xi32> to vector<16xi32>
    %get3A_482 = arith.constant 80 : index
    %get3A_483 = tpu.vector_load %arg9[%get3A_482] {strides = array<i32>} : memref<512xi32, #tpu.memory_space<vmem>>, vector<16xi32>,
    %get3A_484 = vector.shape_cast %get3A_483 : vector<16xi32> to vector<16xi32>
    %mul3A_485 = arith.constant 52641 : i32
    %mul3A_486 = vector.broadcast %mul3A_485 : i32 to vector<16xi32>
    %mul3A_487 = arith.muli %get3A_481, %mul3A_486 : vector<16xi32>
    %mul3A_488 = arith.constant 2737 : i32
    %mul3A_489 = vector.broadcast %mul3A_488 : i32 to vector<16xi32>
    %mul3A_490 = arith.muli %get3A_481, %mul3A_489 : vector<16xi32>
    %shift_left3A_491 = arith.constant 16 : i32
    %shift_left3A_492 = vector.broadcast %shift_left3A_491 : i32 to vector<16xi32>
    %shift_left3A_493 = arith.shli %mul3A_490, %shift_left3A_492 : vector<16xi32>
    %add3A_494 = arith.addi %shift_left3A_493, %mul3A_487 : vector<16xi32>
    %shift_right_logical3A_495 = arith.constant 16 : i32
    %shift_right_logical3A_496 = vector.broadcast %shift_right_logical3A_495 : i32 to vector<16xi32>
    %shift_right_logical3A_497 = arith.shrui %mul3A_487, %shift_right_logical3A_496 : vector<16xi32>
    %add3A_498 = arith.addi %mul3A_490, %shift_right_logical3A_497 : vector<16xi32>
    %shift_right_logical3A_499 = arith.constant 16 : i32
    %shift_right_logical3A_500 = vector.broadcast %shift_right_logical3A_499 : i32 to vector<16xi32>
    %shift_right_logical3A_501 = arith.shrui %add3A_498, %shift_right_logical3A_500 : vector<16xi32>
    %mul3A_502 = arith.constant 31337 : i32
    %mul3A_503 = vector.broadcast %mul3A_502 : i32 to vector<16xi32>
    %mul3A_504 = arith.muli %get3A_484, %mul3A_503 : vector<16xi32>
    %xor3A_505 = arith.xori %add3A_494, %mul3A_504 : vector<16xi32>
    %xor3A_506 = arith.xori %xor3A_505, %get3A_478 : vector<16xi32>
    %and3A_507 = arith.constant 2047 : i32
    %and3A_508 = vector.broadcast %and3A_507 : i32 to vector<16xi32>
    %and3A_509 = arith.andi %xor3A_506, %and3A_508 : vector<16xi32>
    %and3A_510 = arith.constant 65535 : i32
    %and3A_511 = vector.broadcast %and3A_510 : i32 to vector<16xi32>
    %and3A_512 = arith.andi %xor3A_506, %and3A_511 : vector<16xi32>
    %shift_right_logical3A_513 = arith.constant 16 : i32
    %shift_right_logical3A_514 = vector.broadcast %shift_right_logical3A_513 : i32 to vector<16xi32>
    %shift_right_logical3A_515 = arith.shrui %xor3A_506, %shift_right_logical3A_514 : vector<16xi32>
    %add3A_516 = arith.addi %and3A_512, %shift_right_logical3A_515 : vector<16xi32>
    %and3A_517 = arith.constant 65535 : i32
    %and3A_518 = vector.broadcast %and3A_517 : i32 to vector<16xi32>
    %and3A_519 = arith.andi %add3A_516, %and3A_518 : vector<16xi32>
    %shift_right_logical3A_520 = arith.constant 16 : i32
    %shift_right_logical3A_521 = vector.broadcast %shift_right_logical3A_520 : i32 to vector<16xi32>
    %shift_right_logical3A_522 = arith.shrui %add3A_516, %shift_right_logical3A_521 : vector<16xi32>
    %add3A_523 = arith.addi %and3A_519, %shift_right_logical3A_522 : vector<16xi32>
    %add3A_524 = arith.addi %add3A_523, %shift_right_logical3A_501 : vector<16xi32>
    %mul3A_525 = arith.constant 52429 : i32
    %mul3A_526 = vector.broadcast %mul3A_525 : i32 to vector<16xi32>
    %mul3A_527 = arith.muli %add3A_524, %mul3A_526 : vector<16xi32>
    %shift_right_logical3A_528 = arith.constant 18 : i32
    %shift_right_logical3A_529 = vector.broadcast %shift_right_logical3A_528 : i32 to vector<16xi32>
    %shift_right_logical3A_530 = arith.shrui %mul3A_527, %shift_right_logical3A_529 : vector<16xi32>
    %mul3A_531 = arith.constant 5 : i32
    %mul3A_532 = vector.broadcast %mul3A_531 : i32 to vector<16xi32>
    %mul3A_533 = arith.muli %mul3A_532, %shift_right_logical3A_530 : vector<16xi32>
    %sub3A_534 = arith.subi %add3A_524, %mul3A_533 : vector<16xi32>
    %mul3A_535 = arith.constant 52429 : i32
    %mul3A_536 = vector.broadcast %mul3A_535 : i32 to vector<16xi32>
    %mul3A_537 = arith.muli %and3A_509, %mul3A_536 : vector<16xi32>
    %shift_right_logical3A_538 = arith.constant 18 : i32
    %shift_right_logical3A_539 = vector.broadcast %shift_right_logical3A_538 : i32 to vector<16xi32>
    %shift_right_logical3A_540 = arith.shrui %mul3A_537, %shift_right_logical3A_539 : vector<16xi32>
    %mul3A_541 = arith.constant 5 : i32
    %mul3A_542 = vector.broadcast %mul3A_541 : i32 to vector<16xi32>
    %mul3A_543 = arith.muli %mul3A_542, %shift_right_logical3A_540 : vector<16xi32>
    %sub3A_544 = arith.subi %and3A_509, %mul3A_543 : vector<16xi32>
    %add3A_545 = arith.constant 5 : i32
    %add3A_546 = vector.broadcast %add3A_545 : i32 to vector<16xi32>
    %add3A_547 = arith.addi %sub3A_534, %add3A_546 : vector<16xi32>
    %sub3A_548 = arith.subi %add3A_547, %sub3A_544 : vector<16xi32>
    %mul3A_549 = arith.constant 2 : i32
    %mul3A_550 = vector.broadcast %mul3A_549 : i32 to vector<16xi32>
    %mul3A_551 = arith.muli %mul3A_550, %sub3A_548 : vector<16xi32>
    %mul3A_552 = arith.constant 52429 : i32
    %mul3A_553 = vector.broadcast %mul3A_552 : i32 to vector<16xi32>
    %mul3A_554 = arith.muli %mul3A_551, %mul3A_553 : vector<16xi32>
    %shift_right_logical3A_555 = arith.constant 18 : i32
    %shift_right_logical3A_556 = vector.broadcast %shift_right_logical3A_555 : i32 to vector<16xi32>
    %shift_right_logical3A_557 = arith.shrui %mul3A_554, %shift_right_logical3A_556 : vector<16xi32>
    %mul3A_558 = arith.constant 5 : i32
    %mul3A_559 = vector.broadcast %mul3A_558 : i32 to vector<16xi32>
    %mul3A_560 = arith.muli %mul3A_559, %shift_right_logical3A_557 : vector<16xi32>
    %sub3A_561 = arith.subi %mul3A_551, %mul3A_560 : vector<16xi32>
    %mul3A_562 = arith.constant 2048 : i32
    %mul3A_563 = vector.broadcast %mul3A_562 : i32 to vector<16xi32>
    %mul3A_564 = arith.muli %mul3A_563, %sub3A_561 : vector<16xi32>
    %add3A_565 = arith.addi %and3A_509, %mul3A_564 : vector<16xi32>
    %swap3A_566 = arith.constant 80 : index
    %swap3A_567 = tpu.vector_load %arg10[%swap3A_566] {strides = array<i32>} : memref<512xi32, #tpu.memory_space<vmem>>, vector<16xi32>,
    %swap3A_568 = vector.shape_cast %swap3A_567 : vector<16xi32> to vector<16xi32>
    %swap3A_569 = vector.shape_cast %add3A_565 : vector<16xi32> to vector<16xi32>
    tpu.vector_store %arg10[%swap3A_566], %swap3A_569 {strides = array<i32>} : memref<512xi32, #tpu.memory_space<vmem>>, vector<16xi32>,
    %get3A_570 = arith.constant 96 : index
    %get3A_571 = tpu.vector_load %arg7[%get3A_570] {strides = array<i32>} : memref<512xi32, #tpu.memory_space<vmem>>, vector<16xi32>,
    %get3A_572 = vector.shape_cast %get3A_571 : vector<16xi32> to vector<16xi32>
    %get3A_573 = arith.constant 96 : index
    %get3A_574 = tpu.vector_load %arg8[%get3A_573] {strides = array<i32>} : memref<512xi32, #tpu.memory_space<vmem>>, vector<16xi32>,
    %get3A_575 = vector.shape_cast %get3A_574 : vector<16xi32> to vector<16xi32>
    %get3A_576 = arith.constant 96 : index
    %get3A_577 = tpu.vector_load %arg9[%get3A_576] {strides = array<i32>} : memref<512xi32, #tpu.memory_space<vmem>>, vector<16xi32>,
    %get3A_578 = vector.shape_cast %get3A_577 : vector<16xi32> to vector<16xi32>
    %mul3A_579 = arith.constant 52641 : i32
    %mul3A_580 = vector.broadcast %mul3A_579 : i32 to vector<16xi32>
    %mul3A_581 = arith.muli %get3A_575, %mul3A_580 : vector<16xi32>
    %mul3A_582 = arith.constant 2737 : i32
    %mul3A_583 = vector.broadcast %mul3A_582 : i32 to vector<16xi32>
    %mul3A_584 = arith.muli %get3A_575, %mul3A_583 : vector<16xi32>
    %shift_left3A_585 = arith.constant 16 : i32
    %shift_left3A_586 = vector.broadcast %shift_left3A_585 : i32 to vector<16xi32>
    %shift_left3A_587 = arith.shli %mul3A_584, %shift_left3A_586 : vector<16xi32>
    %add3A_588 = arith.addi %shift_left3A_587, %mul3A_581 : vector<16xi32>
    %shift_right_logical3A_589 = arith.constant 16 : i32
    %shift_right_logical3A_590 = vector.broadcast %shift_right_logical3A_589 : i32 to vector<16xi32>
    %shift_right_logical3A_591 = arith.shrui %mul3A_581, %shift_right_logical3A_590 : vector<16xi32>
    %add3A_592 = arith.addi %mul3A_584, %shift_right_logical3A_591 : vector<16xi32>
    %shift_right_logical3A_593 = arith.constant 16 : i32
    %shift_right_logical3A_594 = vector.broadcast %shift_right_logical3A_593 : i32 to vector<16xi32>
    %shift_right_logical3A_595 = arith.shrui %add3A_592, %shift_right_logical3A_594 : vector<16xi32>
    %mul3A_596 = arith.constant 31337 : i32
    %mul3A_597 = vector.broadcast %mul3A_596 : i32 to vector<16xi32>
    %mul3A_598 = arith.muli %get3A_578, %mul3A_597 : vector<16xi32>
    %xor3A_599 = arith.xori %add3A_588, %mul3A_598 : vector<16xi32>
    %xor3A_600 = arith.xori %xor3A_599, %get3A_572 : vector<16xi32>
    %and3A_601 = arith.constant 2047 : i32
    %and3A_602 = vector.broadcast %and3A_601 : i32 to vector<16xi32>
    %and3A_603 = arith.andi %xor3A_600, %and3A_602 : vector<16xi32>
    %and3A_604 = arith.constant 65535 : i32
    %and3A_605 = vector.broadcast %and3A_604 : i32 to vector<16xi32>
    %and3A_606 = arith.andi %xor3A_600, %and3A_605 : vector<16xi32>
    %shift_right_logical3A_607 = arith.constant 16 : i32
    %shift_right_logical3A_608 = vector.broadcast %shift_right_logical3A_607 : i32 to vector<16xi32>
    %shift_right_logical3A_609 = arith.shrui %xor3A_600, %shift_right_logical3A_608 : vector<16xi32>
    %add3A_610 = arith.addi %and3A_606, %shift_right_logical3A_609 : vector<16xi32>
    %and3A_611 = arith.constant 65535 : i32
    %and3A_612 = vector.broadcast %and3A_611 : i32 to vector<16xi32>
    %and3A_613 = arith.andi %add3A_610, %and3A_612 : vector<16xi32>
    %shift_right_logical3A_614 = arith.constant 16 : i32
    %shift_right_logical3A_615 = vector.broadcast %shift_right_logical3A_614 : i32 to vector<16xi32>
    %shift_right_logical3A_616 = arith.shrui %add3A_610, %shift_right_logical3A_615 : vector<16xi32>
    %add3A_617 = arith.addi %and3A_613, %shift_right_logical3A_616 : vector<16xi32>
    %add3A_618 = arith.addi %add3A_617, %shift_right_logical3A_595 : vector<16xi32>
    %mul3A_619 = arith.constant 52429 : i32
    %mul3A_620 = vector.broadcast %mul3A_619 : i32 to vector<16xi32>
    %mul3A_621 = arith.muli %add3A_618, %mul3A_620 : vector<16xi32>
    %shift_right_logical3A_622 = arith.constant 18 : i32
    %shift_right_logical3A_623 = vector.broadcast %shift_right_logical3A_622 : i32 to vector<16xi32>
    %shift_right_logical3A_624 = arith.shrui %mul3A_621, %shift_right_logical3A_623 : vector<16xi32>
    %mul3A_625 = arith.constant 5 : i32
    %mul3A_626 = vector.broadcast %mul3A_625 : i32 to vector<16xi32>
    %mul3A_627 = arith.muli %mul3A_626, %shift_right_logical3A_624 : vector<16xi32>
    %sub3A_628 = arith.subi %add3A_618, %mul3A_627 : vector<16xi32>
    %mul3A_629 = arith.constant 52429 : i32
    %mul3A_630 = vector.broadcast %mul3A_629 : i32 to vector<16xi32>
    %mul3A_631 = arith.muli %and3A_603, %mul3A_630 : vector<16xi32>
    %shift_right_logical3A_632 = arith.constant 18 : i32
    %shift_right_logical3A_633 = vector.broadcast %shift_right_logical3A_632 : i32 to vector<16xi32>
    %shift_right_logical3A_634 = arith.shrui %mul3A_631, %shift_right_logical3A_633 : vector<16xi32>
    %mul3A_635 = arith.constant 5 : i32
    %mul3A_636 = vector.broadcast %mul3A_635 : i32 to vector<16xi32>
    %mul3A_637 = arith.muli %mul3A_636, %shift_right_logical3A_634 : vector<16xi32>
    %sub3A_638 = arith.subi %and3A_603, %mul3A_637 : vector<16xi32>
    %add3A_639 = arith.constant 5 : i32
    %add3A_640 = vector.broadcast %add3A_639 : i32 to vector<16xi32>
    %add3A_641 = arith.addi %sub3A_628, %add3A_640 : vector<16xi32>
    %sub3A_642 = arith.subi %add3A_641, %sub3A_638 : vector<16xi32>
    %mul3A_643 = arith.constant 2 : i32
    %mul3A_644 = vector.broadcast %mul3A_643 : i32 to vector<16xi32>
    %mul3A_645 = arith.muli %mul3A_644, %sub3A_642 : vector<16xi32>
    %mul3A_646 = arith.constant 52429 : i32
    %mul3A_647 = vector.broadcast %mul3A_646 : i32 to vector<16xi32>
    %mul3A_648 = arith.muli %mul3A_645, %mul3A_647 : vector<16xi32>
    %shift_right_logical3A_649 = arith.constant 18 : i32
    %shift_right_logical3A_650 = vector.broadcast %shift_right_logical3A_649 : i32 to vector<16xi32>
    %shift_right_logical3A_651 = arith.shrui %mul3A_648, %shift_right_logical3A_650 : vector<16xi32>
    %mul3A_652 = arith.constant 5 : i32
    %mul3A_653 = vector.broadcast %mul3A_652 : i32 to vector<16xi32>
    %mul3A_654 = arith.muli %mul3A_653, %shift_right_logical3A_651 : vector<16xi32>
    %sub3A_655 = arith.subi %mul3A_645, %mul3A_654 : vector<16xi32>
    %mul3A_656 = arith.constant 2048 : i32
    %mul3A_657 = vector.broadcast %mul3A_656 : i32 to vector<16xi32>
    %mul3A_658 = arith.muli %mul3A_657, %sub3A_655 : vector<16xi32>
    %add3A_659 = arith.addi %and3A_603, %mul3A_658 : vector<16xi32>
    %swap3A_660 = arith.constant 96 : index
    %swap3A_661 = tpu.vector_load %arg10[%swap3A_660] {strides = array<i32>} : memref<512xi32, #tpu.memory_space<vmem>>, vector<16xi32>,
    %swap3A_662 = vector.shape_cast %swap3A_661 : vector<16xi32> to vector<16xi32>
    %swap3A_663 = vector.shape_cast %add3A_659 : vector<16xi32> to vector<16xi32>
    tpu.vector_store %arg10[%swap3A_660], %swap3A_663 {strides = array<i32>} : memref<512xi32, #tpu.memory_space<vmem>>, vector<16xi32>,
    %get3A_664 = arith.constant 112 : index
    %get3A_665 = tpu.vector_load %arg7[%get3A_664] {strides = array<i32>} : memref<512xi32, #tpu.memory_space<vmem>>, vector<16xi32>,
    %get3A_666 = vector.shape_cast %get3A_665 : vector<16xi32> to vector<16xi32>
    %get3A_667 = arith.constant 112 : index
    %get3A_668 = tpu.vector_load %arg8[%get3A_667] {strides = array<i32>} : memref<512xi32, #tpu.memory_space<vmem>>, vector<16xi32>,
    %get3A_669 = vector.shape_cast %get3A_668 : vector<16xi32> to vector<16xi32>
    %get3A_670 = arith.constant 112 : index
    %get3A_671 = tpu.vector_load %arg9[%get3A_670] {strides = array<i32>} : memref<512xi32, #tpu.memory_space<vmem>>, vector<16xi32>,
    %get3A_672 = vector.shape_cast %get3A_671 : vector<16xi32> to vector<16xi32>
    %mul3A_673 = arith.constant 52641 : i32
    %mul3A_674 = vector.broadcast %mul3A_673 : i32 to vector<16xi32>
    %mul3A_675 = arith.muli %get3A_669, %mul3A_674 : vector<16xi32>
    %mul3A_676 = arith.constant 2737 : i32
    %mul3A_677 = vector.broadcast %mul3A_676 : i32 to vector<16xi32>
    %mul3A_678 = arith.muli %get3A_669, %mul3A_677 : vector<16xi32>
    %shift_left3A_679 = arith.constant 16 : i32
    %shift_left3A_680 = vector.broadcast %shift_left3A_679 : i32 to vector<16xi32>
    %shift_left3A_681 = arith.shli %mul3A_678, %shift_left3A_680 : vector<16xi32>
    %add3A_682 = arith.addi %shift_left3A_681, %mul3A_675 : vector<16xi32>
    %shift_right_logical3A_683 = arith.constant 16 : i32
    %shift_right_logical3A_684 = vector.broadcast %shift_right_logical3A_683 : i32 to vector<16xi32>
    %shift_right_logical3A_685 = arith.shrui %mul3A_675, %shift_right_logical3A_684 : vector<16xi32>
    %add3A_686 = arith.addi %mul3A_678, %shift_right_logical3A_685 : vector<16xi32>
    %shift_right_logical3A_687 = arith.constant 16 : i32
    %shift_right_logical3A_688 = vector.broadcast %shift_right_logical3A_687 : i32 to vector<16xi32>
    %shift_right_logical3A_689 = arith.shrui %add3A_686, %shift_right_logical3A_688 : vector<16xi32>
    %mul3A_690 = arith.constant 31337 : i32
    %mul3A_691 = vector.broadcast %mul3A_690 : i32 to vector<16xi32>
    %mul3A_692 = arith.muli %get3A_672, %mul3A_691 : vector<16xi32>
    %xor3A_693 = arith.xori %add3A_682, %mul3A_692 : vector<16xi32>
    %xor3A_694 = arith.xori %xor3A_693, %get3A_666 : vector<16xi32>
    %and3A_695 = arith.constant 2047 : i32
    %and3A_696 = vector.broadcast %and3A_695 : i32 to vector<16xi32>
    %and3A_697 = arith.andi %xor3A_694, %and3A_696 : vector<16xi32>
    %and3A_698 = arith.constant 65535 : i32
    %and3A_699 = vector.broadcast %and3A_698 : i32 to vector<16xi32>
    %and3A_700 = arith.andi %xor3A_694, %and3A_699 : vector<16xi32>
    %shift_right_logical3A_701 = arith.constant 16 : i32
    %shift_right_logical3A_702 = vector.broadcast %shift_right_logical3A_701 : i32 to vector<16xi32>
    %shift_right_logical3A_703 = arith.shrui %xor3A_694, %shift_right_logical3A_702 : vector<16xi32>
    %add3A_704 = arith.addi %and3A_700, %shift_right_logical3A_703 : vector<16xi32>
    %and3A_705 = arith.constant 65535 : i32
    %and3A_706 = vector.broadcast %and3A_705 : i32 to vector<16xi32>
    %and3A_707 = arith.andi %add3A_704, %and3A_706 : vector<16xi32>
    %shift_right_logical3A_708 = arith.constant 16 : i32
    %shift_right_logical3A_709 = vector.broadcast %shift_right_logical3A_708 : i32 to vector<16xi32>
    %shift_right_logical3A_710 = arith.shrui %add3A_704, %shift_right_logical3A_709 : vector<16xi32>
    %add3A_711 = arith.addi %and3A_707, %shift_right_logical3A_710 : vector<16xi32>
    %add3A_712 = arith.addi %add3A_711, %shift_right_logical3A_689 : vector<16xi32>
    %mul3A_713 = arith.constant 52429 : i32
    %mul3A_714 = vector.broadcast %mul3A_713 : i32 to vector<16xi32>
    %mul3A_715 = arith.muli %add3A_712, %mul3A_714 : vector<16xi32>
    %shift_right_logical3A_716 = arith.constant 18 : i32
    %shift_right_logical3A_717 = vector.broadcast %shift_right_logical3A_716 : i32 to vector<16xi32>
    %shift_right_logical3A_718 = arith.shrui %mul3A_715, %shift_right_logical3A_717 : vector<16xi32>
    %mul3A_719 = arith.constant 5 : i32
    %mul3A_720 = vector.broadcast %mul3A_719 : i32 to vector<16xi32>
    %mul3A_721 = arith.muli %mul3A_720, %shift_right_logical3A_718 : vector<16xi32>
    %sub3A_722 = arith.subi %add3A_712, %mul3A_721 : vector<16xi32>
    %mul3A_723 = arith.constant 52429 : i32
    %mul3A_724 = vector.broadcast %mul3A_723 : i32 to vector<16xi32>
    %mul3A_725 = arith.muli %and3A_697, %mul3A_724 : vector<16xi32>
    %shift_right_logical3A_726 = arith.constant 18 : i32
    %shift_right_logical3A_727 = vector.broadcast %shift_right_logical3A_726 : i32 to vector<16xi32>
    %shift_right_logical3A_728 = arith.shrui %mul3A_725, %shift_right_logical3A_727 : vector<16xi32>
    %mul3A_729 = arith.constant 5 : i32
    %mul3A_730 = vector.broadcast %mul3A_729 : i32 to vector<16xi32>
    %mul3A_731 = arith.muli %mul3A_730, %shift_right_logical3A_728 : vector<16xi32>
    %sub3A_732 = arith.subi %and3A_697, %mul3A_731 : vector<16xi32>
    %add3A_733 = arith.constant 5 : i32
    %add3A_734 = vector.broadcast %add3A_733 : i32 to vector<16xi32>
    %add3A_735 = arith.addi %sub3A_722, %add3A_734 : vector<16xi32>
    %sub3A_736 = arith.subi %add3A_735, %sub3A_732 : vector<16xi32>
    %mul3A_737 = arith.constant 2 : i32
    %mul3A_738 = vector.broadcast %mul3A_737 : i32 to vector<16xi32>
    %mul3A_739 = arith.muli %mul3A_738, %sub3A_736 : vector<16xi32>
    %mul3A_740 = arith.constant 52429 : i32
    %mul3A_741 = vector.broadcast %mul3A_740 : i32 to vector<16xi32>
    %mul3A_742 = arith.muli %mul3A_739, %mul3A_741 : vector<16xi32>
    %shift_right_logical3A_743 = arith.constant 18 : i32
    %shift_right_logical3A_744 = vector.broadcast %shift_right_logical3A_743 : i32 to vector<16xi32>
    %shift_right_logical3A_745 = arith.shrui %mul3A_742, %shift_right_logical3A_744 : vector<16xi32>
    %mul3A_746 = arith.constant 5 : i32
    %mul3A_747 = vector.broadcast %mul3A_746 : i32 to vector<16xi32>
    %mul3A_748 = arith.muli %mul3A_747, %shift_right_logical3A_745 : vector<16xi32>
    %sub3A_749 = arith.subi %mul3A_739, %mul3A_748 : vector<16xi32>
    %mul3A_750 = arith.constant 2048 : i32
    %mul3A_751 = vector.broadcast %mul3A_750 : i32 to vector<16xi32>
    %mul3A_752 = arith.muli %mul3A_751, %sub3A_749 : vector<16xi32>
    %add3A_753 = arith.addi %and3A_697, %mul3A_752 : vector<16xi32>
    %swap3A_754 = arith.constant 112 : index
    %swap3A_755 = tpu.vector_load %arg10[%swap3A_754] {strides = array<i32>} : memref<512xi32, #tpu.memory_space<vmem>>, vector<16xi32>,
    %swap3A_756 = vector.shape_cast %swap3A_755 : vector<16xi32> to vector<16xi32>
    %swap3A_757 = vector.shape_cast %add3A_753 : vector<16xi32> to vector<16xi32>
    tpu.vector_store %arg10[%swap3A_754], %swap3A_757 {strides = array<i32>} : memref<512xi32, #tpu.memory_space<vmem>>, vector<16xi32>,
    %get3A_758 = arith.constant 128 : index
    %get3A_759 = tpu.vector_load %arg7[%get3A_758] {strides = array<i32>} : memref<512xi32, #tpu.memory_space<vmem>>, vector<16xi32>,
    %get3A_760 = vector.shape_cast %get3A_759 : vector<16xi32> to vector<16xi32>
    %get3A_761 = arith.constant 128 : index
    %get3A_762 = tpu.vector_load %arg8[%get3A_761] {strides = array<i32>} : memref<512xi32, #tpu.memory_space<vmem>>, vector<16xi32>,
    %get3A_763 = vector.shape_cast %get3A_762 : vector<16xi32> to vector<16xi32>
    %get3A_764 = arith.constant 128 : index
    %get3A_765 = tpu.vector_load %arg9[%get3A_764] {strides = array<i32>} : memref<512xi32, #tpu.memory_space<vmem>>, vector<16xi32>,
    %get3A_766 = vector.shape_cast %get3A_765 : vector<16xi32> to vector<16xi32>
    %mul3A_767 = arith.constant 52641 : i32
    %mul3A_768 = vector.broadcast %mul3A_767 : i32 to vector<16xi32>
    %mul3A_769 = arith.muli %get3A_763, %mul3A_768 : vector<16xi32>
    %mul3A_770 = arith.constant 2737 : i32
    %mul3A_771 = vector.broadcast %mul3A_770 : i32 to vector<16xi32>
    %mul3A_772 = arith.muli %get3A_763, %mul3A_771 : vector<16xi32>
    %shift_left3A_773 = arith.constant 16 : i32
    %shift_left3A_774 = vector.broadcast %shift_left3A_773 : i32 to vector<16xi32>
    %shift_left3A_775 = arith.shli %mul3A_772, %shift_left3A_774 : vector<16xi32>
    %add3A_776 = arith.addi %shift_left3A_775, %mul3A_769 : vector<16xi32>
    %shift_right_logical3A_777 = arith.constant 16 : i32
    %shift_right_logical3A_778 = vector.broadcast %shift_right_logical3A_777 : i32 to vector<16xi32>
    %shift_right_logical3A_779 = arith.shrui %mul3A_769, %shift_right_logical3A_778 : vector<16xi32>
    %add3A_780 = arith.addi %mul3A_772, %shift_right_logical3A_779 : vector<16xi32>
    %shift_right_logical3A_781 = arith.constant 16 : i32
    %shift_right_logical3A_782 = vector.broadcast %shift_right_logical3A_781 : i32 to vector<16xi32>
    %shift_right_logical3A_783 = arith.shrui %add3A_780, %shift_right_logical3A_782 : vector<16xi32>
    %mul3A_784 = arith.constant 31337 : i32
    %mul3A_785 = vector.broadcast %mul3A_784 : i32 to vector<16xi32>
    %mul3A_786 = arith.muli %get3A_766, %mul3A_785 : vector<16xi32>
    %xor3A_787 = arith.xori %add3A_776, %mul3A_786 : vector<16xi32>
    %xor3A_788 = arith.xori %xor3A_787, %get3A_760 : vector<16xi32>
    %and3A_789 = arith.constant 2047 : i32
    %and3A_790 = vector.broadcast %and3A_789 : i32 to vector<16xi32>
    %and3A_791 = arith.andi %xor3A_788, %and3A_790 : vector<16xi32>
    %and3A_792 = arith.constant 65535 : i32
    %and3A_793 = vector.broadcast %and3A_792 : i32 to vector<16xi32>
    %and3A_794 = arith.andi %xor3A_788, %and3A_793 : vector<16xi32>
    %shift_right_logical3A_795 = arith.constant 16 : i32
    %shift_right_logical3A_796 = vector.broadcast %shift_right_logical3A_795 : i32 to vector<16xi32>
    %shift_right_logical3A_797 = arith.shrui %xor3A_788, %shift_right_logical3A_796 : vector<16xi32>
    %add3A_798 = arith.addi %and3A_794, %shift_right_logical3A_797 : vector<16xi32>
    %and3A_799 = arith.constant 65535 : i32
    %and3A_800 = vector.broadcast %and3A_799 : i32 to vector<16xi32>
    %and3A_801 = arith.andi %add3A_798, %and3A_800 : vector<16xi32>
    %shift_right_logical3A_802 = arith.constant 16 : i32
    %shift_right_logical3A_803 = vector.broadcast %shift_right_logical3A_802 : i32 to vector<16xi32>
    %shift_right_logical3A_804 = arith.shrui %add3A_798, %shift_right_logical3A_803 : vector<16xi32>
    %add3A_805 = arith.addi %and3A_801, %shift_right_logical3A_804 : vector<16xi32>
    %add3A_806 = arith.addi %add3A_805, %shift_right_logical3A_783 : vector<16xi32>
    %mul3A_807 = arith.constant 52429 : i32
    %mul3A_808 = vector.broadcast %mul3A_807 : i32 to vector<16xi32>
    %mul3A_809 = arith.muli %add3A_806, %mul3A_808 : vector<16xi32>
    %shift_right_logical3A_810 = arith.constant 18 : i32
    %shift_right_logical3A_811 = vector.broadcast %shift_right_logical3A_810 : i32 to vector<16xi32>
    %shift_right_logical3A_812 = arith.shrui %mul3A_809, %shift_right_logical3A_811 : vector<16xi32>
    %mul3A_813 = arith.constant 5 : i32
    %mul3A_814 = vector.broadcast %mul3A_813 : i32 to vector<16xi32>
    %mul3A_815 = arith.muli %mul3A_814, %shift_right_logical3A_812 : vector<16xi32>
    %sub3A_816 = arith.subi %add3A_806, %mul3A_815 : vector<16xi32>
    %mul3A_817 = arith.constant 52429 : i32
    %mul3A_818 = vector.broadcast %mul3A_817 : i32 to vector<16xi32>
    %mul3A_819 = arith.muli %and3A_791, %mul3A_818 : vector<16xi32>
    %shift_right_logical3A_820 = arith.constant 18 : i32
    %shift_right_logical3A_821 = vector.broadcast %shift_right_logical3A_820 : i32 to vector<16xi32>
    %shift_right_logical3A_822 = arith.shrui %mul3A_819, %shift_right_logical3A_821 : vector<16xi32>
    %mul3A_823 = arith.constant 5 : i32
    %mul3A_824 = vector.broadcast %mul3A_823 : i32 to vector<16xi32>
    %mul3A_825 = arith.muli %mul3A_824, %shift_right_logical3A_822 : vector<16xi32>
    %sub3A_826 = arith.subi %and3A_791, %mul3A_825 : vector<16xi32>
    %add3A_827 = arith.constant 5 : i32
    %add3A_828 = vector.broadcast %add3A_827 : i32 to vector<16xi32>
    %add3A_829 = arith.addi %sub3A_816, %add3A_828 : vector<16xi32>
    %sub3A_830 = arith.subi %add3A_829, %sub3A_826 : vector<16xi32>
    %mul3A_831 = arith.constant 2 : i32
    %mul3A_832 = vector.broadcast %mul3A_831 : i32 to vector<16xi32>
    %mul3A_833 = arith.muli %mul3A_832, %sub3A_830 : vector<16xi32>
    %mul3A_834 = arith.constant 52429 : i32
    %mul3A_835 = vector.broadcast %mul3A_834 : i32 to vector<16xi32>
    %mul3A_836 = arith.muli %mul3A_833, %mul3A_835 : vector<16xi32>
    %shift_right_logical3A_837 = arith.constant 18 : i32
    %shift_right_logical3A_838 = vector.broadcast %shift_right_logical3A_837 : i32 to vector<16xi32>
    %shift_right_logical3A_839 = arith.shrui %mul3A_836, %shift_right_logical3A_838 : vector<16xi32>
    %mul3A_840 = arith.constant 5 : i32
    %mul3A_841 = vector.broadcast %mul3A_840 : i32 to vector<16xi32>
    %mul3A_842 = arith.muli %mul3A_841, %shift_right_logical3A_839 : vector<16xi32>
    %sub3A_843 = arith.subi %mul3A_833, %mul3A_842 : vector<16xi32>
    %mul3A_844 = arith.constant 2048 : i32
    %mul3A_845 = vector.broadcast %mul3A_844 : i32 to vector<16xi32>
    %mul3A_846 = arith.muli %mul3A_845, %sub3A_843 : vector<16xi32>
    %add3A_847 = arith.addi %and3A_791, %mul3A_846 : vector<16xi32>
    %swap3A_848 = arith.constant 128 : index
    %swap3A_849 = tpu.vector_load %arg10[%swap3A_848] {strides = array<i32>} : memref<512xi32, #tpu.memory_space<vmem>>, vector<16xi32>,
    %swap3A_850 = vector.shape_cast %swap3A_849 : vector<16xi32> to vector<16xi32>
    %swap3A_851 = vector.shape_cast %add3A_847 : vector<16xi32> to vector<16xi32>
    tpu.vector_store %arg10[%swap3A_848], %swap3A_851 {strides = array<i32>} : memref<512xi32, #tpu.memory_space<vmem>>, vector<16xi32>,
    %get3A_852 = arith.constant 144 : index
    %get3A_853 = tpu.vector_load %arg7[%get3A_852] {strides = array<i32>} : memref<512xi32, #tpu.memory_space<vmem>>, vector<16xi32>,
    %get3A_854 = vector.shape_cast %get3A_853 : vector<16xi32> to vector<16xi32>
    %get3A_855 = arith.constant 144 : index
    %get3A_856 = tpu.vector_load %arg8[%get3A_855] {strides = array<i32>} : memref<512xi32, #tpu.memory_space<vmem>>, vector<16xi32>,
    %get3A_857 = vector.shape_cast %get3A_856 : vector<16xi32> to vector<16xi32>
    %get3A_858 = arith.constant 144 : index
    %get3A_859 = tpu.vector_load %arg9[%get3A_858] {strides = array<i32>} : memref<512xi32, #tpu.memory_space<vmem>>, vector<16xi32>,
    %get3A_860 = vector.shape_cast %get3A_859 : vector<16xi32> to vector<16xi32>
    %mul3A_861 = arith.constant 52641 : i32
    %mul3A_862 = vector.broadcast %mul3A_861 : i32 to vector<16xi32>
    %mul3A_863 = arith.muli %get3A_857, %mul3A_862 : vector<16xi32>
    %mul3A_864 = arith.constant 2737 : i32
    %mul3A_865 = vector.broadcast %mul3A_864 : i32 to vector<16xi32>
    %mul3A_866 = arith.muli %get3A_857, %mul3A_865 : vector<16xi32>
    %shift_left3A_867 = arith.constant 16 : i32
    %shift_left3A_868 = vector.broadcast %shift_left3A_867 : i32 to vector<16xi32>
    %shift_left3A_869 = arith.shli %mul3A_866, %shift_left3A_868 : vector<16xi32>
    %add3A_870 = arith.addi %shift_left3A_869, %mul3A_863 : vector<16xi32>
    %shift_right_logical3A_871 = arith.constant 16 : i32
    %shift_right_logical3A_872 = vector.broadcast %shift_right_logical3A_871 : i32 to vector<16xi32>
    %shift_right_logical3A_873 = arith.shrui %mul3A_863, %shift_right_logical3A_872 : vector<16xi32>
    %add3A_874 = arith.addi %mul3A_866, %shift_right_logical3A_873 : vector<16xi32>
    %shift_right_logical3A_875 = arith.constant 16 : i32
    %shift_right_logical3A_876 = vector.broadcast %shift_right_logical3A_875 : i32 to vector<16xi32>
    %shift_right_logical3A_877 = arith.shrui %add3A_874, %shift_right_logical3A_876 : vector<16xi32>
    %mul3A_878 = arith.constant 31337 : i32
    %mul3A_879 = vector.broadcast %mul3A_878 : i32 to vector<16xi32>
    %mul3A_880 = arith.muli %get3A_860, %mul3A_879 : vector<16xi32>
    %xor3A_881 = arith.xori %add3A_870, %mul3A_880 : vector<16xi32>
    %xor3A_882 = arith.xori %xor3A_881, %get3A_854 : vector<16xi32>
    %and3A_883 = arith.constant 2047 : i32
    %and3A_884 = vector.broadcast %and3A_883 : i32 to vector<16xi32>
    %and3A_885 = arith.andi %xor3A_882, %and3A_884 : vector<16xi32>
    %and3A_886 = arith.constant 65535 : i32
    %and3A_887 = vector.broadcast %and3A_886 : i32 to vector<16xi32>
    %and3A_888 = arith.andi %xor3A_882, %and3A_887 : vector<16xi32>
    %shift_right_logical3A_889 = arith.constant 16 : i32
    %shift_right_logical3A_890 = vector.broadcast %shift_right_logical3A_889 : i32 to vector<16xi32>
    %shift_right_logical3A_891 = arith.shrui %xor3A_882, %shift_right_logical3A_890 : vector<16xi32>
    %add3A_892 = arith.addi %and3A_888, %shift_right_logical3A_891 : vector<16xi32>
    %and3A_893 = arith.constant 65535 : i32
    %and3A_894 = vector.broadcast %and3A_893 : i32 to vector<16xi32>
    %and3A_895 = arith.andi %add3A_892, %and3A_894 : vector<16xi32>
    %shift_right_logical3A_896 = arith.constant 16 : i32
    %shift_right_logical3A_897 = vector.broadcast %shift_right_logical3A_896 : i32 to vector<16xi32>
    %shift_right_logical3A_898 = arith.shrui %add3A_892, %shift_right_logical3A_897 : vector<16xi32>
    %add3A_899 = arith.addi %and3A_895, %shift_right_logical3A_898 : vector<16xi32>
    %add3A_900 = arith.addi %add3A_899, %shift_right_logical3A_877 : vector<16xi32>
    %mul3A_901 = arith.constant 52429 : i32
    %mul3A_902 = vector.broadcast %mul3A_901 : i32 to vector<16xi32>
    %mul3A_903 = arith.muli %add3A_900, %mul3A_902 : vector<16xi32>
    %shift_right_logical3A_904 = arith.constant 18 : i32
    %shift_right_logical3A_905 = vector.broadcast %shift_right_logical3A_904 : i32 to vector<16xi32>
    %shift_right_logical3A_906 = arith.shrui %mul3A_903, %shift_right_logical3A_905 : vector<16xi32>
    %mul3A_907 = arith.constant 5 : i32
    %mul3A_908 = vector.broadcast %mul3A_907 : i32 to vector<16xi32>
    %mul3A_909 = arith.muli %mul3A_908, %shift_right_logical3A_906 : vector<16xi32>
    %sub3A_910 = arith.subi %add3A_900, %mul3A_909 : vector<16xi32>
    %mul3A_911 = arith.constant 52429 : i32
    %mul3A_912 = vector.broadcast %mul3A_911 : i32 to vector<16xi32>
    %mul3A_913 = arith.muli %and3A_885, %mul3A_912 : vector<16xi32>
    %shift_right_logical3A_914 = arith.constant 18 : i32
    %shift_right_logical3A_915 = vector.broadcast %shift_right_logical3A_914 : i32 to vector<16xi32>
    %shift_right_logical3A_916 = arith.shrui %mul3A_913, %shift_right_logical3A_915 : vector<16xi32>
    %mul3A_917 = arith.constant 5 : i32
    %mul3A_918 = vector.broadcast %mul3A_917 : i32 to vector<16xi32>
    %mul3A_919 = arith.muli %mul3A_918, %shift_right_logical3A_916 : vector<16xi32>
    %sub3A_920 = arith.subi %and3A_885, %mul3A_919 : vector<16xi32>
    %add3A_921 = arith.constant 5 : i32
    %add3A_922 = vector.broadcast %add3A_921 : i32 to vector<16xi32>
    %add3A_923 = arith.addi %sub3A_910, %add3A_922 : vector<16xi32>
    %sub3A_924 = arith.subi %add3A_923, %sub3A_920 : vector<16xi32>
    %mul3A_925 = arith.constant 2 : i32
    %mul3A_926 = vector.broadcast %mul3A_925 : i32 to vector<16xi32>
    %mul3A_927 = arith.muli %mul3A_926, %sub3A_924 : vector<16xi32>
    %mul3A_928 = arith.constant 52429 : i32
    %mul3A_929 = vector.broadcast %mul3A_928 : i32 to vector<16xi32>
    %mul3A_930 = arith.muli %mul3A_927, %mul3A_929 : vector<16xi32>
    %shift_right_logical3A_931 = arith.constant 18 : i32
    %shift_right_logical3A_932 = vector.broadcast %shift_right_logical3A_931 : i32 to vector<16xi32>
    %shift_right_logical3A_933 = arith.shrui %mul3A_930, %shift_right_logical3A_932 : vector<16xi32>
    %mul3A_934 = arith.constant 5 : i32
    %mul3A_935 = vector.broadcast %mul3A_934 : i32 to vector<16xi32>
    %mul3A_936 = arith.muli %mul3A_935, %shift_right_logical3A_933 : vector<16xi32>
    %sub3A_937 = arith.subi %mul3A_927, %mul3A_936 : vector<16xi32>
    %mul3A_938 = arith.constant 2048 : i32
    %mul3A_939 = vector.broadcast %mul3A_938 : i32 to vector<16xi32>
    %mul3A_940 = arith.muli %mul3A_939, %sub3A_937 : vector<16xi32>
    %add3A_941 = arith.addi %and3A_885, %mul3A_940 : vector<16xi32>
    %swap3A_942 = arith.constant 144 : index
    %swap3A_943 = tpu.vector_load %arg10[%swap3A_942] {strides = array<i32>} : memref<512xi32, #tpu.memory_space<vmem>>, vector<16xi32>,
    %swap3A_944 = vector.shape_cast %swap3A_943 : vector<16xi32> to vector<16xi32>
    %swap3A_945 = vector.shape_cast %add3A_941 : vector<16xi32> to vector<16xi32>
    tpu.vector_store %arg10[%swap3A_942], %swap3A_945 {strides = array<i32>} : memref<512xi32, #tpu.memory_space<vmem>>, vector<16xi32>,
    %get3A_946 = arith.constant 160 : index
    %get3A_947 = tpu.vector_load %arg7[%get3A_946] {strides = array<i32>} : memref<512xi32, #tpu.memory_space<vmem>>, vector<16xi32>,
    %get3A_948 = vector.shape_cast %get3A_947 : vector<16xi32> to vector<16xi32>
    %get3A_949 = arith.constant 160 : index
    %get3A_950 = tpu.vector_load %arg8[%get3A_949] {strides = array<i32>} : memref<512xi32, #tpu.memory_space<vmem>>, vector<16xi32>,
    %get3A_951 = vector.shape_cast %get3A_950 : vector<16xi32> to vector<16xi32>
    %get3A_952 = arith.constant 160 : index
    %get3A_953 = tpu.vector_load %arg9[%get3A_952] {strides = array<i32>} : memref<512xi32, #tpu.memory_space<vmem>>, vector<16xi32>,
    %get3A_954 = vector.shape_cast %get3A_953 : vector<16xi32> to vector<16xi32>
    %mul3A_955 = arith.constant 52641 : i32
    %mul3A_956 = vector.broadcast %mul3A_955 : i32 to vector<16xi32>
    %mul3A_957 = arith.muli %get3A_951, %mul3A_956 : vector<16xi32>
    %mul3A_958 = arith.constant 2737 : i32
    %mul3A_959 = vector.broadcast %mul3A_958 : i32 to vector<16xi32>
    %mul3A_960 = arith.muli %get3A_951, %mul3A_959 : vector<16xi32>
    %shift_left3A_961 = arith.constant 16 : i32
    %shift_left3A_962 = vector.broadcast %shift_left3A_961 : i32 to vector<16xi32>
    %shift_left3A_963 = arith.shli %mul3A_960, %shift_left3A_962 : vector<16xi32>
    %add3A_964 = arith.addi %shift_left3A_963, %mul3A_957 : vector<16xi32>
    %shift_right_logical3A_965 = arith.constant 16 : i32
    %shift_right_logical3A_966 = vector.broadcast %shift_right_logical3A_965 : i32 to vector<16xi32>
    %shift_right_logical3A_967 = arith.shrui %mul3A_957, %shift_right_logical3A_966 : vector<16xi32>
    %add3A_968 = arith.addi %mul3A_960, %shift_right_logical3A_967 : vector<16xi32>
    %shift_right_logical3A_969 = arith.constant 16 : i32
    %shift_right_logical3A_970 = vector.broadcast %shift_right_logical3A_969 : i32 to vector<16xi32>
    %shift_right_logical3A_971 = arith.shrui %add3A_968, %shift_right_logical3A_970 : vector<16xi32>
    %mul3A_972 = arith.constant 31337 : i32
    %mul3A_973 = vector.broadcast %mul3A_972 : i32 to vector<16xi32>
    %mul3A_974 = arith.muli %get3A_954, %mul3A_973 : vector<16xi32>
    %xor3A_975 = arith.xori %add3A_964, %mul3A_974 : vector<16xi32>
    %xor3A_976 = arith.xori %xor3A_975, %get3A_948 : vector<16xi32>
    %and3A_977 = arith.constant 2047 : i32
    %and3A_978 = vector.broadcast %and3A_977 : i32 to vector<16xi32>
    %and3A_979 = arith.andi %xor3A_976, %and3A_978 : vector<16xi32>
    %and3A_980 = arith.constant 65535 : i32
    %and3A_981 = vector.broadcast %and3A_980 : i32 to vector<16xi32>
    %and3A_982 = arith.andi %xor3A_976, %and3A_981 : vector<16xi32>
    %shift_right_logical3A_983 = arith.constant 16 : i32
    %shift_right_logical3A_984 = vector.broadcast %shift_right_logical3A_983 : i32 to vector<16xi32>
    %shift_right_logical3A_985 = arith.shrui %xor3A_976, %shift_right_logical3A_984 : vector<16xi32>
    %add3A_986 = arith.addi %and3A_982, %shift_right_logical3A_985 : vector<16xi32>
    %and3A_987 = arith.constant 65535 : i32
    %and3A_988 = vector.broadcast %and3A_987 : i32 to vector<16xi32>
    %and3A_989 = arith.andi %add3A_986, %and3A_988 : vector<16xi32>
    %shift_right_logical3A_990 = arith.constant 16 : i32
    %shift_right_logical3A_991 = vector.broadcast %shift_right_logical3A_990 : i32 to vector<16xi32>
    %shift_right_logical3A_992 = arith.shrui %add3A_986, %shift_right_logical3A_991 : vector<16xi32>
    %add3A_993 = arith.addi %and3A_989, %shift_right_logical3A_992 : vector<16xi32>
    %add3A_994 = arith.addi %add3A_993, %shift_right_logical3A_971 : vector<16xi32>
    %mul3A_995 = arith.constant 52429 : i32
    %mul3A_996 = vector.broadcast %mul3A_995 : i32 to vector<16xi32>
    %mul3A_997 = arith.muli %add3A_994, %mul3A_996 : vector<16xi32>
    %shift_right_logical3A_998 = arith.constant 18 : i32
    %shift_right_logical3A_999 = vector.broadcast %shift_right_logical3A_998 : i32 to vector<16xi32>
    %shift_right_logical3A_1000 = arith.shrui %mul3A_997, %shift_right_logical3A_999 : vector<16xi32>
    %mul3A_1001 = arith.constant 5 : i32
    %mul3A_1002 = vector.broadcast %mul3A_1001 : i32 to vector<16xi32>
    %mul3A_1003 = arith.muli %mul3A_1002, %shift_right_logical3A_1000 : vector<16xi32>
    %sub3A_1004 = arith.subi %add3A_994, %mul3A_1003 : vector<16xi32>
    %mul3A_1005 = arith.constant 52429 : i32
    %mul3A_1006 = vector.broadcast %mul3A_1005 : i32 to vector<16xi32>
    %mul3A_1007 = arith.muli %and3A_979, %mul3A_1006 : vector<16xi32>
    %shift_right_logical3A_1008 = arith.constant 18 : i32
    %shift_right_logical3A_1009 = vector.broadcast %shift_right_logical3A_1008 : i32 to vector<16xi32>
    %shift_right_logical3A_1010 = arith.shrui %mul3A_1007, %shift_right_logical3A_1009 : vector<16xi32>
    %mul3A_1011 = arith.constant 5 : i32
    %mul3A_1012 = vector.broadcast %mul3A_1011 : i32 to vector<16xi32>
    %mul3A_1013 = arith.muli %mul3A_1012, %shift_right_logical3A_1010 : vector<16xi32>
    %sub3A_1014 = arith.subi %and3A_979, %mul3A_1013 : vector<16xi32>
    %add3A_1015 = arith.constant 5 : i32
    %add3A_1016 = vector.broadcast %add3A_1015 : i32 to vector<16xi32>
    %add3A_1017 = arith.addi %sub3A_1004, %add3A_1016 : vector<16xi32>
    %sub3A_1018 = arith.subi %add3A_1017, %sub3A_1014 : vector<16xi32>
    %mul3A_1019 = arith.constant 2 : i32
    %mul3A_1020 = vector.broadcast %mul3A_1019 : i32 to vector<16xi32>
    %mul3A_1021 = arith.muli %mul3A_1020, %sub3A_1018 : vector<16xi32>
    %mul3A_1022 = arith.constant 52429 : i32
    %mul3A_1023 = vector.broadcast %mul3A_1022 : i32 to vector<16xi32>
    %mul3A_1024 = arith.muli %mul3A_1021, %mul3A_1023 : vector<16xi32>
    %shift_right_logical3A_1025 = arith.constant 18 : i32
    %shift_right_logical3A_1026 = vector.broadcast %shift_right_logical3A_1025 : i32 to vector<16xi32>
    %shift_right_logical3A_1027 = arith.shrui %mul3A_1024, %shift_right_logical3A_1026 : vector<16xi32>
    %mul3A_1028 = arith.constant 5 : i32
    %mul3A_1029 = vector.broadcast %mul3A_1028 : i32 to vector<16xi32>
    %mul3A_1030 = arith.muli %mul3A_1029, %shift_right_logical3A_1027 : vector<16xi32>
    %sub3A_1031 = arith.subi %mul3A_1021, %mul3A_1030 : vector<16xi32>
    %mul3A_1032 = arith.constant 2048 : i32
    %mul3A_1033 = vector.broadcast %mul3A_1032 : i32 to vector<16xi32>
    %mul3A_1034 = arith.muli %mul3A_1033, %sub3A_1031 : vector<16xi32>
    %add3A_1035 = arith.addi %and3A_979, %mul3A_1034 : vector<16xi32>
    %swap3A_1036 = arith.constant 160 : index
    %swap3A_1037 = tpu.vector_load %arg10[%swap3A_1036] {strides = array<i32>} : memref<512xi32, #tpu.memory_space<vmem>>, vector<16xi32>,
    %swap3A_1038 = vector.shape_cast %swap3A_1037 : vector<16xi32> to vector<16xi32>
    %swap3A_1039 = vector.shape_cast %add3A_1035 : vector<16xi32> to vector<16xi32>
    tpu.vector_store %arg10[%swap3A_1036], %swap3A_1039 {strides = array<i32>} : memref<512xi32, #tpu.memory_space<vmem>>, vector<16xi32>,
    %get3A_1040 = arith.constant 176 : index
    %get3A_1041 = tpu.vector_load %arg7[%get3A_1040] {strides = array<i32>} : memref<512xi32, #tpu.memory_space<vmem>>, vector<16xi32>,
    %get3A_1042 = vector.shape_cast %get3A_1041 : vector<16xi32> to vector<16xi32>
    %get3A_1043 = arith.constant 176 : index
    %get3A_1044 = tpu.vector_load %arg8[%get3A_1043] {strides = array<i32>} : memref<512xi32, #tpu.memory_space<vmem>>, vector<16xi32>,
    %get3A_1045 = vector.shape_cast %get3A_1044 : vector<16xi32> to vector<16xi32>
    %get3A_1046 = arith.constant 176 : index
    %get3A_1047 = tpu.vector_load %arg9[%get3A_1046] {strides = array<i32>} : memref<512xi32, #tpu.memory_space<vmem>>, vector<16xi32>,
    %get3A_1048 = vector.shape_cast %get3A_1047 : vector<16xi32> to vector<16xi32>
    %mul3A_1049 = arith.constant 52641 : i32
    %mul3A_1050 = vector.broadcast %mul3A_1049 : i32 to vector<16xi32>
    %mul3A_1051 = arith.muli %get3A_1045, %mul3A_1050 : vector<16xi32>
    %mul3A_1052 = arith.constant 2737 : i32
    %mul3A_1053 = vector.broadcast %mul3A_1052 : i32 to vector<16xi32>
    %mul3A_1054 = arith.muli %get3A_1045, %mul3A_1053 : vector<16xi32>
    %shift_left3A_1055 = arith.constant 16 : i32
    %shift_left3A_1056 = vector.broadcast %shift_left3A_1055 : i32 to vector<16xi32>
    %shift_left3A_1057 = arith.shli %mul3A_1054, %shift_left3A_1056 : vector<16xi32>
    %add3A_1058 = arith.addi %shift_left3A_1057, %mul3A_1051 : vector<16xi32>
    %shift_right_logical3A_1059 = arith.constant 16 : i32
    %shift_right_logical3A_1060 = vector.broadcast %shift_right_logical3A_1059 : i32 to vector<16xi32>
    %shift_right_logical3A_1061 = arith.shrui %mul3A_1051, %shift_right_logical3A_1060 : vector<16xi32>
    %add3A_1062 = arith.addi %mul3A_1054, %shift_right_logical3A_1061 : vector<16xi32>
    %shift_right_logical3A_1063 = arith.constant 16 : i32
    %shift_right_logical3A_1064 = vector.broadcast %shift_right_logical3A_1063 : i32 to vector<16xi32>
    %shift_right_logical3A_1065 = arith.shrui %add3A_1062, %shift_right_logical3A_1064 : vector<16xi32>
    %mul3A_1066 = arith.constant 31337 : i32
    %mul3A_1067 = vector.broadcast %mul3A_1066 : i32 to vector<16xi32>
    %mul3A_1068 = arith.muli %get3A_1048, %mul3A_1067 : vector<16xi32>
    %xor3A_1069 = arith.xori %add3A_1058, %mul3A_1068 : vector<16xi32>
    %xor3A_1070 = arith.xori %xor3A_1069, %get3A_1042 : vector<16xi32>
    %and3A_1071 = arith.constant 2047 : i32
    %and3A_1072 = vector.broadcast %and3A_1071 : i32 to vector<16xi32>
    %and3A_1073 = arith.andi %xor3A_1070, %and3A_1072 : vector<16xi32>
    %and3A_1074 = arith.constant 65535 : i32
    %and3A_1075 = vector.broadcast %and3A_1074 : i32 to vector<16xi32>
    %and3A_1076 = arith.andi %xor3A_1070, %and3A_1075 : vector<16xi32>
    %shift_right_logical3A_1077 = arith.constant 16 : i32
    %shift_right_logical3A_1078 = vector.broadcast %shift_right_logical3A_1077 : i32 to vector<16xi32>
    %shift_right_logical3A_1079 = arith.shrui %xor3A_1070, %shift_right_logical3A_1078 : vector<16xi32>
    %add3A_1080 = arith.addi %and3A_1076, %shift_right_logical3A_1079 : vector<16xi32>
    %and3A_1081 = arith.constant 65535 : i32
    %and3A_1082 = vector.broadcast %and3A_1081 : i32 to vector<16xi32>
    %and3A_1083 = arith.andi %add3A_1080, %and3A_1082 : vector<16xi32>
    %shift_right_logical3A_1084 = arith.constant 16 : i32
    %shift_right_logical3A_1085 = vector.broadcast %shift_right_logical3A_1084 : i32 to vector<16xi32>
    %shift_right_logical3A_1086 = arith.shrui %add3A_1080, %shift_right_logical3A_1085 : vector<16xi32>
    %add3A_1087 = arith.addi %and3A_1083, %shift_right_logical3A_1086 : vector<16xi32>
    %add3A_1088 = arith.addi %add3A_1087, %shift_right_logical3A_1065 : vector<16xi32>
    %mul3A_1089 = arith.constant 52429 : i32
    %mul3A_1090 = vector.broadcast %mul3A_1089 : i32 to vector<16xi32>
    %mul3A_1091 = arith.muli %add3A_1088, %mul3A_1090 : vector<16xi32>
    %shift_right_logical3A_1092 = arith.constant 18 : i32
    %shift_right_logical3A_1093 = vector.broadcast %shift_right_logical3A_1092 : i32 to vector<16xi32>
    %shift_right_logical3A_1094 = arith.shrui %mul3A_1091, %shift_right_logical3A_1093 : vector<16xi32>
    %mul3A_1095 = arith.constant 5 : i32
    %mul3A_1096 = vector.broadcast %mul3A_1095 : i32 to vector<16xi32>
    %mul3A_1097 = arith.muli %mul3A_1096, %shift_right_logical3A_1094 : vector<16xi32>
    %sub3A_1098 = arith.subi %add3A_1088, %mul3A_1097 : vector<16xi32>
    %mul3A_1099 = arith.constant 52429 : i32
    %mul3A_1100 = vector.broadcast %mul3A_1099 : i32 to vector<16xi32>
    %mul3A_1101 = arith.muli %and3A_1073, %mul3A_1100 : vector<16xi32>
    %shift_right_logical3A_1102 = arith.constant 18 : i32
    %shift_right_logical3A_1103 = vector.broadcast %shift_right_logical3A_1102 : i32 to vector<16xi32>
    %shift_right_logical3A_1104 = arith.shrui %mul3A_1101, %shift_right_logical3A_1103 : vector<16xi32>
    %mul3A_1105 = arith.constant 5 : i32
    %mul3A_1106 = vector.broadcast %mul3A_1105 : i32 to vector<16xi32>
    %mul3A_1107 = arith.muli %mul3A_1106, %shift_right_logical3A_1104 : vector<16xi32>
    %sub3A_1108 = arith.subi %and3A_1073, %mul3A_1107 : vector<16xi32>
    %add3A_1109 = arith.constant 5 : i32
    %add3A_1110 = vector.broadcast %add3A_1109 : i32 to vector<16xi32>
    %add3A_1111 = arith.addi %sub3A_1098, %add3A_1110 : vector<16xi32>
    %sub3A_1112 = arith.subi %add3A_1111, %sub3A_1108 : vector<16xi32>
    %mul3A_1113 = arith.constant 2 : i32
    %mul3A_1114 = vector.broadcast %mul3A_1113 : i32 to vector<16xi32>
    %mul3A_1115 = arith.muli %mul3A_1114, %sub3A_1112 : vector<16xi32>
    %mul3A_1116 = arith.constant 52429 : i32
    %mul3A_1117 = vector.broadcast %mul3A_1116 : i32 to vector<16xi32>
    %mul3A_1118 = arith.muli %mul3A_1115, %mul3A_1117 : vector<16xi32>
    %shift_right_logical3A_1119 = arith.constant 18 : i32
    %shift_right_logical3A_1120 = vector.broadcast %shift_right_logical3A_1119 : i32 to vector<16xi32>
    %shift_right_logical3A_1121 = arith.shrui %mul3A_1118, %shift_right_logical3A_1120 : vector<16xi32>
    %mul3A_1122 = arith.constant 5 : i32
    %mul3A_1123 = vector.broadcast %mul3A_1122 : i32 to vector<16xi32>
    %mul3A_1124 = arith.muli %mul3A_1123, %shift_right_logical3A_1121 : vector<16xi32>
    %sub3A_1125 = arith.subi %mul3A_1115, %mul3A_1124 : vector<16xi32>
    %mul3A_1126 = arith.constant 2048 : i32
    %mul3A_1127 = vector.broadcast %mul3A_1126 : i32 to vector<16xi32>
    %mul3A_1128 = arith.muli %mul3A_1127, %sub3A_1125 : vector<16xi32>
    %add3A_1129 = arith.addi %and3A_1073, %mul3A_1128 : vector<16xi32>
    %swap3A_1130 = arith.constant 176 : index
    %swap3A_1131 = tpu.vector_load %arg10[%swap3A_1130] {strides = array<i32>} : memref<512xi32, #tpu.memory_space<vmem>>, vector<16xi32>,
    %swap3A_1132 = vector.shape_cast %swap3A_1131 : vector<16xi32> to vector<16xi32>
    %swap3A_1133 = vector.shape_cast %add3A_1129 : vector<16xi32> to vector<16xi32>
    tpu.vector_store %arg10[%swap3A_1130], %swap3A_1133 {strides = array<i32>} : memref<512xi32, #tpu.memory_space<vmem>>, vector<16xi32>,
    %get3A_1134 = arith.constant 192 : index
    %get3A_1135 = tpu.vector_load %arg7[%get3A_1134] {strides = array<i32>} : memref<512xi32, #tpu.memory_space<vmem>>, vector<16xi32>,
    %get3A_1136 = vector.shape_cast %get3A_1135 : vector<16xi32> to vector<16xi32>
    %get3A_1137 = arith.constant 192 : index
    %get3A_1138 = tpu.vector_load %arg8[%get3A_1137] {strides = array<i32>} : memref<512xi32, #tpu.memory_space<vmem>>, vector<16xi32>,
    %get3A_1139 = vector.shape_cast %get3A_1138 : vector<16xi32> to vector<16xi32>
    %get3A_1140 = arith.constant 192 : index
    %get3A_1141 = tpu.vector_load %arg9[%get3A_1140] {strides = array<i32>} : memref<512xi32, #tpu.memory_space<vmem>>, vector<16xi32>,
    %get3A_1142 = vector.shape_cast %get3A_1141 : vector<16xi32> to vector<16xi32>
    %mul3A_1143 = arith.constant 52641 : i32
    %mul3A_1144 = vector.broadcast %mul3A_1143 : i32 to vector<16xi32>
    %mul3A_1145 = arith.muli %get3A_1139, %mul3A_1144 : vector<16xi32>
    %mul3A_1146 = arith.constant 2737 : i32
    %mul3A_1147 = vector.broadcast %mul3A_1146 : i32 to vector<16xi32>
    %mul3A_1148 = arith.muli %get3A_1139, %mul3A_1147 : vector<16xi32>
    %shift_left3A_1149 = arith.constant 16 : i32
    %shift_left3A_1150 = vector.broadcast %shift_left3A_1149 : i32 to vector<16xi32>
    %shift_left3A_1151 = arith.shli %mul3A_1148, %shift_left3A_1150 : vector<16xi32>
    %add3A_1152 = arith.addi %shift_left3A_1151, %mul3A_1145 : vector<16xi32>
    %shift_right_logical3A_1153 = arith.constant 16 : i32
    %shift_right_logical3A_1154 = vector.broadcast %shift_right_logical3A_1153 : i32 to vector<16xi32>
    %shift_right_logical3A_1155 = arith.shrui %mul3A_1145, %shift_right_logical3A_1154 : vector<16xi32>
    %add3A_1156 = arith.addi %mul3A_1148, %shift_right_logical3A_1155 : vector<16xi32>
    %shift_right_logical3A_1157 = arith.constant 16 : i32
    %shift_right_logical3A_1158 = vector.broadcast %shift_right_logical3A_1157 : i32 to vector<16xi32>
    %shift_right_logical3A_1159 = arith.shrui %add3A_1156, %shift_right_logical3A_1158 : vector<16xi32>
    %mul3A_1160 = arith.constant 31337 : i32
    %mul3A_1161 = vector.broadcast %mul3A_1160 : i32 to vector<16xi32>
    %mul3A_1162 = arith.muli %get3A_1142, %mul3A_1161 : vector<16xi32>
    %xor3A_1163 = arith.xori %add3A_1152, %mul3A_1162 : vector<16xi32>
    %xor3A_1164 = arith.xori %xor3A_1163, %get3A_1136 : vector<16xi32>
    %and3A_1165 = arith.constant 2047 : i32
    %and3A_1166 = vector.broadcast %and3A_1165 : i32 to vector<16xi32>
    %and3A_1167 = arith.andi %xor3A_1164, %and3A_1166 : vector<16xi32>
    %and3A_1168 = arith.constant 65535 : i32
    %and3A_1169 = vector.broadcast %and3A_1168 : i32 to vector<16xi32>
    %and3A_1170 = arith.andi %xor3A_1164, %and3A_1169 : vector<16xi32>
    %shift_right_logical3A_1171 = arith.constant 16 : i32
    %shift_right_logical3A_1172 = vector.broadcast %shift_right_logical3A_1171 : i32 to vector<16xi32>
    %shift_right_logical3A_1173 = arith.shrui %xor3A_1164, %shift_right_logical3A_1172 : vector<16xi32>
    %add3A_1174 = arith.addi %and3A_1170, %shift_right_logical3A_1173 : vector<16xi32>
    %and3A_1175 = arith.constant 65535 : i32
    %and3A_1176 = vector.broadcast %and3A_1175 : i32 to vector<16xi32>
    %and3A_1177 = arith.andi %add3A_1174, %and3A_1176 : vector<16xi32>
    %shift_right_logical3A_1178 = arith.constant 16 : i32
    %shift_right_logical3A_1179 = vector.broadcast %shift_right_logical3A_1178 : i32 to vector<16xi32>
    %shift_right_logical3A_1180 = arith.shrui %add3A_1174, %shift_right_logical3A_1179 : vector<16xi32>
    %add3A_1181 = arith.addi %and3A_1177, %shift_right_logical3A_1180 : vector<16xi32>
    %add3A_1182 = arith.addi %add3A_1181, %shift_right_logical3A_1159 : vector<16xi32>
    %mul3A_1183 = arith.constant 52429 : i32
    %mul3A_1184 = vector.broadcast %mul3A_1183 : i32 to vector<16xi32>
    %mul3A_1185 = arith.muli %add3A_1182, %mul3A_1184 : vector<16xi32>
    %shift_right_logical3A_1186 = arith.constant 18 : i32
    %shift_right_logical3A_1187 = vector.broadcast %shift_right_logical3A_1186 : i32 to vector<16xi32>
    %shift_right_logical3A_1188 = arith.shrui %mul3A_1185, %shift_right_logical3A_1187 : vector<16xi32>
    %mul3A_1189 = arith.constant 5 : i32
    %mul3A_1190 = vector.broadcast %mul3A_1189 : i32 to vector<16xi32>
    %mul3A_1191 = arith.muli %mul3A_1190, %shift_right_logical3A_1188 : vector<16xi32>
    %sub3A_1192 = arith.subi %add3A_1182, %mul3A_1191 : vector<16xi32>
    %mul3A_1193 = arith.constant 52429 : i32
    %mul3A_1194 = vector.broadcast %mul3A_1193 : i32 to vector<16xi32>
    %mul3A_1195 = arith.muli %and3A_1167, %mul3A_1194 : vector<16xi32>
    %shift_right_logical3A_1196 = arith.constant 18 : i32
    %shift_right_logical3A_1197 = vector.broadcast %shift_right_logical3A_1196 : i32 to vector<16xi32>
    %shift_right_logical3A_1198 = arith.shrui %mul3A_1195, %shift_right_logical3A_1197 : vector<16xi32>
    %mul3A_1199 = arith.constant 5 : i32
    %mul3A_1200 = vector.broadcast %mul3A_1199 : i32 to vector<16xi32>
    %mul3A_1201 = arith.muli %mul3A_1200, %shift_right_logical3A_1198 : vector<16xi32>
    %sub3A_1202 = arith.subi %and3A_1167, %mul3A_1201 : vector<16xi32>
    %add3A_1203 = arith.constant 5 : i32
    %add3A_1204 = vector.broadcast %add3A_1203 : i32 to vector<16xi32>
    %add3A_1205 = arith.addi %sub3A_1192, %add3A_1204 : vector<16xi32>
    %sub3A_1206 = arith.subi %add3A_1205, %sub3A_1202 : vector<16xi32>
    %mul3A_1207 = arith.constant 2 : i32
    %mul3A_1208 = vector.broadcast %mul3A_1207 : i32 to vector<16xi32>
    %mul3A_1209 = arith.muli %mul3A_1208, %sub3A_1206 : vector<16xi32>
    %mul3A_1210 = arith.constant 52429 : i32
    %mul3A_1211 = vector.broadcast %mul3A_1210 : i32 to vector<16xi32>
    %mul3A_1212 = arith.muli %mul3A_1209, %mul3A_1211 : vector<16xi32>
    %shift_right_logical3A_1213 = arith.constant 18 : i32
    %shift_right_logical3A_1214 = vector.broadcast %shift_right_logical3A_1213 : i32 to vector<16xi32>
    %shift_right_logical3A_1215 = arith.shrui %mul3A_1212, %shift_right_logical3A_1214 : vector<16xi32>
    %mul3A_1216 = arith.constant 5 : i32
    %mul3A_1217 = vector.broadcast %mul3A_1216 : i32 to vector<16xi32>
    %mul3A_1218 = arith.muli %mul3A_1217, %shift_right_logical3A_1215 : vector<16xi32>
    %sub3A_1219 = arith.subi %mul3A_1209, %mul3A_1218 : vector<16xi32>
    %mul3A_1220 = arith.constant 2048 : i32
    %mul3A_1221 = vector.broadcast %mul3A_1220 : i32 to vector<16xi32>
    %mul3A_1222 = arith.muli %mul3A_1221, %sub3A_1219 : vector<16xi32>
    %add3A_1223 = arith.addi %and3A_1167, %mul3A_1222 : vector<16xi32>
    %swap3A_1224 = arith.constant 192 : index
    %swap3A_1225 = tpu.vector_load %arg10[%swap3A_1224] {strides = array<i32>} : memref<512xi32, #tpu.memory_space<vmem>>, vector<16xi32>,
    %swap3A_1226 = vector.shape_cast %swap3A_1225 : vector<16xi32> to vector<16xi32>
    %swap3A_1227 = vector.shape_cast %add3A_1223 : vector<16xi32> to vector<16xi32>
    tpu.vector_store %arg10[%swap3A_1224], %swap3A_1227 {strides = array<i32>} : memref<512xi32, #tpu.memory_space<vmem>>, vector<16xi32>,
    %get3A_1228 = arith.constant 208 : index
    %get3A_1229 = tpu.vector_load %arg7[%get3A_1228] {strides = array<i32>} : memref<512xi32, #tpu.memory_space<vmem>>, vector<16xi32>,
    %get3A_1230 = vector.shape_cast %get3A_1229 : vector<16xi32> to vector<16xi32>
    %get3A_1231 = arith.constant 208 : index
    %get3A_1232 = tpu.vector_load %arg8[%get3A_1231] {strides = array<i32>} : memref<512xi32, #tpu.memory_space<vmem>>, vector<16xi32>,
    %get3A_1233 = vector.shape_cast %get3A_1232 : vector<16xi32> to vector<16xi32>
    %get3A_1234 = arith.constant 208 : index
    %get3A_1235 = tpu.vector_load %arg9[%get3A_1234] {strides = array<i32>} : memref<512xi32, #tpu.memory_space<vmem>>, vector<16xi32>,
    %get3A_1236 = vector.shape_cast %get3A_1235 : vector<16xi32> to vector<16xi32>
    %mul3A_1237 = arith.constant 52641 : i32
    %mul3A_1238 = vector.broadcast %mul3A_1237 : i32 to vector<16xi32>
    %mul3A_1239 = arith.muli %get3A_1233, %mul3A_1238 : vector<16xi32>
    %mul3A_1240 = arith.constant 2737 : i32
    %mul3A_1241 = vector.broadcast %mul3A_1240 : i32 to vector<16xi32>
    %mul3A_1242 = arith.muli %get3A_1233, %mul3A_1241 : vector<16xi32>
    %shift_left3A_1243 = arith.constant 16 : i32
    %shift_left3A_1244 = vector.broadcast %shift_left3A_1243 : i32 to vector<16xi32>
    %shift_left3A_1245 = arith.shli %mul3A_1242, %shift_left3A_1244 : vector<16xi32>
    %add3A_1246 = arith.addi %shift_left3A_1245, %mul3A_1239 : vector<16xi32>
    %shift_right_logical3A_1247 = arith.constant 16 : i32
    %shift_right_logical3A_1248 = vector.broadcast %shift_right_logical3A_1247 : i32 to vector<16xi32>
    %shift_right_logical3A_1249 = arith.shrui %mul3A_1239, %shift_right_logical3A_1248 : vector<16xi32>
    %add3A_1250 = arith.addi %mul3A_1242, %shift_right_logical3A_1249 : vector<16xi32>
    %shift_right_logical3A_1251 = arith.constant 16 : i32
    %shift_right_logical3A_1252 = vector.broadcast %shift_right_logical3A_1251 : i32 to vector<16xi32>
    %shift_right_logical3A_1253 = arith.shrui %add3A_1250, %shift_right_logical3A_1252 : vector<16xi32>
    %mul3A_1254 = arith.constant 31337 : i32
    %mul3A_1255 = vector.broadcast %mul3A_1254 : i32 to vector<16xi32>
    %mul3A_1256 = arith.muli %get3A_1236, %mul3A_1255 : vector<16xi32>
    %xor3A_1257 = arith.xori %add3A_1246, %mul3A_1256 : vector<16xi32>
    %xor3A_1258 = arith.xori %xor3A_1257, %get3A_1230 : vector<16xi32>
    %and3A_1259 = arith.constant 2047 : i32
    %and3A_1260 = vector.broadcast %and3A_1259 : i32 to vector<16xi32>
    %and3A_1261 = arith.andi %xor3A_1258, %and3A_1260 : vector<16xi32>
    %and3A_1262 = arith.constant 65535 : i32
    %and3A_1263 = vector.broadcast %and3A_1262 : i32 to vector<16xi32>
    %and3A_1264 = arith.andi %xor3A_1258, %and3A_1263 : vector<16xi32>
    %shift_right_logical3A_1265 = arith.constant 16 : i32
    %shift_right_logical3A_1266 = vector.broadcast %shift_right_logical3A_1265 : i32 to vector<16xi32>
    %shift_right_logical3A_1267 = arith.shrui %xor3A_1258, %shift_right_logical3A_1266 : vector<16xi32>
    %add3A_1268 = arith.addi %and3A_1264, %shift_right_logical3A_1267 : vector<16xi32>
    %and3A_1269 = arith.constant 65535 : i32
    %and3A_1270 = vector.broadcast %and3A_1269 : i32 to vector<16xi32>
    %and3A_1271 = arith.andi %add3A_1268, %and3A_1270 : vector<16xi32>
    %shift_right_logical3A_1272 = arith.constant 16 : i32
    %shift_right_logical3A_1273 = vector.broadcast %shift_right_logical3A_1272 : i32 to vector<16xi32>
    %shift_right_logical3A_1274 = arith.shrui %add3A_1268, %shift_right_logical3A_1273 : vector<16xi32>
    %add3A_1275 = arith.addi %and3A_1271, %shift_right_logical3A_1274 : vector<16xi32>
    %add3A_1276 = arith.addi %add3A_1275, %shift_right_logical3A_1253 : vector<16xi32>
    %mul3A_1277 = arith.constant 52429 : i32
    %mul3A_1278 = vector.broadcast %mul3A_1277 : i32 to vector<16xi32>
    %mul3A_1279 = arith.muli %add3A_1276, %mul3A_1278 : vector<16xi32>
    %shift_right_logical3A_1280 = arith.constant 18 : i32
    %shift_right_logical3A_1281 = vector.broadcast %shift_right_logical3A_1280 : i32 to vector<16xi32>
    %shift_right_logical3A_1282 = arith.shrui %mul3A_1279, %shift_right_logical3A_1281 : vector<16xi32>
    %mul3A_1283 = arith.constant 5 : i32
    %mul3A_1284 = vector.broadcast %mul3A_1283 : i32 to vector<16xi32>
    %mul3A_1285 = arith.muli %mul3A_1284, %shift_right_logical3A_1282 : vector<16xi32>
    %sub3A_1286 = arith.subi %add3A_1276, %mul3A_1285 : vector<16xi32>
    %mul3A_1287 = arith.constant 52429 : i32
    %mul3A_1288 = vector.broadcast %mul3A_1287 : i32 to vector<16xi32>
    %mul3A_1289 = arith.muli %and3A_1261, %mul3A_1288 : vector<16xi32>
    %shift_right_logical3A_1290 = arith.constant 18 : i32
    %shift_right_logical3A_1291 = vector.broadcast %shift_right_logical3A_1290 : i32 to vector<16xi32>
    %shift_right_logical3A_1292 = arith.shrui %mul3A_1289, %shift_right_logical3A_1291 : vector<16xi32>
    %mul3A_1293 = arith.constant 5 : i32
    %mul3A_1294 = vector.broadcast %mul3A_1293 : i32 to vector<16xi32>
    %mul3A_1295 = arith.muli %mul3A_1294, %shift_right_logical3A_1292 : vector<16xi32>
    %sub3A_1296 = arith.subi %and3A_1261, %mul3A_1295 : vector<16xi32>
    %add3A_1297 = arith.constant 5 : i32
    %add3A_1298 = vector.broadcast %add3A_1297 : i32 to vector<16xi32>
    %add3A_1299 = arith.addi %sub3A_1286, %add3A_1298 : vector<16xi32>
    %sub3A_1300 = arith.subi %add3A_1299, %sub3A_1296 : vector<16xi32>
    %mul3A_1301 = arith.constant 2 : i32
    %mul3A_1302 = vector.broadcast %mul3A_1301 : i32 to vector<16xi32>
    %mul3A_1303 = arith.muli %mul3A_1302, %sub3A_1300 : vector<16xi32>
    %mul3A_1304 = arith.constant 52429 : i32
    %mul3A_1305 = vector.broadcast %mul3A_1304 : i32 to vector<16xi32>
    %mul3A_1306 = arith.muli %mul3A_1303, %mul3A_1305 : vector<16xi32>
    %shift_right_logical3A_1307 = arith.constant 18 : i32
    %shift_right_logical3A_1308 = vector.broadcast %shift_right_logical3A_1307 : i32 to vector<16xi32>
    %shift_right_logical3A_1309 = arith.shrui %mul3A_1306, %shift_right_logical3A_1308 : vector<16xi32>
    %mul3A_1310 = arith.constant 5 : i32
    %mul3A_1311 = vector.broadcast %mul3A_1310 : i32 to vector<16xi32>
    %mul3A_1312 = arith.muli %mul3A_1311, %shift_right_logical3A_1309 : vector<16xi32>
    %sub3A_1313 = arith.subi %mul3A_1303, %mul3A_1312 : vector<16xi32>
    %mul3A_1314 = arith.constant 2048 : i32
    %mul3A_1315 = vector.broadcast %mul3A_1314 : i32 to vector<16xi32>
    %mul3A_1316 = arith.muli %mul3A_1315, %sub3A_1313 : vector<16xi32>
    %add3A_1317 = arith.addi %and3A_1261, %mul3A_1316 : vector<16xi32>
    %swap3A_1318 = arith.constant 208 : index
    %swap3A_1319 = tpu.vector_load %arg10[%swap3A_1318] {strides = array<i32>} : memref<512xi32, #tpu.memory_space<vmem>>, vector<16xi32>,
    %swap3A_1320 = vector.shape_cast %swap3A_1319 : vector<16xi32> to vector<16xi32>
    %swap3A_1321 = vector.shape_cast %add3A_1317 : vector<16xi32> to vector<16xi32>
    tpu.vector_store %arg10[%swap3A_1318], %swap3A_1321 {strides = array<i32>} : memref<512xi32, #tpu.memory_space<vmem>>, vector<16xi32>,
    %get3A_1322 = arith.constant 224 : index
    %get3A_1323 = tpu.vector_load %arg7[%get3A_1322] {strides = array<i32>} : memref<512xi32, #tpu.memory_space<vmem>>, vector<16xi32>,
    %get3A_1324 = vector.shape_cast %get3A_1323 : vector<16xi32> to vector<16xi32>
    %get3A_1325 = arith.constant 224 : index
    %get3A_1326 = tpu.vector_load %arg8[%get3A_1325] {strides = array<i32>} : memref<512xi32, #tpu.memory_space<vmem>>, vector<16xi32>,
    %get3A_1327 = vector.shape_cast %get3A_1326 : vector<16xi32> to vector<16xi32>
    %get3A_1328 = arith.constant 224 : index
    %get3A_1329 = tpu.vector_load %arg9[%get3A_1328] {strides = array<i32>} : memref<512xi32, #tpu.memory_space<vmem>>, vector<16xi32>,
    %get3A_1330 = vector.shape_cast %get3A_1329 : vector<16xi32> to vector<16xi32>
    %mul3A_1331 = arith.constant 52641 : i32
    %mul3A_1332 = vector.broadcast %mul3A_1331 : i32 to vector<16xi32>
    %mul3A_1333 = arith.muli %get3A_1327, %mul3A_1332 : vector<16xi32>
    %mul3A_1334 = arith.constant 2737 : i32
    %mul3A_1335 = vector.broadcast %mul3A_1334 : i32 to vector<16xi32>
    %mul3A_1336 = arith.muli %get3A_1327, %mul3A_1335 : vector<16xi32>
    %shift_left3A_1337 = arith.constant 16 : i32
    %shift_left3A_1338 = vector.broadcast %shift_left3A_1337 : i32 to vector<16xi32>
    %shift_left3A_1339 = arith.shli %mul3A_1336, %shift_left3A_1338 : vector<16xi32>
    %add3A_1340 = arith.addi %shift_left3A_1339, %mul3A_1333 : vector<16xi32>
    %shift_right_logical3A_1341 = arith.constant 16 : i32
    %shift_right_logical3A_1342 = vector.broadcast %shift_right_logical3A_1341 : i32 to vector<16xi32>
    %shift_right_logical3A_1343 = arith.shrui %mul3A_1333, %shift_right_logical3A_1342 : vector<16xi32>
    %add3A_1344 = arith.addi %mul3A_1336, %shift_right_logical3A_1343 : vector<16xi32>
    %shift_right_logical3A_1345 = arith.constant 16 : i32
    %shift_right_logical3A_1346 = vector.broadcast %shift_right_logical3A_1345 : i32 to vector<16xi32>
    %shift_right_logical3A_1347 = arith.shrui %add3A_1344, %shift_right_logical3A_1346 : vector<16xi32>
    %mul3A_1348 = arith.constant 31337 : i32
    %mul3A_1349 = vector.broadcast %mul3A_1348 : i32 to vector<16xi32>
    %mul3A_1350 = arith.muli %get3A_1330, %mul3A_1349 : vector<16xi32>
    %xor3A_1351 = arith.xori %add3A_1340, %mul3A_1350 : vector<16xi32>
    %xor3A_1352 = arith.xori %xor3A_1351, %get3A_1324 : vector<16xi32>
    %and3A_1353 = arith.constant 2047 : i32
    %and3A_1354 = vector.broadcast %and3A_1353 : i32 to vector<16xi32>
    %and3A_1355 = arith.andi %xor3A_1352, %and3A_1354 : vector<16xi32>
    %and3A_1356 = arith.constant 65535 : i32
    %and3A_1357 = vector.broadcast %and3A_1356 : i32 to vector<16xi32>
    %and3A_1358 = arith.andi %xor3A_1352, %and3A_1357 : vector<16xi32>
    %shift_right_logical3A_1359 = arith.constant 16 : i32
    %shift_right_logical3A_1360 = vector.broadcast %shift_right_logical3A_1359 : i32 to vector<16xi32>
    %shift_right_logical3A_1361 = arith.shrui %xor3A_1352, %shift_right_logical3A_1360 : vector<16xi32>
    %add3A_1362 = arith.addi %and3A_1358, %shift_right_logical3A_1361 : vector<16xi32>
    %and3A_1363 = arith.constant 65535 : i32
    %and3A_1364 = vector.broadcast %and3A_1363 : i32 to vector<16xi32>
    %and3A_1365 = arith.andi %add3A_1362, %and3A_1364 : vector<16xi32>
    %shift_right_logical3A_1366 = arith.constant 16 : i32
    %shift_right_logical3A_1367 = vector.broadcast %shift_right_logical3A_1366 : i32 to vector<16xi32>
    %shift_right_logical3A_1368 = arith.shrui %add3A_1362, %shift_right_logical3A_1367 : vector<16xi32>
    %add3A_1369 = arith.addi %and3A_1365, %shift_right_logical3A_1368 : vector<16xi32>
    %add3A_1370 = arith.addi %add3A_1369, %shift_right_logical3A_1347 : vector<16xi32>
    %mul3A_1371 = arith.constant 52429 : i32
    %mul3A_1372 = vector.broadcast %mul3A_1371 : i32 to vector<16xi32>
    %mul3A_1373 = arith.muli %add3A_1370, %mul3A_1372 : vector<16xi32>
    %shift_right_logical3A_1374 = arith.constant 18 : i32
    %shift_right_logical3A_1375 = vector.broadcast %shift_right_logical3A_1374 : i32 to vector<16xi32>
    %shift_right_logical3A_1376 = arith.shrui %mul3A_1373, %shift_right_logical3A_1375 : vector<16xi32>
    %mul3A_1377 = arith.constant 5 : i32
    %mul3A_1378 = vector.broadcast %mul3A_1377 : i32 to vector<16xi32>
    %mul3A_1379 = arith.muli %mul3A_1378, %shift_right_logical3A_1376 : vector<16xi32>
    %sub3A_1380 = arith.subi %add3A_1370, %mul3A_1379 : vector<16xi32>
    %mul3A_1381 = arith.constant 52429 : i32
    %mul3A_1382 = vector.broadcast %mul3A_1381 : i32 to vector<16xi32>
    %mul3A_1383 = arith.muli %and3A_1355, %mul3A_1382 : vector<16xi32>
    %shift_right_logical3A_1384 = arith.constant 18 : i32
    %shift_right_logical3A_1385 = vector.broadcast %shift_right_logical3A_1384 : i32 to vector<16xi32>
    %shift_right_logical3A_1386 = arith.shrui %mul3A_1383, %shift_right_logical3A_1385 : vector<16xi32>
    %mul3A_1387 = arith.constant 5 : i32
    %mul3A_1388 = vector.broadcast %mul3A_1387 : i32 to vector<16xi32>
    %mul3A_1389 = arith.muli %mul3A_1388, %shift_right_logical3A_1386 : vector<16xi32>
    %sub3A_1390 = arith.subi %and3A_1355, %mul3A_1389 : vector<16xi32>
    %add3A_1391 = arith.constant 5 : i32
    %add3A_1392 = vector.broadcast %add3A_1391 : i32 to vector<16xi32>
    %add3A_1393 = arith.addi %sub3A_1380, %add3A_1392 : vector<16xi32>
    %sub3A_1394 = arith.subi %add3A_1393, %sub3A_1390 : vector<16xi32>
    %mul3A_1395 = arith.constant 2 : i32
    %mul3A_1396 = vector.broadcast %mul3A_1395 : i32 to vector<16xi32>
    %mul3A_1397 = arith.muli %mul3A_1396, %sub3A_1394 : vector<16xi32>
    %mul3A_1398 = arith.constant 52429 : i32
    %mul3A_1399 = vector.broadcast %mul3A_1398 : i32 to vector<16xi32>
    %mul3A_1400 = arith.muli %mul3A_1397, %mul3A_1399 : vector<16xi32>
    %shift_right_logical3A_1401 = arith.constant 18 : i32
    %shift_right_logical3A_1402 = vector.broadcast %shift_right_logical3A_1401 : i32 to vector<16xi32>
    %shift_right_logical3A_1403 = arith.shrui %mul3A_1400, %shift_right_logical3A_1402 : vector<16xi32>
    %mul3A_1404 = arith.constant 5 : i32
    %mul3A_1405 = vector.broadcast %mul3A_1404 : i32 to vector<16xi32>
    %mul3A_1406 = arith.muli %mul3A_1405, %shift_right_logical3A_1403 : vector<16xi32>
    %sub3A_1407 = arith.subi %mul3A_1397, %mul3A_1406 : vector<16xi32>
    %mul3A_1408 = arith.constant 2048 : i32
    %mul3A_1409 = vector.broadcast %mul3A_1408 : i32 to vector<16xi32>
    %mul3A_1410 = arith.muli %mul3A_1409, %sub3A_1407 : vector<16xi32>
    %add3A_1411 = arith.addi %and3A_1355, %mul3A_1410 : vector<16xi32>
    %swap3A_1412 = arith.constant 224 : index
    %swap3A_1413 = tpu.vector_load %arg10[%swap3A_1412] {strides = array<i32>} : memref<512xi32, #tpu.memory_space<vmem>>, vector<16xi32>,
    %swap3A_1414 = vector.shape_cast %swap3A_1413 : vector<16xi32> to vector<16xi32>
    %swap3A_1415 = vector.shape_cast %add3A_1411 : vector<16xi32> to vector<16xi32>
    tpu.vector_store %arg10[%swap3A_1412], %swap3A_1415 {strides = array<i32>} : memref<512xi32, #tpu.memory_space<vmem>>, vector<16xi32>,
    %get3A_1416 = arith.constant 240 : index
    %get3A_1417 = tpu.vector_load %arg7[%get3A_1416] {strides = array<i32>} : memref<512xi32, #tpu.memory_space<vmem>>, vector<16xi32>,
    %get3A_1418 = vector.shape_cast %get3A_1417 : vector<16xi32> to vector<16xi32>
    %get3A_1419 = arith.constant 240 : index
    %get3A_1420 = tpu.vector_load %arg8[%get3A_1419] {strides = array<i32>} : memref<512xi32, #tpu.memory_space<vmem>>, vector<16xi32>,
    %get3A_1421 = vector.shape_cast %get3A_1420 : vector<16xi32> to vector<16xi32>
    %get3A_1422 = arith.constant 240 : index
    %get3A_1423 = tpu.vector_load %arg9[%get3A_1422] {strides = array<i32>} : memref<512xi32, #tpu.memory_space<vmem>>, vector<16xi32>,
    %get3A_1424 = vector.shape_cast %get3A_1423 : vector<16xi32> to vector<16xi32>
    %mul3A_1425 = arith.constant 52641 : i32
    %mul3A_1426 = vector.broadcast %mul3A_1425 : i32 to vector<16xi32>
    %mul3A_1427 = arith.muli %get3A_1421, %mul3A_1426 : vector<16xi32>
    %mul3A_1428 = arith.constant 2737 : i32
    %mul3A_1429 = vector.broadcast %mul3A_1428 : i32 to vector<16xi32>
    %mul3A_1430 = arith.muli %get3A_1421, %mul3A_1429 : vector<16xi32>
    %shift_left3A_1431 = arith.constant 16 : i32
    %shift_left3A_1432 = vector.broadcast %shift_left3A_1431 : i32 to vector<16xi32>
    %shift_left3A_1433 = arith.shli %mul3A_1430, %shift_left3A_1432 : vector<16xi32>
    %add3A_1434 = arith.addi %shift_left3A_1433, %mul3A_1427 : vector<16xi32>
    %shift_right_logical3A_1435 = arith.constant 16 : i32
    %shift_right_logical3A_1436 = vector.broadcast %shift_right_logical3A_1435 : i32 to vector<16xi32>
    %shift_right_logical3A_1437 = arith.shrui %mul3A_1427, %shift_right_logical3A_1436 : vector<16xi32>
    %add3A_1438 = arith.addi %mul3A_1430, %shift_right_logical3A_1437 : vector<16xi32>
    %shift_right_logical3A_1439 = arith.constant 16 : i32
    %shift_right_logical3A_1440 = vector.broadcast %shift_right_logical3A_1439 : i32 to vector<16xi32>
    %shift_right_logical3A_1441 = arith.shrui %add3A_1438, %shift_right_logical3A_1440 : vector<16xi32>
    %mul3A_1442 = arith.constant 31337 : i32
    %mul3A_1443 = vector.broadcast %mul3A_1442 : i32 to vector<16xi32>
    %mul3A_1444 = arith.muli %get3A_1424, %mul3A_1443 : vector<16xi32>
    %xor3A_1445 = arith.xori %add3A_1434, %mul3A_1444 : vector<16xi32>
    %xor3A_1446 = arith.xori %xor3A_1445, %get3A_1418 : vector<16xi32>
    %and3A_1447 = arith.constant 2047 : i32
    %and3A_1448 = vector.broadcast %and3A_1447 : i32 to vector<16xi32>
    %and3A_1449 = arith.andi %xor3A_1446, %and3A_1448 : vector<16xi32>
    %and3A_1450 = arith.constant 65535 : i32
    %and3A_1451 = vector.broadcast %and3A_1450 : i32 to vector<16xi32>
    %and3A_1452 = arith.andi %xor3A_1446, %and3A_1451 : vector<16xi32>
    %shift_right_logical3A_1453 = arith.constant 16 : i32
    %shift_right_logical3A_1454 = vector.broadcast %shift_right_logical3A_1453 : i32 to vector<16xi32>
    %shift_right_logical3A_1455 = arith.shrui %xor3A_1446, %shift_right_logical3A_1454 : vector<16xi32>
    %add3A_1456 = arith.addi %and3A_1452, %shift_right_logical3A_1455 : vector<16xi32>
    %and3A_1457 = arith.constant 65535 : i32
    %and3A_1458 = vector.broadcast %and3A_1457 : i32 to vector<16xi32>
    %and3A_1459 = arith.andi %add3A_1456, %and3A_1458 : vector<16xi32>
    %shift_right_logical3A_1460 = arith.constant 16 : i32
    %shift_right_logical3A_1461 = vector.broadcast %shift_right_logical3A_1460 : i32 to vector<16xi32>
    %shift_right_logical3A_1462 = arith.shrui %add3A_1456, %shift_right_logical3A_1461 : vector<16xi32>
    %add3A_1463 = arith.addi %and3A_1459, %shift_right_logical3A_1462 : vector<16xi32>
    %add3A_1464 = arith.addi %add3A_1463, %shift_right_logical3A_1441 : vector<16xi32>
    %mul3A_1465 = arith.constant 52429 : i32
    %mul3A_1466 = vector.broadcast %mul3A_1465 : i32 to vector<16xi32>
    %mul3A_1467 = arith.muli %add3A_1464, %mul3A_1466 : vector<16xi32>
    %shift_right_logical3A_1468 = arith.constant 18 : i32
    %shift_right_logical3A_1469 = vector.broadcast %shift_right_logical3A_1468 : i32 to vector<16xi32>
    %shift_right_logical3A_1470 = arith.shrui %mul3A_1467, %shift_right_logical3A_1469 : vector<16xi32>
    %mul3A_1471 = arith.constant 5 : i32
    %mul3A_1472 = vector.broadcast %mul3A_1471 : i32 to vector<16xi32>
    %mul3A_1473 = arith.muli %mul3A_1472, %shift_right_logical3A_1470 : vector<16xi32>
    %sub3A_1474 = arith.subi %add3A_1464, %mul3A_1473 : vector<16xi32>
    %mul3A_1475 = arith.constant 52429 : i32
    %mul3A_1476 = vector.broadcast %mul3A_1475 : i32 to vector<16xi32>
    %mul3A_1477 = arith.muli %and3A_1449, %mul3A_1476 : vector<16xi32>
    %shift_right_logical3A_1478 = arith.constant 18 : i32
    %shift_right_logical3A_1479 = vector.broadcast %shift_right_logical3A_1478 : i32 to vector<16xi32>
    %shift_right_logical3A_1480 = arith.shrui %mul3A_1477, %shift_right_logical3A_1479 : vector<16xi32>
    %mul3A_1481 = arith.constant 5 : i32
    %mul3A_1482 = vector.broadcast %mul3A_1481 : i32 to vector<16xi32>
    %mul3A_1483 = arith.muli %mul3A_1482, %shift_right_logical3A_1480 : vector<16xi32>
    %sub3A_1484 = arith.subi %and3A_1449, %mul3A_1483 : vector<16xi32>
    %add3A_1485 = arith.constant 5 : i32
    %add3A_1486 = vector.broadcast %add3A_1485 : i32 to vector<16xi32>
    %add3A_1487 = arith.addi %sub3A_1474, %add3A_1486 : vector<16xi32>
    %sub3A_1488 = arith.subi %add3A_1487, %sub3A_1484 : vector<16xi32>
    %mul3A_1489 = arith.constant 2 : i32
    %mul3A_1490 = vector.broadcast %mul3A_1489 : i32 to vector<16xi32>
    %mul3A_1491 = arith.muli %mul3A_1490, %sub3A_1488 : vector<16xi32>
    %mul3A_1492 = arith.constant 52429 : i32
    %mul3A_1493 = vector.broadcast %mul3A_1492 : i32 to vector<16xi32>
    %mul3A_1494 = arith.muli %mul3A_1491, %mul3A_1493 : vector<16xi32>
    %shift_right_logical3A_1495 = arith.constant 18 : i32
    %shift_right_logical3A_1496 = vector.broadcast %shift_right_logical3A_1495 : i32 to vector<16xi32>
    %shift_right_logical3A_1497 = arith.shrui %mul3A_1494, %shift_right_logical3A_1496 : vector<16xi32>
    %mul3A_1498 = arith.constant 5 : i32
    %mul3A_1499 = vector.broadcast %mul3A_1498 : i32 to vector<16xi32>
    %mul3A_1500 = arith.muli %mul3A_1499, %shift_right_logical3A_1497 : vector<16xi32>
    %sub3A_1501 = arith.subi %mul3A_1491, %mul3A_1500 : vector<16xi32>
    %mul3A_1502 = arith.constant 2048 : i32
    %mul3A_1503 = vector.broadcast %mul3A_1502 : i32 to vector<16xi32>
    %mul3A_1504 = arith.muli %mul3A_1503, %sub3A_1501 : vector<16xi32>
    %add3A_1505 = arith.addi %and3A_1449, %mul3A_1504 : vector<16xi32>
    %swap3A_1506 = arith.constant 240 : index
    %swap3A_1507 = tpu.vector_load %arg10[%swap3A_1506] {strides = array<i32>} : memref<512xi32, #tpu.memory_space<vmem>>, vector<16xi32>,
    %swap3A_1508 = vector.shape_cast %swap3A_1507 : vector<16xi32> to vector<16xi32>
    %swap3A_1509 = vector.shape_cast %add3A_1505 : vector<16xi32> to vector<16xi32>
    tpu.vector_store %arg10[%swap3A_1506], %swap3A_1509 {strides = array<i32>} : memref<512xi32, #tpu.memory_space<vmem>>, vector<16xi32>,
    %get3A_1510 = arith.constant 256 : index
    %get3A_1511 = tpu.vector_load %arg7[%get3A_1510] {strides = array<i32>} : memref<512xi32, #tpu.memory_space<vmem>>, vector<16xi32>,
    %get3A_1512 = vector.shape_cast %get3A_1511 : vector<16xi32> to vector<16xi32>
    %get3A_1513 = arith.constant 256 : index
    %get3A_1514 = tpu.vector_load %arg8[%get3A_1513] {strides = array<i32>} : memref<512xi32, #tpu.memory_space<vmem>>, vector<16xi32>,
    %get3A_1515 = vector.shape_cast %get3A_1514 : vector<16xi32> to vector<16xi32>
    %get3A_1516 = arith.constant 256 : index
    %get3A_1517 = tpu.vector_load %arg9[%get3A_1516] {strides = array<i32>} : memref<512xi32, #tpu.memory_space<vmem>>, vector<16xi32>,
    %get3A_1518 = vector.shape_cast %get3A_1517 : vector<16xi32> to vector<16xi32>
    %mul3A_1519 = arith.constant 52641 : i32
    %mul3A_1520 = vector.broadcast %mul3A_1519 : i32 to vector<16xi32>
    %mul3A_1521 = arith.muli %get3A_1515, %mul3A_1520 : vector<16xi32>
    %mul3A_1522 = arith.constant 2737 : i32
    %mul3A_1523 = vector.broadcast %mul3A_1522 : i32 to vector<16xi32>
    %mul3A_1524 = arith.muli %get3A_1515, %mul3A_1523 : vector<16xi32>
    %shift_left3A_1525 = arith.constant 16 : i32
    %shift_left3A_1526 = vector.broadcast %shift_left3A_1525 : i32 to vector<16xi32>
    %shift_left3A_1527 = arith.shli %mul3A_1524, %shift_left3A_1526 : vector<16xi32>
    %add3A_1528 = arith.addi %shift_left3A_1527, %mul3A_1521 : vector<16xi32>
    %shift_right_logical3A_1529 = arith.constant 16 : i32
    %shift_right_logical3A_1530 = vector.broadcast %shift_right_logical3A_1529 : i32 to vector<16xi32>
    %shift_right_logical3A_1531 = arith.shrui %mul3A_1521, %shift_right_logical3A_1530 : vector<16xi32>
    %add3A_1532 = arith.addi %mul3A_1524, %shift_right_logical3A_1531 : vector<16xi32>
    %shift_right_logical3A_1533 = arith.constant 16 : i32
    %shift_right_logical3A_1534 = vector.broadcast %shift_right_logical3A_1533 : i32 to vector<16xi32>
    %shift_right_logical3A_1535 = arith.shrui %add3A_1532, %shift_right_logical3A_1534 : vector<16xi32>
    %mul3A_1536 = arith.constant 31337 : i32
    %mul3A_1537 = vector.broadcast %mul3A_1536 : i32 to vector<16xi32>
    %mul3A_1538 = arith.muli %get3A_1518, %mul3A_1537 : vector<16xi32>
    %xor3A_1539 = arith.xori %add3A_1528, %mul3A_1538 : vector<16xi32>
    %xor3A_1540 = arith.xori %xor3A_1539, %get3A_1512 : vector<16xi32>
    %and3A_1541 = arith.constant 2047 : i32
    %and3A_1542 = vector.broadcast %and3A_1541 : i32 to vector<16xi32>
    %and3A_1543 = arith.andi %xor3A_1540, %and3A_1542 : vector<16xi32>
    %and3A_1544 = arith.constant 65535 : i32
    %and3A_1545 = vector.broadcast %and3A_1544 : i32 to vector<16xi32>
    %and3A_1546 = arith.andi %xor3A_1540, %and3A_1545 : vector<16xi32>
    %shift_right_logical3A_1547 = arith.constant 16 : i32
    %shift_right_logical3A_1548 = vector.broadcast %shift_right_logical3A_1547 : i32 to vector<16xi32>
    %shift_right_logical3A_1549 = arith.shrui %xor3A_1540, %shift_right_logical3A_1548 : vector<16xi32>
    %add3A_1550 = arith.addi %and3A_1546, %shift_right_logical3A_1549 : vector<16xi32>
    %and3A_1551 = arith.constant 65535 : i32
    %and3A_1552 = vector.broadcast %and3A_1551 : i32 to vector<16xi32>
    %and3A_1553 = arith.andi %add3A_1550, %and3A_1552 : vector<16xi32>
    %shift_right_logical3A_1554 = arith.constant 16 : i32
    %shift_right_logical3A_1555 = vector.broadcast %shift_right_logical3A_1554 : i32 to vector<16xi32>
    %shift_right_logical3A_1556 = arith.shrui %add3A_1550, %shift_right_logical3A_1555 : vector<16xi32>
    %add3A_1557 = arith.addi %and3A_1553, %shift_right_logical3A_1556 : vector<16xi32>
    %add3A_1558 = arith.addi %add3A_1557, %shift_right_logical3A_1535 : vector<16xi32>
    %mul3A_1559 = arith.constant 52429 : i32
    %mul3A_1560 = vector.broadcast %mul3A_1559 : i32 to vector<16xi32>
    %mul3A_1561 = arith.muli %add3A_1558, %mul3A_1560 : vector<16xi32>
    %shift_right_logical3A_1562 = arith.constant 18 : i32
    %shift_right_logical3A_1563 = vector.broadcast %shift_right_logical3A_1562 : i32 to vector<16xi32>
    %shift_right_logical3A_1564 = arith.shrui %mul3A_1561, %shift_right_logical3A_1563 : vector<16xi32>
    %mul3A_1565 = arith.constant 5 : i32
    %mul3A_1566 = vector.broadcast %mul3A_1565 : i32 to vector<16xi32>
    %mul3A_1567 = arith.muli %mul3A_1566, %shift_right_logical3A_1564 : vector<16xi32>
    %sub3A_1568 = arith.subi %add3A_1558, %mul3A_1567 : vector<16xi32>
    %mul3A_1569 = arith.constant 52429 : i32
    %mul3A_1570 = vector.broadcast %mul3A_1569 : i32 to vector<16xi32>
    %mul3A_1571 = arith.muli %and3A_1543, %mul3A_1570 : vector<16xi32>
    %shift_right_logical3A_1572 = arith.constant 18 : i32
    %shift_right_logical3A_1573 = vector.broadcast %shift_right_logical3A_1572 : i32 to vector<16xi32>
    %shift_right_logical3A_1574 = arith.shrui %mul3A_1571, %shift_right_logical3A_1573 : vector<16xi32>
    %mul3A_1575 = arith.constant 5 : i32
    %mul3A_1576 = vector.broadcast %mul3A_1575 : i32 to vector<16xi32>
    %mul3A_1577 = arith.muli %mul3A_1576, %shift_right_logical3A_1574 : vector<16xi32>
    %sub3A_1578 = arith.subi %and3A_1543, %mul3A_1577 : vector<16xi32>
    %add3A_1579 = arith.constant 5 : i32
    %add3A_1580 = vector.broadcast %add3A_1579 : i32 to vector<16xi32>
    %add3A_1581 = arith.addi %sub3A_1568, %add3A_1580 : vector<16xi32>
    %sub3A_1582 = arith.subi %add3A_1581, %sub3A_1578 : vector<16xi32>
    %mul3A_1583 = arith.constant 2 : i32
    %mul3A_1584 = vector.broadcast %mul3A_1583 : i32 to vector<16xi32>
    %mul3A_1585 = arith.muli %mul3A_1584, %sub3A_1582 : vector<16xi32>
    %mul3A_1586 = arith.constant 52429 : i32
    %mul3A_1587 = vector.broadcast %mul3A_1586 : i32 to vector<16xi32>
    %mul3A_1588 = arith.muli %mul3A_1585, %mul3A_1587 : vector<16xi32>
    %shift_right_logical3A_1589 = arith.constant 18 : i32
    %shift_right_logical3A_1590 = vector.broadcast %shift_right_logical3A_1589 : i32 to vector<16xi32>
    %shift_right_logical3A_1591 = arith.shrui %mul3A_1588, %shift_right_logical3A_1590 : vector<16xi32>
    %mul3A_1592 = arith.constant 5 : i32
    %mul3A_1593 = vector.broadcast %mul3A_1592 : i32 to vector<16xi32>
    %mul3A_1594 = arith.muli %mul3A_1593, %shift_right_logical3A_1591 : vector<16xi32>
    %sub3A_1595 = arith.subi %mul3A_1585, %mul3A_1594 : vector<16xi32>
    %mul3A_1596 = arith.constant 2048 : i32
    %mul3A_1597 = vector.broadcast %mul3A_1596 : i32 to vector<16xi32>
    %mul3A_1598 = arith.muli %mul3A_1597, %sub3A_1595 : vector<16xi32>
    %add3A_1599 = arith.addi %and3A_1543, %mul3A_1598 : vector<16xi32>
    %swap3A_1600 = arith.constant 256 : index
    %swap3A_1601 = tpu.vector_load %arg10[%swap3A_1600] {strides = array<i32>} : memref<512xi32, #tpu.memory_space<vmem>>, vector<16xi32>,
    %swap3A_1602 = vector.shape_cast %swap3A_1601 : vector<16xi32> to vector<16xi32>
    %swap3A_1603 = vector.shape_cast %add3A_1599 : vector<16xi32> to vector<16xi32>
    tpu.vector_store %arg10[%swap3A_1600], %swap3A_1603 {strides = array<i32>} : memref<512xi32, #tpu.memory_space<vmem>>, vector<16xi32>,
    %get3A_1604 = arith.constant 272 : index
    %get3A_1605 = tpu.vector_load %arg7[%get3A_1604] {strides = array<i32>} : memref<512xi32, #tpu.memory_space<vmem>>, vector<16xi32>,
    %get3A_1606 = vector.shape_cast %get3A_1605 : vector<16xi32> to vector<16xi32>
    %get3A_1607 = arith.constant 272 : index
    %get3A_1608 = tpu.vector_load %arg8[%get3A_1607] {strides = array<i32>} : memref<512xi32, #tpu.memory_space<vmem>>, vector<16xi32>,
    %get3A_1609 = vector.shape_cast %get3A_1608 : vector<16xi32> to vector<16xi32>
    %get3A_1610 = arith.constant 272 : index
    %get3A_1611 = tpu.vector_load %arg9[%get3A_1610] {strides = array<i32>} : memref<512xi32, #tpu.memory_space<vmem>>, vector<16xi32>,
    %get3A_1612 = vector.shape_cast %get3A_1611 : vector<16xi32> to vector<16xi32>
    %mul3A_1613 = arith.constant 52641 : i32
    %mul3A_1614 = vector.broadcast %mul3A_1613 : i32 to vector<16xi32>
    %mul3A_1615 = arith.muli %get3A_1609, %mul3A_1614 : vector<16xi32>
    %mul3A_1616 = arith.constant 2737 : i32
    %mul3A_1617 = vector.broadcast %mul3A_1616 : i32 to vector<16xi32>
    %mul3A_1618 = arith.muli %get3A_1609, %mul3A_1617 : vector<16xi32>
    %shift_left3A_1619 = arith.constant 16 : i32
    %shift_left3A_1620 = vector.broadcast %shift_left3A_1619 : i32 to vector<16xi32>
    %shift_left3A_1621 = arith.shli %mul3A_1618, %shift_left3A_1620 : vector<16xi32>
    %add3A_1622 = arith.addi %shift_left3A_1621, %mul3A_1615 : vector<16xi32>
    %shift_right_logical3A_1623 = arith.constant 16 : i32
    %shift_right_logical3A_1624 = vector.broadcast %shift_right_logical3A_1623 : i32 to vector<16xi32>
    %shift_right_logical3A_1625 = arith.shrui %mul3A_1615, %shift_right_logical3A_1624 : vector<16xi32>
    %add3A_1626 = arith.addi %mul3A_1618, %shift_right_logical3A_1625 : vector<16xi32>
    %shift_right_logical3A_1627 = arith.constant 16 : i32
    %shift_right_logical3A_1628 = vector.broadcast %shift_right_logical3A_1627 : i32 to vector<16xi32>
    %shift_right_logical3A_1629 = arith.shrui %add3A_1626, %shift_right_logical3A_1628 : vector<16xi32>
    %mul3A_1630 = arith.constant 31337 : i32
    %mul3A_1631 = vector.broadcast %mul3A_1630 : i32 to vector<16xi32>
    %mul3A_1632 = arith.muli %get3A_1612, %mul3A_1631 : vector<16xi32>
    %xor3A_1633 = arith.xori %add3A_1622, %mul3A_1632 : vector<16xi32>
    %xor3A_1634 = arith.xori %xor3A_1633, %get3A_1606 : vector<16xi32>
    %and3A_1635 = arith.constant 2047 : i32
    %and3A_1636 = vector.broadcast %and3A_1635 : i32 to vector<16xi32>
    %and3A_1637 = arith.andi %xor3A_1634, %and3A_1636 : vector<16xi32>
    %and3A_1638 = arith.constant 65535 : i32
    %and3A_1639 = vector.broadcast %and3A_1638 : i32 to vector<16xi32>
    %and3A_1640 = arith.andi %xor3A_1634, %and3A_1639 : vector<16xi32>
    %shift_right_logical3A_1641 = arith.constant 16 : i32
    %shift_right_logical3A_1642 = vector.broadcast %shift_right_logical3A_1641 : i32 to vector<16xi32>
    %shift_right_logical3A_1643 = arith.shrui %xor3A_1634, %shift_right_logical3A_1642 : vector<16xi32>
    %add3A_1644 = arith.addi %and3A_1640, %shift_right_logical3A_1643 : vector<16xi32>
    %and3A_1645 = arith.constant 65535 : i32
    %and3A_1646 = vector.broadcast %and3A_1645 : i32 to vector<16xi32>
    %and3A_1647 = arith.andi %add3A_1644, %and3A_1646 : vector<16xi32>
    %shift_right_logical3A_1648 = arith.constant 16 : i32
    %shift_right_logical3A_1649 = vector.broadcast %shift_right_logical3A_1648 : i32 to vector<16xi32>
    %shift_right_logical3A_1650 = arith.shrui %add3A_1644, %shift_right_logical3A_1649 : vector<16xi32>
    %add3A_1651 = arith.addi %and3A_1647, %shift_right_logical3A_1650 : vector<16xi32>
    %add3A_1652 = arith.addi %add3A_1651, %shift_right_logical3A_1629 : vector<16xi32>
    %mul3A_1653 = arith.constant 52429 : i32
    %mul3A_1654 = vector.broadcast %mul3A_1653 : i32 to vector<16xi32>
    %mul3A_1655 = arith.muli %add3A_1652, %mul3A_1654 : vector<16xi32>
    %shift_right_logical3A_1656 = arith.constant 18 : i32
    %shift_right_logical3A_1657 = vector.broadcast %shift_right_logical3A_1656 : i32 to vector<16xi32>
    %shift_right_logical3A_1658 = arith.shrui %mul3A_1655, %shift_right_logical3A_1657 : vector<16xi32>
    %mul3A_1659 = arith.constant 5 : i32
    %mul3A_1660 = vector.broadcast %mul3A_1659 : i32 to vector<16xi32>
    %mul3A_1661 = arith.muli %mul3A_1660, %shift_right_logical3A_1658 : vector<16xi32>
    %sub3A_1662 = arith.subi %add3A_1652, %mul3A_1661 : vector<16xi32>
    %mul3A_1663 = arith.constant 52429 : i32
    %mul3A_1664 = vector.broadcast %mul3A_1663 : i32 to vector<16xi32>
    %mul3A_1665 = arith.muli %and3A_1637, %mul3A_1664 : vector<16xi32>
    %shift_right_logical3A_1666 = arith.constant 18 : i32
    %shift_right_logical3A_1667 = vector.broadcast %shift_right_logical3A_1666 : i32 to vector<16xi32>
    %shift_right_logical3A_1668 = arith.shrui %mul3A_1665, %shift_right_logical3A_1667 : vector<16xi32>
    %mul3A_1669 = arith.constant 5 : i32
    %mul3A_1670 = vector.broadcast %mul3A_1669 : i32 to vector<16xi32>
    %mul3A_1671 = arith.muli %mul3A_1670, %shift_right_logical3A_1668 : vector<16xi32>
    %sub3A_1672 = arith.subi %and3A_1637, %mul3A_1671 : vector<16xi32>
    %add3A_1673 = arith.constant 5 : i32
    %add3A_1674 = vector.broadcast %add3A_1673 : i32 to vector<16xi32>
    %add3A_1675 = arith.addi %sub3A_1662, %add3A_1674 : vector<16xi32>
    %sub3A_1676 = arith.subi %add3A_1675, %sub3A_1672 : vector<16xi32>
    %mul3A_1677 = arith.constant 2 : i32
    %mul3A_1678 = vector.broadcast %mul3A_1677 : i32 to vector<16xi32>
    %mul3A_1679 = arith.muli %mul3A_1678, %sub3A_1676 : vector<16xi32>
    %mul3A_1680 = arith.constant 52429 : i32
    %mul3A_1681 = vector.broadcast %mul3A_1680 : i32 to vector<16xi32>
    %mul3A_1682 = arith.muli %mul3A_1679, %mul3A_1681 : vector<16xi32>
    %shift_right_logical3A_1683 = arith.constant 18 : i32
    %shift_right_logical3A_1684 = vector.broadcast %shift_right_logical3A_1683 : i32 to vector<16xi32>
    %shift_right_logical3A_1685 = arith.shrui %mul3A_1682, %shift_right_logical3A_1684 : vector<16xi32>
    %mul3A_1686 = arith.constant 5 : i32
    %mul3A_1687 = vector.broadcast %mul3A_1686 : i32 to vector<16xi32>
    %mul3A_1688 = arith.muli %mul3A_1687, %shift_right_logical3A_1685 : vector<16xi32>
    %sub3A_1689 = arith.subi %mul3A_1679, %mul3A_1688 : vector<16xi32>
    %mul3A_1690 = arith.constant 2048 : i32
    %mul3A_1691 = vector.broadcast %mul3A_1690 : i32 to vector<16xi32>
    %mul3A_1692 = arith.muli %mul3A_1691, %sub3A_1689 : vector<16xi32>
    %add3A_1693 = arith.addi %and3A_1637, %mul3A_1692 : vector<16xi32>
    %swap3A_1694 = arith.constant 272 : index
    %swap3A_1695 = tpu.vector_load %arg10[%swap3A_1694] {strides = array<i32>} : memref<512xi32, #tpu.memory_space<vmem>>, vector<16xi32>,
    %swap3A_1696 = vector.shape_cast %swap3A_1695 : vector<16xi32> to vector<16xi32>
    %swap3A_1697 = vector.shape_cast %add3A_1693 : vector<16xi32> to vector<16xi32>
    tpu.vector_store %arg10[%swap3A_1694], %swap3A_1697 {strides = array<i32>} : memref<512xi32, #tpu.memory_space<vmem>>, vector<16xi32>,
    %get3A_1698 = arith.constant 288 : index
    %get3A_1699 = tpu.vector_load %arg7[%get3A_1698] {strides = array<i32>} : memref<512xi32, #tpu.memory_space<vmem>>, vector<16xi32>,
    %get3A_1700 = vector.shape_cast %get3A_1699 : vector<16xi32> to vector<16xi32>
    %get3A_1701 = arith.constant 288 : index
    %get3A_1702 = tpu.vector_load %arg8[%get3A_1701] {strides = array<i32>} : memref<512xi32, #tpu.memory_space<vmem>>, vector<16xi32>,
    %get3A_1703 = vector.shape_cast %get3A_1702 : vector<16xi32> to vector<16xi32>
    %get3A_1704 = arith.constant 288 : index
    %get3A_1705 = tpu.vector_load %arg9[%get3A_1704] {strides = array<i32>} : memref<512xi32, #tpu.memory_space<vmem>>, vector<16xi32>,
    %get3A_1706 = vector.shape_cast %get3A_1705 : vector<16xi32> to vector<16xi32>
    %mul3A_1707 = arith.constant 52641 : i32
    %mul3A_1708 = vector.broadcast %mul3A_1707 : i32 to vector<16xi32>
    %mul3A_1709 = arith.muli %get3A_1703, %mul3A_1708 : vector<16xi32>
    %mul3A_1710 = arith.constant 2737 : i32
    %mul3A_1711 = vector.broadcast %mul3A_1710 : i32 to vector<16xi32>
    %mul3A_1712 = arith.muli %get3A_1703, %mul3A_1711 : vector<16xi32>
    %shift_left3A_1713 = arith.constant 16 : i32
    %shift_left3A_1714 = vector.broadcast %shift_left3A_1713 : i32 to vector<16xi32>
    %shift_left3A_1715 = arith.shli %mul3A_1712, %shift_left3A_1714 : vector<16xi32>
    %add3A_1716 = arith.addi %shift_left3A_1715, %mul3A_1709 : vector<16xi32>
    %shift_right_logical3A_1717 = arith.constant 16 : i32
    %shift_right_logical3A_1718 = vector.broadcast %shift_right_logical3A_1717 : i32 to vector<16xi32>
    %shift_right_logical3A_1719 = arith.shrui %mul3A_1709, %shift_right_logical3A_1718 : vector<16xi32>
    %add3A_1720 = arith.addi %mul3A_1712, %shift_right_logical3A_1719 : vector<16xi32>
    %shift_right_logical3A_1721 = arith.constant 16 : i32
    %shift_right_logical3A_1722 = vector.broadcast %shift_right_logical3A_1721 : i32 to vector<16xi32>
    %shift_right_logical3A_1723 = arith.shrui %add3A_1720, %shift_right_logical3A_1722 : vector<16xi32>
    %mul3A_1724 = arith.constant 31337 : i32
    %mul3A_1725 = vector.broadcast %mul3A_1724 : i32 to vector<16xi32>
    %mul3A_1726 = arith.muli %get3A_1706, %mul3A_1725 : vector<16xi32>
    %xor3A_1727 = arith.xori %add3A_1716, %mul3A_1726 : vector<16xi32>
    %xor3A_1728 = arith.xori %xor3A_1727, %get3A_1700 : vector<16xi32>
    %and3A_1729 = arith.constant 2047 : i32
    %and3A_1730 = vector.broadcast %and3A_1729 : i32 to vector<16xi32>
    %and3A_1731 = arith.andi %xor3A_1728, %and3A_1730 : vector<16xi32>
    %and3A_1732 = arith.constant 65535 : i32
    %and3A_1733 = vector.broadcast %and3A_1732 : i32 to vector<16xi32>
    %and3A_1734 = arith.andi %xor3A_1728, %and3A_1733 : vector<16xi32>
    %shift_right_logical3A_1735 = arith.constant 16 : i32
    %shift_right_logical3A_1736 = vector.broadcast %shift_right_logical3A_1735 : i32 to vector<16xi32>
    %shift_right_logical3A_1737 = arith.shrui %xor3A_1728, %shift_right_logical3A_1736 : vector<16xi32>
    %add3A_1738 = arith.addi %and3A_1734, %shift_right_logical3A_1737 : vector<16xi32>
    %and3A_1739 = arith.constant 65535 : i32
    %and3A_1740 = vector.broadcast %and3A_1739 : i32 to vector<16xi32>
    %and3A_1741 = arith.andi %add3A_1738, %and3A_1740 : vector<16xi32>
    %shift_right_logical3A_1742 = arith.constant 16 : i32
    %shift_right_logical3A_1743 = vector.broadcast %shift_right_logical3A_1742 : i32 to vector<16xi32>
    %shift_right_logical3A_1744 = arith.shrui %add3A_1738, %shift_right_logical3A_1743 : vector<16xi32>
    %add3A_1745 = arith.addi %and3A_1741, %shift_right_logical3A_1744 : vector<16xi32>
    %add3A_1746 = arith.addi %add3A_1745, %shift_right_logical3A_1723 : vector<16xi32>
    %mul3A_1747 = arith.constant 52429 : i32
    %mul3A_1748 = vector.broadcast %mul3A_1747 : i32 to vector<16xi32>
    %mul3A_1749 = arith.muli %add3A_1746, %mul3A_1748 : vector<16xi32>
    %shift_right_logical3A_1750 = arith.constant 18 : i32
    %shift_right_logical3A_1751 = vector.broadcast %shift_right_logical3A_1750 : i32 to vector<16xi32>
    %shift_right_logical3A_1752 = arith.shrui %mul3A_1749, %shift_right_logical3A_1751 : vector<16xi32>
    %mul3A_1753 = arith.constant 5 : i32
    %mul3A_1754 = vector.broadcast %mul3A_1753 : i32 to vector<16xi32>
    %mul3A_1755 = arith.muli %mul3A_1754, %shift_right_logical3A_1752 : vector<16xi32>
    %sub3A_1756 = arith.subi %add3A_1746, %mul3A_1755 : vector<16xi32>
    %mul3A_1757 = arith.constant 52429 : i32
    %mul3A_1758 = vector.broadcast %mul3A_1757 : i32 to vector<16xi32>
    %mul3A_1759 = arith.muli %and3A_1731, %mul3A_1758 : vector<16xi32>
    %shift_right_logical3A_1760 = arith.constant 18 : i32
    %shift_right_logical3A_1761 = vector.broadcast %shift_right_logical3A_1760 : i32 to vector<16xi32>
    %shift_right_logical3A_1762 = arith.shrui %mul3A_1759, %shift_right_logical3A_1761 : vector<16xi32>
    %mul3A_1763 = arith.constant 5 : i32
    %mul3A_1764 = vector.broadcast %mul3A_1763 : i32 to vector<16xi32>
    %mul3A_1765 = arith.muli %mul3A_1764, %shift_right_logical3A_1762 : vector<16xi32>
    %sub3A_1766 = arith.subi %and3A_1731, %mul3A_1765 : vector<16xi32>
    %add3A_1767 = arith.constant 5 : i32
    %add3A_1768 = vector.broadcast %add3A_1767 : i32 to vector<16xi32>
    %add3A_1769 = arith.addi %sub3A_1756, %add3A_1768 : vector<16xi32>
    %sub3A_1770 = arith.subi %add3A_1769, %sub3A_1766 : vector<16xi32>
    %mul3A_1771 = arith.constant 2 : i32
    %mul3A_1772 = vector.broadcast %mul3A_1771 : i32 to vector<16xi32>
    %mul3A_1773 = arith.muli %mul3A_1772, %sub3A_1770 : vector<16xi32>
    %mul3A_1774 = arith.constant 52429 : i32
    %mul3A_1775 = vector.broadcast %mul3A_1774 : i32 to vector<16xi32>
    %mul3A_1776 = arith.muli %mul3A_1773, %mul3A_1775 : vector<16xi32>
    %shift_right_logical3A_1777 = arith.constant 18 : i32
    %shift_right_logical3A_1778 = vector.broadcast %shift_right_logical3A_1777 : i32 to vector<16xi32>
    %shift_right_logical3A_1779 = arith.shrui %mul3A_1776, %shift_right_logical3A_1778 : vector<16xi32>
    %mul3A_1780 = arith.constant 5 : i32
    %mul3A_1781 = vector.broadcast %mul3A_1780 : i32 to vector<16xi32>
    %mul3A_1782 = arith.muli %mul3A_1781, %shift_right_logical3A_1779 : vector<16xi32>
    %sub3A_1783 = arith.subi %mul3A_1773, %mul3A_1782 : vector<16xi32>
    %mul3A_1784 = arith.constant 2048 : i32
    %mul3A_1785 = vector.broadcast %mul3A_1784 : i32 to vector<16xi32>
    %mul3A_1786 = arith.muli %mul3A_1785, %sub3A_1783 : vector<16xi32>
    %add3A_1787 = arith.addi %and3A_1731, %mul3A_1786 : vector<16xi32>
    %swap3A_1788 = arith.constant 288 : index
    %swap3A_1789 = tpu.vector_load %arg10[%swap3A_1788] {strides = array<i32>} : memref<512xi32, #tpu.memory_space<vmem>>, vector<16xi32>,
    %swap3A_1790 = vector.shape_cast %swap3A_1789 : vector<16xi32> to vector<16xi32>
    %swap3A_1791 = vector.shape_cast %add3A_1787 : vector<16xi32> to vector<16xi32>
    tpu.vector_store %arg10[%swap3A_1788], %swap3A_1791 {strides = array<i32>} : memref<512xi32, #tpu.memory_space<vmem>>, vector<16xi32>,
    %get3A_1792 = arith.constant 304 : index
    %get3A_1793 = tpu.vector_load %arg7[%get3A_1792] {strides = array<i32>} : memref<512xi32, #tpu.memory_space<vmem>>, vector<16xi32>,
    %get3A_1794 = vector.shape_cast %get3A_1793 : vector<16xi32> to vector<16xi32>
    %get3A_1795 = arith.constant 304 : index
    %get3A_1796 = tpu.vector_load %arg8[%get3A_1795] {strides = array<i32>} : memref<512xi32, #tpu.memory_space<vmem>>, vector<16xi32>,
    %get3A_1797 = vector.shape_cast %get3A_1796 : vector<16xi32> to vector<16xi32>
    %get3A_1798 = arith.constant 304 : index
    %get3A_1799 = tpu.vector_load %arg9[%get3A_1798] {strides = array<i32>} : memref<512xi32, #tpu.memory_space<vmem>>, vector<16xi32>,
    %get3A_1800 = vector.shape_cast %get3A_1799 : vector<16xi32> to vector<16xi32>
    %mul3A_1801 = arith.constant 52641 : i32
    %mul3A_1802 = vector.broadcast %mul3A_1801 : i32 to vector<16xi32>
    %mul3A_1803 = arith.muli %get3A_1797, %mul3A_1802 : vector<16xi32>
    %mul3A_1804 = arith.constant 2737 : i32
    %mul3A_1805 = vector.broadcast %mul3A_1804 : i32 to vector<16xi32>
    %mul3A_1806 = arith.muli %get3A_1797, %mul3A_1805 : vector<16xi32>
    %shift_left3A_1807 = arith.constant 16 : i32
    %shift_left3A_1808 = vector.broadcast %shift_left3A_1807 : i32 to vector<16xi32>
    %shift_left3A_1809 = arith.shli %mul3A_1806, %shift_left3A_1808 : vector<16xi32>
    %add3A_1810 = arith.addi %shift_left3A_1809, %mul3A_1803 : vector<16xi32>
    %shift_right_logical3A_1811 = arith.constant 16 : i32
    %shift_right_logical3A_1812 = vector.broadcast %shift_right_logical3A_1811 : i32 to vector<16xi32>
    %shift_right_logical3A_1813 = arith.shrui %mul3A_1803, %shift_right_logical3A_1812 : vector<16xi32>
    %add3A_1814 = arith.addi %mul3A_1806, %shift_right_logical3A_1813 : vector<16xi32>
    %shift_right_logical3A_1815 = arith.constant 16 : i32
    %shift_right_logical3A_1816 = vector.broadcast %shift_right_logical3A_1815 : i32 to vector<16xi32>
    %shift_right_logical3A_1817 = arith.shrui %add3A_1814, %shift_right_logical3A_1816 : vector<16xi32>
    %mul3A_1818 = arith.constant 31337 : i32
    %mul3A_1819 = vector.broadcast %mul3A_1818 : i32 to vector<16xi32>
    %mul3A_1820 = arith.muli %get3A_1800, %mul3A_1819 : vector<16xi32>
    %xor3A_1821 = arith.xori %add3A_1810, %mul3A_1820 : vector<16xi32>
    %xor3A_1822 = arith.xori %xor3A_1821, %get3A_1794 : vector<16xi32>
    %and3A_1823 = arith.constant 2047 : i32
    %and3A_1824 = vector.broadcast %and3A_1823 : i32 to vector<16xi32>
    %and3A_1825 = arith.andi %xor3A_1822, %and3A_1824 : vector<16xi32>
    %and3A_1826 = arith.constant 65535 : i32
    %and3A_1827 = vector.broadcast %and3A_1826 : i32 to vector<16xi32>
    %and3A_1828 = arith.andi %xor3A_1822, %and3A_1827 : vector<16xi32>
    %shift_right_logical3A_1829 = arith.constant 16 : i32
    %shift_right_logical3A_1830 = vector.broadcast %shift_right_logical3A_1829 : i32 to vector<16xi32>
    %shift_right_logical3A_1831 = arith.shrui %xor3A_1822, %shift_right_logical3A_1830 : vector<16xi32>
    %add3A_1832 = arith.addi %and3A_1828, %shift_right_logical3A_1831 : vector<16xi32>
    %and3A_1833 = arith.constant 65535 : i32
    %and3A_1834 = vector.broadcast %and3A_1833 : i32 to vector<16xi32>
    %and3A_1835 = arith.andi %add3A_1832, %and3A_1834 : vector<16xi32>
    %shift_right_logical3A_1836 = arith.constant 16 : i32
    %shift_right_logical3A_1837 = vector.broadcast %shift_right_logical3A_1836 : i32 to vector<16xi32>
    %shift_right_logical3A_1838 = arith.shrui %add3A_1832, %shift_right_logical3A_1837 : vector<16xi32>
    %add3A_1839 = arith.addi %and3A_1835, %shift_right_logical3A_1838 : vector<16xi32>
    %add3A_1840 = arith.addi %add3A_1839, %shift_right_logical3A_1817 : vector<16xi32>
    %mul3A_1841 = arith.constant 52429 : i32
    %mul3A_1842 = vector.broadcast %mul3A_1841 : i32 to vector<16xi32>
    %mul3A_1843 = arith.muli %add3A_1840, %mul3A_1842 : vector<16xi32>
    %shift_right_logical3A_1844 = arith.constant 18 : i32
    %shift_right_logical3A_1845 = vector.broadcast %shift_right_logical3A_1844 : i32 to vector<16xi32>
    %shift_right_logical3A_1846 = arith.shrui %mul3A_1843, %shift_right_logical3A_1845 : vector<16xi32>
    %mul3A_1847 = arith.constant 5 : i32
    %mul3A_1848 = vector.broadcast %mul3A_1847 : i32 to vector<16xi32>
    %mul3A_1849 = arith.muli %mul3A_1848, %shift_right_logical3A_1846 : vector<16xi32>
    %sub3A_1850 = arith.subi %add3A_1840, %mul3A_1849 : vector<16xi32>
    %mul3A_1851 = arith.constant 52429 : i32
    %mul3A_1852 = vector.broadcast %mul3A_1851 : i32 to vector<16xi32>
    %mul3A_1853 = arith.muli %and3A_1825, %mul3A_1852 : vector<16xi32>
    %shift_right_logical3A_1854 = arith.constant 18 : i32
    %shift_right_logical3A_1855 = vector.broadcast %shift_right_logical3A_1854 : i32 to vector<16xi32>
    %shift_right_logical3A_1856 = arith.shrui %mul3A_1853, %shift_right_logical3A_1855 : vector<16xi32>
    %mul3A_1857 = arith.constant 5 : i32
    %mul3A_1858 = vector.broadcast %mul3A_1857 : i32 to vector<16xi32>
    %mul3A_1859 = arith.muli %mul3A_1858, %shift_right_logical3A_1856 : vector<16xi32>
    %sub3A_1860 = arith.subi %and3A_1825, %mul3A_1859 : vector<16xi32>
    %add3A_1861 = arith.constant 5 : i32
    %add3A_1862 = vector.broadcast %add3A_1861 : i32 to vector<16xi32>
    %add3A_1863 = arith.addi %sub3A_1850, %add3A_1862 : vector<16xi32>
    %sub3A_1864 = arith.subi %add3A_1863, %sub3A_1860 : vector<16xi32>
    %mul3A_1865 = arith.constant 2 : i32
    %mul3A_1866 = vector.broadcast %mul3A_1865 : i32 to vector<16xi32>
    %mul3A_1867 = arith.muli %mul3A_1866, %sub3A_1864 : vector<16xi32>
    %mul3A_1868 = arith.constant 52429 : i32
    %mul3A_1869 = vector.broadcast %mul3A_1868 : i32 to vector<16xi32>
    %mul3A_1870 = arith.muli %mul3A_1867, %mul3A_1869 : vector<16xi32>
    %shift_right_logical3A_1871 = arith.constant 18 : i32
    %shift_right_logical3A_1872 = vector.broadcast %shift_right_logical3A_1871 : i32 to vector<16xi32>
    %shift_right_logical3A_1873 = arith.shrui %mul3A_1870, %shift_right_logical3A_1872 : vector<16xi32>
    %mul3A_1874 = arith.constant 5 : i32
    %mul3A_1875 = vector.broadcast %mul3A_1874 : i32 to vector<16xi32>
    %mul3A_1876 = arith.muli %mul3A_1875, %shift_right_logical3A_1873 : vector<16xi32>
    %sub3A_1877 = arith.subi %mul3A_1867, %mul3A_1876 : vector<16xi32>
    %mul3A_1878 = arith.constant 2048 : i32
    %mul3A_1879 = vector.broadcast %mul3A_1878 : i32 to vector<16xi32>
    %mul3A_1880 = arith.muli %mul3A_1879, %sub3A_1877 : vector<16xi32>
    %add3A_1881 = arith.addi %and3A_1825, %mul3A_1880 : vector<16xi32>
    %swap3A_1882 = arith.constant 304 : index
    %swap3A_1883 = tpu.vector_load %arg10[%swap3A_1882] {strides = array<i32>} : memref<512xi32, #tpu.memory_space<vmem>>, vector<16xi32>,
    %swap3A_1884 = vector.shape_cast %swap3A_1883 : vector<16xi32> to vector<16xi32>
    %swap3A_1885 = vector.shape_cast %add3A_1881 : vector<16xi32> to vector<16xi32>
    tpu.vector_store %arg10[%swap3A_1882], %swap3A_1885 {strides = array<i32>} : memref<512xi32, #tpu.memory_space<vmem>>, vector<16xi32>,
    %get3A_1886 = arith.constant 320 : index
    %get3A_1887 = tpu.vector_load %arg7[%get3A_1886] {strides = array<i32>} : memref<512xi32, #tpu.memory_space<vmem>>, vector<16xi32>,
    %get3A_1888 = vector.shape_cast %get3A_1887 : vector<16xi32> to vector<16xi32>
    %get3A_1889 = arith.constant 320 : index
    %get3A_1890 = tpu.vector_load %arg8[%get3A_1889] {strides = array<i32>} : memref<512xi32, #tpu.memory_space<vmem>>, vector<16xi32>,
    %get3A_1891 = vector.shape_cast %get3A_1890 : vector<16xi32> to vector<16xi32>
    %get3A_1892 = arith.constant 320 : index
    %get3A_1893 = tpu.vector_load %arg9[%get3A_1892] {strides = array<i32>} : memref<512xi32, #tpu.memory_space<vmem>>, vector<16xi32>,
    %get3A_1894 = vector.shape_cast %get3A_1893 : vector<16xi32> to vector<16xi32>
    %mul3A_1895 = arith.constant 52641 : i32
    %mul3A_1896 = vector.broadcast %mul3A_1895 : i32 to vector<16xi32>
    %mul3A_1897 = arith.muli %get3A_1891, %mul3A_1896 : vector<16xi32>
    %mul3A_1898 = arith.constant 2737 : i32
    %mul3A_1899 = vector.broadcast %mul3A_1898 : i32 to vector<16xi32>
    %mul3A_1900 = arith.muli %get3A_1891, %mul3A_1899 : vector<16xi32>
    %shift_left3A_1901 = arith.constant 16 : i32
    %shift_left3A_1902 = vector.broadcast %shift_left3A_1901 : i32 to vector<16xi32>
    %shift_left3A_1903 = arith.shli %mul3A_1900, %shift_left3A_1902 : vector<16xi32>
    %add3A_1904 = arith.addi %shift_left3A_1903, %mul3A_1897 : vector<16xi32>
    %shift_right_logical3A_1905 = arith.constant 16 : i32
    %shift_right_logical3A_1906 = vector.broadcast %shift_right_logical3A_1905 : i32 to vector<16xi32>
    %shift_right_logical3A_1907 = arith.shrui %mul3A_1897, %shift_right_logical3A_1906 : vector<16xi32>
    %add3A_1908 = arith.addi %mul3A_1900, %shift_right_logical3A_1907 : vector<16xi32>
    %shift_right_logical3A_1909 = arith.constant 16 : i32
    %shift_right_logical3A_1910 = vector.broadcast %shift_right_logical3A_1909 : i32 to vector<16xi32>
    %shift_right_logical3A_1911 = arith.shrui %add3A_1908, %shift_right_logical3A_1910 : vector<16xi32>
    %mul3A_1912 = arith.constant 31337 : i32
    %mul3A_1913 = vector.broadcast %mul3A_1912 : i32 to vector<16xi32>
    %mul3A_1914 = arith.muli %get3A_1894, %mul3A_1913 : vector<16xi32>
    %xor3A_1915 = arith.xori %add3A_1904, %mul3A_1914 : vector<16xi32>
    %xor3A_1916 = arith.xori %xor3A_1915, %get3A_1888 : vector<16xi32>
    %and3A_1917 = arith.constant 2047 : i32
    %and3A_1918 = vector.broadcast %and3A_1917 : i32 to vector<16xi32>
    %and3A_1919 = arith.andi %xor3A_1916, %and3A_1918 : vector<16xi32>
    %and3A_1920 = arith.constant 65535 : i32
    %and3A_1921 = vector.broadcast %and3A_1920 : i32 to vector<16xi32>
    %and3A_1922 = arith.andi %xor3A_1916, %and3A_1921 : vector<16xi32>
    %shift_right_logical3A_1923 = arith.constant 16 : i32
    %shift_right_logical3A_1924 = vector.broadcast %shift_right_logical3A_1923 : i32 to vector<16xi32>
    %shift_right_logical3A_1925 = arith.shrui %xor3A_1916, %shift_right_logical3A_1924 : vector<16xi32>
    %add3A_1926 = arith.addi %and3A_1922, %shift_right_logical3A_1925 : vector<16xi32>
    %and3A_1927 = arith.constant 65535 : i32
    %and3A_1928 = vector.broadcast %and3A_1927 : i32 to vector<16xi32>
    %and3A_1929 = arith.andi %add3A_1926, %and3A_1928 : vector<16xi32>
    %shift_right_logical3A_1930 = arith.constant 16 : i32
    %shift_right_logical3A_1931 = vector.broadcast %shift_right_logical3A_1930 : i32 to vector<16xi32>
    %shift_right_logical3A_1932 = arith.shrui %add3A_1926, %shift_right_logical3A_1931 : vector<16xi32>
    %add3A_1933 = arith.addi %and3A_1929, %shift_right_logical3A_1932 : vector<16xi32>
    %add3A_1934 = arith.addi %add3A_1933, %shift_right_logical3A_1911 : vector<16xi32>
    %mul3A_1935 = arith.constant 52429 : i32
    %mul3A_1936 = vector.broadcast %mul3A_1935 : i32 to vector<16xi32>
    %mul3A_1937 = arith.muli %add3A_1934, %mul3A_1936 : vector<16xi32>
    %shift_right_logical3A_1938 = arith.constant 18 : i32
    %shift_right_logical3A_1939 = vector.broadcast %shift_right_logical3A_1938 : i32 to vector<16xi32>
    %shift_right_logical3A_1940 = arith.shrui %mul3A_1937, %shift_right_logical3A_1939 : vector<16xi32>
    %mul3A_1941 = arith.constant 5 : i32
    %mul3A_1942 = vector.broadcast %mul3A_1941 : i32 to vector<16xi32>
    %mul3A_1943 = arith.muli %mul3A_1942, %shift_right_logical3A_1940 : vector<16xi32>
    %sub3A_1944 = arith.subi %add3A_1934, %mul3A_1943 : vector<16xi32>
    %mul3A_1945 = arith.constant 52429 : i32
    %mul3A_1946 = vector.broadcast %mul3A_1945 : i32 to vector<16xi32>
    %mul3A_1947 = arith.muli %and3A_1919, %mul3A_1946 : vector<16xi32>
    %shift_right_logical3A_1948 = arith.constant 18 : i32
    %shift_right_logical3A_1949 = vector.broadcast %shift_right_logical3A_1948 : i32 to vector<16xi32>
    %shift_right_logical3A_1950 = arith.shrui %mul3A_1947, %shift_right_logical3A_1949 : vector<16xi32>
    %mul3A_1951 = arith.constant 5 : i32
    %mul3A_1952 = vector.broadcast %mul3A_1951 : i32 to vector<16xi32>
    %mul3A_1953 = arith.muli %mul3A_1952, %shift_right_logical3A_1950 : vector<16xi32>
    %sub3A_1954 = arith.subi %and3A_1919, %mul3A_1953 : vector<16xi32>
    %add3A_1955 = arith.constant 5 : i32
    %add3A_1956 = vector.broadcast %add3A_1955 : i32 to vector<16xi32>
    %add3A_1957 = arith.addi %sub3A_1944, %add3A_1956 : vector<16xi32>
    %sub3A_1958 = arith.subi %add3A_1957, %sub3A_1954 : vector<16xi32>
    %mul3A_1959 = arith.constant 2 : i32
    %mul3A_1960 = vector.broadcast %mul3A_1959 : i32 to vector<16xi32>
    %mul3A_1961 = arith.muli %mul3A_1960, %sub3A_1958 : vector<16xi32>
    %mul3A_1962 = arith.constant 52429 : i32
    %mul3A_1963 = vector.broadcast %mul3A_1962 : i32 to vector<16xi32>
    %mul3A_1964 = arith.muli %mul3A_1961, %mul3A_1963 : vector<16xi32>
    %shift_right_logical3A_1965 = arith.constant 18 : i32
    %shift_right_logical3A_1966 = vector.broadcast %shift_right_logical3A_1965 : i32 to vector<16xi32>
    %shift_right_logical3A_1967 = arith.shrui %mul3A_1964, %shift_right_logical3A_1966 : vector<16xi32>
    %mul3A_1968 = arith.constant 5 : i32
    %mul3A_1969 = vector.broadcast %mul3A_1968 : i32 to vector<16xi32>
    %mul3A_1970 = arith.muli %mul3A_1969, %shift_right_logical3A_1967 : vector<16xi32>
    %sub3A_1971 = arith.subi %mul3A_1961, %mul3A_1970 : vector<16xi32>
    %mul3A_1972 = arith.constant 2048 : i32
    %mul3A_1973 = vector.broadcast %mul3A_1972 : i32 to vector<16xi32>
    %mul3A_1974 = arith.muli %mul3A_1973, %sub3A_1971 : vector<16xi32>
    %add3A_1975 = arith.addi %and3A_1919, %mul3A_1974 : vector<16xi32>
    %swap3A_1976 = arith.constant 320 : index
    %swap3A_1977 = tpu.vector_load %arg10[%swap3A_1976] {strides = array<i32>} : memref<512xi32, #tpu.memory_space<vmem>>, vector<16xi32>,
    %swap3A_1978 = vector.shape_cast %swap3A_1977 : vector<16xi32> to vector<16xi32>
    %swap3A_1979 = vector.shape_cast %add3A_1975 : vector<16xi32> to vector<16xi32>
    tpu.vector_store %arg10[%swap3A_1976], %swap3A_1979 {strides = array<i32>} : memref<512xi32, #tpu.memory_space<vmem>>, vector<16xi32>,
    %get3A_1980 = arith.constant 336 : index
    %get3A_1981 = tpu.vector_load %arg7[%get3A_1980] {strides = array<i32>} : memref<512xi32, #tpu.memory_space<vmem>>, vector<16xi32>,
    %get3A_1982 = vector.shape_cast %get3A_1981 : vector<16xi32> to vector<16xi32>
    %get3A_1983 = arith.constant 336 : index
    %get3A_1984 = tpu.vector_load %arg8[%get3A_1983] {strides = array<i32>} : memref<512xi32, #tpu.memory_space<vmem>>, vector<16xi32>,
    %get3A_1985 = vector.shape_cast %get3A_1984 : vector<16xi32> to vector<16xi32>
    %get3A_1986 = arith.constant 336 : index
    %get3A_1987 = tpu.vector_load %arg9[%get3A_1986] {strides = array<i32>} : memref<512xi32, #tpu.memory_space<vmem>>, vector<16xi32>,
    %get3A_1988 = vector.shape_cast %get3A_1987 : vector<16xi32> to vector<16xi32>
    %mul3A_1989 = arith.constant 52641 : i32
    %mul3A_1990 = vector.broadcast %mul3A_1989 : i32 to vector<16xi32>
    %mul3A_1991 = arith.muli %get3A_1985, %mul3A_1990 : vector<16xi32>
    %mul3A_1992 = arith.constant 2737 : i32
    %mul3A_1993 = vector.broadcast %mul3A_1992 : i32 to vector<16xi32>
    %mul3A_1994 = arith.muli %get3A_1985, %mul3A_1993 : vector<16xi32>
    %shift_left3A_1995 = arith.constant 16 : i32
    %shift_left3A_1996 = vector.broadcast %shift_left3A_1995 : i32 to vector<16xi32>
    %shift_left3A_1997 = arith.shli %mul3A_1994, %shift_left3A_1996 : vector<16xi32>
    %add3A_1998 = arith.addi %shift_left3A_1997, %mul3A_1991 : vector<16xi32>
    %shift_right_logical3A_1999 = arith.constant 16 : i32
    %shift_right_logical3A_2000 = vector.broadcast %shift_right_logical3A_1999 : i32 to vector<16xi32>
    %shift_right_logical3A_2001 = arith.shrui %mul3A_1991, %shift_right_logical3A_2000 : vector<16xi32>
    %add3A_2002 = arith.addi %mul3A_1994, %shift_right_logical3A_2001 : vector<16xi32>
    %shift_right_logical3A_2003 = arith.constant 16 : i32
    %shift_right_logical3A_2004 = vector.broadcast %shift_right_logical3A_2003 : i32 to vector<16xi32>
    %shift_right_logical3A_2005 = arith.shrui %add3A_2002, %shift_right_logical3A_2004 : vector<16xi32>
    %mul3A_2006 = arith.constant 31337 : i32
    %mul3A_2007 = vector.broadcast %mul3A_2006 : i32 to vector<16xi32>
    %mul3A_2008 = arith.muli %get3A_1988, %mul3A_2007 : vector<16xi32>
    %xor3A_2009 = arith.xori %add3A_1998, %mul3A_2008 : vector<16xi32>
    %xor3A_2010 = arith.xori %xor3A_2009, %get3A_1982 : vector<16xi32>
    %and3A_2011 = arith.constant 2047 : i32
    %and3A_2012 = vector.broadcast %and3A_2011 : i32 to vector<16xi32>
    %and3A_2013 = arith.andi %xor3A_2010, %and3A_2012 : vector<16xi32>
    %and3A_2014 = arith.constant 65535 : i32
    %and3A_2015 = vector.broadcast %and3A_2014 : i32 to vector<16xi32>
    %and3A_2016 = arith.andi %xor3A_2010, %and3A_2015 : vector<16xi32>
    %shift_right_logical3A_2017 = arith.constant 16 : i32
    %shift_right_logical3A_2018 = vector.broadcast %shift_right_logical3A_2017 : i32 to vector<16xi32>
    %shift_right_logical3A_2019 = arith.shrui %xor3A_2010, %shift_right_logical3A_2018 : vector<16xi32>
    %add3A_2020 = arith.addi %and3A_2016, %shift_right_logical3A_2019 : vector<16xi32>
    %and3A_2021 = arith.constant 65535 : i32
    %and3A_2022 = vector.broadcast %and3A_2021 : i32 to vector<16xi32>
    %and3A_2023 = arith.andi %add3A_2020, %and3A_2022 : vector<16xi32>
    %shift_right_logical3A_2024 = arith.constant 16 : i32
    %shift_right_logical3A_2025 = vector.broadcast %shift_right_logical3A_2024 : i32 to vector<16xi32>
    %shift_right_logical3A_2026 = arith.shrui %add3A_2020, %shift_right_logical3A_2025 : vector<16xi32>
    %add3A_2027 = arith.addi %and3A_2023, %shift_right_logical3A_2026 : vector<16xi32>
    %add3A_2028 = arith.addi %add3A_2027, %shift_right_logical3A_2005 : vector<16xi32>
    %mul3A_2029 = arith.constant 52429 : i32
    %mul3A_2030 = vector.broadcast %mul3A_2029 : i32 to vector<16xi32>
    %mul3A_2031 = arith.muli %add3A_2028, %mul3A_2030 : vector<16xi32>
    %shift_right_logical3A_2032 = arith.constant 18 : i32
    %shift_right_logical3A_2033 = vector.broadcast %shift_right_logical3A_2032 : i32 to vector<16xi32>
    %shift_right_logical3A_2034 = arith.shrui %mul3A_2031, %shift_right_logical3A_2033 : vector<16xi32>
    %mul3A_2035 = arith.constant 5 : i32
    %mul3A_2036 = vector.broadcast %mul3A_2035 : i32 to vector<16xi32>
    %mul3A_2037 = arith.muli %mul3A_2036, %shift_right_logical3A_2034 : vector<16xi32>
    %sub3A_2038 = arith.subi %add3A_2028, %mul3A_2037 : vector<16xi32>
    %mul3A_2039 = arith.constant 52429 : i32
    %mul3A_2040 = vector.broadcast %mul3A_2039 : i32 to vector<16xi32>
    %mul3A_2041 = arith.muli %and3A_2013, %mul3A_2040 : vector<16xi32>
    %shift_right_logical3A_2042 = arith.constant 18 : i32
    %shift_right_logical3A_2043 = vector.broadcast %shift_right_logical3A_2042 : i32 to vector<16xi32>
    %shift_right_logical3A_2044 = arith.shrui %mul3A_2041, %shift_right_logical3A_2043 : vector<16xi32>
    %mul3A_2045 = arith.constant 5 : i32
    %mul3A_2046 = vector.broadcast %mul3A_2045 : i32 to vector<16xi32>
    %mul3A_2047 = arith.muli %mul3A_2046, %shift_right_logical3A_2044 : vector<16xi32>
    %sub3A_2048 = arith.subi %and3A_2013, %mul3A_2047 : vector<16xi32>
    %add3A_2049 = arith.constant 5 : i32
    %add3A_2050 = vector.broadcast %add3A_2049 : i32 to vector<16xi32>
    %add3A_2051 = arith.addi %sub3A_2038, %add3A_2050 : vector<16xi32>
    %sub3A_2052 = arith.subi %add3A_2051, %sub3A_2048 : vector<16xi32>
    %mul3A_2053 = arith.constant 2 : i32
    %mul3A_2054 = vector.broadcast %mul3A_2053 : i32 to vector<16xi32>
    %mul3A_2055 = arith.muli %mul3A_2054, %sub3A_2052 : vector<16xi32>
    %mul3A_2056 = arith.constant 52429 : i32
    %mul3A_2057 = vector.broadcast %mul3A_2056 : i32 to vector<16xi32>
    %mul3A_2058 = arith.muli %mul3A_2055, %mul3A_2057 : vector<16xi32>
    %shift_right_logical3A_2059 = arith.constant 18 : i32
    %shift_right_logical3A_2060 = vector.broadcast %shift_right_logical3A_2059 : i32 to vector<16xi32>
    %shift_right_logical3A_2061 = arith.shrui %mul3A_2058, %shift_right_logical3A_2060 : vector<16xi32>
    %mul3A_2062 = arith.constant 5 : i32
    %mul3A_2063 = vector.broadcast %mul3A_2062 : i32 to vector<16xi32>
    %mul3A_2064 = arith.muli %mul3A_2063, %shift_right_logical3A_2061 : vector<16xi32>
    %sub3A_2065 = arith.subi %mul3A_2055, %mul3A_2064 : vector<16xi32>
    %mul3A_2066 = arith.constant 2048 : i32
    %mul3A_2067 = vector.broadcast %mul3A_2066 : i32 to vector<16xi32>
    %mul3A_2068 = arith.muli %mul3A_2067, %sub3A_2065 : vector<16xi32>
    %add3A_2069 = arith.addi %and3A_2013, %mul3A_2068 : vector<16xi32>
    %swap3A_2070 = arith.constant 336 : index
    %swap3A_2071 = tpu.vector_load %arg10[%swap3A_2070] {strides = array<i32>} : memref<512xi32, #tpu.memory_space<vmem>>, vector<16xi32>,
    %swap3A_2072 = vector.shape_cast %swap3A_2071 : vector<16xi32> to vector<16xi32>
    %swap3A_2073 = vector.shape_cast %add3A_2069 : vector<16xi32> to vector<16xi32>
    tpu.vector_store %arg10[%swap3A_2070], %swap3A_2073 {strides = array<i32>} : memref<512xi32, #tpu.memory_space<vmem>>, vector<16xi32>,
    %get3A_2074 = arith.constant 352 : index
    %get3A_2075 = tpu.vector_load %arg7[%get3A_2074] {strides = array<i32>} : memref<512xi32, #tpu.memory_space<vmem>>, vector<16xi32>,
    %get3A_2076 = vector.shape_cast %get3A_2075 : vector<16xi32> to vector<16xi32>
    %get3A_2077 = arith.constant 352 : index
    %get3A_2078 = tpu.vector_load %arg8[%get3A_2077] {strides = array<i32>} : memref<512xi32, #tpu.memory_space<vmem>>, vector<16xi32>,
    %get3A_2079 = vector.shape_cast %get3A_2078 : vector<16xi32> to vector<16xi32>
    %get3A_2080 = arith.constant 352 : index
    %get3A_2081 = tpu.vector_load %arg9[%get3A_2080] {strides = array<i32>} : memref<512xi32, #tpu.memory_space<vmem>>, vector<16xi32>,
    %get3A_2082 = vector.shape_cast %get3A_2081 : vector<16xi32> to vector<16xi32>
    %mul3A_2083 = arith.constant 52641 : i32
    %mul3A_2084 = vector.broadcast %mul3A_2083 : i32 to vector<16xi32>
    %mul3A_2085 = arith.muli %get3A_2079, %mul3A_2084 : vector<16xi32>
    %mul3A_2086 = arith.constant 2737 : i32
    %mul3A_2087 = vector.broadcast %mul3A_2086 : i32 to vector<16xi32>
    %mul3A_2088 = arith.muli %get3A_2079, %mul3A_2087 : vector<16xi32>
    %shift_left3A_2089 = arith.constant 16 : i32
    %shift_left3A_2090 = vector.broadcast %shift_left3A_2089 : i32 to vector<16xi32>
    %shift_left3A_2091 = arith.shli %mul3A_2088, %shift_left3A_2090 : vector<16xi32>
    %add3A_2092 = arith.addi %shift_left3A_2091, %mul3A_2085 : vector<16xi32>
    %shift_right_logical3A_2093 = arith.constant 16 : i32
    %shift_right_logical3A_2094 = vector.broadcast %shift_right_logical3A_2093 : i32 to vector<16xi32>
    %shift_right_logical3A_2095 = arith.shrui %mul3A_2085, %shift_right_logical3A_2094 : vector<16xi32>
    %add3A_2096 = arith.addi %mul3A_2088, %shift_right_logical3A_2095 : vector<16xi32>
    %shift_right_logical3A_2097 = arith.constant 16 : i32
    %shift_right_logical3A_2098 = vector.broadcast %shift_right_logical3A_2097 : i32 to vector<16xi32>
    %shift_right_logical3A_2099 = arith.shrui %add3A_2096, %shift_right_logical3A_2098 : vector<16xi32>
    %mul3A_2100 = arith.constant 31337 : i32
    %mul3A_2101 = vector.broadcast %mul3A_2100 : i32 to vector<16xi32>
    %mul3A_2102 = arith.muli %get3A_2082, %mul3A_2101 : vector<16xi32>
    %xor3A_2103 = arith.xori %add3A_2092, %mul3A_2102 : vector<16xi32>
    %xor3A_2104 = arith.xori %xor3A_2103, %get3A_2076 : vector<16xi32>
    %and3A_2105 = arith.constant 2047 : i32
    %and3A_2106 = vector.broadcast %and3A_2105 : i32 to vector<16xi32>
    %and3A_2107 = arith.andi %xor3A_2104, %and3A_2106 : vector<16xi32>
    %and3A_2108 = arith.constant 65535 : i32
    %and3A_2109 = vector.broadcast %and3A_2108 : i32 to vector<16xi32>
    %and3A_2110 = arith.andi %xor3A_2104, %and3A_2109 : vector<16xi32>
    %shift_right_logical3A_2111 = arith.constant 16 : i32
    %shift_right_logical3A_2112 = vector.broadcast %shift_right_logical3A_2111 : i32 to vector<16xi32>
    %shift_right_logical3A_2113 = arith.shrui %xor3A_2104, %shift_right_logical3A_2112 : vector<16xi32>
    %add3A_2114 = arith.addi %and3A_2110, %shift_right_logical3A_2113 : vector<16xi32>
    %and3A_2115 = arith.constant 65535 : i32
    %and3A_2116 = vector.broadcast %and3A_2115 : i32 to vector<16xi32>
    %and3A_2117 = arith.andi %add3A_2114, %and3A_2116 : vector<16xi32>
    %shift_right_logical3A_2118 = arith.constant 16 : i32
    %shift_right_logical3A_2119 = vector.broadcast %shift_right_logical3A_2118 : i32 to vector<16xi32>
    %shift_right_logical3A_2120 = arith.shrui %add3A_2114, %shift_right_logical3A_2119 : vector<16xi32>
    %add3A_2121 = arith.addi %and3A_2117, %shift_right_logical3A_2120 : vector<16xi32>
    %add3A_2122 = arith.addi %add3A_2121, %shift_right_logical3A_2099 : vector<16xi32>
    %mul3A_2123 = arith.constant 52429 : i32
    %mul3A_2124 = vector.broadcast %mul3A_2123 : i32 to vector<16xi32>
    %mul3A_2125 = arith.muli %add3A_2122, %mul3A_2124 : vector<16xi32>
    %shift_right_logical3A_2126 = arith.constant 18 : i32
    %shift_right_logical3A_2127 = vector.broadcast %shift_right_logical3A_2126 : i32 to vector<16xi32>
    %shift_right_logical3A_2128 = arith.shrui %mul3A_2125, %shift_right_logical3A_2127 : vector<16xi32>
    %mul3A_2129 = arith.constant 5 : i32
    %mul3A_2130 = vector.broadcast %mul3A_2129 : i32 to vector<16xi32>
    %mul3A_2131 = arith.muli %mul3A_2130, %shift_right_logical3A_2128 : vector<16xi32>
    %sub3A_2132 = arith.subi %add3A_2122, %mul3A_2131 : vector<16xi32>
    %mul3A_2133 = arith.constant 52429 : i32
    %mul3A_2134 = vector.broadcast %mul3A_2133 : i32 to vector<16xi32>
    %mul3A_2135 = arith.muli %and3A_2107, %mul3A_2134 : vector<16xi32>
    %shift_right_logical3A_2136 = arith.constant 18 : i32
    %shift_right_logical3A_2137 = vector.broadcast %shift_right_logical3A_2136 : i32 to vector<16xi32>
    %shift_right_logical3A_2138 = arith.shrui %mul3A_2135, %shift_right_logical3A_2137 : vector<16xi32>
    %mul3A_2139 = arith.constant 5 : i32
    %mul3A_2140 = vector.broadcast %mul3A_2139 : i32 to vector<16xi32>
    %mul3A_2141 = arith.muli %mul3A_2140, %shift_right_logical3A_2138 : vector<16xi32>
    %sub3A_2142 = arith.subi %and3A_2107, %mul3A_2141 : vector<16xi32>
    %add3A_2143 = arith.constant 5 : i32
    %add3A_2144 = vector.broadcast %add3A_2143 : i32 to vector<16xi32>
    %add3A_2145 = arith.addi %sub3A_2132, %add3A_2144 : vector<16xi32>
    %sub3A_2146 = arith.subi %add3A_2145, %sub3A_2142 : vector<16xi32>
    %mul3A_2147 = arith.constant 2 : i32
    %mul3A_2148 = vector.broadcast %mul3A_2147 : i32 to vector<16xi32>
    %mul3A_2149 = arith.muli %mul3A_2148, %sub3A_2146 : vector<16xi32>
    %mul3A_2150 = arith.constant 52429 : i32
    %mul3A_2151 = vector.broadcast %mul3A_2150 : i32 to vector<16xi32>
    %mul3A_2152 = arith.muli %mul3A_2149, %mul3A_2151 : vector<16xi32>
    %shift_right_logical3A_2153 = arith.constant 18 : i32
    %shift_right_logical3A_2154 = vector.broadcast %shift_right_logical3A_2153 : i32 to vector<16xi32>
    %shift_right_logical3A_2155 = arith.shrui %mul3A_2152, %shift_right_logical3A_2154 : vector<16xi32>
    %mul3A_2156 = arith.constant 5 : i32
    %mul3A_2157 = vector.broadcast %mul3A_2156 : i32 to vector<16xi32>
    %mul3A_2158 = arith.muli %mul3A_2157, %shift_right_logical3A_2155 : vector<16xi32>
    %sub3A_2159 = arith.subi %mul3A_2149, %mul3A_2158 : vector<16xi32>
    %mul3A_2160 = arith.constant 2048 : i32
    %mul3A_2161 = vector.broadcast %mul3A_2160 : i32 to vector<16xi32>
    %mul3A_2162 = arith.muli %mul3A_2161, %sub3A_2159 : vector<16xi32>
    %add3A_2163 = arith.addi %and3A_2107, %mul3A_2162 : vector<16xi32>
    %swap3A_2164 = arith.constant 352 : index
    %swap3A_2165 = tpu.vector_load %arg10[%swap3A_2164] {strides = array<i32>} : memref<512xi32, #tpu.memory_space<vmem>>, vector<16xi32>,
    %swap3A_2166 = vector.shape_cast %swap3A_2165 : vector<16xi32> to vector<16xi32>
    %swap3A_2167 = vector.shape_cast %add3A_2163 : vector<16xi32> to vector<16xi32>
    tpu.vector_store %arg10[%swap3A_2164], %swap3A_2167 {strides = array<i32>} : memref<512xi32, #tpu.memory_space<vmem>>, vector<16xi32>,
    %get3A_2168 = arith.constant 368 : index
    %get3A_2169 = tpu.vector_load %arg7[%get3A_2168] {strides = array<i32>} : memref<512xi32, #tpu.memory_space<vmem>>, vector<16xi32>,
    %get3A_2170 = vector.shape_cast %get3A_2169 : vector<16xi32> to vector<16xi32>
    %get3A_2171 = arith.constant 368 : index
    %get3A_2172 = tpu.vector_load %arg8[%get3A_2171] {strides = array<i32>} : memref<512xi32, #tpu.memory_space<vmem>>, vector<16xi32>,
    %get3A_2173 = vector.shape_cast %get3A_2172 : vector<16xi32> to vector<16xi32>
    %get3A_2174 = arith.constant 368 : index
    %get3A_2175 = tpu.vector_load %arg9[%get3A_2174] {strides = array<i32>} : memref<512xi32, #tpu.memory_space<vmem>>, vector<16xi32>,
    %get3A_2176 = vector.shape_cast %get3A_2175 : vector<16xi32> to vector<16xi32>
    %mul3A_2177 = arith.constant 52641 : i32
    %mul3A_2178 = vector.broadcast %mul3A_2177 : i32 to vector<16xi32>
    %mul3A_2179 = arith.muli %get3A_2173, %mul3A_2178 : vector<16xi32>
    %mul3A_2180 = arith.constant 2737 : i32
    %mul3A_2181 = vector.broadcast %mul3A_2180 : i32 to vector<16xi32>
    %mul3A_2182 = arith.muli %get3A_2173, %mul3A_2181 : vector<16xi32>
    %shift_left3A_2183 = arith.constant 16 : i32
    %shift_left3A_2184 = vector.broadcast %shift_left3A_2183 : i32 to vector<16xi32>
    %shift_left3A_2185 = arith.shli %mul3A_2182, %shift_left3A_2184 : vector<16xi32>
    %add3A_2186 = arith.addi %shift_left3A_2185, %mul3A_2179 : vector<16xi32>
    %shift_right_logical3A_2187 = arith.constant 16 : i32
    %shift_right_logical3A_2188 = vector.broadcast %shift_right_logical3A_2187 : i32 to vector<16xi32>
    %shift_right_logical3A_2189 = arith.shrui %mul3A_2179, %shift_right_logical3A_2188 : vector<16xi32>
    %add3A_2190 = arith.addi %mul3A_2182, %shift_right_logical3A_2189 : vector<16xi32>
    %shift_right_logical3A_2191 = arith.constant 16 : i32
    %shift_right_logical3A_2192 = vector.broadcast %shift_right_logical3A_2191 : i32 to vector<16xi32>
    %shift_right_logical3A_2193 = arith.shrui %add3A_2190, %shift_right_logical3A_2192 : vector<16xi32>
    %mul3A_2194 = arith.constant 31337 : i32
    %mul3A_2195 = vector.broadcast %mul3A_2194 : i32 to vector<16xi32>
    %mul3A_2196 = arith.muli %get3A_2176, %mul3A_2195 : vector<16xi32>
    %xor3A_2197 = arith.xori %add3A_2186, %mul3A_2196 : vector<16xi32>
    %xor3A_2198 = arith.xori %xor3A_2197, %get3A_2170 : vector<16xi32>
    %and3A_2199 = arith.constant 2047 : i32
    %and3A_2200 = vector.broadcast %and3A_2199 : i32 to vector<16xi32>
    %and3A_2201 = arith.andi %xor3A_2198, %and3A_2200 : vector<16xi32>
    %and3A_2202 = arith.constant 65535 : i32
    %and3A_2203 = vector.broadcast %and3A_2202 : i32 to vector<16xi32>
    %and3A_2204 = arith.andi %xor3A_2198, %and3A_2203 : vector<16xi32>
    %shift_right_logical3A_2205 = arith.constant 16 : i32
    %shift_right_logical3A_2206 = vector.broadcast %shift_right_logical3A_2205 : i32 to vector<16xi32>
    %shift_right_logical3A_2207 = arith.shrui %xor3A_2198, %shift_right_logical3A_2206 : vector<16xi32>
    %add3A_2208 = arith.addi %and3A_2204, %shift_right_logical3A_2207 : vector<16xi32>
    %and3A_2209 = arith.constant 65535 : i32
    %and3A_2210 = vector.broadcast %and3A_2209 : i32 to vector<16xi32>
    %and3A_2211 = arith.andi %add3A_2208, %and3A_2210 : vector<16xi32>
    %shift_right_logical3A_2212 = arith.constant 16 : i32
    %shift_right_logical3A_2213 = vector.broadcast %shift_right_logical3A_2212 : i32 to vector<16xi32>
    %shift_right_logical3A_2214 = arith.shrui %add3A_2208, %shift_right_logical3A_2213 : vector<16xi32>
    %add3A_2215 = arith.addi %and3A_2211, %shift_right_logical3A_2214 : vector<16xi32>
    %add3A_2216 = arith.addi %add3A_2215, %shift_right_logical3A_2193 : vector<16xi32>
    %mul3A_2217 = arith.constant 52429 : i32
    %mul3A_2218 = vector.broadcast %mul3A_2217 : i32 to vector<16xi32>
    %mul3A_2219 = arith.muli %add3A_2216, %mul3A_2218 : vector<16xi32>
    %shift_right_logical3A_2220 = arith.constant 18 : i32
    %shift_right_logical3A_2221 = vector.broadcast %shift_right_logical3A_2220 : i32 to vector<16xi32>
    %shift_right_logical3A_2222 = arith.shrui %mul3A_2219, %shift_right_logical3A_2221 : vector<16xi32>
    %mul3A_2223 = arith.constant 5 : i32
    %mul3A_2224 = vector.broadcast %mul3A_2223 : i32 to vector<16xi32>
    %mul3A_2225 = arith.muli %mul3A_2224, %shift_right_logical3A_2222 : vector<16xi32>
    %sub3A_2226 = arith.subi %add3A_2216, %mul3A_2225 : vector<16xi32>
    %mul3A_2227 = arith.constant 52429 : i32
    %mul3A_2228 = vector.broadcast %mul3A_2227 : i32 to vector<16xi32>
    %mul3A_2229 = arith.muli %and3A_2201, %mul3A_2228 : vector<16xi32>
    %shift_right_logical3A_2230 = arith.constant 18 : i32
    %shift_right_logical3A_2231 = vector.broadcast %shift_right_logical3A_2230 : i32 to vector<16xi32>
    %shift_right_logical3A_2232 = arith.shrui %mul3A_2229, %shift_right_logical3A_2231 : vector<16xi32>
    %mul3A_2233 = arith.constant 5 : i32
    %mul3A_2234 = vector.broadcast %mul3A_2233 : i32 to vector<16xi32>
    %mul3A_2235 = arith.muli %mul3A_2234, %shift_right_logical3A_2232 : vector<16xi32>
    %sub3A_2236 = arith.subi %and3A_2201, %mul3A_2235 : vector<16xi32>
    %add3A_2237 = arith.constant 5 : i32
    %add3A_2238 = vector.broadcast %add3A_2237 : i32 to vector<16xi32>
    %add3A_2239 = arith.addi %sub3A_2226, %add3A_2238 : vector<16xi32>
    %sub3A_2240 = arith.subi %add3A_2239, %sub3A_2236 : vector<16xi32>
    %mul3A_2241 = arith.constant 2 : i32
    %mul3A_2242 = vector.broadcast %mul3A_2241 : i32 to vector<16xi32>
    %mul3A_2243 = arith.muli %mul3A_2242, %sub3A_2240 : vector<16xi32>
    %mul3A_2244 = arith.constant 52429 : i32
    %mul3A_2245 = vector.broadcast %mul3A_2244 : i32 to vector<16xi32>
    %mul3A_2246 = arith.muli %mul3A_2243, %mul3A_2245 : vector<16xi32>
    %shift_right_logical3A_2247 = arith.constant 18 : i32
    %shift_right_logical3A_2248 = vector.broadcast %shift_right_logical3A_2247 : i32 to vector<16xi32>
    %shift_right_logical3A_2249 = arith.shrui %mul3A_2246, %shift_right_logical3A_2248 : vector<16xi32>
    %mul3A_2250 = arith.constant 5 : i32
    %mul3A_2251 = vector.broadcast %mul3A_2250 : i32 to vector<16xi32>
    %mul3A_2252 = arith.muli %mul3A_2251, %shift_right_logical3A_2249 : vector<16xi32>
    %sub3A_2253 = arith.subi %mul3A_2243, %mul3A_2252 : vector<16xi32>
    %mul3A_2254 = arith.constant 2048 : i32
    %mul3A_2255 = vector.broadcast %mul3A_2254 : i32 to vector<16xi32>
    %mul3A_2256 = arith.muli %mul3A_2255, %sub3A_2253 : vector<16xi32>
    %add3A_2257 = arith.addi %and3A_2201, %mul3A_2256 : vector<16xi32>
    %swap3A_2258 = arith.constant 368 : index
    %swap3A_2259 = tpu.vector_load %arg10[%swap3A_2258] {strides = array<i32>} : memref<512xi32, #tpu.memory_space<vmem>>, vector<16xi32>,
    %swap3A_2260 = vector.shape_cast %swap3A_2259 : vector<16xi32> to vector<16xi32>
    %swap3A_2261 = vector.shape_cast %add3A_2257 : vector<16xi32> to vector<16xi32>
    tpu.vector_store %arg10[%swap3A_2258], %swap3A_2261 {strides = array<i32>} : memref<512xi32, #tpu.memory_space<vmem>>, vector<16xi32>,
    %get3A_2262 = arith.constant 384 : index
    %get3A_2263 = tpu.vector_load %arg7[%get3A_2262] {strides = array<i32>} : memref<512xi32, #tpu.memory_space<vmem>>, vector<16xi32>,
    %get3A_2264 = vector.shape_cast %get3A_2263 : vector<16xi32> to vector<16xi32>
    %get3A_2265 = arith.constant 384 : index
    %get3A_2266 = tpu.vector_load %arg8[%get3A_2265] {strides = array<i32>} : memref<512xi32, #tpu.memory_space<vmem>>, vector<16xi32>,
    %get3A_2267 = vector.shape_cast %get3A_2266 : vector<16xi32> to vector<16xi32>
    %get3A_2268 = arith.constant 384 : index
    %get3A_2269 = tpu.vector_load %arg9[%get3A_2268] {strides = array<i32>} : memref<512xi32, #tpu.memory_space<vmem>>, vector<16xi32>,
    %get3A_2270 = vector.shape_cast %get3A_2269 : vector<16xi32> to vector<16xi32>
    %mul3A_2271 = arith.constant 52641 : i32
    %mul3A_2272 = vector.broadcast %mul3A_2271 : i32 to vector<16xi32>
    %mul3A_2273 = arith.muli %get3A_2267, %mul3A_2272 : vector<16xi32>
    %mul3A_2274 = arith.constant 2737 : i32
    %mul3A_2275 = vector.broadcast %mul3A_2274 : i32 to vector<16xi32>
    %mul3A_2276 = arith.muli %get3A_2267, %mul3A_2275 : vector<16xi32>
    %shift_left3A_2277 = arith.constant 16 : i32
    %shift_left3A_2278 = vector.broadcast %shift_left3A_2277 : i32 to vector<16xi32>
    %shift_left3A_2279 = arith.shli %mul3A_2276, %shift_left3A_2278 : vector<16xi32>
    %add3A_2280 = arith.addi %shift_left3A_2279, %mul3A_2273 : vector<16xi32>
    %shift_right_logical3A_2281 = arith.constant 16 : i32
    %shift_right_logical3A_2282 = vector.broadcast %shift_right_logical3A_2281 : i32 to vector<16xi32>
    %shift_right_logical3A_2283 = arith.shrui %mul3A_2273, %shift_right_logical3A_2282 : vector<16xi32>
    %add3A_2284 = arith.addi %mul3A_2276, %shift_right_logical3A_2283 : vector<16xi32>
    %shift_right_logical3A_2285 = arith.constant 16 : i32
    %shift_right_logical3A_2286 = vector.broadcast %shift_right_logical3A_2285 : i32 to vector<16xi32>
    %shift_right_logical3A_2287 = arith.shrui %add3A_2284, %shift_right_logical3A_2286 : vector<16xi32>
    %mul3A_2288 = arith.constant 31337 : i32
    %mul3A_2289 = vector.broadcast %mul3A_2288 : i32 to vector<16xi32>
    %mul3A_2290 = arith.muli %get3A_2270, %mul3A_2289 : vector<16xi32>
    %xor3A_2291 = arith.xori %add3A_2280, %mul3A_2290 : vector<16xi32>
    %xor3A_2292 = arith.xori %xor3A_2291, %get3A_2264 : vector<16xi32>
    %and3A_2293 = arith.constant 2047 : i32
    %and3A_2294 = vector.broadcast %and3A_2293 : i32 to vector<16xi32>
    %and3A_2295 = arith.andi %xor3A_2292, %and3A_2294 : vector<16xi32>
    %and3A_2296 = arith.constant 65535 : i32
    %and3A_2297 = vector.broadcast %and3A_2296 : i32 to vector<16xi32>
    %and3A_2298 = arith.andi %xor3A_2292, %and3A_2297 : vector<16xi32>
    %shift_right_logical3A_2299 = arith.constant 16 : i32
    %shift_right_logical3A_2300 = vector.broadcast %shift_right_logical3A_2299 : i32 to vector<16xi32>
    %shift_right_logical3A_2301 = arith.shrui %xor3A_2292, %shift_right_logical3A_2300 : vector<16xi32>
    %add3A_2302 = arith.addi %and3A_2298, %shift_right_logical3A_2301 : vector<16xi32>
    %and3A_2303 = arith.constant 65535 : i32
    %and3A_2304 = vector.broadcast %and3A_2303 : i32 to vector<16xi32>
    %and3A_2305 = arith.andi %add3A_2302, %and3A_2304 : vector<16xi32>
    %shift_right_logical3A_2306 = arith.constant 16 : i32
    %shift_right_logical3A_2307 = vector.broadcast %shift_right_logical3A_2306 : i32 to vector<16xi32>
    %shift_right_logical3A_2308 = arith.shrui %add3A_2302, %shift_right_logical3A_2307 : vector<16xi32>
    %add3A_2309 = arith.addi %and3A_2305, %shift_right_logical3A_2308 : vector<16xi32>
    %add3A_2310 = arith.addi %add3A_2309, %shift_right_logical3A_2287 : vector<16xi32>
    %mul3A_2311 = arith.constant 52429 : i32
    %mul3A_2312 = vector.broadcast %mul3A_2311 : i32 to vector<16xi32>
    %mul3A_2313 = arith.muli %add3A_2310, %mul3A_2312 : vector<16xi32>
    %shift_right_logical3A_2314 = arith.constant 18 : i32
    %shift_right_logical3A_2315 = vector.broadcast %shift_right_logical3A_2314 : i32 to vector<16xi32>
    %shift_right_logical3A_2316 = arith.shrui %mul3A_2313, %shift_right_logical3A_2315 : vector<16xi32>
    %mul3A_2317 = arith.constant 5 : i32
    %mul3A_2318 = vector.broadcast %mul3A_2317 : i32 to vector<16xi32>
    %mul3A_2319 = arith.muli %mul3A_2318, %shift_right_logical3A_2316 : vector<16xi32>
    %sub3A_2320 = arith.subi %add3A_2310, %mul3A_2319 : vector<16xi32>
    %mul3A_2321 = arith.constant 52429 : i32
    %mul3A_2322 = vector.broadcast %mul3A_2321 : i32 to vector<16xi32>
    %mul3A_2323 = arith.muli %and3A_2295, %mul3A_2322 : vector<16xi32>
    %shift_right_logical3A_2324 = arith.constant 18 : i32
    %shift_right_logical3A_2325 = vector.broadcast %shift_right_logical3A_2324 : i32 to vector<16xi32>
    %shift_right_logical3A_2326 = arith.shrui %mul3A_2323, %shift_right_logical3A_2325 : vector<16xi32>
    %mul3A_2327 = arith.constant 5 : i32
    %mul3A_2328 = vector.broadcast %mul3A_2327 : i32 to vector<16xi32>
    %mul3A_2329 = arith.muli %mul3A_2328, %shift_right_logical3A_2326 : vector<16xi32>
    %sub3A_2330 = arith.subi %and3A_2295, %mul3A_2329 : vector<16xi32>
    %add3A_2331 = arith.constant 5 : i32
    %add3A_2332 = vector.broadcast %add3A_2331 : i32 to vector<16xi32>
    %add3A_2333 = arith.addi %sub3A_2320, %add3A_2332 : vector<16xi32>
    %sub3A_2334 = arith.subi %add3A_2333, %sub3A_2330 : vector<16xi32>
    %mul3A_2335 = arith.constant 2 : i32
    %mul3A_2336 = vector.broadcast %mul3A_2335 : i32 to vector<16xi32>
    %mul3A_2337 = arith.muli %mul3A_2336, %sub3A_2334 : vector<16xi32>
    %mul3A_2338 = arith.constant 52429 : i32
    %mul3A_2339 = vector.broadcast %mul3A_2338 : i32 to vector<16xi32>
    %mul3A_2340 = arith.muli %mul3A_2337, %mul3A_2339 : vector<16xi32>
    %shift_right_logical3A_2341 = arith.constant 18 : i32
    %shift_right_logical3A_2342 = vector.broadcast %shift_right_logical3A_2341 : i32 to vector<16xi32>
    %shift_right_logical3A_2343 = arith.shrui %mul3A_2340, %shift_right_logical3A_2342 : vector<16xi32>
    %mul3A_2344 = arith.constant 5 : i32
    %mul3A_2345 = vector.broadcast %mul3A_2344 : i32 to vector<16xi32>
    %mul3A_2346 = arith.muli %mul3A_2345, %shift_right_logical3A_2343 : vector<16xi32>
    %sub3A_2347 = arith.subi %mul3A_2337, %mul3A_2346 : vector<16xi32>
    %mul3A_2348 = arith.constant 2048 : i32
    %mul3A_2349 = vector.broadcast %mul3A_2348 : i32 to vector<16xi32>
    %mul3A_2350 = arith.muli %mul3A_2349, %sub3A_2347 : vector<16xi32>
    %add3A_2351 = arith.addi %and3A_2295, %mul3A_2350 : vector<16xi32>
    %swap3A_2352 = arith.constant 384 : index
    %swap3A_2353 = tpu.vector_load %arg10[%swap3A_2352] {strides = array<i32>} : memref<512xi32, #tpu.memory_space<vmem>>, vector<16xi32>,
    %swap3A_2354 = vector.shape_cast %swap3A_2353 : vector<16xi32> to vector<16xi32>
    %swap3A_2355 = vector.shape_cast %add3A_2351 : vector<16xi32> to vector<16xi32>
    tpu.vector_store %arg10[%swap3A_2352], %swap3A_2355 {strides = array<i32>} : memref<512xi32, #tpu.memory_space<vmem>>, vector<16xi32>,
    %get3A_2356 = arith.constant 400 : index
    %get3A_2357 = tpu.vector_load %arg7[%get3A_2356] {strides = array<i32>} : memref<512xi32, #tpu.memory_space<vmem>>, vector<16xi32>,
    %get3A_2358 = vector.shape_cast %get3A_2357 : vector<16xi32> to vector<16xi32>
    %get3A_2359 = arith.constant 400 : index
    %get3A_2360 = tpu.vector_load %arg8[%get3A_2359] {strides = array<i32>} : memref<512xi32, #tpu.memory_space<vmem>>, vector<16xi32>,
    %get3A_2361 = vector.shape_cast %get3A_2360 : vector<16xi32> to vector<16xi32>
    %get3A_2362 = arith.constant 400 : index
    %get3A_2363 = tpu.vector_load %arg9[%get3A_2362] {strides = array<i32>} : memref<512xi32, #tpu.memory_space<vmem>>, vector<16xi32>,
    %get3A_2364 = vector.shape_cast %get3A_2363 : vector<16xi32> to vector<16xi32>
    %mul3A_2365 = arith.constant 52641 : i32
    %mul3A_2366 = vector.broadcast %mul3A_2365 : i32 to vector<16xi32>
    %mul3A_2367 = arith.muli %get3A_2361, %mul3A_2366 : vector<16xi32>
    %mul3A_2368 = arith.constant 2737 : i32
    %mul3A_2369 = vector.broadcast %mul3A_2368 : i32 to vector<16xi32>
    %mul3A_2370 = arith.muli %get3A_2361, %mul3A_2369 : vector<16xi32>
    %shift_left3A_2371 = arith.constant 16 : i32
    %shift_left3A_2372 = vector.broadcast %shift_left3A_2371 : i32 to vector<16xi32>
    %shift_left3A_2373 = arith.shli %mul3A_2370, %shift_left3A_2372 : vector<16xi32>
    %add3A_2374 = arith.addi %shift_left3A_2373, %mul3A_2367 : vector<16xi32>
    %shift_right_logical3A_2375 = arith.constant 16 : i32
    %shift_right_logical3A_2376 = vector.broadcast %shift_right_logical3A_2375 : i32 to vector<16xi32>
    %shift_right_logical3A_2377 = arith.shrui %mul3A_2367, %shift_right_logical3A_2376 : vector<16xi32>
    %add3A_2378 = arith.addi %mul3A_2370, %shift_right_logical3A_2377 : vector<16xi32>
    %shift_right_logical3A_2379 = arith.constant 16 : i32
    %shift_right_logical3A_2380 = vector.broadcast %shift_right_logical3A_2379 : i32 to vector<16xi32>
    %shift_right_logical3A_2381 = arith.shrui %add3A_2378, %shift_right_logical3A_2380 : vector<16xi32>
    %mul3A_2382 = arith.constant 31337 : i32
    %mul3A_2383 = vector.broadcast %mul3A_2382 : i32 to vector<16xi32>
    %mul3A_2384 = arith.muli %get3A_2364, %mul3A_2383 : vector<16xi32>
    %xor3A_2385 = arith.xori %add3A_2374, %mul3A_2384 : vector<16xi32>
    %xor3A_2386 = arith.xori %xor3A_2385, %get3A_2358 : vector<16xi32>
    %and3A_2387 = arith.constant 2047 : i32
    %and3A_2388 = vector.broadcast %and3A_2387 : i32 to vector<16xi32>
    %and3A_2389 = arith.andi %xor3A_2386, %and3A_2388 : vector<16xi32>
    %and3A_2390 = arith.constant 65535 : i32
    %and3A_2391 = vector.broadcast %and3A_2390 : i32 to vector<16xi32>
    %and3A_2392 = arith.andi %xor3A_2386, %and3A_2391 : vector<16xi32>
    %shift_right_logical3A_2393 = arith.constant 16 : i32
    %shift_right_logical3A_2394 = vector.broadcast %shift_right_logical3A_2393 : i32 to vector<16xi32>
    %shift_right_logical3A_2395 = arith.shrui %xor3A_2386, %shift_right_logical3A_2394 : vector<16xi32>
    %add3A_2396 = arith.addi %and3A_2392, %shift_right_logical3A_2395 : vector<16xi32>
    %and3A_2397 = arith.constant 65535 : i32
    %and3A_2398 = vector.broadcast %and3A_2397 : i32 to vector<16xi32>
    %and3A_2399 = arith.andi %add3A_2396, %and3A_2398 : vector<16xi32>
    %shift_right_logical3A_2400 = arith.constant 16 : i32
    %shift_right_logical3A_2401 = vector.broadcast %shift_right_logical3A_2400 : i32 to vector<16xi32>
    %shift_right_logical3A_2402 = arith.shrui %add3A_2396, %shift_right_logical3A_2401 : vector<16xi32>
    %add3A_2403 = arith.addi %and3A_2399, %shift_right_logical3A_2402 : vector<16xi32>
    %add3A_2404 = arith.addi %add3A_2403, %shift_right_logical3A_2381 : vector<16xi32>
    %mul3A_2405 = arith.constant 52429 : i32
    %mul3A_2406 = vector.broadcast %mul3A_2405 : i32 to vector<16xi32>
    %mul3A_2407 = arith.muli %add3A_2404, %mul3A_2406 : vector<16xi32>
    %shift_right_logical3A_2408 = arith.constant 18 : i32
    %shift_right_logical3A_2409 = vector.broadcast %shift_right_logical3A_2408 : i32 to vector<16xi32>
    %shift_right_logical3A_2410 = arith.shrui %mul3A_2407, %shift_right_logical3A_2409 : vector<16xi32>
    %mul3A_2411 = arith.constant 5 : i32
    %mul3A_2412 = vector.broadcast %mul3A_2411 : i32 to vector<16xi32>
    %mul3A_2413 = arith.muli %mul3A_2412, %shift_right_logical3A_2410 : vector<16xi32>
    %sub3A_2414 = arith.subi %add3A_2404, %mul3A_2413 : vector<16xi32>
    %mul3A_2415 = arith.constant 52429 : i32
    %mul3A_2416 = vector.broadcast %mul3A_2415 : i32 to vector<16xi32>
    %mul3A_2417 = arith.muli %and3A_2389, %mul3A_2416 : vector<16xi32>
    %shift_right_logical3A_2418 = arith.constant 18 : i32
    %shift_right_logical3A_2419 = vector.broadcast %shift_right_logical3A_2418 : i32 to vector<16xi32>
    %shift_right_logical3A_2420 = arith.shrui %mul3A_2417, %shift_right_logical3A_2419 : vector<16xi32>
    %mul3A_2421 = arith.constant 5 : i32
    %mul3A_2422 = vector.broadcast %mul3A_2421 : i32 to vector<16xi32>
    %mul3A_2423 = arith.muli %mul3A_2422, %shift_right_logical3A_2420 : vector<16xi32>
    %sub3A_2424 = arith.subi %and3A_2389, %mul3A_2423 : vector<16xi32>
    %add3A_2425 = arith.constant 5 : i32
    %add3A_2426 = vector.broadcast %add3A_2425 : i32 to vector<16xi32>
    %add3A_2427 = arith.addi %sub3A_2414, %add3A_2426 : vector<16xi32>
    %sub3A_2428 = arith.subi %add3A_2427, %sub3A_2424 : vector<16xi32>
    %mul3A_2429 = arith.constant 2 : i32
    %mul3A_2430 = vector.broadcast %mul3A_2429 : i32 to vector<16xi32>
    %mul3A_2431 = arith.muli %mul3A_2430, %sub3A_2428 : vector<16xi32>
    %mul3A_2432 = arith.constant 52429 : i32
    %mul3A_2433 = vector.broadcast %mul3A_2432 : i32 to vector<16xi32>
    %mul3A_2434 = arith.muli %mul3A_2431, %mul3A_2433 : vector<16xi32>
    %shift_right_logical3A_2435 = arith.constant 18 : i32
    %shift_right_logical3A_2436 = vector.broadcast %shift_right_logical3A_2435 : i32 to vector<16xi32>
    %shift_right_logical3A_2437 = arith.shrui %mul3A_2434, %shift_right_logical3A_2436 : vector<16xi32>
    %mul3A_2438 = arith.constant 5 : i32
    %mul3A_2439 = vector.broadcast %mul3A_2438 : i32 to vector<16xi32>
    %mul3A_2440 = arith.muli %mul3A_2439, %shift_right_logical3A_2437 : vector<16xi32>
    %sub3A_2441 = arith.subi %mul3A_2431, %mul3A_2440 : vector<16xi32>
    %mul3A_2442 = arith.constant 2048 : i32
    %mul3A_2443 = vector.broadcast %mul3A_2442 : i32 to vector<16xi32>
    %mul3A_2444 = arith.muli %mul3A_2443, %sub3A_2441 : vector<16xi32>
    %add3A_2445 = arith.addi %and3A_2389, %mul3A_2444 : vector<16xi32>
    %swap3A_2446 = arith.constant 400 : index
    %swap3A_2447 = tpu.vector_load %arg10[%swap3A_2446] {strides = array<i32>} : memref<512xi32, #tpu.memory_space<vmem>>, vector<16xi32>,
    %swap3A_2448 = vector.shape_cast %swap3A_2447 : vector<16xi32> to vector<16xi32>
    %swap3A_2449 = vector.shape_cast %add3A_2445 : vector<16xi32> to vector<16xi32>
    tpu.vector_store %arg10[%swap3A_2446], %swap3A_2449 {strides = array<i32>} : memref<512xi32, #tpu.memory_space<vmem>>, vector<16xi32>,
    %get3A_2450 = arith.constant 416 : index
    %get3A_2451 = tpu.vector_load %arg7[%get3A_2450] {strides = array<i32>} : memref<512xi32, #tpu.memory_space<vmem>>, vector<16xi32>,
    %get3A_2452 = vector.shape_cast %get3A_2451 : vector<16xi32> to vector<16xi32>
    %get3A_2453 = arith.constant 416 : index
    %get3A_2454 = tpu.vector_load %arg8[%get3A_2453] {strides = array<i32>} : memref<512xi32, #tpu.memory_space<vmem>>, vector<16xi32>,
    %get3A_2455 = vector.shape_cast %get3A_2454 : vector<16xi32> to vector<16xi32>
    %get3A_2456 = arith.constant 416 : index
    %get3A_2457 = tpu.vector_load %arg9[%get3A_2456] {strides = array<i32>} : memref<512xi32, #tpu.memory_space<vmem>>, vector<16xi32>,
    %get3A_2458 = vector.shape_cast %get3A_2457 : vector<16xi32> to vector<16xi32>
    %mul3A_2459 = arith.constant 52641 : i32
    %mul3A_2460 = vector.broadcast %mul3A_2459 : i32 to vector<16xi32>
    %mul3A_2461 = arith.muli %get3A_2455, %mul3A_2460 : vector<16xi32>
    %mul3A_2462 = arith.constant 2737 : i32
    %mul3A_2463 = vector.broadcast %mul3A_2462 : i32 to vector<16xi32>
    %mul3A_2464 = arith.muli %get3A_2455, %mul3A_2463 : vector<16xi32>
    %shift_left3A_2465 = arith.constant 16 : i32
    %shift_left3A_2466 = vector.broadcast %shift_left3A_2465 : i32 to vector<16xi32>
    %shift_left3A_2467 = arith.shli %mul3A_2464, %shift_left3A_2466 : vector<16xi32>
    %add3A_2468 = arith.addi %shift_left3A_2467, %mul3A_2461 : vector<16xi32>
    %shift_right_logical3A_2469 = arith.constant 16 : i32
    %shift_right_logical3A_2470 = vector.broadcast %shift_right_logical3A_2469 : i32 to vector<16xi32>
    %shift_right_logical3A_2471 = arith.shrui %mul3A_2461, %shift_right_logical3A_2470 : vector<16xi32>
    %add3A_2472 = arith.addi %mul3A_2464, %shift_right_logical3A_2471 : vector<16xi32>
    %shift_right_logical3A_2473 = arith.constant 16 : i32
    %shift_right_logical3A_2474 = vector.broadcast %shift_right_logical3A_2473 : i32 to vector<16xi32>
    %shift_right_logical3A_2475 = arith.shrui %add3A_2472, %shift_right_logical3A_2474 : vector<16xi32>
    %mul3A_2476 = arith.constant 31337 : i32
    %mul3A_2477 = vector.broadcast %mul3A_2476 : i32 to vector<16xi32>
    %mul3A_2478 = arith.muli %get3A_2458, %mul3A_2477 : vector<16xi32>
    %xor3A_2479 = arith.xori %add3A_2468, %mul3A_2478 : vector<16xi32>
    %xor3A_2480 = arith.xori %xor3A_2479, %get3A_2452 : vector<16xi32>
    %and3A_2481 = arith.constant 2047 : i32
    %and3A_2482 = vector.broadcast %and3A_2481 : i32 to vector<16xi32>
    %and3A_2483 = arith.andi %xor3A_2480, %and3A_2482 : vector<16xi32>
    %and3A_2484 = arith.constant 65535 : i32
    %and3A_2485 = vector.broadcast %and3A_2484 : i32 to vector<16xi32>
    %and3A_2486 = arith.andi %xor3A_2480, %and3A_2485 : vector<16xi32>
    %shift_right_logical3A_2487 = arith.constant 16 : i32
    %shift_right_logical3A_2488 = vector.broadcast %shift_right_logical3A_2487 : i32 to vector<16xi32>
    %shift_right_logical3A_2489 = arith.shrui %xor3A_2480, %shift_right_logical3A_2488 : vector<16xi32>
    %add3A_2490 = arith.addi %and3A_2486, %shift_right_logical3A_2489 : vector<16xi32>
    %and3A_2491 = arith.constant 65535 : i32
    %and3A_2492 = vector.broadcast %and3A_2491 : i32 to vector<16xi32>
    %and3A_2493 = arith.andi %add3A_2490, %and3A_2492 : vector<16xi32>
    %shift_right_logical3A_2494 = arith.constant 16 : i32
    %shift_right_logical3A_2495 = vector.broadcast %shift_right_logical3A_2494 : i32 to vector<16xi32>
    %shift_right_logical3A_2496 = arith.shrui %add3A_2490, %shift_right_logical3A_2495 : vector<16xi32>
    %add3A_2497 = arith.addi %and3A_2493, %shift_right_logical3A_2496 : vector<16xi32>
    %add3A_2498 = arith.addi %add3A_2497, %shift_right_logical3A_2475 : vector<16xi32>
    %mul3A_2499 = arith.constant 52429 : i32
    %mul3A_2500 = vector.broadcast %mul3A_2499 : i32 to vector<16xi32>
    %mul3A_2501 = arith.muli %add3A_2498, %mul3A_2500 : vector<16xi32>
    %shift_right_logical3A_2502 = arith.constant 18 : i32
    %shift_right_logical3A_2503 = vector.broadcast %shift_right_logical3A_2502 : i32 to vector<16xi32>
    %shift_right_logical3A_2504 = arith.shrui %mul3A_2501, %shift_right_logical3A_2503 : vector<16xi32>
    %mul3A_2505 = arith.constant 5 : i32
    %mul3A_2506 = vector.broadcast %mul3A_2505 : i32 to vector<16xi32>
    %mul3A_2507 = arith.muli %mul3A_2506, %shift_right_logical3A_2504 : vector<16xi32>
    %sub3A_2508 = arith.subi %add3A_2498, %mul3A_2507 : vector<16xi32>
    %mul3A_2509 = arith.constant 52429 : i32
    %mul3A_2510 = vector.broadcast %mul3A_2509 : i32 to vector<16xi32>
    %mul3A_2511 = arith.muli %and3A_2483, %mul3A_2510 : vector<16xi32>
    %shift_right_logical3A_2512 = arith.constant 18 : i32
    %shift_right_logical3A_2513 = vector.broadcast %shift_right_logical3A_2512 : i32 to vector<16xi32>
    %shift_right_logical3A_2514 = arith.shrui %mul3A_2511, %shift_right_logical3A_2513 : vector<16xi32>
    %mul3A_2515 = arith.constant 5 : i32
    %mul3A_2516 = vector.broadcast %mul3A_2515 : i32 to vector<16xi32>
    %mul3A_2517 = arith.muli %mul3A_2516, %shift_right_logical3A_2514 : vector<16xi32>
    %sub3A_2518 = arith.subi %and3A_2483, %mul3A_2517 : vector<16xi32>
    %add3A_2519 = arith.constant 5 : i32
    %add3A_2520 = vector.broadcast %add3A_2519 : i32 to vector<16xi32>
    %add3A_2521 = arith.addi %sub3A_2508, %add3A_2520 : vector<16xi32>
    %sub3A_2522 = arith.subi %add3A_2521, %sub3A_2518 : vector<16xi32>
    %mul3A_2523 = arith.constant 2 : i32
    %mul3A_2524 = vector.broadcast %mul3A_2523 : i32 to vector<16xi32>
    %mul3A_2525 = arith.muli %mul3A_2524, %sub3A_2522 : vector<16xi32>
    %mul3A_2526 = arith.constant 52429 : i32
    %mul3A_2527 = vector.broadcast %mul3A_2526 : i32 to vector<16xi32>
    %mul3A_2528 = arith.muli %mul3A_2525, %mul3A_2527 : vector<16xi32>
    %shift_right_logical3A_2529 = arith.constant 18 : i32
    %shift_right_logical3A_2530 = vector.broadcast %shift_right_logical3A_2529 : i32 to vector<16xi32>
    %shift_right_logical3A_2531 = arith.shrui %mul3A_2528, %shift_right_logical3A_2530 : vector<16xi32>
    %mul3A_2532 = arith.constant 5 : i32
    %mul3A_2533 = vector.broadcast %mul3A_2532 : i32 to vector<16xi32>
    %mul3A_2534 = arith.muli %mul3A_2533, %shift_right_logical3A_2531 : vector<16xi32>
    %sub3A_2535 = arith.subi %mul3A_2525, %mul3A_2534 : vector<16xi32>
    %mul3A_2536 = arith.constant 2048 : i32
    %mul3A_2537 = vector.broadcast %mul3A_2536 : i32 to vector<16xi32>
    %mul3A_2538 = arith.muli %mul3A_2537, %sub3A_2535 : vector<16xi32>
    %add3A_2539 = arith.addi %and3A_2483, %mul3A_2538 : vector<16xi32>
    %swap3A_2540 = arith.constant 416 : index
    %swap3A_2541 = tpu.vector_load %arg10[%swap3A_2540] {strides = array<i32>} : memref<512xi32, #tpu.memory_space<vmem>>, vector<16xi32>,
    %swap3A_2542 = vector.shape_cast %swap3A_2541 : vector<16xi32> to vector<16xi32>
    %swap3A_2543 = vector.shape_cast %add3A_2539 : vector<16xi32> to vector<16xi32>
    tpu.vector_store %arg10[%swap3A_2540], %swap3A_2543 {strides = array<i32>} : memref<512xi32, #tpu.memory_space<vmem>>, vector<16xi32>,
    %get3A_2544 = arith.constant 432 : index
    %get3A_2545 = tpu.vector_load %arg7[%get3A_2544] {strides = array<i32>} : memref<512xi32, #tpu.memory_space<vmem>>, vector<16xi32>,
    %get3A_2546 = vector.shape_cast %get3A_2545 : vector<16xi32> to vector<16xi32>
    %get3A_2547 = arith.constant 432 : index
    %get3A_2548 = tpu.vector_load %arg8[%get3A_2547] {strides = array<i32>} : memref<512xi32, #tpu.memory_space<vmem>>, vector<16xi32>,
    %get3A_2549 = vector.shape_cast %get3A_2548 : vector<16xi32> to vector<16xi32>
    %get3A_2550 = arith.constant 432 : index
    %get3A_2551 = tpu.vector_load %arg9[%get3A_2550] {strides = array<i32>} : memref<512xi32, #tpu.memory_space<vmem>>, vector<16xi32>,
    %get3A_2552 = vector.shape_cast %get3A_2551 : vector<16xi32> to vector<16xi32>
    %mul3A_2553 = arith.constant 52641 : i32
    %mul3A_2554 = vector.broadcast %mul3A_2553 : i32 to vector<16xi32>
    %mul3A_2555 = arith.muli %get3A_2549, %mul3A_2554 : vector<16xi32>
    %mul3A_2556 = arith.constant 2737 : i32
    %mul3A_2557 = vector.broadcast %mul3A_2556 : i32 to vector<16xi32>
    %mul3A_2558 = arith.muli %get3A_2549, %mul3A_2557 : vector<16xi32>
    %shift_left3A_2559 = arith.constant 16 : i32
    %shift_left3A_2560 = vector.broadcast %shift_left3A_2559 : i32 to vector<16xi32>
    %shift_left3A_2561 = arith.shli %mul3A_2558, %shift_left3A_2560 : vector<16xi32>
    %add3A_2562 = arith.addi %shift_left3A_2561, %mul3A_2555 : vector<16xi32>
    %shift_right_logical3A_2563 = arith.constant 16 : i32
    %shift_right_logical3A_2564 = vector.broadcast %shift_right_logical3A_2563 : i32 to vector<16xi32>
    %shift_right_logical3A_2565 = arith.shrui %mul3A_2555, %shift_right_logical3A_2564 : vector<16xi32>
    %add3A_2566 = arith.addi %mul3A_2558, %shift_right_logical3A_2565 : vector<16xi32>
    %shift_right_logical3A_2567 = arith.constant 16 : i32
    %shift_right_logical3A_2568 = vector.broadcast %shift_right_logical3A_2567 : i32 to vector<16xi32>
    %shift_right_logical3A_2569 = arith.shrui %add3A_2566, %shift_right_logical3A_2568 : vector<16xi32>
    %mul3A_2570 = arith.constant 31337 : i32
    %mul3A_2571 = vector.broadcast %mul3A_2570 : i32 to vector<16xi32>
    %mul3A_2572 = arith.muli %get3A_2552, %mul3A_2571 : vector<16xi32>
    %xor3A_2573 = arith.xori %add3A_2562, %mul3A_2572 : vector<16xi32>
    %xor3A_2574 = arith.xori %xor3A_2573, %get3A_2546 : vector<16xi32>
    %and3A_2575 = arith.constant 2047 : i32
    %and3A_2576 = vector.broadcast %and3A_2575 : i32 to vector<16xi32>
    %and3A_2577 = arith.andi %xor3A_2574, %and3A_2576 : vector<16xi32>
    %and3A_2578 = arith.constant 65535 : i32
    %and3A_2579 = vector.broadcast %and3A_2578 : i32 to vector<16xi32>
    %and3A_2580 = arith.andi %xor3A_2574, %and3A_2579 : vector<16xi32>
    %shift_right_logical3A_2581 = arith.constant 16 : i32
    %shift_right_logical3A_2582 = vector.broadcast %shift_right_logical3A_2581 : i32 to vector<16xi32>
    %shift_right_logical3A_2583 = arith.shrui %xor3A_2574, %shift_right_logical3A_2582 : vector<16xi32>
    %add3A_2584 = arith.addi %and3A_2580, %shift_right_logical3A_2583 : vector<16xi32>
    %and3A_2585 = arith.constant 65535 : i32
    %and3A_2586 = vector.broadcast %and3A_2585 : i32 to vector<16xi32>
    %and3A_2587 = arith.andi %add3A_2584, %and3A_2586 : vector<16xi32>
    %shift_right_logical3A_2588 = arith.constant 16 : i32
    %shift_right_logical3A_2589 = vector.broadcast %shift_right_logical3A_2588 : i32 to vector<16xi32>
    %shift_right_logical3A_2590 = arith.shrui %add3A_2584, %shift_right_logical3A_2589 : vector<16xi32>
    %add3A_2591 = arith.addi %and3A_2587, %shift_right_logical3A_2590 : vector<16xi32>
    %add3A_2592 = arith.addi %add3A_2591, %shift_right_logical3A_2569 : vector<16xi32>
    %mul3A_2593 = arith.constant 52429 : i32
    %mul3A_2594 = vector.broadcast %mul3A_2593 : i32 to vector<16xi32>
    %mul3A_2595 = arith.muli %add3A_2592, %mul3A_2594 : vector<16xi32>
    %shift_right_logical3A_2596 = arith.constant 18 : i32
    %shift_right_logical3A_2597 = vector.broadcast %shift_right_logical3A_2596 : i32 to vector<16xi32>
    %shift_right_logical3A_2598 = arith.shrui %mul3A_2595, %shift_right_logical3A_2597 : vector<16xi32>
    %mul3A_2599 = arith.constant 5 : i32
    %mul3A_2600 = vector.broadcast %mul3A_2599 : i32 to vector<16xi32>
    %mul3A_2601 = arith.muli %mul3A_2600, %shift_right_logical3A_2598 : vector<16xi32>
    %sub3A_2602 = arith.subi %add3A_2592, %mul3A_2601 : vector<16xi32>
    %mul3A_2603 = arith.constant 52429 : i32
    %mul3A_2604 = vector.broadcast %mul3A_2603 : i32 to vector<16xi32>
    %mul3A_2605 = arith.muli %and3A_2577, %mul3A_2604 : vector<16xi32>
    %shift_right_logical3A_2606 = arith.constant 18 : i32
    %shift_right_logical3A_2607 = vector.broadcast %shift_right_logical3A_2606 : i32 to vector<16xi32>
    %shift_right_logical3A_2608 = arith.shrui %mul3A_2605, %shift_right_logical3A_2607 : vector<16xi32>
    %mul3A_2609 = arith.constant 5 : i32
    %mul3A_2610 = vector.broadcast %mul3A_2609 : i32 to vector<16xi32>
    %mul3A_2611 = arith.muli %mul3A_2610, %shift_right_logical3A_2608 : vector<16xi32>
    %sub3A_2612 = arith.subi %and3A_2577, %mul3A_2611 : vector<16xi32>
    %add3A_2613 = arith.constant 5 : i32
    %add3A_2614 = vector.broadcast %add3A_2613 : i32 to vector<16xi32>
    %add3A_2615 = arith.addi %sub3A_2602, %add3A_2614 : vector<16xi32>
    %sub3A_2616 = arith.subi %add3A_2615, %sub3A_2612 : vector<16xi32>
    %mul3A_2617 = arith.constant 2 : i32
    %mul3A_2618 = vector.broadcast %mul3A_2617 : i32 to vector<16xi32>
    %mul3A_2619 = arith.muli %mul3A_2618, %sub3A_2616 : vector<16xi32>
    %mul3A_2620 = arith.constant 52429 : i32
    %mul3A_2621 = vector.broadcast %mul3A_2620 : i32 to vector<16xi32>
    %mul3A_2622 = arith.muli %mul3A_2619, %mul3A_2621 : vector<16xi32>
    %shift_right_logical3A_2623 = arith.constant 18 : i32
    %shift_right_logical3A_2624 = vector.broadcast %shift_right_logical3A_2623 : i32 to vector<16xi32>
    %shift_right_logical3A_2625 = arith.shrui %mul3A_2622, %shift_right_logical3A_2624 : vector<16xi32>
    %mul3A_2626 = arith.constant 5 : i32
    %mul3A_2627 = vector.broadcast %mul3A_2626 : i32 to vector<16xi32>
    %mul3A_2628 = arith.muli %mul3A_2627, %shift_right_logical3A_2625 : vector<16xi32>
    %sub3A_2629 = arith.subi %mul3A_2619, %mul3A_2628 : vector<16xi32>
    %mul3A_2630 = arith.constant 2048 : i32
    %mul3A_2631 = vector.broadcast %mul3A_2630 : i32 to vector<16xi32>
    %mul3A_2632 = arith.muli %mul3A_2631, %sub3A_2629 : vector<16xi32>
    %add3A_2633 = arith.addi %and3A_2577, %mul3A_2632 : vector<16xi32>
    %swap3A_2634 = arith.constant 432 : index
    %swap3A_2635 = tpu.vector_load %arg10[%swap3A_2634] {strides = array<i32>} : memref<512xi32, #tpu.memory_space<vmem>>, vector<16xi32>,
    %swap3A_2636 = vector.shape_cast %swap3A_2635 : vector<16xi32> to vector<16xi32>
    %swap3A_2637 = vector.shape_cast %add3A_2633 : vector<16xi32> to vector<16xi32>
    tpu.vector_store %arg10[%swap3A_2634], %swap3A_2637 {strides = array<i32>} : memref<512xi32, #tpu.memory_space<vmem>>, vector<16xi32>,
    %get3A_2638 = arith.constant 448 : index
    %get3A_2639 = tpu.vector_load %arg7[%get3A_2638] {strides = array<i32>} : memref<512xi32, #tpu.memory_space<vmem>>, vector<16xi32>,
    %get3A_2640 = vector.shape_cast %get3A_2639 : vector<16xi32> to vector<16xi32>
    %get3A_2641 = arith.constant 448 : index
    %get3A_2642 = tpu.vector_load %arg8[%get3A_2641] {strides = array<i32>} : memref<512xi32, #tpu.memory_space<vmem>>, vector<16xi32>,
    %get3A_2643 = vector.shape_cast %get3A_2642 : vector<16xi32> to vector<16xi32>
    %get3A_2644 = arith.constant 448 : index
    %get3A_2645 = tpu.vector_load %arg9[%get3A_2644] {strides = array<i32>} : memref<512xi32, #tpu.memory_space<vmem>>, vector<16xi32>,
    %get3A_2646 = vector.shape_cast %get3A_2645 : vector<16xi32> to vector<16xi32>
    %mul3A_2647 = arith.constant 52641 : i32
    %mul3A_2648 = vector.broadcast %mul3A_2647 : i32 to vector<16xi32>
    %mul3A_2649 = arith.muli %get3A_2643, %mul3A_2648 : vector<16xi32>
    %mul3A_2650 = arith.constant 2737 : i32
    %mul3A_2651 = vector.broadcast %mul3A_2650 : i32 to vector<16xi32>
    %mul3A_2652 = arith.muli %get3A_2643, %mul3A_2651 : vector<16xi32>
    %shift_left3A_2653 = arith.constant 16 : i32
    %shift_left3A_2654 = vector.broadcast %shift_left3A_2653 : i32 to vector<16xi32>
    %shift_left3A_2655 = arith.shli %mul3A_2652, %shift_left3A_2654 : vector<16xi32>
    %add3A_2656 = arith.addi %shift_left3A_2655, %mul3A_2649 : vector<16xi32>
    %shift_right_logical3A_2657 = arith.constant 16 : i32
    %shift_right_logical3A_2658 = vector.broadcast %shift_right_logical3A_2657 : i32 to vector<16xi32>
    %shift_right_logical3A_2659 = arith.shrui %mul3A_2649, %shift_right_logical3A_2658 : vector<16xi32>
    %add3A_2660 = arith.addi %mul3A_2652, %shift_right_logical3A_2659 : vector<16xi32>
    %shift_right_logical3A_2661 = arith.constant 16 : i32
    %shift_right_logical3A_2662 = vector.broadcast %shift_right_logical3A_2661 : i32 to vector<16xi32>
    %shift_right_logical3A_2663 = arith.shrui %add3A_2660, %shift_right_logical3A_2662 : vector<16xi32>
    %mul3A_2664 = arith.constant 31337 : i32
    %mul3A_2665 = vector.broadcast %mul3A_2664 : i32 to vector<16xi32>
    %mul3A_2666 = arith.muli %get3A_2646, %mul3A_2665 : vector<16xi32>
    %xor3A_2667 = arith.xori %add3A_2656, %mul3A_2666 : vector<16xi32>
    %xor3A_2668 = arith.xori %xor3A_2667, %get3A_2640 : vector<16xi32>
    %and3A_2669 = arith.constant 2047 : i32
    %and3A_2670 = vector.broadcast %and3A_2669 : i32 to vector<16xi32>
    %and3A_2671 = arith.andi %xor3A_2668, %and3A_2670 : vector<16xi32>
    %and3A_2672 = arith.constant 65535 : i32
    %and3A_2673 = vector.broadcast %and3A_2672 : i32 to vector<16xi32>
    %and3A_2674 = arith.andi %xor3A_2668, %and3A_2673 : vector<16xi32>
    %shift_right_logical3A_2675 = arith.constant 16 : i32
    %shift_right_logical3A_2676 = vector.broadcast %shift_right_logical3A_2675 : i32 to vector<16xi32>
    %shift_right_logical3A_2677 = arith.shrui %xor3A_2668, %shift_right_logical3A_2676 : vector<16xi32>
    %add3A_2678 = arith.addi %and3A_2674, %shift_right_logical3A_2677 : vector<16xi32>
    %and3A_2679 = arith.constant 65535 : i32
    %and3A_2680 = vector.broadcast %and3A_2679 : i32 to vector<16xi32>
    %and3A_2681 = arith.andi %add3A_2678, %and3A_2680 : vector<16xi32>
    %shift_right_logical3A_2682 = arith.constant 16 : i32
    %shift_right_logical3A_2683 = vector.broadcast %shift_right_logical3A_2682 : i32 to vector<16xi32>
    %shift_right_logical3A_2684 = arith.shrui %add3A_2678, %shift_right_logical3A_2683 : vector<16xi32>
    %add3A_2685 = arith.addi %and3A_2681, %shift_right_logical3A_2684 : vector<16xi32>
    %add3A_2686 = arith.addi %add3A_2685, %shift_right_logical3A_2663 : vector<16xi32>
    %mul3A_2687 = arith.constant 52429 : i32
    %mul3A_2688 = vector.broadcast %mul3A_2687 : i32 to vector<16xi32>
    %mul3A_2689 = arith.muli %add3A_2686, %mul3A_2688 : vector<16xi32>
    %shift_right_logical3A_2690 = arith.constant 18 : i32
    %shift_right_logical3A_2691 = vector.broadcast %shift_right_logical3A_2690 : i32 to vector<16xi32>
    %shift_right_logical3A_2692 = arith.shrui %mul3A_2689, %shift_right_logical3A_2691 : vector<16xi32>
    %mul3A_2693 = arith.constant 5 : i32
    %mul3A_2694 = vector.broadcast %mul3A_2693 : i32 to vector<16xi32>
    %mul3A_2695 = arith.muli %mul3A_2694, %shift_right_logical3A_2692 : vector<16xi32>
    %sub3A_2696 = arith.subi %add3A_2686, %mul3A_2695 : vector<16xi32>
    %mul3A_2697 = arith.constant 52429 : i32
    %mul3A_2698 = vector.broadcast %mul3A_2697 : i32 to vector<16xi32>
    %mul3A_2699 = arith.muli %and3A_2671, %mul3A_2698 : vector<16xi32>
    %shift_right_logical3A_2700 = arith.constant 18 : i32
    %shift_right_logical3A_2701 = vector.broadcast %shift_right_logical3A_2700 : i32 to vector<16xi32>
    %shift_right_logical3A_2702 = arith.shrui %mul3A_2699, %shift_right_logical3A_2701 : vector<16xi32>
    %mul3A_2703 = arith.constant 5 : i32
    %mul3A_2704 = vector.broadcast %mul3A_2703 : i32 to vector<16xi32>
    %mul3A_2705 = arith.muli %mul3A_2704, %shift_right_logical3A_2702 : vector<16xi32>
    %sub3A_2706 = arith.subi %and3A_2671, %mul3A_2705 : vector<16xi32>
    %add3A_2707 = arith.constant 5 : i32
    %add3A_2708 = vector.broadcast %add3A_2707 : i32 to vector<16xi32>
    %add3A_2709 = arith.addi %sub3A_2696, %add3A_2708 : vector<16xi32>
    %sub3A_2710 = arith.subi %add3A_2709, %sub3A_2706 : vector<16xi32>
    %mul3A_2711 = arith.constant 2 : i32
    %mul3A_2712 = vector.broadcast %mul3A_2711 : i32 to vector<16xi32>
    %mul3A_2713 = arith.muli %mul3A_2712, %sub3A_2710 : vector<16xi32>
    %mul3A_2714 = arith.constant 52429 : i32
    %mul3A_2715 = vector.broadcast %mul3A_2714 : i32 to vector<16xi32>
    %mul3A_2716 = arith.muli %mul3A_2713, %mul3A_2715 : vector<16xi32>
    %shift_right_logical3A_2717 = arith.constant 18 : i32
    %shift_right_logical3A_2718 = vector.broadcast %shift_right_logical3A_2717 : i32 to vector<16xi32>
    %shift_right_logical3A_2719 = arith.shrui %mul3A_2716, %shift_right_logical3A_2718 : vector<16xi32>
    %mul3A_2720 = arith.constant 5 : i32
    %mul3A_2721 = vector.broadcast %mul3A_2720 : i32 to vector<16xi32>
    %mul3A_2722 = arith.muli %mul3A_2721, %shift_right_logical3A_2719 : vector<16xi32>
    %sub3A_2723 = arith.subi %mul3A_2713, %mul3A_2722 : vector<16xi32>
    %mul3A_2724 = arith.constant 2048 : i32
    %mul3A_2725 = vector.broadcast %mul3A_2724 : i32 to vector<16xi32>
    %mul3A_2726 = arith.muli %mul3A_2725, %sub3A_2723 : vector<16xi32>
    %add3A_2727 = arith.addi %and3A_2671, %mul3A_2726 : vector<16xi32>
    %swap3A_2728 = arith.constant 448 : index
    %swap3A_2729 = tpu.vector_load %arg10[%swap3A_2728] {strides = array<i32>} : memref<512xi32, #tpu.memory_space<vmem>>, vector<16xi32>,
    %swap3A_2730 = vector.shape_cast %swap3A_2729 : vector<16xi32> to vector<16xi32>
    %swap3A_2731 = vector.shape_cast %add3A_2727 : vector<16xi32> to vector<16xi32>
    tpu.vector_store %arg10[%swap3A_2728], %swap3A_2731 {strides = array<i32>} : memref<512xi32, #tpu.memory_space<vmem>>, vector<16xi32>,
    %get3A_2732 = arith.constant 464 : index
    %get3A_2733 = tpu.vector_load %arg7[%get3A_2732] {strides = array<i32>} : memref<512xi32, #tpu.memory_space<vmem>>, vector<16xi32>,
    %get3A_2734 = vector.shape_cast %get3A_2733 : vector<16xi32> to vector<16xi32>
    %get3A_2735 = arith.constant 464 : index
    %get3A_2736 = tpu.vector_load %arg8[%get3A_2735] {strides = array<i32>} : memref<512xi32, #tpu.memory_space<vmem>>, vector<16xi32>,
    %get3A_2737 = vector.shape_cast %get3A_2736 : vector<16xi32> to vector<16xi32>
    %get3A_2738 = arith.constant 464 : index
    %get3A_2739 = tpu.vector_load %arg9[%get3A_2738] {strides = array<i32>} : memref<512xi32, #tpu.memory_space<vmem>>, vector<16xi32>,
    %get3A_2740 = vector.shape_cast %get3A_2739 : vector<16xi32> to vector<16xi32>
    %mul3A_2741 = arith.constant 52641 : i32
    %mul3A_2742 = vector.broadcast %mul3A_2741 : i32 to vector<16xi32>
    %mul3A_2743 = arith.muli %get3A_2737, %mul3A_2742 : vector<16xi32>
    %mul3A_2744 = arith.constant 2737 : i32
    %mul3A_2745 = vector.broadcast %mul3A_2744 : i32 to vector<16xi32>
    %mul3A_2746 = arith.muli %get3A_2737, %mul3A_2745 : vector<16xi32>
    %shift_left3A_2747 = arith.constant 16 : i32
    %shift_left3A_2748 = vector.broadcast %shift_left3A_2747 : i32 to vector<16xi32>
    %shift_left3A_2749 = arith.shli %mul3A_2746, %shift_left3A_2748 : vector<16xi32>
    %add3A_2750 = arith.addi %shift_left3A_2749, %mul3A_2743 : vector<16xi32>
    %shift_right_logical3A_2751 = arith.constant 16 : i32
    %shift_right_logical3A_2752 = vector.broadcast %shift_right_logical3A_2751 : i32 to vector<16xi32>
    %shift_right_logical3A_2753 = arith.shrui %mul3A_2743, %shift_right_logical3A_2752 : vector<16xi32>
    %add3A_2754 = arith.addi %mul3A_2746, %shift_right_logical3A_2753 : vector<16xi32>
    %shift_right_logical3A_2755 = arith.constant 16 : i32
    %shift_right_logical3A_2756 = vector.broadcast %shift_right_logical3A_2755 : i32 to vector<16xi32>
    %shift_right_logical3A_2757 = arith.shrui %add3A_2754, %shift_right_logical3A_2756 : vector<16xi32>
    %mul3A_2758 = arith.constant 31337 : i32
    %mul3A_2759 = vector.broadcast %mul3A_2758 : i32 to vector<16xi32>
    %mul3A_2760 = arith.muli %get3A_2740, %mul3A_2759 : vector<16xi32>
    %xor3A_2761 = arith.xori %add3A_2750, %mul3A_2760 : vector<16xi32>
    %xor3A_2762 = arith.xori %xor3A_2761, %get3A_2734 : vector<16xi32>
    %and3A_2763 = arith.constant 2047 : i32
    %and3A_2764 = vector.broadcast %and3A_2763 : i32 to vector<16xi32>
    %and3A_2765 = arith.andi %xor3A_2762, %and3A_2764 : vector<16xi32>
    %and3A_2766 = arith.constant 65535 : i32
    %and3A_2767 = vector.broadcast %and3A_2766 : i32 to vector<16xi32>
    %and3A_2768 = arith.andi %xor3A_2762, %and3A_2767 : vector<16xi32>
    %shift_right_logical3A_2769 = arith.constant 16 : i32
    %shift_right_logical3A_2770 = vector.broadcast %shift_right_logical3A_2769 : i32 to vector<16xi32>
    %shift_right_logical3A_2771 = arith.shrui %xor3A_2762, %shift_right_logical3A_2770 : vector<16xi32>
    %add3A_2772 = arith.addi %and3A_2768, %shift_right_logical3A_2771 : vector<16xi32>
    %and3A_2773 = arith.constant 65535 : i32
    %and3A_2774 = vector.broadcast %and3A_2773 : i32 to vector<16xi32>
    %and3A_2775 = arith.andi %add3A_2772, %and3A_2774 : vector<16xi32>
    %shift_right_logical3A_2776 = arith.constant 16 : i32
    %shift_right_logical3A_2777 = vector.broadcast %shift_right_logical3A_2776 : i32 to vector<16xi32>
    %shift_right_logical3A_2778 = arith.shrui %add3A_2772, %shift_right_logical3A_2777 : vector<16xi32>
    %add3A_2779 = arith.addi %and3A_2775, %shift_right_logical3A_2778 : vector<16xi32>
    %add3A_2780 = arith.addi %add3A_2779, %shift_right_logical3A_2757 : vector<16xi32>
    %mul3A_2781 = arith.constant 52429 : i32
    %mul3A_2782 = vector.broadcast %mul3A_2781 : i32 to vector<16xi32>
    %mul3A_2783 = arith.muli %add3A_2780, %mul3A_2782 : vector<16xi32>
    %shift_right_logical3A_2784 = arith.constant 18 : i32
    %shift_right_logical3A_2785 = vector.broadcast %shift_right_logical3A_2784 : i32 to vector<16xi32>
    %shift_right_logical3A_2786 = arith.shrui %mul3A_2783, %shift_right_logical3A_2785 : vector<16xi32>
    %mul3A_2787 = arith.constant 5 : i32
    %mul3A_2788 = vector.broadcast %mul3A_2787 : i32 to vector<16xi32>
    %mul3A_2789 = arith.muli %mul3A_2788, %shift_right_logical3A_2786 : vector<16xi32>
    %sub3A_2790 = arith.subi %add3A_2780, %mul3A_2789 : vector<16xi32>
    %mul3A_2791 = arith.constant 52429 : i32
    %mul3A_2792 = vector.broadcast %mul3A_2791 : i32 to vector<16xi32>
    %mul3A_2793 = arith.muli %and3A_2765, %mul3A_2792 : vector<16xi32>
    %shift_right_logical3A_2794 = arith.constant 18 : i32
    %shift_right_logical3A_2795 = vector.broadcast %shift_right_logical3A_2794 : i32 to vector<16xi32>
    %shift_right_logical3A_2796 = arith.shrui %mul3A_2793, %shift_right_logical3A_2795 : vector<16xi32>
    %mul3A_2797 = arith.constant 5 : i32
    %mul3A_2798 = vector.broadcast %mul3A_2797 : i32 to vector<16xi32>
    %mul3A_2799 = arith.muli %mul3A_2798, %shift_right_logical3A_2796 : vector<16xi32>
    %sub3A_2800 = arith.subi %and3A_2765, %mul3A_2799 : vector<16xi32>
    %add3A_2801 = arith.constant 5 : i32
    %add3A_2802 = vector.broadcast %add3A_2801 : i32 to vector<16xi32>
    %add3A_2803 = arith.addi %sub3A_2790, %add3A_2802 : vector<16xi32>
    %sub3A_2804 = arith.subi %add3A_2803, %sub3A_2800 : vector<16xi32>
    %mul3A_2805 = arith.constant 2 : i32
    %mul3A_2806 = vector.broadcast %mul3A_2805 : i32 to vector<16xi32>
    %mul3A_2807 = arith.muli %mul3A_2806, %sub3A_2804 : vector<16xi32>
    %mul3A_2808 = arith.constant 52429 : i32
    %mul3A_2809 = vector.broadcast %mul3A_2808 : i32 to vector<16xi32>
    %mul3A_2810 = arith.muli %mul3A_2807, %mul3A_2809 : vector<16xi32>
    %shift_right_logical3A_2811 = arith.constant 18 : i32
    %shift_right_logical3A_2812 = vector.broadcast %shift_right_logical3A_2811 : i32 to vector<16xi32>
    %shift_right_logical3A_2813 = arith.shrui %mul3A_2810, %shift_right_logical3A_2812 : vector<16xi32>
    %mul3A_2814 = arith.constant 5 : i32
    %mul3A_2815 = vector.broadcast %mul3A_2814 : i32 to vector<16xi32>
    %mul3A_2816 = arith.muli %mul3A_2815, %shift_right_logical3A_2813 : vector<16xi32>
    %sub3A_2817 = arith.subi %mul3A_2807, %mul3A_2816 : vector<16xi32>
    %mul3A_2818 = arith.constant 2048 : i32
    %mul3A_2819 = vector.broadcast %mul3A_2818 : i32 to vector<16xi32>
    %mul3A_2820 = arith.muli %mul3A_2819, %sub3A_2817 : vector<16xi32>
    %add3A_2821 = arith.addi %and3A_2765, %mul3A_2820 : vector<16xi32>
    %swap3A_2822 = arith.constant 464 : index
    %swap3A_2823 = tpu.vector_load %arg10[%swap3A_2822] {strides = array<i32>} : memref<512xi32, #tpu.memory_space<vmem>>, vector<16xi32>,
    %swap3A_2824 = vector.shape_cast %swap3A_2823 : vector<16xi32> to vector<16xi32>
    %swap3A_2825 = vector.shape_cast %add3A_2821 : vector<16xi32> to vector<16xi32>
    tpu.vector_store %arg10[%swap3A_2822], %swap3A_2825 {strides = array<i32>} : memref<512xi32, #tpu.memory_space<vmem>>, vector<16xi32>,
    %get3A_2826 = arith.constant 480 : index
    %get3A_2827 = tpu.vector_load %arg7[%get3A_2826] {strides = array<i32>} : memref<512xi32, #tpu.memory_space<vmem>>, vector<16xi32>,
    %get3A_2828 = vector.shape_cast %get3A_2827 : vector<16xi32> to vector<16xi32>
    %get3A_2829 = arith.constant 480 : index
    %get3A_2830 = tpu.vector_load %arg8[%get3A_2829] {strides = array<i32>} : memref<512xi32, #tpu.memory_space<vmem>>, vector<16xi32>,
    %get3A_2831 = vector.shape_cast %get3A_2830 : vector<16xi32> to vector<16xi32>
    %get3A_2832 = arith.constant 480 : index
    %get3A_2833 = tpu.vector_load %arg9[%get3A_2832] {strides = array<i32>} : memref<512xi32, #tpu.memory_space<vmem>>, vector<16xi32>,
    %get3A_2834 = vector.shape_cast %get3A_2833 : vector<16xi32> to vector<16xi32>
    %mul3A_2835 = arith.constant 52641 : i32
    %mul3A_2836 = vector.broadcast %mul3A_2835 : i32 to vector<16xi32>
    %mul3A_2837 = arith.muli %get3A_2831, %mul3A_2836 : vector<16xi32>
    %mul3A_2838 = arith.constant 2737 : i32
    %mul3A_2839 = vector.broadcast %mul3A_2838 : i32 to vector<16xi32>
    %mul3A_2840 = arith.muli %get3A_2831, %mul3A_2839 : vector<16xi32>
    %shift_left3A_2841 = arith.constant 16 : i32
    %shift_left3A_2842 = vector.broadcast %shift_left3A_2841 : i32 to vector<16xi32>
    %shift_left3A_2843 = arith.shli %mul3A_2840, %shift_left3A_2842 : vector<16xi32>
    %add3A_2844 = arith.addi %shift_left3A_2843, %mul3A_2837 : vector<16xi32>
    %shift_right_logical3A_2845 = arith.constant 16 : i32
    %shift_right_logical3A_2846 = vector.broadcast %shift_right_logical3A_2845 : i32 to vector<16xi32>
    %shift_right_logical3A_2847 = arith.shrui %mul3A_2837, %shift_right_logical3A_2846 : vector<16xi32>
    %add3A_2848 = arith.addi %mul3A_2840, %shift_right_logical3A_2847 : vector<16xi32>
    %shift_right_logical3A_2849 = arith.constant 16 : i32
    %shift_right_logical3A_2850 = vector.broadcast %shift_right_logical3A_2849 : i32 to vector<16xi32>
    %shift_right_logical3A_2851 = arith.shrui %add3A_2848, %shift_right_logical3A_2850 : vector<16xi32>
    %mul3A_2852 = arith.constant 31337 : i32
    %mul3A_2853 = vector.broadcast %mul3A_2852 : i32 to vector<16xi32>
    %mul3A_2854 = arith.muli %get3A_2834, %mul3A_2853 : vector<16xi32>
    %xor3A_2855 = arith.xori %add3A_2844, %mul3A_2854 : vector<16xi32>
    %xor3A_2856 = arith.xori %xor3A_2855, %get3A_2828 : vector<16xi32>
    %and3A_2857 = arith.constant 2047 : i32
    %and3A_2858 = vector.broadcast %and3A_2857 : i32 to vector<16xi32>
    %and3A_2859 = arith.andi %xor3A_2856, %and3A_2858 : vector<16xi32>
    %and3A_2860 = arith.constant 65535 : i32
    %and3A_2861 = vector.broadcast %and3A_2860 : i32 to vector<16xi32>
    %and3A_2862 = arith.andi %xor3A_2856, %and3A_2861 : vector<16xi32>
    %shift_right_logical3A_2863 = arith.constant 16 : i32
    %shift_right_logical3A_2864 = vector.broadcast %shift_right_logical3A_2863 : i32 to vector<16xi32>
    %shift_right_logical3A_2865 = arith.shrui %xor3A_2856, %shift_right_logical3A_2864 : vector<16xi32>
    %add3A_2866 = arith.addi %and3A_2862, %shift_right_logical3A_2865 : vector<16xi32>
    %and3A_2867 = arith.constant 65535 : i32
    %and3A_2868 = vector.broadcast %and3A_2867 : i32 to vector<16xi32>
    %and3A_2869 = arith.andi %add3A_2866, %and3A_2868 : vector<16xi32>
    %shift_right_logical3A_2870 = arith.constant 16 : i32
    %shift_right_logical3A_2871 = vector.broadcast %shift_right_logical3A_2870 : i32 to vector<16xi32>
    %shift_right_logical3A_2872 = arith.shrui %add3A_2866, %shift_right_logical3A_2871 : vector<16xi32>
    %add3A_2873 = arith.addi %and3A_2869, %shift_right_logical3A_2872 : vector<16xi32>
    %add3A_2874 = arith.addi %add3A_2873, %shift_right_logical3A_2851 : vector<16xi32>
    %mul3A_2875 = arith.constant 52429 : i32
    %mul3A_2876 = vector.broadcast %mul3A_2875 : i32 to vector<16xi32>
    %mul3A_2877 = arith.muli %add3A_2874, %mul3A_2876 : vector<16xi32>
    %shift_right_logical3A_2878 = arith.constant 18 : i32
    %shift_right_logical3A_2879 = vector.broadcast %shift_right_logical3A_2878 : i32 to vector<16xi32>
    %shift_right_logical3A_2880 = arith.shrui %mul3A_2877, %shift_right_logical3A_2879 : vector<16xi32>
    %mul3A_2881 = arith.constant 5 : i32
    %mul3A_2882 = vector.broadcast %mul3A_2881 : i32 to vector<16xi32>
    %mul3A_2883 = arith.muli %mul3A_2882, %shift_right_logical3A_2880 : vector<16xi32>
    %sub3A_2884 = arith.subi %add3A_2874, %mul3A_2883 : vector<16xi32>
    %mul3A_2885 = arith.constant 52429 : i32
    %mul3A_2886 = vector.broadcast %mul3A_2885 : i32 to vector<16xi32>
    %mul3A_2887 = arith.muli %and3A_2859, %mul3A_2886 : vector<16xi32>
    %shift_right_logical3A_2888 = arith.constant 18 : i32
    %shift_right_logical3A_2889 = vector.broadcast %shift_right_logical3A_2888 : i32 to vector<16xi32>
    %shift_right_logical3A_2890 = arith.shrui %mul3A_2887, %shift_right_logical3A_2889 : vector<16xi32>
    %mul3A_2891 = arith.constant 5 : i32
    %mul3A_2892 = vector.broadcast %mul3A_2891 : i32 to vector<16xi32>
    %mul3A_2893 = arith.muli %mul3A_2892, %shift_right_logical3A_2890 : vector<16xi32>
    %sub3A_2894 = arith.subi %and3A_2859, %mul3A_2893 : vector<16xi32>
    %add3A_2895 = arith.constant 5 : i32
    %add3A_2896 = vector.broadcast %add3A_2895 : i32 to vector<16xi32>
    %add3A_2897 = arith.addi %sub3A_2884, %add3A_2896 : vector<16xi32>
    %sub3A_2898 = arith.subi %add3A_2897, %sub3A_2894 : vector<16xi32>
    %mul3A_2899 = arith.constant 2 : i32
    %mul3A_2900 = vector.broadcast %mul3A_2899 : i32 to vector<16xi32>
    %mul3A_2901 = arith.muli %mul3A_2900, %sub3A_2898 : vector<16xi32>
    %mul3A_2902 = arith.constant 52429 : i32
    %mul3A_2903 = vector.broadcast %mul3A_2902 : i32 to vector<16xi32>
    %mul3A_2904 = arith.muli %mul3A_2901, %mul3A_2903 : vector<16xi32>
    %shift_right_logical3A_2905 = arith.constant 18 : i32
    %shift_right_logical3A_2906 = vector.broadcast %shift_right_logical3A_2905 : i32 to vector<16xi32>
    %shift_right_logical3A_2907 = arith.shrui %mul3A_2904, %shift_right_logical3A_2906 : vector<16xi32>
    %mul3A_2908 = arith.constant 5 : i32
    %mul3A_2909 = vector.broadcast %mul3A_2908 : i32 to vector<16xi32>
    %mul3A_2910 = arith.muli %mul3A_2909, %shift_right_logical3A_2907 : vector<16xi32>
    %sub3A_2911 = arith.subi %mul3A_2901, %mul3A_2910 : vector<16xi32>
    %mul3A_2912 = arith.constant 2048 : i32
    %mul3A_2913 = vector.broadcast %mul3A_2912 : i32 to vector<16xi32>
    %mul3A_2914 = arith.muli %mul3A_2913, %sub3A_2911 : vector<16xi32>
    %add3A_2915 = arith.addi %and3A_2859, %mul3A_2914 : vector<16xi32>
    %swap3A_2916 = arith.constant 480 : index
    %swap3A_2917 = tpu.vector_load %arg10[%swap3A_2916] {strides = array<i32>} : memref<512xi32, #tpu.memory_space<vmem>>, vector<16xi32>,
    %swap3A_2918 = vector.shape_cast %swap3A_2917 : vector<16xi32> to vector<16xi32>
    %swap3A_2919 = vector.shape_cast %add3A_2915 : vector<16xi32> to vector<16xi32>
    tpu.vector_store %arg10[%swap3A_2916], %swap3A_2919 {strides = array<i32>} : memref<512xi32, #tpu.memory_space<vmem>>, vector<16xi32>,
    %get3A_2920 = arith.constant 496 : index
    %get3A_2921 = tpu.vector_load %arg7[%get3A_2920] {strides = array<i32>} : memref<512xi32, #tpu.memory_space<vmem>>, vector<16xi32>,
    %get3A_2922 = vector.shape_cast %get3A_2921 : vector<16xi32> to vector<16xi32>
    %get3A_2923 = arith.constant 496 : index
    %get3A_2924 = tpu.vector_load %arg8[%get3A_2923] {strides = array<i32>} : memref<512xi32, #tpu.memory_space<vmem>>, vector<16xi32>,
    %get3A_2925 = vector.shape_cast %get3A_2924 : vector<16xi32> to vector<16xi32>
    %get3A_2926 = arith.constant 496 : index
    %get3A_2927 = tpu.vector_load %arg9[%get3A_2926] {strides = array<i32>} : memref<512xi32, #tpu.memory_space<vmem>>, vector<16xi32>,
    %get3A_2928 = vector.shape_cast %get3A_2927 : vector<16xi32> to vector<16xi32>
    %mul3A_2929 = arith.constant 52641 : i32
    %mul3A_2930 = vector.broadcast %mul3A_2929 : i32 to vector<16xi32>
    %mul3A_2931 = arith.muli %get3A_2925, %mul3A_2930 : vector<16xi32>
    %mul3A_2932 = arith.constant 2737 : i32
    %mul3A_2933 = vector.broadcast %mul3A_2932 : i32 to vector<16xi32>
    %mul3A_2934 = arith.muli %get3A_2925, %mul3A_2933 : vector<16xi32>
    %shift_left3A_2935 = arith.constant 16 : i32
    %shift_left3A_2936 = vector.broadcast %shift_left3A_2935 : i32 to vector<16xi32>
    %shift_left3A_2937 = arith.shli %mul3A_2934, %shift_left3A_2936 : vector<16xi32>
    %add3A_2938 = arith.addi %shift_left3A_2937, %mul3A_2931 : vector<16xi32>
    %shift_right_logical3A_2939 = arith.constant 16 : i32
    %shift_right_logical3A_2940 = vector.broadcast %shift_right_logical3A_2939 : i32 to vector<16xi32>
    %shift_right_logical3A_2941 = arith.shrui %mul3A_2931, %shift_right_logical3A_2940 : vector<16xi32>
    %add3A_2942 = arith.addi %mul3A_2934, %shift_right_logical3A_2941 : vector<16xi32>
    %shift_right_logical3A_2943 = arith.constant 16 : i32
    %shift_right_logical3A_2944 = vector.broadcast %shift_right_logical3A_2943 : i32 to vector<16xi32>
    %shift_right_logical3A_2945 = arith.shrui %add3A_2942, %shift_right_logical3A_2944 : vector<16xi32>
    %mul3A_2946 = arith.constant 31337 : i32
    %mul3A_2947 = vector.broadcast %mul3A_2946 : i32 to vector<16xi32>
    %mul3A_2948 = arith.muli %get3A_2928, %mul3A_2947 : vector<16xi32>
    %xor3A_2949 = arith.xori %add3A_2938, %mul3A_2948 : vector<16xi32>
    %xor3A_2950 = arith.xori %xor3A_2949, %get3A_2922 : vector<16xi32>
    %and3A_2951 = arith.constant 2047 : i32
    %and3A_2952 = vector.broadcast %and3A_2951 : i32 to vector<16xi32>
    %and3A_2953 = arith.andi %xor3A_2950, %and3A_2952 : vector<16xi32>
    %and3A_2954 = arith.constant 65535 : i32
    %and3A_2955 = vector.broadcast %and3A_2954 : i32 to vector<16xi32>
    %and3A_2956 = arith.andi %xor3A_2950, %and3A_2955 : vector<16xi32>
    %shift_right_logical3A_2957 = arith.constant 16 : i32
    %shift_right_logical3A_2958 = vector.broadcast %shift_right_logical3A_2957 : i32 to vector<16xi32>
    %shift_right_logical3A_2959 = arith.shrui %xor3A_2950, %shift_right_logical3A_2958 : vector<16xi32>
    %add3A_2960 = arith.addi %and3A_2956, %shift_right_logical3A_2959 : vector<16xi32>
    %and3A_2961 = arith.constant 65535 : i32
    %and3A_2962 = vector.broadcast %and3A_2961 : i32 to vector<16xi32>
    %and3A_2963 = arith.andi %add3A_2960, %and3A_2962 : vector<16xi32>
    %shift_right_logical3A_2964 = arith.constant 16 : i32
    %shift_right_logical3A_2965 = vector.broadcast %shift_right_logical3A_2964 : i32 to vector<16xi32>
    %shift_right_logical3A_2966 = arith.shrui %add3A_2960, %shift_right_logical3A_2965 : vector<16xi32>
    %add3A_2967 = arith.addi %and3A_2963, %shift_right_logical3A_2966 : vector<16xi32>
    %add3A_2968 = arith.addi %add3A_2967, %shift_right_logical3A_2945 : vector<16xi32>
    %mul3A_2969 = arith.constant 52429 : i32
    %mul3A_2970 = vector.broadcast %mul3A_2969 : i32 to vector<16xi32>
    %mul3A_2971 = arith.muli %add3A_2968, %mul3A_2970 : vector<16xi32>
    %shift_right_logical3A_2972 = arith.constant 18 : i32
    %shift_right_logical3A_2973 = vector.broadcast %shift_right_logical3A_2972 : i32 to vector<16xi32>
    %shift_right_logical3A_2974 = arith.shrui %mul3A_2971, %shift_right_logical3A_2973 : vector<16xi32>
    %mul3A_2975 = arith.constant 5 : i32
    %mul3A_2976 = vector.broadcast %mul3A_2975 : i32 to vector<16xi32>
    %mul3A_2977 = arith.muli %mul3A_2976, %shift_right_logical3A_2974 : vector<16xi32>
    %sub3A_2978 = arith.subi %add3A_2968, %mul3A_2977 : vector<16xi32>
    %mul3A_2979 = arith.constant 52429 : i32
    %mul3A_2980 = vector.broadcast %mul3A_2979 : i32 to vector<16xi32>
    %mul3A_2981 = arith.muli %and3A_2953, %mul3A_2980 : vector<16xi32>
    %shift_right_logical3A_2982 = arith.constant 18 : i32
    %shift_right_logical3A_2983 = vector.broadcast %shift_right_logical3A_2982 : i32 to vector<16xi32>
    %shift_right_logical3A_2984 = arith.shrui %mul3A_2981, %shift_right_logical3A_2983 : vector<16xi32>
    %mul3A_2985 = arith.constant 5 : i32
    %mul3A_2986 = vector.broadcast %mul3A_2985 : i32 to vector<16xi32>
    %mul3A_2987 = arith.muli %mul3A_2986, %shift_right_logical3A_2984 : vector<16xi32>
    %sub3A_2988 = arith.subi %and3A_2953, %mul3A_2987 : vector<16xi32>
    %add3A_2989 = arith.constant 5 : i32
    %add3A_2990 = vector.broadcast %add3A_2989 : i32 to vector<16xi32>
    %add3A_2991 = arith.addi %sub3A_2978, %add3A_2990 : vector<16xi32>
    %sub3A_2992 = arith.subi %add3A_2991, %sub3A_2988 : vector<16xi32>
    %mul3A_2993 = arith.constant 2 : i32
    %mul3A_2994 = vector.broadcast %mul3A_2993 : i32 to vector<16xi32>
    %mul3A_2995 = arith.muli %mul3A_2994, %sub3A_2992 : vector<16xi32>
    %mul3A_2996 = arith.constant 52429 : i32
    %mul3A_2997 = vector.broadcast %mul3A_2996 : i32 to vector<16xi32>
    %mul3A_2998 = arith.muli %mul3A_2995, %mul3A_2997 : vector<16xi32>
    %shift_right_logical3A_2999 = arith.constant 18 : i32
    %shift_right_logical3A_3000 = vector.broadcast %shift_right_logical3A_2999 : i32 to vector<16xi32>
    %shift_right_logical3A_3001 = arith.shrui %mul3A_2998, %shift_right_logical3A_3000 : vector<16xi32>
    %mul3A_3002 = arith.constant 5 : i32
    %mul3A_3003 = vector.broadcast %mul3A_3002 : i32 to vector<16xi32>
    %mul3A_3004 = arith.muli %mul3A_3003, %shift_right_logical3A_3001 : vector<16xi32>
    %sub3A_3005 = arith.subi %mul3A_2995, %mul3A_3004 : vector<16xi32>
    %mul3A_3006 = arith.constant 2048 : i32
    %mul3A_3007 = vector.broadcast %mul3A_3006 : i32 to vector<16xi32>
    %mul3A_3008 = arith.muli %mul3A_3007, %sub3A_3005 : vector<16xi32>
    %add3A_3009 = arith.addi %and3A_2953, %mul3A_3008 : vector<16xi32>
    %swap3A_3010 = arith.constant 496 : index
    %swap3A_3011 = tpu.vector_load %arg10[%swap3A_3010] {strides = array<i32>} : memref<512xi32, #tpu.memory_space<vmem>>, vector<16xi32>,
    %swap3A_3012 = vector.shape_cast %swap3A_3011 : vector<16xi32> to vector<16xi32>
    %swap3A_3013 = vector.shape_cast %add3A_3009 : vector<16xi32> to vector<16xi32>
    tpu.vector_store %arg10[%swap3A_3010], %swap3A_3013 {strides = array<i32>} : memref<512xi32, #tpu.memory_space<vmem>>, vector<16xi32>,
    %dma_start3A_3014 = arith.constant 0 : i32
    %dma_start3A_3015 = arith.constant 0 : i32
    %dma_start3A_3016 = arith.constant 0 : i32
    %dma_start3A_3017 = tpu.memref_slice %arg11[%dma_start3A_3015, %dma_start3A_3016] : memref<512x128xf32, #tpu.memory_space<vmem>> -> memref<128x128xf32, #tpu.memory_space<vmem>>
    %dma_start3A_3018 = arith.constant 0 : i32
    %dma_start3A_3019 = tpu.memref_slice %arg10[%dma_start3A_3018] : memref<512xi32, #tpu.memory_space<vmem>> -> memref<128xi32, #tpu.memory_space<vmem>>
    %dma_start3A_3020 = arith.constant 0 : i32
    %dma_start3A_3021 = arith.constant 0 : i32
    %dma_start3A_3022 = tpu.memref_slice %arg5[%dma_start3A_3020, %dma_start3A_3021] : memref<10240x128xf32, #tpu.memory_space<hbm>> -> memref<10240x128xf32, #tpu.memory_space<hbm>>
    %dma_start3A_3023 = tpu.memref_slice %arg13[%dma_start3A_3014] : memref<4x!tpu.dma_semaphore, #tpu.memory_space<semaphore_mem>> -> memref<1x!tpu.dma_semaphore, #tpu.memory_space<semaphore_mem>>
    %dma_start3A_3024 = tpu.memref_squeeze %dma_start3A_3023 : memref<1x!tpu.dma_semaphore, #tpu.memory_space<semaphore_mem>> -> memref<!tpu.dma_semaphore, #tpu.memory_space<semaphore_mem>>
    tpu.enqueue_indirect_dma source(%dma_start3A_3022 : memref<10240x128xf32, #tpu.memory_space<hbm>>) target(%dma_start3A_3017 : memref<128x128xf32, #tpu.memory_space<vmem>>) offsets(%dma_start3A_3019 : memref<128xi32, #tpu.memory_space<vmem>>) semaphore(%dma_start3A_3024 : memref<!tpu.dma_semaphore, #tpu.memory_space<semaphore_mem>>)
    %dma_start3A_3025 = arith.constant 1 : i32
    %dma_start3A_3026 = arith.constant 128 : i32
    %dma_start3A_3027 = arith.constant 0 : i32
    %dma_start3A_3028 = tpu.memref_slice %arg11[%dma_start3A_3026, %dma_start3A_3027] : memref<512x128xf32, #tpu.memory_space<vmem>> -> memref<128x128xf32, #tpu.memory_space<vmem>>
    %dma_start3A_3029 = arith.constant 128 : i32
    %dma_start3A_3030 = tpu.memref_slice %arg10[%dma_start3A_3029] : memref<512xi32, #tpu.memory_space<vmem>> -> memref<128xi32, #tpu.memory_space<vmem>>
    %dma_start3A_3031 = arith.constant 0 : i32
    %dma_start3A_3032 = arith.constant 0 : i32
    %dma_start3A_3033 = tpu.memref_slice %arg5[%dma_start3A_3031, %dma_start3A_3032] : memref<10240x128xf32, #tpu.memory_space<hbm>> -> memref<10240x128xf32, #tpu.memory_space<hbm>>
    %dma_start3A_3034 = tpu.memref_slice %arg13[%dma_start3A_3025] : memref<4x!tpu.dma_semaphore, #tpu.memory_space<semaphore_mem>> -> memref<1x!tpu.dma_semaphore, #tpu.memory_space<semaphore_mem>>
    %dma_start3A_3035 = tpu.memref_squeeze %dma_start3A_3034 : memref<1x!tpu.dma_semaphore, #tpu.memory_space<semaphore_mem>> -> memref<!tpu.dma_semaphore, #tpu.memory_space<semaphore_mem>>
    tpu.enqueue_indirect_dma source(%dma_start3A_3033 : memref<10240x128xf32, #tpu.memory_space<hbm>>) target(%dma_start3A_3028 : memref<128x128xf32, #tpu.memory_space<vmem>>) offsets(%dma_start3A_3030 : memref<128xi32, #tpu.memory_space<vmem>>) semaphore(%dma_start3A_3035 : memref<!tpu.dma_semaphore, #tpu.memory_space<semaphore_mem>>)
    %dma_start3A_3036 = arith.constant 2 : i32
    %dma_start3A_3037 = arith.constant 256 : i32
    %dma_start3A_3038 = arith.constant 0 : i32
    %dma_start3A_3039 = tpu.memref_slice %arg11[%dma_start3A_3037, %dma_start3A_3038] : memref<512x128xf32, #tpu.memory_space<vmem>> -> memref<128x128xf32, #tpu.memory_space<vmem>>
    %dma_start3A_3040 = arith.constant 256 : i32
    %dma_start3A_3041 = tpu.memref_slice %arg10[%dma_start3A_3040] : memref<512xi32, #tpu.memory_space<vmem>> -> memref<128xi32, #tpu.memory_space<vmem>>
    %dma_start3A_3042 = arith.constant 0 : i32
    %dma_start3A_3043 = arith.constant 0 : i32
    %dma_start3A_3044 = tpu.memref_slice %arg5[%dma_start3A_3042, %dma_start3A_3043] : memref<10240x128xf32, #tpu.memory_space<hbm>> -> memref<10240x128xf32, #tpu.memory_space<hbm>>
    %dma_start3A_3045 = tpu.memref_slice %arg13[%dma_start3A_3036] : memref<4x!tpu.dma_semaphore, #tpu.memory_space<semaphore_mem>> -> memref<1x!tpu.dma_semaphore, #tpu.memory_space<semaphore_mem>>
    %dma_start3A_3046 = tpu.memref_squeeze %dma_start3A_3045 : memref<1x!tpu.dma_semaphore, #tpu.memory_space<semaphore_mem>> -> memref<!tpu.dma_semaphore, #tpu.memory_space<semaphore_mem>>
    tpu.enqueue_indirect_dma source(%dma_start3A_3044 : memref<10240x128xf32, #tpu.memory_space<hbm>>) target(%dma_start3A_3039 : memref<128x128xf32, #tpu.memory_space<vmem>>) offsets(%dma_start3A_3041 : memref<128xi32, #tpu.memory_space<vmem>>) semaphore(%dma_start3A_3046 : memref<!tpu.dma_semaphore, #tpu.memory_space<semaphore_mem>>)
    %dma_start3A_3047 = arith.constant 3 : i32
    %dma_start3A_3048 = arith.constant 384 : i32
    %dma_start3A_3049 = arith.constant 0 : i32
    %dma_start3A_3050 = tpu.memref_slice %arg11[%dma_start3A_3048, %dma_start3A_3049] : memref<512x128xf32, #tpu.memory_space<vmem>> -> memref<128x128xf32, #tpu.memory_space<vmem>>
    %dma_start3A_3051 = arith.constant 384 : i32
    %dma_start3A_3052 = tpu.memref_slice %arg10[%dma_start3A_3051] : memref<512xi32, #tpu.memory_space<vmem>> -> memref<128xi32, #tpu.memory_space<vmem>>
    %dma_start3A_3053 = arith.constant 0 : i32
    %dma_start3A_3054 = arith.constant 0 : i32
    %dma_start3A_3055 = tpu.memref_slice %arg5[%dma_start3A_3053, %dma_start3A_3054] : memref<10240x128xf32, #tpu.memory_space<hbm>> -> memref<10240x128xf32, #tpu.memory_space<hbm>>
    %dma_start3A_3056 = tpu.memref_slice %arg13[%dma_start3A_3047] : memref<4x!tpu.dma_semaphore, #tpu.memory_space<semaphore_mem>> -> memref<1x!tpu.dma_semaphore, #tpu.memory_space<semaphore_mem>>
    %dma_start3A_3057 = tpu.memref_squeeze %dma_start3A_3056 : memref<1x!tpu.dma_semaphore, #tpu.memory_space<semaphore_mem>> -> memref<!tpu.dma_semaphore, #tpu.memory_space<semaphore_mem>>
    tpu.enqueue_indirect_dma source(%dma_start3A_3055 : memref<10240x128xf32, #tpu.memory_space<hbm>>) target(%dma_start3A_3050 : memref<128x128xf32, #tpu.memory_space<vmem>>) offsets(%dma_start3A_3052 : memref<128xi32, #tpu.memory_space<vmem>>) semaphore(%dma_start3A_3057 : memref<!tpu.dma_semaphore, #tpu.memory_space<semaphore_mem>>)
    %dma_wait3A_3058 = arith.constant 0 : i32
    %dma_wait3A_3059 = arith.constant 0 : i32
    %dma_wait3A_3060 = arith.constant 0 : i32
    %dma_wait3A_3061 = tpu.memref_slice %arg11[%dma_wait3A_3059, %dma_wait3A_3060] : memref<512x128xf32, #tpu.memory_space<vmem>> -> memref<128x128xf32, #tpu.memory_space<vmem>>
    %dma_wait3A_3062 = arith.constant 0 : i32
    %dma_wait3A_3063 = tpu.memref_slice %arg10[%dma_wait3A_3062] : memref<512xi32, #tpu.memory_space<vmem>> -> memref<128xi32, #tpu.memory_space<vmem>>
    %dma_wait3A_3064 = arith.constant 0 : i32
    %dma_wait3A_3065 = arith.constant 0 : i32
    %dma_wait3A_3066 = tpu.memref_slice %arg5[%dma_wait3A_3064, %dma_wait3A_3065] : memref<10240x128xf32, #tpu.memory_space<hbm>> -> memref<10240x128xf32, #tpu.memory_space<hbm>>
    %dma_wait3A_3067 = tpu.memref_slice %arg13[%dma_wait3A_3058] : memref<4x!tpu.dma_semaphore, #tpu.memory_space<semaphore_mem>> -> memref<1x!tpu.dma_semaphore, #tpu.memory_space<semaphore_mem>>
    %dma_wait3A_3068 = tpu.memref_squeeze %dma_wait3A_3067 : memref<1x!tpu.dma_semaphore, #tpu.memory_space<semaphore_mem>> -> memref<!tpu.dma_semaphore, #tpu.memory_space<semaphore_mem>>
    tpu.wait_indirect_dma semaphore(%dma_wait3A_3068 : memref<!tpu.dma_semaphore, #tpu.memory_space<semaphore_mem>>) src(%dma_wait3A_3066 : memref<10240x128xf32, #tpu.memory_space<hbm>>) dst(%dma_wait3A_3061 : memref<128x128xf32, #tpu.memory_space<vmem>>)
    %add3A_3069 = arith.constant 0 : i32
    %add3A_3070 = arith.addi %mul3A_2, %add3A_3069 : i32
    %dma_start3A_3071 = arith.constant 0 : i32
    %dma_start3A_3072 = arith.constant 0 : i32
    %dma_start3A_3073 = arith.constant 0 : i32
    %dma_start3A_3074 = tpu.memref_slice %arg11[%dma_start3A_3072, %dma_start3A_3073] : memref<512x128xf32, #tpu.memory_space<vmem>> -> memref<128x128xf32, #tpu.memory_space<vmem>>
    %dma_start3A_3075 = arith.constant 0 : i32
    %dma_start3A_3076 = tpu.memref_slice %arg6[%add3A_3070, %dma_start3A_3075] : memref<16384x128xf32, #tpu.memory_space<hbm>> -> memref<128x128xf32, #tpu.memory_space<hbm>>
    %dma_start3A_3077 = tpu.memref_slice %arg14[%dma_start3A_3071] : memref<4x!tpu.dma_semaphore, #tpu.memory_space<semaphore_mem>> -> memref<1x!tpu.dma_semaphore, #tpu.memory_space<semaphore_mem>>
    %dma_start3A_3078 = tpu.memref_squeeze %dma_start3A_3077 : memref<1x!tpu.dma_semaphore, #tpu.memory_space<semaphore_mem>> -> memref<!tpu.dma_semaphore, #tpu.memory_space<semaphore_mem>>
    %dma_start3A_3079 = arith.constant 0 : i32
    %dma_start3A_3080 = tpu.memref_slice %arg6[%add3A_3070, %dma_start3A_3079] : memref<16384x128xf32, #tpu.memory_space<hbm>> -> memref<128x128xf32, #tpu.memory_space<hbm>>
    %dma_start3A_3081 = arith.constant 0 : i32
    %dma_start3A_3082 = arith.constant 0 : i32
    %dma_start3A_3083 = tpu.memref_slice %arg11[%dma_start3A_3081, %dma_start3A_3082] : memref<512x128xf32, #tpu.memory_space<vmem>> -> memref<128x128xf32, #tpu.memory_space<vmem>>
    tpu.enqueue_dma source(%dma_start3A_3083 : memref<128x128xf32, #tpu.memory_space<vmem>>) target(%dma_start3A_3080 : memref<128x128xf32, #tpu.memory_space<hbm>>) target_semaphore(%dma_start3A_3078 : memref<!tpu.dma_semaphore, #tpu.memory_space<semaphore_mem>>)
    %dma_wait3A_3084 = arith.constant 1 : i32
    %dma_wait3A_3085 = arith.constant 128 : i32
    %dma_wait3A_3086 = arith.constant 0 : i32
    %dma_wait3A_3087 = tpu.memref_slice %arg11[%dma_wait3A_3085, %dma_wait3A_3086] : memref<512x128xf32, #tpu.memory_space<vmem>> -> memref<128x128xf32, #tpu.memory_space<vmem>>
    %dma_wait3A_3088 = arith.constant 128 : i32
    %dma_wait3A_3089 = tpu.memref_slice %arg10[%dma_wait3A_3088] : memref<512xi32, #tpu.memory_space<vmem>> -> memref<128xi32, #tpu.memory_space<vmem>>
    %dma_wait3A_3090 = arith.constant 0 : i32
    %dma_wait3A_3091 = arith.constant 0 : i32
    %dma_wait3A_3092 = tpu.memref_slice %arg5[%dma_wait3A_3090, %dma_wait3A_3091] : memref<10240x128xf32, #tpu.memory_space<hbm>> -> memref<10240x128xf32, #tpu.memory_space<hbm>>
    %dma_wait3A_3093 = tpu.memref_slice %arg13[%dma_wait3A_3084] : memref<4x!tpu.dma_semaphore, #tpu.memory_space<semaphore_mem>> -> memref<1x!tpu.dma_semaphore, #tpu.memory_space<semaphore_mem>>
    %dma_wait3A_3094 = tpu.memref_squeeze %dma_wait3A_3093 : memref<1x!tpu.dma_semaphore, #tpu.memory_space<semaphore_mem>> -> memref<!tpu.dma_semaphore, #tpu.memory_space<semaphore_mem>>
    tpu.wait_indirect_dma semaphore(%dma_wait3A_3094 : memref<!tpu.dma_semaphore, #tpu.memory_space<semaphore_mem>>) src(%dma_wait3A_3092 : memref<10240x128xf32, #tpu.memory_space<hbm>>) dst(%dma_wait3A_3087 : memref<128x128xf32, #tpu.memory_space<vmem>>)
    %add3A_3095 = arith.constant 128 : i32
    %add3A_3096 = arith.addi %mul3A_2, %add3A_3095 : i32
    %dma_start3A_3097 = arith.constant 1 : i32
    %dma_start3A_3098 = arith.constant 128 : i32
    %dma_start3A_3099 = arith.constant 0 : i32
    %dma_start3A_3100 = tpu.memref_slice %arg11[%dma_start3A_3098, %dma_start3A_3099] : memref<512x128xf32, #tpu.memory_space<vmem>> -> memref<128x128xf32, #tpu.memory_space<vmem>>
    %dma_start3A_3101 = arith.constant 0 : i32
    %dma_start3A_3102 = tpu.memref_slice %arg6[%add3A_3096, %dma_start3A_3101] : memref<16384x128xf32, #tpu.memory_space<hbm>> -> memref<128x128xf32, #tpu.memory_space<hbm>>
    %dma_start3A_3103 = tpu.memref_slice %arg14[%dma_start3A_3097] : memref<4x!tpu.dma_semaphore, #tpu.memory_space<semaphore_mem>> -> memref<1x!tpu.dma_semaphore, #tpu.memory_space<semaphore_mem>>
    %dma_start3A_3104 = tpu.memref_squeeze %dma_start3A_3103 : memref<1x!tpu.dma_semaphore, #tpu.memory_space<semaphore_mem>> -> memref<!tpu.dma_semaphore, #tpu.memory_space<semaphore_mem>>
    %dma_start3A_3105 = arith.constant 0 : i32
    %dma_start3A_3106 = tpu.memref_slice %arg6[%add3A_3096, %dma_start3A_3105] : memref<16384x128xf32, #tpu.memory_space<hbm>> -> memref<128x128xf32, #tpu.memory_space<hbm>>
    %dma_start3A_3107 = arith.constant 128 : i32
    %dma_start3A_3108 = arith.constant 0 : i32
    %dma_start3A_3109 = tpu.memref_slice %arg11[%dma_start3A_3107, %dma_start3A_3108] : memref<512x128xf32, #tpu.memory_space<vmem>> -> memref<128x128xf32, #tpu.memory_space<vmem>>
    tpu.enqueue_dma source(%dma_start3A_3109 : memref<128x128xf32, #tpu.memory_space<vmem>>) target(%dma_start3A_3106 : memref<128x128xf32, #tpu.memory_space<hbm>>) target_semaphore(%dma_start3A_3104 : memref<!tpu.dma_semaphore, #tpu.memory_space<semaphore_mem>>)
    %dma_wait3A_3110 = arith.constant 2 : i32
    %dma_wait3A_3111 = arith.constant 256 : i32
    %dma_wait3A_3112 = arith.constant 0 : i32
    %dma_wait3A_3113 = tpu.memref_slice %arg11[%dma_wait3A_3111, %dma_wait3A_3112] : memref<512x128xf32, #tpu.memory_space<vmem>> -> memref<128x128xf32, #tpu.memory_space<vmem>>
    %dma_wait3A_3114 = arith.constant 256 : i32
    %dma_wait3A_3115 = tpu.memref_slice %arg10[%dma_wait3A_3114] : memref<512xi32, #tpu.memory_space<vmem>> -> memref<128xi32, #tpu.memory_space<vmem>>
    %dma_wait3A_3116 = arith.constant 0 : i32
    %dma_wait3A_3117 = arith.constant 0 : i32
    %dma_wait3A_3118 = tpu.memref_slice %arg5[%dma_wait3A_3116, %dma_wait3A_3117] : memref<10240x128xf32, #tpu.memory_space<hbm>> -> memref<10240x128xf32, #tpu.memory_space<hbm>>
    %dma_wait3A_3119 = tpu.memref_slice %arg13[%dma_wait3A_3110] : memref<4x!tpu.dma_semaphore, #tpu.memory_space<semaphore_mem>> -> memref<1x!tpu.dma_semaphore, #tpu.memory_space<semaphore_mem>>
    %dma_wait3A_3120 = tpu.memref_squeeze %dma_wait3A_3119 : memref<1x!tpu.dma_semaphore, #tpu.memory_space<semaphore_mem>> -> memref<!tpu.dma_semaphore, #tpu.memory_space<semaphore_mem>>
    tpu.wait_indirect_dma semaphore(%dma_wait3A_3120 : memref<!tpu.dma_semaphore, #tpu.memory_space<semaphore_mem>>) src(%dma_wait3A_3118 : memref<10240x128xf32, #tpu.memory_space<hbm>>) dst(%dma_wait3A_3113 : memref<128x128xf32, #tpu.memory_space<vmem>>)
    %add3A_3121 = arith.constant 256 : i32
    %add3A_3122 = arith.addi %mul3A_2, %add3A_3121 : i32
    %dma_start3A_3123 = arith.constant 2 : i32
    %dma_start3A_3124 = arith.constant 256 : i32
    %dma_start3A_3125 = arith.constant 0 : i32
    %dma_start3A_3126 = tpu.memref_slice %arg11[%dma_start3A_3124, %dma_start3A_3125] : memref<512x128xf32, #tpu.memory_space<vmem>> -> memref<128x128xf32, #tpu.memory_space<vmem>>
    %dma_start3A_3127 = arith.constant 0 : i32
    %dma_start3A_3128 = tpu.memref_slice %arg6[%add3A_3122, %dma_start3A_3127] : memref<16384x128xf32, #tpu.memory_space<hbm>> -> memref<128x128xf32, #tpu.memory_space<hbm>>
    %dma_start3A_3129 = tpu.memref_slice %arg14[%dma_start3A_3123] : memref<4x!tpu.dma_semaphore, #tpu.memory_space<semaphore_mem>> -> memref<1x!tpu.dma_semaphore, #tpu.memory_space<semaphore_mem>>
    %dma_start3A_3130 = tpu.memref_squeeze %dma_start3A_3129 : memref<1x!tpu.dma_semaphore, #tpu.memory_space<semaphore_mem>> -> memref<!tpu.dma_semaphore, #tpu.memory_space<semaphore_mem>>
    %dma_start3A_3131 = arith.constant 0 : i32
    %dma_start3A_3132 = tpu.memref_slice %arg6[%add3A_3122, %dma_start3A_3131] : memref<16384x128xf32, #tpu.memory_space<hbm>> -> memref<128x128xf32, #tpu.memory_space<hbm>>
    %dma_start3A_3133 = arith.constant 256 : i32
    %dma_start3A_3134 = arith.constant 0 : i32
    %dma_start3A_3135 = tpu.memref_slice %arg11[%dma_start3A_3133, %dma_start3A_3134] : memref<512x128xf32, #tpu.memory_space<vmem>> -> memref<128x128xf32, #tpu.memory_space<vmem>>
    tpu.enqueue_dma source(%dma_start3A_3135 : memref<128x128xf32, #tpu.memory_space<vmem>>) target(%dma_start3A_3132 : memref<128x128xf32, #tpu.memory_space<hbm>>) target_semaphore(%dma_start3A_3130 : memref<!tpu.dma_semaphore, #tpu.memory_space<semaphore_mem>>)
    %dma_wait3A_3136 = arith.constant 3 : i32
    %dma_wait3A_3137 = arith.constant 384 : i32
    %dma_wait3A_3138 = arith.constant 0 : i32
    %dma_wait3A_3139 = tpu.memref_slice %arg11[%dma_wait3A_3137, %dma_wait3A_3138] : memref<512x128xf32, #tpu.memory_space<vmem>> -> memref<128x128xf32, #tpu.memory_space<vmem>>
    %dma_wait3A_3140 = arith.constant 384 : i32
    %dma_wait3A_3141 = tpu.memref_slice %arg10[%dma_wait3A_3140] : memref<512xi32, #tpu.memory_space<vmem>> -> memref<128xi32, #tpu.memory_space<vmem>>
    %dma_wait3A_3142 = arith.constant 0 : i32
    %dma_wait3A_3143 = arith.constant 0 : i32
    %dma_wait3A_3144 = tpu.memref_slice %arg5[%dma_wait3A_3142, %dma_wait3A_3143] : memref<10240x128xf32, #tpu.memory_space<hbm>> -> memref<10240x128xf32, #tpu.memory_space<hbm>>
    %dma_wait3A_3145 = tpu.memref_slice %arg13[%dma_wait3A_3136] : memref<4x!tpu.dma_semaphore, #tpu.memory_space<semaphore_mem>> -> memref<1x!tpu.dma_semaphore, #tpu.memory_space<semaphore_mem>>
    %dma_wait3A_3146 = tpu.memref_squeeze %dma_wait3A_3145 : memref<1x!tpu.dma_semaphore, #tpu.memory_space<semaphore_mem>> -> memref<!tpu.dma_semaphore, #tpu.memory_space<semaphore_mem>>
    tpu.wait_indirect_dma semaphore(%dma_wait3A_3146 : memref<!tpu.dma_semaphore, #tpu.memory_space<semaphore_mem>>) src(%dma_wait3A_3144 : memref<10240x128xf32, #tpu.memory_space<hbm>>) dst(%dma_wait3A_3139 : memref<128x128xf32, #tpu.memory_space<vmem>>)
    %add3A_3147 = arith.constant 384 : i32
    %add3A_3148 = arith.addi %mul3A_2, %add3A_3147 : i32
    %dma_start3A_3149 = arith.constant 3 : i32
    %dma_start3A_3150 = arith.constant 384 : i32
    %dma_start3A_3151 = arith.constant 0 : i32
    %dma_start3A_3152 = tpu.memref_slice %arg11[%dma_start3A_3150, %dma_start3A_3151] : memref<512x128xf32, #tpu.memory_space<vmem>> -> memref<128x128xf32, #tpu.memory_space<vmem>>
    %dma_start3A_3153 = arith.constant 0 : i32
    %dma_start3A_3154 = tpu.memref_slice %arg6[%add3A_3148, %dma_start3A_3153] : memref<16384x128xf32, #tpu.memory_space<hbm>> -> memref<128x128xf32, #tpu.memory_space<hbm>>
    %dma_start3A_3155 = tpu.memref_slice %arg14[%dma_start3A_3149] : memref<4x!tpu.dma_semaphore, #tpu.memory_space<semaphore_mem>> -> memref<1x!tpu.dma_semaphore, #tpu.memory_space<semaphore_mem>>
    %dma_start3A_3156 = tpu.memref_squeeze %dma_start3A_3155 : memref<1x!tpu.dma_semaphore, #tpu.memory_space<semaphore_mem>> -> memref<!tpu.dma_semaphore, #tpu.memory_space<semaphore_mem>>
    %dma_start3A_3157 = arith.constant 0 : i32
    %dma_start3A_3158 = tpu.memref_slice %arg6[%add3A_3148, %dma_start3A_3157] : memref<16384x128xf32, #tpu.memory_space<hbm>> -> memref<128x128xf32, #tpu.memory_space<hbm>>
    %dma_start3A_3159 = arith.constant 384 : i32
    %dma_start3A_3160 = arith.constant 0 : i32
    %dma_start3A_3161 = tpu.memref_slice %arg11[%dma_start3A_3159, %dma_start3A_3160] : memref<512x128xf32, #tpu.memory_space<vmem>> -> memref<128x128xf32, #tpu.memory_space<vmem>>
    tpu.enqueue_dma source(%dma_start3A_3161 : memref<128x128xf32, #tpu.memory_space<vmem>>) target(%dma_start3A_3158 : memref<128x128xf32, #tpu.memory_space<hbm>>) target_semaphore(%dma_start3A_3156 : memref<!tpu.dma_semaphore, #tpu.memory_space<semaphore_mem>>)
    %dma_wait3A_3162 = arith.constant 0 : i32
    %dma_wait3A_3163 = arith.constant 0 : i32
    %dma_wait3A_3164 = arith.constant 0 : i32
    %dma_wait3A_3165 = tpu.memref_slice %arg11[%dma_wait3A_3163, %dma_wait3A_3164] : memref<512x128xf32, #tpu.memory_space<vmem>> -> memref<128x128xf32, #tpu.memory_space<vmem>>
    %dma_wait3A_3166 = arith.constant 0 : i32
    %dma_wait3A_3167 = tpu.memref_slice %arg6[%add3A_3070, %dma_wait3A_3166] : memref<16384x128xf32, #tpu.memory_space<hbm>> -> memref<128x128xf32, #tpu.memory_space<hbm>>
    %dma_wait3A_3168 = tpu.memref_slice %arg14[%dma_wait3A_3162] : memref<4x!tpu.dma_semaphore, #tpu.memory_space<semaphore_mem>> -> memref<1x!tpu.dma_semaphore, #tpu.memory_space<semaphore_mem>>
    %dma_wait3A_3169 = tpu.memref_squeeze %dma_wait3A_3168 : memref<1x!tpu.dma_semaphore, #tpu.memory_space<semaphore_mem>> -> memref<!tpu.dma_semaphore, #tpu.memory_space<semaphore_mem>>
    %dma_wait3A_3170 = arith.constant 0 : i32
    %dma_wait3A_3171 = tpu.memref_slice %arg6[%add3A_3070, %dma_wait3A_3170] : memref<16384x128xf32, #tpu.memory_space<hbm>> -> memref<128x128xf32, #tpu.memory_space<hbm>>
    %dma_wait3A_3172 = arith.constant 0 : i32
    %dma_wait3A_3173 = arith.constant 0 : i32
    %dma_wait3A_3174 = tpu.memref_slice %arg11[%dma_wait3A_3172, %dma_wait3A_3173] : memref<512x128xf32, #tpu.memory_space<vmem>> -> memref<128x128xf32, #tpu.memory_space<vmem>>
    tpu.wait_dma2 semaphore(%dma_wait3A_3169 : memref<!tpu.dma_semaphore, #tpu.memory_space<semaphore_mem>>) src(%dma_wait3A_3174 : memref<128x128xf32, #tpu.memory_space<vmem>>) dst(%dma_wait3A_3171 : memref<128x128xf32, #tpu.memory_space<hbm>>)
    %dma_wait3A_3175 = arith.constant 1 : i32
    %dma_wait3A_3176 = arith.constant 128 : i32
    %dma_wait3A_3177 = arith.constant 0 : i32
    %dma_wait3A_3178 = tpu.memref_slice %arg11[%dma_wait3A_3176, %dma_wait3A_3177] : memref<512x128xf32, #tpu.memory_space<vmem>> -> memref<128x128xf32, #tpu.memory_space<vmem>>
    %dma_wait3A_3179 = arith.constant 0 : i32
    %dma_wait3A_3180 = tpu.memref_slice %arg6[%add3A_3096, %dma_wait3A_3179] : memref<16384x128xf32, #tpu.memory_space<hbm>> -> memref<128x128xf32, #tpu.memory_space<hbm>>
    %dma_wait3A_3181 = tpu.memref_slice %arg14[%dma_wait3A_3175] : memref<4x!tpu.dma_semaphore, #tpu.memory_space<semaphore_mem>> -> memref<1x!tpu.dma_semaphore, #tpu.memory_space<semaphore_mem>>
    %dma_wait3A_3182 = tpu.memref_squeeze %dma_wait3A_3181 : memref<1x!tpu.dma_semaphore, #tpu.memory_space<semaphore_mem>> -> memref<!tpu.dma_semaphore, #tpu.memory_space<semaphore_mem>>
    %dma_wait3A_3183 = arith.constant 0 : i32
    %dma_wait3A_3184 = tpu.memref_slice %arg6[%add3A_3096, %dma_wait3A_3183] : memref<16384x128xf32, #tpu.memory_space<hbm>> -> memref<128x128xf32, #tpu.memory_space<hbm>>
    %dma_wait3A_3185 = arith.constant 128 : i32
    %dma_wait3A_3186 = arith.constant 0 : i32
    %dma_wait3A_3187 = tpu.memref_slice %arg11[%dma_wait3A_3185, %dma_wait3A_3186] : memref<512x128xf32, #tpu.memory_space<vmem>> -> memref<128x128xf32, #tpu.memory_space<vmem>>
    tpu.wait_dma2 semaphore(%dma_wait3A_3182 : memref<!tpu.dma_semaphore, #tpu.memory_space<semaphore_mem>>) src(%dma_wait3A_3187 : memref<128x128xf32, #tpu.memory_space<vmem>>) dst(%dma_wait3A_3184 : memref<128x128xf32, #tpu.memory_space<hbm>>)
    %dma_wait3A_3188 = arith.constant 2 : i32
    %dma_wait3A_3189 = arith.constant 256 : i32
    %dma_wait3A_3190 = arith.constant 0 : i32
    %dma_wait3A_3191 = tpu.memref_slice %arg11[%dma_wait3A_3189, %dma_wait3A_3190] : memref<512x128xf32, #tpu.memory_space<vmem>> -> memref<128x128xf32, #tpu.memory_space<vmem>>
    %dma_wait3A_3192 = arith.constant 0 : i32
    %dma_wait3A_3193 = tpu.memref_slice %arg6[%add3A_3122, %dma_wait3A_3192] : memref<16384x128xf32, #tpu.memory_space<hbm>> -> memref<128x128xf32, #tpu.memory_space<hbm>>
    %dma_wait3A_3194 = tpu.memref_slice %arg14[%dma_wait3A_3188] : memref<4x!tpu.dma_semaphore, #tpu.memory_space<semaphore_mem>> -> memref<1x!tpu.dma_semaphore, #tpu.memory_space<semaphore_mem>>
    %dma_wait3A_3195 = tpu.memref_squeeze %dma_wait3A_3194 : memref<1x!tpu.dma_semaphore, #tpu.memory_space<semaphore_mem>> -> memref<!tpu.dma_semaphore, #tpu.memory_space<semaphore_mem>>
    %dma_wait3A_3196 = arith.constant 0 : i32
    %dma_wait3A_3197 = tpu.memref_slice %arg6[%add3A_3122, %dma_wait3A_3196] : memref<16384x128xf32, #tpu.memory_space<hbm>> -> memref<128x128xf32, #tpu.memory_space<hbm>>
    %dma_wait3A_3198 = arith.constant 256 : i32
    %dma_wait3A_3199 = arith.constant 0 : i32
    %dma_wait3A_3200 = tpu.memref_slice %arg11[%dma_wait3A_3198, %dma_wait3A_3199] : memref<512x128xf32, #tpu.memory_space<vmem>> -> memref<128x128xf32, #tpu.memory_space<vmem>>
    tpu.wait_dma2 semaphore(%dma_wait3A_3195 : memref<!tpu.dma_semaphore, #tpu.memory_space<semaphore_mem>>) src(%dma_wait3A_3200 : memref<128x128xf32, #tpu.memory_space<vmem>>) dst(%dma_wait3A_3197 : memref<128x128xf32, #tpu.memory_space<hbm>>)
    %dma_wait3A_3201 = arith.constant 3 : i32
    %dma_wait3A_3202 = arith.constant 384 : i32
    %dma_wait3A_3203 = arith.constant 0 : i32
    %dma_wait3A_3204 = tpu.memref_slice %arg11[%dma_wait3A_3202, %dma_wait3A_3203] : memref<512x128xf32, #tpu.memory_space<vmem>> -> memref<128x128xf32, #tpu.memory_space<vmem>>
    %dma_wait3A_3205 = arith.constant 0 : i32
    %dma_wait3A_3206 = tpu.memref_slice %arg6[%add3A_3148, %dma_wait3A_3205] : memref<16384x128xf32, #tpu.memory_space<hbm>> -> memref<128x128xf32, #tpu.memory_space<hbm>>
    %dma_wait3A_3207 = tpu.memref_slice %arg14[%dma_wait3A_3201] : memref<4x!tpu.dma_semaphore, #tpu.memory_space<semaphore_mem>> -> memref<1x!tpu.dma_semaphore, #tpu.memory_space<semaphore_mem>>
    %dma_wait3A_3208 = tpu.memref_squeeze %dma_wait3A_3207 : memref<1x!tpu.dma_semaphore, #tpu.memory_space<semaphore_mem>> -> memref<!tpu.dma_semaphore, #tpu.memory_space<semaphore_mem>>
    %dma_wait3A_3209 = arith.constant 0 : i32
    %dma_wait3A_3210 = tpu.memref_slice %arg6[%add3A_3148, %dma_wait3A_3209] : memref<16384x128xf32, #tpu.memory_space<hbm>> -> memref<128x128xf32, #tpu.memory_space<hbm>>
    %dma_wait3A_3211 = arith.constant 384 : i32
    %dma_wait3A_3212 = arith.constant 0 : i32
    %dma_wait3A_3213 = tpu.memref_slice %arg11[%dma_wait3A_3211, %dma_wait3A_3212] : memref<512x128xf32, #tpu.memory_space<vmem>> -> memref<128x128xf32, #tpu.memory_space<vmem>>
    tpu.wait_dma2 semaphore(%dma_wait3A_3208 : memref<!tpu.dma_semaphore, #tpu.memory_space<semaphore_mem>>) src(%dma_wait3A_3213 : memref<128x128xf32, #tpu.memory_space<vmem>>) dst(%dma_wait3A_3210 : memref<128x128xf32, #tpu.memory_space<hbm>>)
    return
  }
}

module attributes {stable_mosaic.version = 14 : i64} {
  func.func @_mm_body(%arg0: i32, %arg1: memref<1024x128xf32, #tpu.memory_space<vmem>>, %arg2: memref<2048x128xf32, #tpu.memory_space<vmem>>, %arg3: memref<1024x2048xf32, #tpu.memory_space<vmem>>) attributes {dimension_semantics = [#tpu.dimension_semantics<arbitrary>], iteration_bounds = array<i64: 16>, scalar_prefetch = 0 : i64, scratch_operands = 0 : i64, tpu.core_type = #tpu.core_type<tc>, window_params = [{transform_indices = @transform_0, window_bounds = array<i64: 1024, 128>}, {pipeline_mode = #tpu.pipeline_mode<synchronous>, transform_indices = @transform_1, window_bounds = array<i64: 2048, 128>}, {transform_indices = @transform_2, window_bounds = array<i64: 1024, 2048>}]} {
    %get3A = arith.constant 0 : index
    %get3A_0 = arith.constant 0 : index
    %get3A_1 = vector.load %arg1[%get3A, %get3A_0] : memref<1024x128xf32, #tpu.memory_space<vmem>>, vector<1024x128xf32>
    %convert_element_type3A = arith.truncf %get3A_1 : vector<1024x128xf32> to vector<1024x128xbf16>
    %get3A_2 = arith.constant 0 : index
    %get3A_3 = arith.constant 0 : index
    %get3A_4 = vector.load %arg2[%get3A_2, %get3A_3] : memref<2048x128xf32, #tpu.memory_space<vmem>>, vector<2048x128xf32>
    %convert_element_type3A_5 = arith.truncf %get3A_4 : vector<2048x128xf32> to vector<2048x128xbf16>
    %dot_general3A = arith.constant dense<0.000000e+00> : vector<1024x2048xf32>
    %dot_general3A_6 = tpu.matmul %convert_element_type3A, %convert_element_type3A_5, %dot_general3A {dimension_numbers = #tpu.dot_dimension_numbers<[1], [1], [0], [0], [0, 0, 1, 0], [], []>, transpose_lhs_hint = false} : vector<1024x128xbf16>, vector<2048x128xbf16>, vector<1024x2048xf32> -> vector<1024x2048xf32>
    %swap3A = arith.constant 0 : index
    %swap3A_7 = arith.constant 0 : index
    %swap3A_8 = vector.load %arg3[%swap3A, %swap3A_7] : memref<1024x2048xf32, #tpu.memory_space<vmem>>, vector<1024x2048xf32>
    tpu.vector_store %arg3[%swap3A, %swap3A_7], %dot_general3A_6 {strides = array<i32>} : memref<1024x2048xf32, #tpu.memory_space<vmem>>, vector<1024x2048xf32>,
    return
  }
  func.func @transform_0(%arg0: i32) -> (i32, i32) {
    %c0_i32 = arith.constant 0 : i32
    %c0_i32_0 = arith.constant 0 : i32
    return %arg0, %c0_i32 : i32, i32
  }
  func.func @transform_1(%arg0: i32) -> (i32, i32) {
    %c0_i32 = arith.constant 0 : i32
    %c0_i32_0 = arith.constant 0 : i32
    %c0_i32_1 = arith.constant 0 : i32
    return %c0_i32, %c0_i32_0 : i32, i32
  }
  func.func @transform_2(%arg0: i32) -> (i32, i32) {
    %c0_i32 = arith.constant 0 : i32
    %c0_i32_0 = arith.constant 0 : i32
    return %arg0, %c0_i32 : i32, i32
  }
}

</mosaic_0001>

<sc_bundles>
// kernel: kernel.4.cloned.1.call-start
scs
__scs_entry_jumppad:
0x0: {  	(pc) =	sbr.rel $0x88, $3  }
0x1: {  	(tag) =	ssettag $0x0;
	lr =	simm.s32 $0x1  }
0x2: {  	[smem:$0x3F9E] =	sst lr;
	_ =	strace $0xD0000000  }
0x3: {  	_ = 	snop  }
0x4: {  	_ = 	snop  }
0x5: {  	_ = 	snop  }
0x6: {  	_ = 	snop  }
0x7: {  	_ = 	snop  }
__scs_overlays_trampoline_lowered:
0x8: {  	[smem:$0x3FAD] =	sst s0  }
0x9: {  	[smem:$0x3FAE] =	sst s1  }
0xa: {  	[smem:$0x3FAF] =	sst s2  }
0xb: {  	[smem:$0x3FB0] =	sst s3  }
0xc: {  	[smem:$0x3FB1] =	sst s4  }
0xd: {  	[smem:$0x3FB2] =	sst s5  }
0xe: {  	[smem:$0x3FB3] =	sst s6  }
0xf: {  	[smem:$0x3FB4] =	sst s7  }
0x10: {  	[smem:$0x3FB5] =	sst s8  }
0x11: {  	[smem:$0x3FB6] =	sst s9;
	s0 =	simm.s32 @!p0 $0x0  }
0x12: {  	s1 =	sld [smem:$0x3F9C];
	s0 =	simm.s32 @p0 $0x1  }
0x13: {  	[smem:$0x3FB7] =	sst s0;
	s0 =	simm.s32 @!p1 $0x0  }
0x14: {  	s2 =	sld [smem:$0x3F9B];
	s0 =	simm.s32 @p1 $0x1  }
0x15: {  	[smem:$0x3FB8] =	sst s0;
	s0 =	simm.s32 @!p2 $0x0  }
0x16: {  	s3 =	sld [smem:$0x3FDB];
	s0 =	simm.s32 @p2 $0x1  }
0x17: {  	s4 =	simm.s32 $0x1BF5;
	[smem:$0x3FBA] =	sst s0  }
0x18: {  	s0 =	sld [smem:$0x3F9D];
	_ =	swait.ge [sflag:s4], $0x0  }
0x19: {  	s7 =	sld [smem:$0x3F9E]  }
0x1a: {  	s8 =	sadd.s32 $0xFFFFE003, lr  }
0x1b: {  	s9 =	sadd.s32 $0xFFFFFEF7, lr;
	s5 =	simm.s32 $0xFFFFFFFF;
	p2 =	slt.u32 s8, $0xFFFFF086  }
0x1c: {  	p1 =	slt.u32 s9, $0xF7A;
	s5 =	simm.s32 @!p2 $0x0  }
0x1d: {  	s5 =	simm.s32 @p1 $0x1;
	p0 =	seq.s32 s7, s2  }
0x1e: {  	s7 =	smul.u32 @!p0 $0xF7A, s2;
	p2 =	seq.s32 @!p0 s5, $0x0  }
0x1f: {  	s9 =	smul.u32 $0xF7A, s1;
	s8 =	simm.s32 @!p0 $0x1BF5;
	p2 =	por !p2, p0  }
0x20: {  	[sflag:s8] =	ssyncset.s32 @!p0 $0xFFFFF086;
	s6 =	sadd.s32 @!p0 s3, s7;
	s7 =	simm.s32 @!p0 $0x108  }
0x21: {  	s3 =	sadd.s32 s3, s9;
	s6 =	sadd.s32 @!p0 $0x88, s6;
	s7 =	simm.s32 @p2 $0x1082  }
0x22: {  	[simem:s7], [sflag:s8] =	dma.local @!p0 [hbm:s6], $0xF7A  }
0x23: {  	s9 =	sor.u32 $0xD0000000, s2;
	s6 =	simm.s32 $0x108;
	_ =	swait.ge @!p0 [sflag:s8], $0x0  }
0x24: {  	s3 =	sadd.s32 $0x88, s3;
	s6 =	simm.s32 @!p1 $0x1082;
	[sflag:s4] =	ssyncset.s32 $0xFFFFF086  }
0x25: {  	[simem:s6], [sflag:s4] =	dma.local [hbm:s3], $0xF7A  }
0x26: {  	[smem:$0x3F9E] =	sst s1;
	(tag) =	ssettag s2;
	_ =	strace s9  }
0x27: {  	s1 =	sld [smem:$0x3FAE]  }
0x28: {  	s2 =	sld [smem:$0x3FAF]  }
0x29: {  	s4 =	sld [smem:$0x3FB1]  }
0x2a: {  	p0 =	seq.s32 s5, $0x0;
	s5 =	sld [smem:$0x3FB2]  }
0x2b: {  	s6 =	sld [smem:$0x3FB3]  }
0x2c: {  	s7 =	sld [smem:$0x3FB4]  }
0x2d: {  	s3 =	simm.s32 $0x108;
	s8 =	sld [smem:$0x3FB5]  }
0x2e: {  	s3 =	simm.s32 @!p0 $0x1082;
	s9 =	sld [smem:$0x3FB6]  }
0x2f: {  	lr =	sadd.s32 s0, s3;
	s0 =	sld [smem:$0x3FAD]  }
0x30: {  	s3 =	sld [smem:$0x3FB0]  }
0x31: {  	[smem:$0x3FB9] =	sst s10  }
0x32: {  	s10 =	sld [smem:$0x3FB7];
	_ =	sdelay $0x3  }
0x33: {  	p0 =	seq.s32 s10, $0x1;
	s10 =	sld [smem:$0x3FB9];
	_ =	sdelay $0x3  }
0x34: {  	[smem:$0x3FB9] =	sst s10  }
0x35: {  	s10 =	sld [smem:$0x3FB8];
	_ =	sdelay $0x3  }
0x36: {  	p1 =	seq.s32 s10, $0x1;
	s10 =	sld [smem:$0x3FB9];
	_ =	sdelay $0x3  }
0x37: {  	[smem:$0x3FB9] =	sst s10  }
0x38: {  	s10 =	sld [smem:$0x3FBA]  }
0x39: {  	_ = 	snop;
	(pc) =	sbr.ind lr, $3  }
0x3a: {  	_ = 	snop  }
0x3b: {  	_ = 	snop  }
0x3c: {  	p2 =	seq.s32 s10, $0x1;
	s10 =	sld [smem:$0x3FB9]  }
0x3d: {  	_ =	shalt  }
0x3e: {  	_ =	shalt  }
0x3f: {  	_ =	shalt  }
0x40: {  	_ =	shalt  }
0x41: {  	_ =	shalt  }
0x42: {  	_ =	shalt  }
0x43: {  	_ =	shalt  }
0x44: {  	_ =	shalt  }
0x45: {  	_ =	shalt  }
0x46: {  	_ =	shalt  }
0x47: {  	_ =	shalt  }
0x48: {  	_ =	shalt  }
0x49: {  	_ =	shalt  }
0x4a: {  	_ =	shalt  }
0x4b: {  	_ =	shalt  }
0x4c: {  	_ =	shalt  }
0x4d: {  	_ =	shalt  }
0x4e: {  	_ =	shalt  }
0x4f: {  	_ =	shalt  }
0x50: {  	_ =	shalt  }
0x51: {  	_ =	shalt  }
0x52: {  	_ =	shalt  }
0x53: {  	_ =	shalt  }
0x54: {  	_ =	shalt  }
0x55: {  	_ =	shalt  }
0x56: {  	_ =	shalt  }
0x57: {  	_ =	shalt  }
0x58: {  	_ =	shalt  }
0x59: {  	_ =	shalt  }
0x5a: {  	_ =	shalt  }
0x5b: {  	_ =	shalt  }
0x5c: {  	_ =	shalt  }
0x5d: {  	_ =	shalt  }
0x5e: {  	_ =	shalt  }
0x5f: {  	_ =	shalt  }
0x60: {  	_ =	shalt  }
0x61: {  	_ =	shalt  }
0x62: {  	_ =	shalt  }
0x63: {  	_ =	shalt  }
0x64: {  	_ =	shalt  }
0x65: {  	_ =	shalt  }
0x66: {  	_ =	shalt  }
0x67: {  	_ =	shalt  }
0x68: {  	_ =	shalt  }
0x69: {  	_ =	shalt  }
0x6a: {  	_ =	shalt  }
0x6b: {  	_ =	shalt  }
0x6c: {  	_ =	shalt  }
0x6d: {  	_ =	shalt  }
0x6e: {  	_ =	shalt  }
0x6f: {  	_ =	shalt  }
0x70: {  	_ =	shalt  }
0x71: {  	_ =	shalt  }
0x72: {  	_ =	shalt  }
0x73: {  	_ =	shalt  }
0x74: {  	_ =	shalt  }
0x75: {  	_ =	shalt  }
0x76: {  	_ =	shalt  }
0x77: {  	_ =	shalt  }
0x78: {  	_ =	shalt  }
0x79: {  	_ =	shalt  }
0x7a: {  	_ =	shalt  }
0x7b: {  	_ =	shalt  }
0x7c: {  	_ =	shalt  }
0x7d: {  	_ =	shalt  }
0x7e: {  	_ =	shalt  }
0x7f: {  	_ =	shalt  }
0x80: {  	_ =	shalt  }
0x81: {  	_ =	shalt  }
0x82: {  	_ =	shalt  }
0x83: {  	_ =	shalt  }
0x84: {  	_ =	shalt  }
0x85: {  	_ =	shalt  }
0x86: {  	_ =	shalt  }
0x87: {  	_ =	shalt  }
.Lfunc_end0:
.L_simem_size_0:
called_computation_lowered:
.L_overlay_start_0:
0x88: {  	s2 =	sld [smem:$0x3FD9]  }
0x89: {  	s3 =	sld [smem:$0x3FFE];
	_ =	sdelay $0x1  }
0x8a: {  	s1 =	srdreg.scid  }
0x8b: {  	s0 =	sand.u32 $0x1, s1  }
0x8c: {  	s17 =	sshll.u32 s0, $0xA;
	s2 =	sadd.s32 s3, s2  }
0x8d: {  	s2 =	sadd.s32 s2, s17  }
0x8e: {  	[smem:$0x3FC5] =	sst s2  }
0x8f: {  	_ = 	snop  }
0x90: {  	s2 =	sld [smem:$0x3FC8]  }
0x91: {  	s18 =	sld [smem:$0x3FD0];
	(tm) =	ssettm $0x1  }
0x92: {  	s4 =	sld [smem:$0x3FFB];
	_ =	sdelay $0x3  }
0x93: {  	_ =	strace s4  }
0x94: {  	s4 =	sld [smem:$0x3FFC];
	_ =	sdelay $0x3  }
0x95: {  	_ =	strace s4  }
0x96: {  	s4 =	sld [smem:$0x3FFD];
	_ =	sdelay $0x3  }
0x97: {  	_ =	strace s4  }
0x98: {  	_ =	strace $0x8FFFFFFF  }
0x99: {  	s19 =	sld [smem:$0x3FDB];
	_ =	sdelay $0x1  }
0x9a: {  	s5 =	simm.s32 $_scs_section_size  }
0x9b: {  	s6 =	simm.s32 $_size__tile_overlayer_lowered;
	s7 =	simm.s32 $_tile_overlayer_lowered  }
0x9c: {  	s22 =	simm.s32 $0x1BFF;
	s21 =	sshll.u32 s7, $0x1;
	s4 =	sadd.s32 s5, s19  }
0x9d: {  	s8 =	simm.s32 $0x0;
	s20 =	sshll.u32 s6, $0x1;
	s6 =	sadd.s32 s21, s4  }
0x9e: {  	[timem:s8], [sflag:s22] =	dma.local [hbm:s6], s20  }
0x9f: {  	_ =	swait.ge [sflag:s22], s20  }
0xa0: {  	s5 =	ssub.s32 $0x0, s20;
	[sflag:s22] =	ssyncset.done $0x0  }
0xa1: {  	[sflag:s22] =	ssyncadd.s32 s5;
	_ =	sdelay $0x1  }
0xa2: {  	s23 =	simm.s32 $0x1B8B  }
0xa3: {  	_ =	swait.ge [sflag:s23], $0x1  }
0xa4: {  	[sflag:s23] =	ssyncset.done $0x0  }
0xa5: {  	s25 =	simm.s32 $0x1B8E;
	s24 =	sld [smem:$0x3FFE];
	[sflag:s23] =	ssyncadd.s32 $0xFFFFFFFF  }
0xa6: {  	s26 =	simm.s32 $execute0_lowered;
	[smem:$0x3FD2] =	sst s25  }
0xa7: {  	s6 =	sshll.u32 s26, $0x1;
	_ =	strace $0x80000046;
	[dreg:$0x1] =	wrdreg $0xFFFFFFFF  }
0xa8: {  	s28 =	simm.s32 $_size_execute0_lowered;
	s4 =	sadd.s32 s4, s6;
	[dreg:$0x0] =	wrdreg $0x0  }
0xa9: {  	s6 =	sshll.u32 s28, $0x1;
	[dreg:$0x2] =	wrdreg s4  }
0xaa: {  	[dreg:$0x3] =	wrdreg s6  }
0xab: {  	[dreg:$0x4] =	wrdreg $0xC0  }
0xac: {  	_ =	task [dreg:s8], $0x5FFFF  }
0xad: {  	[dreg:$0x1] =	wrdreg $0xFFFFFFFF  }
0xae: {  	[dreg:$0x0] =	wrdreg $0x60  }
0xaf: {  	[dreg:$0x2] =	wrdreg s24  }
0xb0: {  	[dreg:$0x3] =	wrdreg s2  }
0xb1: {  	[dreg:$0x4] =	wrdreg s18  }
0xb2: {  	[dreg:$0x5] =	wrdreg $0x9  }
0xb3: {  	_ =	task.clear_ibuf [dreg:s8], $0x6FFFF;
	_ =	strace $0x90000046  }
0xb4: {  	s29 =	simm.s32 $0x9;
	_ =	strace $0x80000048  }
0xb5: {  	_ =	swait.ge [sflag:s29], $0x1  }
0xb6: {  	[sflag:s29] =	ssyncadd.s32 $0xFFFFFFFF  }
0xb7: {  	_ =	strace $0x90000048  }
0xb8: {  	_ =	sfence  }
0xb9: {  	s30 =	sld [smem:$0x0];
	_ =	sdelay $0x2  }
0xba: {  	s31 =	sshll.u32 s1, $0xD;
	s1 =	sshrl.u32 s1, $0x2  }
0xbb: {  	s3 =	sand.u32 $0x4000, s31;
	s1 =	sadd.s32 s1, s30  }
0xbc: {  	s0 =	sor.u32 s3, s0;
	s1 =	sshll.u32 s1, $0x11  }
0xbd: {  	s0 =	sor.u32 s1, s0  }
0xbe: {  	s0 =	sadd.s32 $0x8F2B, s0  }
0xbf: {  	[sflag:s0] =	ssyncadd.remote.s32 $0x1  }
0xc0: {  	_ =	sfence.sel $0xFFFF  }
0xc1: {  	[dreg:$0x0] =	wrdreg $0xFFFFFFFF;
	(pc) =	sbr.abs _section_cstart, $3  }
0xc2: {  	[dreg:$0x1] =	wrdreg $0xFFFFFFFF  }
0xc3: {  	_ =	task.clear_ibuf [dreg:s8], $0x2FFFF;
	_ =	strace $0x9FFFFFFF  }
0xc4: {  	(tm) =	ssettm $0x7FFFFFFF  }
0xc5: {  	_ =	shalt  }
tec
execute0_lowered:
.L_overlay_start_1:
0x0: {  	(tag) =	ssettag $0x1  }
0x1: {  	s4 =	rddreg [dreg:$0x0]  }
0x2: {  	s1 =	srdreg.scid;
	s2 =	rddreg [dreg:$0x1]  }
0x3: {  	s0 =	stileid.u32;
	s6 =	rddreg [dreg:$0x2]  }
0x4: {  	s11 =	simm.s32 $0x200;
	s12 =	simm.s32 $0x400;
	s13 =	simm.s32 $0x1  }
0x5: {  	s14 =	simm.s32 $0x80;
	s15 =	simm.s32 $0x600;
	s16 =	simm.s32 $0x800  }
0x6: {  	s17 =	simm.s32 $0x680;
	s18 =	simm.s32 $0x4800;
	s19 =	simm.s32 $0x700  }
0x7: {  	s20 =	simm.s32 $0x8800;
	s21 =	simm.s32 $0x780;
	s22 =	simm.s32 $0xC800  }
0x8: {  	s23 =	simm.s32 $0x2;
	s24 =	simm.s32 $0x3;
	s28 =	simm.s32 $0x6  }
0x9: {  	s29 =	simm.s32 $0x7;
	s30 =	simm.s32 $0x8;
	s5 =	sand.u32 $0x1, s1  }
0xa: {  	s31 =	simm.s32 $0x9;
	s25 =	sshll.u32 s0, $0xA;
	s3 =	sshll.u32 s5, $0x9  }
0xb: {  	s26 =	ssub.s32 $0x2, s5;
	s7 =	sor.u32 s3, s25;
	s3 =	simm.s32 $0x0  }
0xc: {  	s5 =	sshrl.u32 s26, $0x1;
	s25 =	simm.s32 $0x4;
	s8 =	sshrl.u32 s7, $0x3  }
0xd: {  	[smem:$0x7FF] =	sst s3;
	s10 =	ssub.s32 s26, s5;
	s7 =	sshll.u32 s7, $0x4  }
0xe: {  	s26 =	simm.s32 $0x5;
	s8 =	sadd.s32 s8, s4;
	_ =	strace $0x80000047  }
0xf: {  	s6 =	sadd.s32 s6, s7;
	s10 =	smax.u32 s10, $0x1;
	s9 =	sadd.s32 $0xA00, s8  }
0x10: {  	s4 =	sadd.s32 $0x1A00, s8;
	s5 =	sadd.s32 $0x1200, s8;
	s7 =	sadd.s32 $0x800, s6  }
0x11: {  	s8 =	sadd.s32 $0x1000, s6;
	[dreg:$0x4] =	wrdreg s9;
	s9 =	sadd.s32 $0x1800, s6  }
.LBB2_1:
0x12: {  	s1 =	rddreg [dreg:$0x4]  }
0x13: {  	[tilespmem:s3], [sflag:$0x1] =	stream.linear.gather [hbm4b:s1+s3], $0x200, $0x38;
	[tilespmem:$0x10800] =	vst v63  }
0x14: {  	_ = 	snop  }
0x15: {  	[tilespmem:s11], [sflag:$0x1] =	stream.linear.gather [hbm4b:s4+s3], $0x200, $0x38;
	[tilespmem:$0x10800] =	vst v63  }
0x16: {  	_ = 	snop  }
0x17: {  	[tilespmem:s12], [sflag:$0x1] =	stream.linear.gather [hbm4b:s5+s3], $0x200, $0x38;
	[tilespmem:$0x10800] =	vst v63  }
0x18: {  	_ =	swait.ge [sflag:s13], $0x200  }
0x19: {  	[sflag:s13] =	ssyncset.done $0x0  }
0x1a: {  	[sflag:s13] =	ssyncadd.s32 $0xFFFFFE00  }
0x1b: {  	_ =	swait.ge [sflag:s13], $0x200  }
0x1c: {  	[sflag:s13] =	ssyncset.done $0x0  }
0x1d: {  	[sflag:s13] =	ssyncadd.s32 $0xFFFFFE00  }
0x1e: {  	_ =	swait.ge [sflag:s13], $0x200  }
0x1f: {  	[sflag:s13] =	ssyncset.done $0x0  }
0x20: {  	[sflag:s13] =	ssyncadd.s32 $0xFFFFFE00  }
0x21: {  	v0 =	vld [tilespmem:$0x200]  }
0x22: {  	v1 =	vld [tilespmem:$0x400]  }
0x23: {  	v2 =	vld [tilespmem:$0x0]  }
0x24: {  	v61 =	vld [tilespmem:$0x210]  }
0x25: {  	v5 =	vld [tilespmem:$0x410]  }
0x26: {  	v12 =	vld [tilespmem:$0x220]  }
0x27: {  	v19 =	vld [tilespmem:$0x230]  }
0x28: {  	v32 =	vld [tilespmem:$0x240]  }
0x29: {  	v49 =	vld [tilespmem:$0x250]  }
0x2a: {  	v3 =	vmul.u32 $0xAB1CDA1, v0;
	v1 =	vmul.u32 $0x7A69, v1;
	v4 =	vmul.u32 $0xCDA1, v0  }
0x2b: {  	v0 =	vmul.u32 $0xAB1, v0;
	v7 =	vmul.u32 $0xAB1CDA1, v61;
	v5 =	vmul.u32 $0x7A69, v5  }
0x2c: {  	v9 =	vmul.u32 $0xCDA1, v61;
	v16 =	vmul.u32 $0xCDA1, v12;
	v25 =	vmul.u32 $0xCDA1, v19  }
0x2d: {  	v26 =	vmul.u32 $0xAB1, v19;
	v40 =	vmul.u32 $0xAB1CDA1, v32;
	v41 =	vmul.u32 $0xCDA1, v32  }
0x2e: {  	v42 =	vmul.u32 $0xAB1, v32;
	v56 =	vmul.u32 $0xAB1CDA1, v49;
	v2 =	vxor.u32 v2, v3  }
0x2f: {  	v63 =	vld [tilespmem:$0x10];
	v57 =	vshrl.u32 v4, $0x10;
	v4 =	vmul.u32 $0xAB1, v61;
	v1 =	vxor.u32 v1, v2  }
0x30: {  	v58 =	vand.u32 $0xFFFF, v1;
	v59 =	vshrl.u32 v1, $0x10;
	v1 =	vand.u32 $0x7FF, v1  }
0x31: {  	v14 =	vld [tilespmem:$0x420];
	v0 =	vadd.s32 v0, v57;
	v60 =	vadd.s32 v59, v58;
	v62 =	vmul.u32 $0xCCCD, v1  }
0x32: {  	v57 =	vmul.u32 $0xCDA1, v49;
	v0 =	vshrl.u32 v0, $0x10;
	v3 =	vshrl.u32 v60, $0x10  }
0x33: {  	v2 =	vand.u32 $0xFFFF, v60;
	v0 =	vadd.s32 v0, v3;
	v3 =	vshrl.u32 v62, $0x12  }
0x34: {  	v0 =	vadd.s32 v2, v0;
	v3 =	vmul.u32 $0x80000005, v3;
	v2 =	vxor.u32 v63, v7  }
0x35: {  	v58 =	vmul.u32 $0xAB1, v49;
	v6 =	vmul.u32 $0xCCCD, v0;
	v2 =	vxor.u32 v5, v2  }
0x36: {  	v7 =	vmul.u32 $0x7A69, v14;
	v3 =	vsub.s32 v3, v1;
	v5 =	vand.u32 $0xFFFF, v2  }
0x37: {  	v10 =	vshrl.u32 v2, $0x10;
	v2 =	vand.u32 $0x7FF, v2;
	v6 =	vshrl.u32 v6, $0x12  }
0x38: {  	v15 =	vld [tilespmem:$0x20];
	v0 =	vadd.s32 v0, v3;
	v3 =	vshrl.u32 v9, $0x10;
	v11 =	vadd.s32 v10, v5  }
0x39: {  	v21 =	vld [tilespmem:$0x430];
	v13 =	vmul.u32 $0xCCCD, v2;
	v10 =	vmul.u32 $0xAB1CDA1, v12;
	v6 =	vmul.u32 $0x7FFFFFFB, v6  }
0x3a: {  	v3 =	vadd.s32 v4, v3;
	v5 =	vshrl.u32 v11, $0x10;
	v4 =	vand.u32 $0xFFFF, v11  }
0x3b: {  	v11 =	vmul.u32 $0xAB1CDA1, v19;
	v3 =	vshrl.u32 v3, $0x10;
	v0 =	vadd.s32 v6, v0  }
0x3c: {  	v3 =	vadd.s32 v3, v5;
	v5 =	vshrl.u32 v13, $0x12;
	v6 =	vmul.u32 $0xAB1, v12  }
0x3d: {  	v0 =	vadd.s32 $0x5, v0;
	v3 =	vadd.s32 v4, v3;
	v5 =	vmul.u32 $0x80000005, v5  }
0x3e: {  	v4 =	vxor.u32 v15, v10;
	v10 =	vmul.u32 $0x7A69, v21;
	v8 =	vmul.u32 $0x1999A, v0  }
0x3f: {  	v9 =	vmul.u32 $0xCCCD, v3;
	v0 =	vshll.u32 v0, $0xC;
	v4 =	vxor.u32 v7, v4  }
0x40: {  	v5 =	vsub.s32 v5, v2;
	v7 =	vand.u32 $0xFFFF, v4;
	v17 =	vshrl.u32 v4, $0x10  }
0x41: {  	v23 =	vld [tilespmem:$0x30];
	v4 =	vand.u32 $0x7FF, v4;
	v8 =	vshrl.u32 v8, $0x12;
	v9 =	vshrl.u32 v9, $0x12  }
0x42: {  	v12 =	vld [tilespmem:$0x40];
	v3 =	vadd.s32 v3, v5;
	v5 =	vshrl.u32 v16, $0x10;
	v18 =	vadd.s32 v17, v7  }
0x43: {  	v13 =	vld [tilespmem:$0x50];
	v20 =	vmul.u32 $0xCCCD, v4;
	v9 =	vmul.u32 $0x7FFFFFFB, v9;
	v5 =	vadd.s32 v6, v5  }
0x44: {  	v49 =	vld [tilespmem:$0x280];
	v8 =	vmul.u32 $0xFFFFD800, v8;
	v7 =	vshrl.u32 v18, $0x10;
	v5 =	vshrl.u32 v5, $0x10  }
0x45: {  	v6 =	vand.u32 $0xFFFF, v18;
	v3 =	vadd.s32 v9, v3;
	v5 =	vadd.s32 v5, v7  }
0x46: {  	v0 =	vadd.s32 v0, v8;
	v7 =	vshrl.u32 v20, $0x12;
	v3 =	vadd.s32 $0x5, v3  }
0x47: {  	v5 =	vadd.s32 v6, v5;
	v0 =	vor.u32 v1, v0;
	v7 =	vmul.u32 $0x80000005, v7  }
0x48: {  	v34 =	vld [tilespmem:$0x440];
	v6 =	vxor.u32 v23, v11;
	v11 =	vxor.u32 v12, v40;
	v12 =	vxor.u32 v13, v56  }
0x49: {  	v17 =	vld [tilespmem:$0x260];
	v56 =	vmul.u32 $0xAB1CDA1, v49;
	v22 =	vmul.u32 $0x1999A, v3;
	v24 =	vmul.u32 $0xCCCD, v5  }
0x4a: {  	v3 =	vshll.u32 v3, $0xC;
	v6 =	vxor.u32 v10, v6;
	v7 =	vsub.s32 v7, v4  }
0x4b: {  	v27 =	vand.u32 $0xFFFF, v6;
	v10 =	vshrl.u32 v6, $0x10;
	v6 =	vand.u32 $0x7FF, v6  }
0x4c: {  	v14 =	vld [tilespmem:$0x60];
	v8 =	vshrl.u32 v22, $0x12;
	v1 =	vshrl.u32 v24, $0x12;
	v5 =	vadd.s32 v5, v7  }
0x4d: {  	v7 =	vshrl.u32 v25, $0x10;
	v30 =	vadd.s32 v10, v27;
	v33 =	vmul.u32 $0xCCCD, v6  }
0x4e: {  	v10 =	vmul.u32 $0x7A69, v34;
	v24 =	vmul.u32 $0xAB1CDA1, v17;
	v25 =	vmul.u32 $0xCDA1, v17  }
0x4f: {  	v8 =	vmul.u32 $0xFFFFD800, v8;
	v1 =	vmul.u32 $0x7FFFFFFB, v1;
	v29 =	vadd.s32 v26, v7  }
0x50: {  	v51 =	vld [tilespmem:$0x450];
	v31 =	vshrl.u32 v30, $0x10;
	v26 =	vmul.u32 $0xAB1, v17;
	v37 =	vshrl.u32 v33, $0x12  }
0x51: {  	v43 =	vxor.u32 v10, v11;
	v13 =	vxor.u32 v14, v24;
	v1 =	vadd.s32 v1, v5  }
0x52: {  	v5 =	vand.u32 $0xFFFF, v30;
	v3 =	vadd.s32 v3, v8;
	v10 =	vand.u32 $0xFFFF, v43  }
0x53: {  	v11 =	vshrl.u32 v43, $0x10;
	v47 =	vand.u32 $0x7FF, v43;
	v28 =	vadd.s32 $0x5, v1  }
0x54: {  	v1 =	vshrl.u32 v29, $0x10;
	v46 =	vadd.s32 v11, v10;
	v50 =	vmul.u32 $0xCCCD, v47  }
0x55: {  	v33 =	vld [tilespmem:$0x270];
	v11 =	vmul.u32 $0x7A69, v51;
	v1 =	vadd.s32 v1, v31;
	v35 =	vmul.u32 $0x1999A, v28  }
0x56: {  	v19 =	vld [tilespmem:$0x460];
	v39 =	vshll.u32 v28, $0xC;
	v48 =	vshrl.u32 v46, $0x10;
	v5 =	vadd.s32 v5, v1  }
0x57: {  	v1 =	vor.u32 v2, v3;
	v3 =	vmul.u32 $0x80000005, v37;
	v54 =	vshrl.u32 v50, $0x12  }
0x58: {  	v15 =	vld [tilespmem:$0x70];
	v59 =	vxor.u32 v11, v12;
	v36 =	vmul.u32 $0xCCCD, v5;
	v38 =	vshrl.u32 v35, $0x12  }
0x59: {  	v11 =	vand.u32 $0xFFFF, v59;
	v12 =	vshrl.u32 v59, $0x10;
	v63 =	vand.u32 $0x7FF, v59  }
0x5a: {  	v40 =	vmul.u32 $0xAB1CDA1, v33;
	v7 =	vmul.u32 $0xFFFFD800, v38;
	v3 =	vsub.s32 v3, v6  }
0x5b: {  	v62 =	vadd.s32 v12, v11;
	v18 =	vmul.u32 $0xCCCD, v63;
	v12 =	vmul.u32 $0x7A69, v19  }
0x5c: {  	v2 =	vshrl.u32 v36, $0x12;
	v3 =	vadd.s32 v5, v3;
	v5 =	vshrl.u32 v41, $0x10  }
0x5d: {  	v16 =	vshrl.u32 v62, $0x10;
	v41 =	vmul.u32 $0xCDA1, v33;
	v14 =	vxor.u32 v15, v40  }
0x5e: {  	v35 =	vld [tilespmem:$0x470];
	v2 =	vmul.u32 $0x7FFFFFFB, v2;
	v45 =	vadd.s32 v42, v5;
	v7 =	vadd.s32 v39, v7  }
0x5f: {  	v22 =	vshrl.u32 v18, $0x12;
	v27 =	vxor.u32 v12, v13;
	v42 =	vmul.u32 $0xAB1, v33  }
0x60: {  	v12 =	vand.u32 $0xFFFF, v27;
	v13 =	vshrl.u32 v27, $0x10;
	v31 =	vand.u32 $0x7FF, v27  }
0x61: {  	v2 =	vadd.s32 v2, v3;
	v3 =	vand.u32 $0xFFFF, v46;
	v30 =	vadd.s32 v13, v12  }
0x62: {  	v34 =	vmul.u32 $0xCCCD, v31;
	v44 =	vadd.s32 $0x5, v2;
	v2 =	vshrl.u32 v45, $0x10  }
0x63: {  	v13 =	vmul.u32 $0x7A69, v35;
	v32 =	vshrl.u32 v30, $0x10;
	v2 =	vadd.s32 v2, v48  }
0x64: {  	v51 =	vld [tilespmem:$0x480];
	v52 =	vmul.u32 $0x1999A, v44;
	v55 =	vshll.u32 v44, $0xC;
	v3 =	vadd.s32 v3, v2  }
0x65: {  	v38 =	vshrl.u32 v34, $0x12;
	v43 =	vxor.u32 v13, v14;
	v53 =	vmul.u32 $0xCCCD, v3  }
0x66: {  	v2 =	vor.u32 v4, v7;
	v7 =	vmul.u32 $0x80000005, v54;
	v13 =	vand.u32 $0xFFFF, v43  }
0x67: {  	v14 =	vshrl.u32 v43, $0x10;
	v8 =	vshrl.u32 v52, $0x12;
	v4 =	vshrl.u32 v53, $0x12  }
0x68: {  	v46 =	vadd.s32 v14, v13;
	v7 =	vsub.s32 v7, v47;
	v4 =	vmul.u32 $0x7FFFFFFB, v4  }
0x69: {  	v14 =	vmul.u32 $0x7A69, v51;
	v3 =	vadd.s32 v3, v7;
	v7 =	vshrl.u32 v57, $0x10  }
0x6a: {  	v8 =	vmul.u32 $0xFFFFD800, v8;
	v61 =	vadd.s32 v58, v7;
	v3 =	vadd.s32 v4, v3  }
0x6b: {  	v48 =	vshrl.u32 v46, $0x10;
	v60 =	vadd.s32 $0x5, v3;
	v3 =	vshrl.u32 v61, $0x10  }
0x6c: {  	v57 =	vmul.u32 $0xCDA1, v49;
	v4 =	vand.u32 $0xFFFF, v62;
	v3 =	vadd.s32 v3, v16  }
0x6d: {  	v8 =	vadd.s32 v55, v8;
	v20 =	vmul.u32 $0x1999A, v60;
	v16 =	vld [tilespmem:$0x80];
	v4 =	vadd.s32 v4, v3  }
0x6e: {  	v3 =	vor.u32 v6, v8;
	v8 =	vmul.u32 $0x80000005, v22;
	v21 =	vmul.u32 $0xCCCD, v4  }
0x6f: {  	v58 =	vmul.u32 $0xAB1, v49;
	v23 =	vshll.u32 v60, $0xC;
	v9 =	vshrl.u32 v20, $0x12;
	v20 =	vld [tilespmem:$0x290]  }
0x70: {  	v9 =	vmul.u32 $0xFFFFD800, v9;
	v8 =	vsub.s32 v8, v63;
	v6 =	vshrl.u32 v21, $0x12  }
0x71: {  	v22 =	vld [tilespmem:$0x490];
	v4 =	vadd.s32 v4, v8;
	v8 =	vshrl.u32 v25, $0x10;
	v6 =	vmul.u32 $0x7FFFFFFB, v6  }
0x72: {  	v29 =	vadd.s32 v26, v8;
	v9 =	vadd.s32 v23, v9;
	v15 =	vxor.u32 v16, v56  }
0x73: {  	v17 =	vld [tilespmem:$0x90];
	v59 =	vxor.u32 v14, v15;
	v4 =	vadd.s32 v6, v4;
	v6 =	vand.u32 $0xFFFF, v30  }
0x74: {  	v14 =	vand.u32 $0xFFFF, v59;
	v15 =	vshrl.u32 v59, $0x10;
	v27 =	vmul.u32 $0xAB1CDA1, v20  }
0x75: {  	v28 =	vadd.s32 $0x5, v4;
	v4 =	vshrl.u32 v29, $0x10;
	v62 =	vadd.s32 v15, v14  }
0x76: {  	v15 =	vmul.u32 $0x7A69, v22;
	v29 =	vmul.u32 $0xAB1, v20;
	v4 =	vadd.s32 v4, v32  }
0x77: {  	v36 =	vmul.u32 $0x1999A, v28;
	v39 =	vshll.u32 v28, $0xC;
	v19 =	vshrl.u32 v62, $0x10  }
0x78: {  	v28 =	vmul.u32 $0xCDA1, v20;
	v16 =	vxor.u32 v17, v27;
	v6 =	vadd.s32 v6, v4  }
0x79: {  	v4 =	vor.u32 v47, v9;
	v9 =	vmul.u32 $0x80000005, v38;
	v47 =	vand.u32 $0x7FF, v43  }
0x7a: {  	v30 =	vxor.u32 v15, v16;
	v37 =	vmul.u32 $0xCCCD, v6;
	v10 =	vshrl.u32 v36, $0x12  }
0x7b: {  	v38 =	vld [tilespmem:$0x4A0];
	v50 =	vmul.u32 $0xCCCD, v47;
	v15 =	vand.u32 $0xFFFF, v30;
	v16 =	vshrl.u32 v30, $0x10  }
0x7c: {  	v34 =	vand.u32 $0x7FF, v30;
	v36 =	vld [tilespmem:$0x2A0];
	v10 =	vmul.u32 $0xFFFFD800, v10;
	v9 =	vsub.s32 v9, v31  }
0x7d: {  	v33 =	vadd.s32 v16, v15;
	v5 =	vshrl.u32 v37, $0x12;
	v6 =	vadd.s32 v6, v9  }
0x7e: {  	v9 =	vshrl.u32 v41, $0x10;
	v54 =	vshrl.u32 v50, $0x12;
	v37 =	vmul.u32 $0xCCCD, v34  }
0x7f: {  	v18 =	vld [tilespmem:$0xA0];
	v35 =	vshrl.u32 v33, $0x10;
	v5 =	vmul.u32 $0x7FFFFFFB, v5;
	v45 =	vadd.s32 v42, v9  }
0x80: {  	v10 =	vadd.s32 v39, v10;
	v41 =	vshrl.u32 v37, $0x12;
	v16 =	vmul.u32 $0x7A69, v38  }
0x81: {  	v5 =	vadd.s32 v5, v6;
	v6 =	vand.u32 $0xFFFF, v46;
	v43 =	vmul.u32 $0xAB1CDA1, v36  }
0x82: {  	v44 =	vadd.s32 $0x5, v5;
	v5 =	vshrl.u32 v45, $0x10;
	v45 =	vmul.u32 $0xAB1, v36  }
0x83: {  	v5 =	vadd.s32 v5, v48;
	v52 =	vmul.u32 $0x1999A, v44;
	v55 =	vshll.u32 v44, $0xC  }
0x84: {  	v44 =	vmul.u32 $0xCDA1, v36;
	v17 =	vxor.u32 v18, v43;
	v6 =	vadd.s32 v6, v5  }
0x85: {  	v5 =	vor.u32 v63, v10;
	v10 =	vmul.u32 $0x80000005, v54;
	v63 =	vand.u32 $0x7FF, v59  }
0x86: {  	v46 =	vxor.u32 v16, v17;
	v53 =	vmul.u32 $0xCCCD, v6;
	v11 =	vshrl.u32 v52, $0x12  }
0x87: {  	v21 =	vmul.u32 $0xCCCD, v63;
	v16 =	vand.u32 $0xFFFF, v46;
	v17 =	vshrl.u32 v46, $0x10  }
0x88: {  	v54 =	vld [tilespmem:$0x4B0];
	v50 =	vand.u32 $0x7FF, v46;
	v11 =	vmul.u32 $0xFFFFD800, v11;
	v10 =	vsub.s32 v10, v47  }
0x89: {  	v52 =	vld [tilespmem:$0x2B0];
	v49 =	vadd.s32 v17, v16;
	v7 =	vshrl.u32 v53, $0x12;
	v6 =	vadd.s32 v6, v10  }
0x8a: {  	v10 =	vshrl.u32 v57, $0x10;
	v53 =	vmul.u32 $0xCCCD, v50;
	v7 =	vmul.u32 $0x7FFFFFFB, v7  }
0x8b: {  	v25 =	vshrl.u32 v21, $0x12;
	v51 =	vshrl.u32 v49, $0x10;
	v61 =	vadd.s32 v58, v10  }
0x8c: {  	v11 =	vadd.s32 v55, v11;
	v57 =	vshrl.u32 v53, $0x12;
	v6 =	vadd.s32 v7, v6  }
0x8d: {  	v17 =	vmul.u32 $0x7A69, v54;
	v60 =	vadd.s32 $0x5, v6;
	v6 =	vshrl.u32 v61, $0x10  }
0x8e: {  	v7 =	vand.u32 $0xFFFF, v62;
	v59 =	vmul.u32 $0xAB1CDA1, v52;
	v6 =	vadd.s32 v6, v19  }
0x8f: {  	v61 =	vmul.u32 $0xAB1, v52;
	v23 =	vmul.u32 $0x1999A, v60;
	v19 =	vld [tilespmem:$0xB0];
	v7 =	vadd.s32 v7, v6  }
0x90: {  	v6 =	vor.u32 v31, v11;
	v11 =	vmul.u32 $0x80000005, v25;
	v24 =	vmul.u32 $0xCCCD, v7  }
0x91: {  	v26 =	vshll.u32 v60, $0xC;
	v60 =	vmul.u32 $0xCDA1, v52;
	v12 =	vshrl.u32 v23, $0x12  }
0x92: {  	v12 =	vmul.u32 $0xFFFFD800, v12;
	v11 =	vsub.s32 v11, v63;
	v8 =	vshrl.u32 v24, $0x12  }
0x93: {  	v30 =	vld [tilespmem:$0x4C0];
	v7 =	vadd.s32 v7, v11;
	v11 =	vshrl.u32 v28, $0x10;
	v8 =	vmul.u32 $0x7FFFFFFB, v8  }
0x94: {  	v32 =	vadd.s32 v29, v11;
	v12 =	vadd.s32 v26, v12;
	v18 =	vxor.u32 v19, v59  }
0x95: {  	v28 =	vld [tilespmem:$0x2C0];
	v62 =	vxor.u32 v17, v18;
	v7 =	vadd.s32 v8, v7;
	v8 =	vand.u32 $0xFFFF, v33  }
0x96: {  	v17 =	vand.u32 $0xFFFF, v62;
	v18 =	vshrl.u32 v62, $0x10;
	v26 =	vand.u32 $0x7FF, v62  }
0x97: {  	v31 =	vadd.s32 $0x5, v7;
	v7 =	vshrl.u32 v32, $0x10;
	v25 =	vadd.s32 v18, v17  }
0x98: {  	v20 =	vld [tilespmem:$0xC0];
	v29 =	vmul.u32 $0xCCCD, v26;
	v18 =	vmul.u32 $0x7A69, v30;
	v7 =	vadd.s32 v7, v35  }
0x99: {  	v39 =	vmul.u32 $0x1999A, v31;
	v42 =	vshll.u32 v31, $0xC;
	v27 =	vshrl.u32 v25, $0x10  }
0x9a: {  	v35 =	vmul.u32 $0xAB1CDA1, v28;
	v36 =	vmul.u32 $0xCDA1, v28;
	v37 =	vmul.u32 $0xAB1, v28  }
0x9b: {  	v8 =	vadd.s32 v8, v7;
	v7 =	vor.u32 v47, v12;
	v12 =	vmul.u32 $0x80000005, v41  }
0x9c: {  	v46 =	vld [tilespmem:$0x4D0];
	v33 =	vshrl.u32 v29, $0x12;
	v40 =	vmul.u32 $0xCCCD, v8;
	v13 =	vshrl.u32 v39, $0x12  }
0x9d: {  	v19 =	vxor.u32 v20, v35;
	v13 =	vmul.u32 $0xFFFFD800, v13;
	v12 =	vsub.s32 v12, v34  }
0x9e: {  	v38 =	vxor.u32 v18, v19;
	v9 =	vshrl.u32 v40, $0x12;
	v8 =	vadd.s32 v8, v12  }
0x9f: {  	v12 =	vshrl.u32 v44, $0x10;
	v18 =	vand.u32 $0xFFFF, v38;
	v19 =	vshrl.u32 v38, $0x10  }
0xa0: {  	v44 =	vld [tilespmem:$0x2D0];
	v9 =	vmul.u32 $0x7FFFFFFB, v9;
	v48 =	vadd.s32 v45, v12;
	v13 =	vadd.s32 v42, v13  }
0xa1: {  	v41 =	vadd.s32 v19, v18;
	v42 =	vand.u32 $0x7FF, v38;
	v19 =	vmul.u32 $0x7A69, v46  }
0xa2: {  	v43 =	vshrl.u32 v41, $0x10;
	v45 =	vmul.u32 $0xCCCD, v42;
	v8 =	vadd.s32 v9, v8  }
0xa3: {  	v21 =	vld [tilespmem:$0xD0];
	v9 =	vand.u32 $0xFFFF, v49;
	v47 =	vadd.s32 $0x5, v8;
	v8 =	vshrl.u32 v48, $0x10  }
0xa4: {  	v49 =	vshrl.u32 v45, $0x12;
	v8 =	vadd.s32 v8, v51;
	v55 =	vmul.u32 $0x1999A, v47  }
0xa5: {  	v58 =	vshll.u32 v47, $0xC;
	v51 =	vmul.u32 $0xAB1CDA1, v44;
	v52 =	vmul.u32 $0xCDA1, v44  }
0xa6: {  	v9 =	vadd.s32 v9, v8;
	v8 =	vor.u32 v63, v13;
	v13 =	vmul.u32 $0x80000005, v57  }
0xa7: {  	v62 =	vld [tilespmem:$0x4E0];
	v53 =	vmul.u32 $0xAB1, v44;
	v56 =	vmul.u32 $0xCCCD, v9;
	v14 =	vshrl.u32 v55, $0x12  }
0xa8: {  	v20 =	vxor.u32 v21, v51;
	v14 =	vmul.u32 $0xFFFFD800, v14;
	v13 =	vsub.s32 v13, v50  }
0xa9: {  	v54 =	vxor.u32 v19, v20;
	v10 =	vshrl.u32 v56, $0x12;
	v9 =	vadd.s32 v9, v13  }
0xaa: {  	v13 =	vshrl.u32 v60, $0x10;
	v19 =	vand.u32 $0xFFFF, v54;
	v20 =	vshrl.u32 v54, $0x10  }
0xab: {  	v60 =	vld [tilespmem:$0x2E0];
	v10 =	vmul.u32 $0x7FFFFFFB, v10;
	v24 =	vadd.s32 v61, v13;
	v14 =	vadd.s32 v58, v14  }
0xac: {  	v57 =	vadd.s32 v20, v19;
	v58 =	vand.u32 $0x7FF, v54;
	v20 =	vmul.u32 $0x7A69, v62  }
0xad: {  	v59 =	vshrl.u32 v57, $0x10;
	v61 =	vmul.u32 $0xCCCD, v58;
	v9 =	vadd.s32 v10, v9  }
0xae: {  	v22 =	vld [tilespmem:$0xE0];
	v10 =	vand.u32 $0xFFFF, v25;
	v63 =	vadd.s32 $0x5, v9;
	v9 =	vshrl.u32 v24, $0x10  }
0xaf: {  	v25 =	vshrl.u32 v61, $0x12;
	v9 =	vadd.s32 v9, v27;
	v31 =	vmul.u32 $0x1999A, v63  }
0xb0: {  	v27 =	vmul.u32 $0xAB1CDA1, v60;
	v28 =	vmul.u32 $0xCDA1, v60;
	v29 =	vmul.u32 $0xAB1, v60  }
0xb1: {  	v10 =	vadd.s32 v10, v9;
	v9 =	vor.u32 v34, v14;
	v14 =	vmul.u32 $0x80000005, v33  }
0xb2: {  	v38 =	vld [tilespmem:$0x4F0];
	v34 =	vshll.u32 v63, $0xC;
	v32 =	vmul.u32 $0xCCCD, v10;
	v15 =	vshrl.u32 v31, $0x12  }
0xb3: {  	v21 =	vxor.u32 v22, v27;
	v15 =	vmul.u32 $0xFFFFD800, v15;
	v14 =	vsub.s32 v14, v26  }
0xb4: {  	v30 =	vxor.u32 v20, v21;
	v11 =	vshrl.u32 v32, $0x12;
	v10 =	vadd.s32 v10, v14  }
0xb5: {  	v14 =	vshrl.u32 v36, $0x10;
	v20 =	vand.u32 $0xFFFF, v30;
	v21 =	vshrl.u32 v30, $0x10  }
0xb6: {  	v36 =	vld [tilespmem:$0x2F0];
	v11 =	vmul.u32 $0x7FFFFFFB, v11;
	v40 =	vadd.s32 v37, v14;
	v15 =	vadd.s32 v34, v15  }
0xb7: {  	v33 =	vadd.s32 v21, v20;
	v34 =	vand.u32 $0x7FF, v30;
	v21 =	vmul.u32 $0x7A69, v38  }
0xb8: {  	v35 =	vshrl.u32 v33, $0x10;
	v37 =	vmul.u32 $0xCCCD, v34;
	v10 =	vadd.s32 v11, v10  }
0xb9: {  	v23 =	vld [tilespmem:$0xF0];
	v11 =	vand.u32 $0xFFFF, v41;
	v39 =	vadd.s32 $0x5, v10;
	v10 =	vshrl.u32 v40, $0x10  }
0xba: {  	v41 =	vshrl.u32 v37, $0x12;
	v10 =	vadd.s32 v10, v43;
	v47 =	vmul.u32 $0x1999A, v39  }
0xbb: {  	v43 =	vmul.u32 $0xAB1CDA1, v36;
	v44 =	vmul.u32 $0xCDA1, v36;
	v45 =	vmul.u32 $0xAB1, v36  }
0xbc: {  	v11 =	vadd.s32 v11, v10;
	v10 =	vor.u32 v50, v15;
	v15 =	vmul.u32 $0x80000005, v49  }
0xbd: {  	v50 =	vshll.u32 v39, $0xC;
	v48 =	vmul.u32 $0xCCCD, v11;
	v16 =	vshrl.u32 v47, $0x12  }
0xbe: {  	v54 =	vld [tilespmem:$0x500];
	v22 =	vxor.u32 v23, v43;
	v16 =	vmul.u32 $0xFFFFD800, v16;
	v15 =	vsub.s32 v15, v42  }
0xbf: {  	v46 =	vxor.u32 v21, v22;
	v12 =	vshrl.u32 v48, $0x12;
	v11 =	vadd.s32 v11, v15  }
0xc0: {  	v15 =	vshrl.u32 v52, $0x10;
	v21 =	vand.u32 $0xFFFF, v46;
	v12 =	vmul.u32 $0x7FFFFFFB, v12  }
0xc1: {  	v22 =	vshrl.u32 v46, $0x10;
	v56 =	vadd.s32 v53, v15;
	v16 =	vadd.s32 v50, v16  }
0xc2: {  	v52 =	vld [tilespmem:$0x300];
	v49 =	vadd.s32 v22, v21;
	v50 =	vand.u32 $0x7FF, v46;
	v11 =	vadd.s32 v12, v11  }
0xc3: {  	v22 =	vmul.u32 $0x7A69, v54;
	v55 =	vadd.s32 $0x5, v11;
	v11 =	vshrl.u32 v56, $0x10  }
0xc4: {  	v51 =	vshrl.u32 v49, $0x10;
	v12 =	vand.u32 $0xFFFF, v57;
	v11 =	vadd.s32 v11, v59  }
0xc5: {  	v53 =	vmul.u32 $0xCCCD, v50;
	v63 =	vmul.u32 $0x1999A, v55;
	v12 =	vadd.s32 v12, v11  }
0xc6: {  	v11 =	vor.u32 v26, v16;
	v16 =	vmul.u32 $0x80000005, v25;
	v24 =	vmul.u32 $0xCCCD, v12  }
0xc7: {  	v57 =	vshrl.u32 v53, $0x12;
	v59 =	vmul.u32 $0xAB1CDA1, v52;
	v17 =	vshrl.u32 v63, $0x12  }
0xc8: {  	v17 =	vmul.u32 $0xFFFFD800, v17;
	v16 =	vsub.s32 v16, v58;
	v13 =	vshrl.u32 v24, $0x12;
	v24 =	vld [tilespmem:$0x100]  }
0xc9: {  	v12 =	vadd.s32 v12, v16;
	v16 =	vshrl.u32 v28, $0x10;
	v13 =	vmul.u32 $0x7FFFFFFB, v13  }
0xca: {  	v60 =	vmul.u32 $0xCDA1, v52;
	v26 =	vshll.u32 v55, $0xC;
	v32 =	vadd.s32 v29, v16;
	v29 =	vld [tilespmem:$0x310]  }
0xcb: {  	v61 =	vmul.u32 $0xAB1, v52;
	v17 =	vadd.s32 v26, v17;
	v12 =	vadd.s32 v13, v12  }
0xcc: {  	v13 =	vand.u32 $0xFFFF, v33;
	v31 =	vadd.s32 $0x5, v12;
	v12 =	vshrl.u32 v32, $0x10  }
0xcd: {  	v12 =	vadd.s32 v12, v35;
	v39 =	vmul.u32 $0x1999A, v31;
	v23 =	vxor.u32 v24, v59  }
0xce: {  	v25 =	vld [tilespmem:$0x110];
	v13 =	vadd.s32 v13, v12;
	v12 =	vor.u32 v42, v17;
	v42 =	vshll.u32 v31, $0xC  }
0xcf: {  	v17 =	vmul.u32 $0x80000005, v41;
	v62 =	vxor.u32 v22, v23;
	v36 =	vmul.u32 $0xAB1CDA1, v29  }
0xd0: {  	v31 =	vld [tilespmem:$0x510];
	v37 =	vmul.u32 $0xCDA1, v29;
	v38 =	vmul.u32 $0xAB1, v29;
	v40 =	vmul.u32 $0xCCCD, v13  }
0xd1: {  	v18 =	vshrl.u32 v39, $0x12;
	v22 =	vand.u32 $0xFFFF, v62;
	v23 =	vshrl.u32 v62, $0x10  }
0xd2: {  	v18 =	vmul.u32 $0xFFFFD800, v18;
	v17 =	vsub.s32 v17, v34;
	v14 =	vshrl.u32 v40, $0x12  }
0xd3: {  	v27 =	vadd.s32 v23, v22;
	v24 =	vxor.u32 v25, v36;
	v14 =	vmul.u32 $0x7FFFFFFB, v14  }
0xd4: {  	v13 =	vadd.s32 v13, v17;
	v17 =	vshrl.u32 v44, $0x10;
	v28 =	vshrl.u32 v27, $0x10;
	v44 =	vld [tilespmem:$0x320]  }
0xd5: {  	v48 =	vadd.s32 v45, v17;
	v23 =	vmul.u32 $0x7A69, v31;
	v13 =	vadd.s32 v14, v13  }
0xd6: {  	v18 =	vadd.s32 v42, v18;
	v47 =	vadd.s32 $0x5, v13;
	v13 =	vshrl.u32 v48, $0x10  }
0xd7: {  	v46 =	vld [tilespmem:$0x520];
	v14 =	vand.u32 $0xFFFF, v49;
	v39 =	vxor.u32 v23, v24;
	v13 =	vadd.s32 v13, v51  }
0xd8: {  	v55 =	vmul.u32 $0x1999A, v47;
	v23 =	vand.u32 $0xFFFF, v39;
	v24 =	vshrl.u32 v39, $0x10  }
0xd9: {  	v51 =	vmul.u32 $0xAB1CDA1, v44;
	v52 =	vmul.u32 $0xCDA1, v44;
	v14 =	vadd.s32 v14, v13  }
0xda: {  	v53 =	vmul.u32 $0xAB1, v44;
	v13 =	vor.u32 v58, v18;
	v56 =	vmul.u32 $0xCCCD, v14  }
0xdb: {  	v58 =	vshll.u32 v47, $0xC;
	v18 =	vmul.u32 $0x80000005, v57;
	v42 =	vadd.s32 v24, v23  }
0xdc: {  	v24 =	vmul.u32 $0x7A69, v46;
	v19 =	vshrl.u32 v55, $0x12;
	v15 =	vshrl.u32 v56, $0x12  }
0xdd: {  	v43 =	vshrl.u32 v42, $0x10;
	v18 =	vsub.s32 v18, v50;
	v15 =	vmul.u32 $0x7FFFFFFB, v15  }
0xde: {  	v19 =	vmul.u32 $0xFFFFD800, v19;
	v14 =	vadd.s32 v14, v18;
	v18 =	vshrl.u32 v60, $0x10  }
0xdf: {  	v60 =	vld [tilespmem:$0x330];
	v26 =	vadd.s32 v61, v18;
	v18 =	vand.u32 $0x7FF, v62;
	v14 =	vadd.s32 v15, v14  }
0xe0: {  	v15 =	vand.u32 $0xFFFF, v27;
	v27 =	vld [tilespmem:$0x130];
	v63 =	vadd.s32 $0x5, v14;
	v14 =	vshrl.u32 v26, $0x10  }
0xe1: {  	v19 =	vadd.s32 v58, v19;
	v30 =	vmul.u32 $0xCCCD, v18;
	v26 =	vld [tilespmem:$0x120];
	v14 =	vadd.s32 v14, v28  }
0xe2: {  	v32 =	vmul.u32 $0x1999A, v63;
	v35 =	vshll.u32 v63, $0xC;
	v15 =	vadd.s32 v15, v14  }
0xe3: {  	v14 =	vor.u32 v34, v19;
	v34 =	vshrl.u32 v30, $0x12;
	v33 =	vmul.u32 $0xCCCD, v15  }
0xe4: {  	v31 =	vmul.u32 $0xAB1CDA1, v60;
	v20 =	vshrl.u32 v32, $0x12;
	v19 =	vmul.u32 $0x80000005, v34  }
0xe5: {  	v32 =	vmul.u32 $0xCDA1, v60;
	v20 =	vmul.u32 $0xFFFFD800, v20;
	v16 =	vshrl.u32 v33, $0x12  }
0xe6: {  	v19 =	vsub.s32 v19, v18;
	v25 =	vxor.u32 v26, v51;
	v26 =	vxor.u32 v27, v31  }
0xe7: {  	v33 =	vmul.u32 $0xAB1, v60;
	v16 =	vmul.u32 $0x7FFFFFFB, v16;
	v15 =	vadd.s32 v15, v19  }
0xe8: {  	v62 =	vld [tilespmem:$0x530];
	v19 =	vshrl.u32 v37, $0x10;
	v20 =	vadd.s32 v35, v20;
	v54 =	vxor.u32 v24, v25  }
0xe9: {  	v41 =	vadd.s32 v38, v19;
	v19 =	vand.u32 $0x7FF, v39;
	v24 =	vand.u32 $0xFFFF, v54  }
0xea: {  	v25 =	vshrl.u32 v54, $0x10;
	v58 =	vand.u32 $0x7FF, v54;
	v15 =	vadd.s32 v16, v15  }
0xeb: {  	v16 =	vand.u32 $0xFFFF, v42;
	v45 =	vmul.u32 $0xCCCD, v19;
	v57 =	vadd.s32 v25, v24  }
0xec: {  	v61 =	vmul.u32 $0xCCCD, v58;
	v40 =	vadd.s32 $0x5, v15;
	v15 =	vshrl.u32 v41, $0x10  }
0xed: {  	v39 =	vld [tilespmem:$0x340];
	v25 =	vmul.u32 $0x7A69, v62;
	v59 =	vshrl.u32 v57, $0x10;
	v15 =	vadd.s32 v15, v43  }
0xee: {  	v47 =	vmul.u32 $0x1999A, v40;
	v49 =	vshrl.u32 v45, $0x12;
	v29 =	vshrl.u32 v61, $0x12  }
0xef: {  	v54 =	vld [tilespmem:$0x350];
	v34 =	vxor.u32 v25, v26;
	v16 =	vadd.s32 v16, v15;
	v15 =	vor.u32 v50, v20  }
0xf0: {  	v50 =	vshll.u32 v40, $0xC;
	v20 =	vmul.u32 $0x80000005, v49;
	v48 =	vmul.u32 $0xCCCD, v16  }
0xf1: {  	v25 =	vand.u32 $0xFFFF, v34;
	v26 =	vshrl.u32 v34, $0x10;
	v21 =	vshrl.u32 v47, $0x12  }
0xf2: {  	v37 =	vadd.s32 v26, v25;
	v46 =	vmul.u32 $0xAB1CDA1, v39;
	v17 =	vshrl.u32 v48, $0x12  }
0xf3: {  	v47 =	vmul.u32 $0xCDA1, v39;
	v20 =	vsub.s32 v20, v19;
	v17 =	vmul.u32 $0x7FFFFFFB, v17  }
0xf4: {  	v61 =	vmul.u32 $0xAB1CDA1, v54;
	v16 =	vadd.s32 v16, v20;
	v20 =	vshrl.u32 v52, $0x10  }
0xf5: {  	v41 =	vld [tilespmem:$0x540];
	v62 =	vmul.u32 $0xCDA1, v54;
	v56 =	vadd.s32 v53, v20;
	v16 =	vadd.s32 v17, v16  }
0xf6: {  	v21 =	vmul.u32 $0xFFFFD800, v21;
	v55 =	vadd.s32 $0x5, v16;
	v16 =	vshrl.u32 v56, $0x10  }
0xf7: {  	v38 =	vshrl.u32 v37, $0x10;
	v17 =	vand.u32 $0xFFFF, v57;
	v16 =	vadd.s32 v16, v59  }
0xf8: {  	v21 =	vadd.s32 v50, v21;
	v63 =	vmul.u32 $0x1999A, v55;
	v17 =	vadd.s32 v17, v16  }
0xf9: {  	v16 =	vor.u32 v18, v21;
	v21 =	vmul.u32 $0x80000005, v29;
	v28 =	vmul.u32 $0xCCCD, v17  }
0xfa: {  	v26 =	vmul.u32 $0x7A69, v41;
	v48 =	vmul.u32 $0xAB1, v39;
	v30 =	vshll.u32 v55, $0xC  }
0xfb: {  	v22 =	vshrl.u32 v63, $0x12;
	v21 =	vsub.s32 v21, v58;
	v18 =	vshrl.u32 v28, $0x12  }
0xfc: {  	v17 =	vadd.s32 v17, v21;
	v21 =	vshrl.u32 v32, $0x10;
	v28 =	vld [tilespmem:$0x140];
	v18 =	vmul.u32 $0x7FFFFFFB, v18  }
0xfd: {  	v29 =	vld [tilespmem:$0x150];
	v22 =	vmul.u32 $0xFFFFD800, v22;
	v36 =	vadd.s32 v33, v21;
	v21 =	vand.u32 $0x7FF, v34  }
0xfe: {  	v63 =	vmul.u32 $0xAB1, v54;
	v40 =	vmul.u32 $0xCCCD, v21;
	v17 =	vadd.s32 v18, v17  }
0xff: {  	v22 =	vadd.s32 v30, v22;
	v35 =	vadd.s32 $0x5, v17;
	v17 =	vshrl.u32 v36, $0x10  }
0x100: {  	v56 =	vld [tilespmem:$0x550];
	v18 =	vand.u32 $0xFFFF, v37;
	v44 =	vshrl.u32 v40, $0x12;
	v17 =	vadd.s32 v17, v38  }
0x101: {  	v37 =	vld [tilespmem:$0x360];
	v42 =	vmul.u32 $0x1999A, v35;
	v45 =	vshll.u32 v35, $0xC;
	v27 =	vxor.u32 v28, v46  }
0x102: {  	v28 =	vxor.u32 v29, v61;
	v18 =	vadd.s32 v18, v17;
	v17 =	vor.u32 v19, v22  }
0x103: {  	v22 =	vmul.u32 $0x80000005, v44;
	v49 =	vxor.u32 v26, v27;
	v43 =	vmul.u32 $0xCCCD, v18  }
0x104: {  	v23 =	vshrl.u32 v42, $0x12;
	v26 =	vand.u32 $0xFFFF, v49;
	v27 =	vshrl.u32 v49, $0x10  }
0x105: {  	v30 =	vld [tilespmem:$0x160];
	v23 =	vmul.u32 $0xFFFFD800, v23;
	v22 =	vsub.s32 v22, v21;
	v52 =	vadd.s32 v27, v26  }
0x106: {  	v27 =	vmul.u32 $0x7A69, v56;
	v44 =	vmul.u32 $0xAB1CDA1, v37;
	v46 =	vmul.u32 $0xAB1, v37  }
0x107: {  	v39 =	vld [tilespmem:$0x560];
	v19 =	vshrl.u32 v43, $0x12;
	v18 =	vadd.s32 v18, v22;
	v22 =	vshrl.u32 v47, $0x10  }
0x108: {  	v53 =	vshrl.u32 v52, $0x10;
	v19 =	vmul.u32 $0x7FFFFFFB, v19;
	v51 =	vadd.s32 v48, v22  }
0x109: {  	v22 =	vand.u32 $0x7FF, v49;
	v23 =	vadd.s32 v45, v23;
	v32 =	vxor.u32 v27, v28  }
0x10a: {  	v45 =	vmul.u32 $0xCDA1, v37;
	v29 =	vxor.u32 v30, v44;
	v55 =	vmul.u32 $0xCCCD, v22  }
0x10b: {  	v27 =	vand.u32 $0xFFFF, v32;
	v28 =	vshrl.u32 v32, $0x10;
	v18 =	vadd.s32 v19, v18  }
0x10c: {  	v37 =	vld [tilespmem:$0x380];
	v19 =	vand.u32 $0xFFFF, v52;
	v35 =	vadd.s32 v28, v27;
	v28 =	vmul.u32 $0x7A69, v39  }
0x10d: {  	v54 =	vld [tilespmem:$0x570];
	v50 =	vadd.s32 $0x5, v18;
	v18 =	vshrl.u32 v51, $0x10;
	v59 =	vshrl.u32 v55, $0x12  }
0x10e: {  	v36 =	vshrl.u32 v35, $0x10;
	v18 =	vadd.s32 v18, v53;
	v57 =	vmul.u32 $0x1999A, v50  }
0x10f: {  	v52 =	vld [tilespmem:$0x370];
	v60 =	vshll.u32 v50, $0xC;
	v47 =	vxor.u32 v28, v29;
	v19 =	vadd.s32 v19, v18  }
0x110: {  	v18 =	vor.u32 v58, v23;
	v23 =	vmul.u32 $0x80000005, v59;
	v28 =	vand.u32 $0xFFFF, v47  }
0x111: {  	v29 =	vshrl.u32 v47, $0x10;
	v44 =	vmul.u32 $0xAB1CDA1, v37;
	v58 =	vmul.u32 $0xCCCD, v19  }
0x112: {  	v31 =	vld [tilespmem:$0x170];
	v24 =	vshrl.u32 v57, $0x12;
	v50 =	vadd.s32 v29, v28;
	v29 =	vmul.u32 $0x7A69, v54  }
0x113: {  	v24 =	vmul.u32 $0xFFFFD800, v24;
	v23 =	vsub.s32 v23, v22;
	v51 =	vshrl.u32 v50, $0x10  }
0x114: {  	v59 =	vmul.u32 $0xAB1CDA1, v52;
	v61 =	vmul.u32 $0xAB1, v52;
	v20 =	vshrl.u32 v58, $0x12  }
0x115: {  	v19 =	vadd.s32 v19, v23;
	v23 =	vshrl.u32 v62, $0x10;
	v20 =	vmul.u32 $0x7FFFFFFB, v20  }
0x116: {  	v39 =	vld [tilespmem:$0x580];
	v34 =	vadd.s32 v63, v23;
	v23 =	vand.u32 $0x7FF, v32;
	v24 =	vadd.s32 v60, v24  }
0x117: {  	v60 =	vmul.u32 $0xCDA1, v52;
	v30 =	vxor.u32 v31, v59;
	v38 =	vmul.u32 $0xCCCD, v23  }
0x118: {  	v32 =	vld [tilespmem:$0x180];
	v62 =	vxor.u32 v29, v30;
	v19 =	vadd.s32 v20, v19;
	v20 =	vand.u32 $0xFFFF, v35  }
0x119: {  	v52 =	vld [tilespmem:$0x390];
	v29 =	vand.u32 $0xFFFF, v62;
	v30 =	vshrl.u32 v62, $0x10;
	v33 =	vadd.s32 $0x5, v19  }
0x11a: {  	v19 =	vshrl.u32 v34, $0x10;
	v42 =	vshrl.u32 v38, $0x12;
	v35 =	vadd.s32 v30, v29  }
0x11b: {  	v30 =	vmul.u32 $0x7A69, v39;
	v19 =	vadd.s32 v19, v36;
	v40 =	vmul.u32 $0x1999A, v33  }
0x11c: {  	v43 =	vshll.u32 v33, $0xC;
	v36 =	vshrl.u32 v35, $0x10;
	v20 =	vadd.s32 v20, v19  }
0x11d: {  	v19 =	vor.u32 v21, v24;
	v24 =	vmul.u32 $0x80000005, v42;
	v41 =	vmul.u32 $0xCCCD, v20  }
0x11e: {  	v33 =	vld [tilespmem:$0x190];
	v31 =	vxor.u32 v32, v44;
	v59 =	vmul.u32 $0xAB1CDA1, v52;
	v25 =	vshrl.u32 v40, $0x12  }
0x11f: {  	v25 =	vmul.u32 $0xFFFFD800, v25;
	v24 =	vsub.s32 v24, v23;
	v21 =	vshrl.u32 v41, $0x12  }
0x120: {  	v20 =	vadd.s32 v20, v24;
	v24 =	vshrl.u32 v45, $0x10;
	v45 =	vmul.u32 $0xCDA1, v37  }
0x121: {  	v54 =	vld [tilespmem:$0x590];
	v21 =	vmul.u32 $0x7FFFFFFB, v21;
	v49 =	vadd.s32 v46, v24;
	v24 =	vand.u32 $0x7FF, v47  }
0x122: {  	v25 =	vadd.s32 v43, v25;
	v46 =	vmul.u32 $0xAB1, v37;
	v47 =	vxor.u32 v30, v31  }
0x123: {  	v32 =	vxor.u32 v33, v59;
	v53 =	vmul.u32 $0xCCCD, v24;
	v30 =	vand.u32 $0xFFFF, v47  }
0x124: {  	v37 =	vld [tilespmem:$0x3A0];
	v31 =	vshrl.u32 v47, $0x10;
	v20 =	vadd.s32 v21, v20;
	v21 =	vand.u32 $0xFFFF, v50  }
0x125: {  	v50 =	vadd.s32 v31, v30;
	v48 =	vadd.s32 $0x5, v20;
	v20 =	vshrl.u32 v49, $0x10  }
0x126: {  	v31 =	vmul.u32 $0x7A69, v54;
	v57 =	vshrl.u32 v53, $0x12;
	v20 =	vadd.s32 v20, v51  }
0x127: {  	v55 =	vmul.u32 $0x1999A, v48;
	v58 =	vshll.u32 v48, $0xC;
	v21 =	vadd.s32 v21, v20  }
0x128: {  	v20 =	vor.u32 v22, v25;
	v25 =	vmul.u32 $0x80000005, v57;
	v56 =	vmul.u32 $0xCCCD, v21  }
0x129: {  	v51 =	vshrl.u32 v50, $0x10;
	v44 =	vmul.u32 $0xAB1CDA1, v37;
	v26 =	vshrl.u32 v55, $0x12  }
0x12a: {  	v26 =	vmul.u32 $0xFFFFD800, v26;
	v25 =	vsub.s32 v25, v24;
	v22 =	vshrl.u32 v56, $0x12  }
0x12b: {  	v21 =	vadd.s32 v21, v25;
	v25 =	vshrl.u32 v60, $0x10;
	v60 =	vmul.u32 $0xCDA1, v52  }
0x12c: {  	v39 =	vld [tilespmem:$0x5A0];
	v22 =	vmul.u32 $0x7FFFFFFB, v22;
	v34 =	vadd.s32 v61, v25;
	v25 =	vand.u32 $0x7FF, v62  }
0x12d: {  	v26 =	vadd.s32 v58, v26;
	v61 =	vmul.u32 $0xAB1, v52;
	v62 =	vxor.u32 v31, v32  }
0x12e: {  	v38 =	vmul.u32 $0xCCCD, v25;
	v31 =	vand.u32 $0xFFFF, v62;
	v21 =	vadd.s32 v22, v21  }
0x12f: {  	v52 =	vld [tilespmem:$0x3B0];
	v32 =	vshrl.u32 v62, $0x10;
	v63 =	vadd.s32 $0x5, v21;
	v21 =	vshrl.u32 v34, $0x10  }
0x130: {  	v22 =	vand.u32 $0xFFFF, v35;
	v35 =	vadd.s32 v32, v31;
	v21 =	vadd.s32 v21, v36  }
0x131: {  	v32 =	vmul.u32 $0x7A69, v39;
	v42 =	vshrl.u32 v38, $0x12;
	v22 =	vadd.s32 v22, v21  }
0x132: {  	v40 =	vmul.u32 $0x1999A, v63;
	v43 =	vshll.u32 v63, $0xC;
	v41 =	vmul.u32 $0xCCCD, v22  }
0x133: {  	v36 =	vshrl.u32 v35, $0x10;
	v21 =	vor.u32 v23, v26;
	v26 =	vmul.u32 $0x80000005, v42  }
0x134: {  	v59 =	vmul.u32 $0xAB1CDA1, v52;
	v27 =	vshrl.u32 v40, $0x12;
	v23 =	vshrl.u32 v41, $0x12  }
0x135: {  	v27 =	vmul.u32 $0xFFFFD800, v27;
	v26 =	vsub.s32 v26, v25;
	v23 =	vmul.u32 $0x7FFFFFFB, v23  }
0x136: {  	v22 =	vadd.s32 v22, v26;
	v26 =	vshrl.u32 v45, $0x10;
	v45 =	vmul.u32 $0xCDA1, v37  }
0x137: {  	v49 =	vadd.s32 v46, v26;
	v26 =	vand.u32 $0x7FF, v47;
	v22 =	vadd.s32 v23, v22  }
0x138: {  	v53 =	vmul.u32 $0xCCCD, v26;
	v48 =	vadd.s32 $0x5, v22;
	v22 =	vshrl.u32 v49, $0x10  }
0x139: {  	v27 =	vadd.s32 v43, v27;
	v23 =	vand.u32 $0xFFFF, v50;
	v22 =	vadd.s32 v22, v51  }
0x13a: {  	v57 =	vshrl.u32 v53, $0x12;
	v55 =	vmul.u32 $0x1999A, v48;
	v23 =	vadd.s32 v23, v22  }
0x13b: {  	v22 =	vor.u32 v24, v27;
	v27 =	vmul.u32 $0x80000005, v57;
	v56 =	vmul.u32 $0xCCCD, v23  }
0x13c: {  	v46 =	vmul.u32 $0xAB1, v37;
	v58 =	vshll.u32 v48, $0xC;
	v28 =	vshrl.u32 v55, $0x12  }
0x13d: {  	v28 =	vmul.u32 $0xFFFFD800, v28;
	v27 =	vsub.s32 v27, v26;
	v24 =	vshrl.u32 v56, $0x12  }
0x13e: {  	v23 =	vadd.s32 v23, v27;
	v27 =	vshrl.u32 v60, $0x10;
	v24 =	vmul.u32 $0x7FFFFFFB, v24  }
0x13f: {  	v60 =	vmul.u32 $0xCDA1, v52;
	v34 =	vadd.s32 v61, v27;
	v27 =	vand.u32 $0x7FF, v62  }
0x140: {  	v28 =	vadd.s32 v58, v28;
	v38 =	vmul.u32 $0xCCCD, v27;
	v23 =	vadd.s32 v24, v23  }
0x141: {  	v24 =	vand.u32 $0xFFFF, v35;
	v63 =	vadd.s32 $0x5, v23;
	v23 =	vshrl.u32 v34, $0x10;
	v34 =	vld [tilespmem:$0x1A0]  }
0x142: {  	v35 =	vld [tilespmem:$0x1B0];
	v42 =	vshrl.u32 v38, $0x12;
	v23 =	vadd.s32 v23, v36;
	v40 =	vmul.u32 $0x1999A, v63  }
0x143: {  	v24 =	vadd.s32 v24, v23;
	v23 =	vor.u32 v25, v28;
	v28 =	vmul.u32 $0x80000005, v42  }
0x144: {  	v61 =	vmul.u32 $0xAB1, v52;
	v41 =	vmul.u32 $0xCCCD, v24;
	v29 =	vshrl.u32 v40, $0x12  }
0x145: {  	v43 =	vshll.u32 v63, $0xC;
	v29 =	vmul.u32 $0xFFFFD800, v29;
	v28 =	vsub.s32 v28, v27  }
0x146: {  	v54 =	vld [tilespmem:$0x5B0];
	v25 =	vshrl.u32 v41, $0x12;
	v24 =	vadd.s32 v24, v28;
	v33 =	vxor.u32 v34, v44  }
0x147: {  	v42 =	vld [tilespmem:$0x3C0];
	v28 =	vshrl.u32 v45, $0x10;
	v34 =	vxor.u32 v35, v59;
	v25 =	vmul.u32 $0x7FFFFFFB, v25  }
0x148: {  	v47 =	vxor.u32 v32, v33;
	v49 =	vadd.s32 v46, v28;
	v29 =	vadd.s32 v43, v29  }
0x149: {  	v32 =	vand.u32 $0xFFFF, v47;
	v33 =	vshrl.u32 v47, $0x10;
	v28 =	vand.u32 $0x7FF, v47  }
0x14a: {  	v24 =	vadd.s32 v25, v24;
	v50 =	vadd.s32 v33, v32;
	v53 =	vmul.u32 $0xCCCD, v28  }
0x14b: {  	v36 =	vld [tilespmem:$0x1C0];
	v33 =	vmul.u32 $0x7A69, v54;
	v48 =	vadd.s32 $0x5, v24;
	v24 =	vshrl.u32 v49, $0x10  }
0x14c: {  	v44 =	vld [tilespmem:$0x5C0];
	v51 =	vshrl.u32 v50, $0x10;
	v25 =	vand.u32 $0xFFFF, v50;
	v49 =	vmul.u32 $0xAB1CDA1, v42  }
0x14d: {  	v59 =	vld [tilespmem:$0x3D0];
	v50 =	vmul.u32 $0xCDA1, v42;
	v24 =	vadd.s32 v24, v51;
	v55 =	vmul.u32 $0x1999A, v48  }
0x14e: {  	v57 =	vshrl.u32 v53, $0x12;
	v58 =	vshll.u32 v48, $0xC;
	v62 =	vxor.u32 v33, v34  }
0x14f: {  	v51 =	vmul.u32 $0xAB1, v42;
	v25 =	vadd.s32 v25, v24;
	v24 =	vor.u32 v26, v29  }
0x150: {  	v29 =	vmul.u32 $0x80000005, v57;
	v33 =	vand.u32 $0xFFFF, v62;
	v34 =	vshrl.u32 v62, $0x10  }
0x151: {  	v35 =	vxor.u32 v36, v49;
	v56 =	vmul.u32 $0xCCCD, v25;
	v30 =	vshrl.u32 v55, $0x12  }
0x152: {  	v40 =	vadd.s32 v34, v33;
	v34 =	vmul.u32 $0x7A69, v44;
	v44 =	vmul.u32 $0xCDA1, v59  }
0x153: {  	v30 =	vmul.u32 $0xFFFFD800, v30;
	v29 =	vsub.s32 v29, v28;
	v41 =	vshrl.u32 v40, $0x10  }
0x154: {  	v26 =	vshrl.u32 v56, $0x12;
	v25 =	vadd.s32 v25, v29;
	v29 =	vshrl.u32 v60, $0x10  }
0x155: {  	v52 =	vxor.u32 v34, v35;
	v49 =	vshrl.u32 v44, $0x10;
	v26 =	vmul.u32 $0x7FFFFFFB, v26  }
0x156: {  	v39 =	vadd.s32 v61, v29;
	v29 =	vand.u32 $0x7FF, v62;
	v30 =	vadd.s32 v58, v30  }
0x157: {  	v34 =	vand.u32 $0xFFFF, v52;
	v35 =	vshrl.u32 v52, $0x10;
	v43 =	vmul.u32 $0xCCCD, v29  }
0x158: {  	v55 =	vadd.s32 v35, v34;
	v25 =	vadd.s32 v26, v25;
	v26 =	vand.u32 $0xFFFF, v40  }
0x159: {  	v35 =	vshrl.u32 v55, $0x10;
	v63 =	vadd.s32 $0x5, v25;
	v25 =	vshrl.u32 v39, $0x10  }
0x15a: {  	v47 =	vshrl.u32 v43, $0x12;
	v25 =	vadd.s32 v25, v41;
	v45 =	vmul.u32 $0x1999A, v63  }
0x15b: {  	v37 =	vld [tilespmem:$0x5D0];
	v26 =	vadd.s32 v26, v25;
	v25 =	vor.u32 v27, v30;
	v30 =	vmul.u32 $0x80000005, v47  }
0x15c: {  	v43 =	vmul.u32 $0xAB1CDA1, v59;
	v46 =	vmul.u32 $0xCCCD, v26;
	v31 =	vshrl.u32 v45, $0x12  }
0x15d: {  	v48 =	vshll.u32 v63, $0xC;
	v31 =	vmul.u32 $0xFFFFD800, v31;
	v30 =	vsub.s32 v30, v29  }
0x15e: {  	v27 =	vshrl.u32 v46, $0x12;
	v26 =	vadd.s32 v26, v30;
	v30 =	vshrl.u32 v50, $0x10  }
0x15f: {  	v47 =	vmul.u32 $0xAB1, v59;
	v46 =	vld [tilespmem:$0x3E0];
	v27 =	vmul.u32 $0x7FFFFFFB, v27;
	v54 =	vadd.s32 v51, v30  }
0x160: {  	v45 =	vmul.u32 $0x7A69, v37;
	v61 =	vadd.s32 v48, v31;
	v48 =	vld [tilespmem:$0x5E0];
	v57 =	vshrl.u32 v54, $0x10  }
0x161: {  	v59 =	vld [tilespmem:$0x5F0];
	v26 =	vadd.s32 v27, v26;
	v27 =	vand.u32 $0xFFFF, v55;
	v58 =	vadd.s32 v57, v35  }
0x162: {  	v50 =	vld [tilespmem:$0x1E0];
	v53 =	vadd.s32 $0x5, v26;
	v26 =	vand.u32 $0x7FF, v52;
	v33 =	vadd.s32 v27, v58  }
0x163: {  	v27 =	vor.u32 v28, v61;
	v56 =	vmul.u32 $0x1999A, v53;
	v60 =	vmul.u32 $0xCCCD, v26  }
0x164: {  	v57 =	vld [tilespmem:$0x3F0];
	v62 =	vmul.u32 $0xCCCD, v33;
	v39 =	vshll.u32 v53, $0xC;
	v38 =	vmul.u32 $0xAB1CDA1, v46  }
0x165: {  	v58 =	vmul.u32 $0xAB1, v46;
	v32 =	vmul.u32 $0x7A69, v48;
	v30 =	vshrl.u32 v56, $0x12  }
0x166: {  	v63 =	vld [tilespmem:$0x1D0];
	v35 =	vshrl.u32 v60, $0x12;
	v40 =	vshrl.u32 v62, $0x12;
	v56 =	vmul.u32 $0xCDA1, v46  }
0x167: {  	v34 =	vxor.u32 v50, v38;
	v38 =	vmul.u32 $0x7A69, v59;
	v30 =	vmul.u32 $0xFFFFD800, v30  }
0x168: {  	v41 =	vmul.u32 $0x80000005, v35;
	v42 =	vmul.u32 $0x7FFFFFFB, v40;
	v32 =	vxor.u32 v32, v34  }
0x169: {  	v36 =	vmul.u32 $0xAB1CDA1, v57;
	v60 =	vshrl.u32 v56, $0x10;
	v61 =	vand.u32 $0xFFFF, v32  }
0x16a: {  	v62 =	vshrl.u32 v32, $0x10;
	v40 =	vand.u32 $0x7FF, v32;
	v28 =	vadd.s32 v39, v30  }
0x16b: {  	[tilespmem:$0x620] =	vst v2;
	v31 =	vsub.s32 v41, v26;
	v30 =	vxor.u32 v63, v43;
	v2 =	vadd.s32 v58, v60  }
0x16c: {  	v39 =	vmul.u32 $0xCDA1, v57;
	v41 =	vmul.u32 $0xAB1, v57;
	v46 =	vmul.u32 $0xCCCD, v40  }
0x16d: {  	[tilespmem:$0x600] =	vst v0;
	v28 =	vor.u32 v29, v28;
	v31 =	vadd.s32 v33, v31;
	v30 =	vxor.u32 v45, v30  }
0x16e: {  	[tilespmem:$0x610] =	vst v1;
	v2 =	vshrl.u32 v2, $0x10;
	v29 =	vadd.s32 v42, v31;
	v31 =	vadd.s32 v47, v49  }
0x16f: {  	[tilespmem:$0x630] =	vst v3;
	v51 =	vand.u32 $0xFFFF, v30;
	v52 =	vshrl.u32 v30, $0x10;
	v30 =	vand.u32 $0x7FF, v30  }
0x170: {  	[tilespmem:$0x680] =	vst v8;
	v63 =	vld [tilespmem:$0x1F0];
	v42 =	vshrl.u32 v39, $0x10;
	v8 =	vshrl.u32 v46, $0x12;
	v31 =	vshrl.u32 v31, $0x10  }
0x171: {  	[tilespmem:$0x640] =	vst v4;
	v33 =	vadd.s32 v52, v51;
	v53 =	vmul.u32 $0xCCCD, v30;
	v8 =	vmul.u32 $0x80000005, v8  }
0x172: {  	[tilespmem:$0x650] =	vst v5;
	v49 =	vadd.s32 $0x5, v29;
	v35 =	vshrl.u32 v33, $0x10;
	v54 =	vand.u32 $0xFFFF, v33  }
0x173: {  	[tilespmem:$0x660] =	vst v6;
	v51 =	vmul.u32 $0x1999A, v49;
	v57 =	vshll.u32 v49, $0xC;
	v31 =	vadd.s32 v31, v35  }
0x174: {  	[tilespmem:$0x670] =	vst v7;
	v55 =	vshrl.u32 v53, $0x12;
	v0 =	vadd.s32 v54, v31;
	v31 =	vadd.s32 v62, v61  }
0x175: {  	[tilespmem:$0x690] =	vst v9;
	v4 =	vxor.u32 v63, v36;
	v8 =	vsub.s32 v8, v40;
	v33 =	vshrl.u32 v31, $0x10  }
0x176: {  	[tilespmem:$0x6A0] =	vst v10;
	v1 =	vmul.u32 $0x80000005, v55;
	v3 =	vand.u32 $0xFFFF, v31;
	v2 =	vadd.s32 v2, v33  }
0x177: {  	[tilespmem:$0x6B0] =	vst v11;
	v54 =	vshrl.u32 v51, $0x12;
	v2 =	vadd.s32 v3, v2;
	v3 =	vxor.u32 v38, v4  }
0x178: {  	[tilespmem:$0x6C0] =	vst v12;
	v1 =	vsub.s32 v1, v30;
	v43 =	vand.u32 $0xFFFF, v3;
	v44 =	vshrl.u32 v3, $0x10  }
0x179: {  	[tilespmem:$0x6D0] =	vst v13;
	v4 =	vadd.s32 v41, v42;
	v45 =	vmul.u32 $0xCCCD, v2;
	v5 =	vadd.s32 v44, v43  }
0x17a: {  	[tilespmem:$0x6E0] =	vst v14;
	v4 =	vshrl.u32 v4, $0x10;
	v3 =	vand.u32 $0x7FF, v3;
	v47 =	vshrl.u32 v5, $0x10  }
0x17b: {  	[tilespmem:$0x6F0] =	vst v15;
	v48 =	vmul.u32 $0xCCCD, v3;
	v5 =	vand.u32 $0xFFFF, v5;
	v4 =	vadd.s32 v4, v47  }
0x17c: {  	[tilespmem:$0x700] =	vst v16;
	v1 =	vadd.s32 v0, v1;
	v0 =	vmul.u32 $0xCCCD, v0;
	v4 =	vadd.s32 v5, v4  }
0x17d: {  	[tilespmem:$0x710] =	vst v17;
	v7 =	vshrl.u32 v45, $0x12;
	v5 =	vshrl.u32 v48, $0x12;
	v50 =	vmul.u32 $0xCCCD, v4  }
0x17e: {  	[tilespmem:$0x720] =	vst v18;
	v0 =	vshrl.u32 v0, $0x12;
	v7 =	vmul.u32 $0x7FFFFFFB, v7;
	v5 =	vmul.u32 $0x80000005, v5  }
0x17f: {  	[tilespmem:$0x730] =	vst v19;
	v2 =	vadd.s32 v2, v8;
	v0 =	vmul.u32 $0x7FFFFFFB, v0;
	v53 =	vshrl.u32 v50, $0x12  }
0x180: {  	[tilespmem:$0x740] =	vst v20;
	v52 =	vadd.s32 v7, v2;
	v5 =	vsub.s32 v5, v3;
	v2 =	vmul.u32 $0x7FFFFFFB, v53  }
0x181: {  	[tilespmem:$0x750] =	vst v21;
	v0 =	vadd.s32 v0, v1;
	v1 =	vadd.s32 $0x5, v52;
	v4 =	vadd.s32 v4, v5  }
0x182: {  	[tilespmem:$0x760] =	vst v22;
	v0 =	vadd.s32 $0x5, v0;
	v58 =	vmul.u32 $0x1999A, v1;
	v2 =	vadd.s32 v2, v4  }
0x183: {  	[tilespmem:$0x770] =	vst v23;
	v55 =	vmul.u32 $0xFFFFD800, v54;
	v56 =	vmul.u32 $0x1999A, v0;
	v2 =	vadd.s32 $0x5, v2  }
0x184: {  	[tilespmem:$0x780] =	vst v24;
	v0 =	vshll.u32 v0, $0xC;
	v8 =	vshrl.u32 v58, $0x12;
	v59 =	vmul.u32 $0x1999A, v2  }
0x185: {  	[tilespmem:$0x790] =	vst v25;
	v1 =	vshll.u32 v1, $0xC;
	v4 =	vshrl.u32 v56, $0x12;
	v8 =	vmul.u32 $0xFFFFD800, v8  }
0x186: {  	[tilespmem:$0x7A0] =	vst v27;
	v5 =	vadd.s32 v57, v55;
	v4 =	vmul.u32 $0xFFFFD800, v4;
	v7 =	vshrl.u32 v59, $0x12  }
0x187: {  	[tilespmem:$0x7B0] =	vst v28;
	v5 =	vor.u32 v26, v5;
	v1 =	vadd.s32 v1, v8;
	v60 =	vmul.u32 $0xFFFFD800, v7  }
0x188: {  	[tilespmem:$0x7C0] =	vst v5;
	v2 =	vshll.u32 v2, $0xC;
	v0 =	vadd.s32 v0, v4;
	v61 =	vor.u32 v40, v1  }
0x189: {  	v0 =	vor.u32 v30, v0;
	[tilespmem:$0x7E0] =	vst v61;
	v62 =	vadd.s32 v2, v60  }
0x18a: {  	[tilespmem:$0x7D0] =	vst v0;
	v63 =	vor.u32 v3, v62  }
0x18b: {  	[tilespmem:$0x7F0] =	vst v63  }
0x18c: {  	[tilespmem:s16], [sflag:$0x2] =	stream.indirect.gather [hbm4b:s2+s14], $0x80, s15, s14, $0xb8;
	[tilespmem:$0x10800] =	vst v63  }
0x18d: {  	_ = 	snop  }
0x18e: {  	[tilespmem:s18], [sflag:$0x3] =	stream.indirect.gather [hbm4b:s2+s14], $0x80, s17, s14, $0xb8;
	[tilespmem:$0x10800] =	vst v63  }
0x18f: {  	_ = 	snop  }
0x190: {  	[tilespmem:s20], [sflag:$0x4] =	stream.indirect.gather [hbm4b:s2+s14], $0x80, s19, s14, $0xb8;
	[tilespmem:$0x10800] =	vst v63  }
0x191: {  	_ = 	snop  }
0x192: {  	[tilespmem:s22], [sflag:$0x5] =	stream.indirect.gather [hbm4b:s2+s14], $0x80, s21, s14, $0xb8;
	[tilespmem:$0x10800] =	vst v63  }
0x193: {  	_ =	swait.ge [sflag:s23], $0x4000  }
0x194: {  	[sflag:s23] =	ssyncset.done $0x0  }
0x195: {  	[sflag:s23] =	ssyncadd.s32 $0xFFFFC000  }
0x196: {  	[hbm4b:s6+s3] =	stream.linear.scatter [tilespmem:s16], [sflag:$0x6], $0x4000, $0x38;
	[tilespmem:$0x10800] =	vst v63  }
0x197: {  	_ =	swait.ge [sflag:s24], $0x4000  }
0x198: {  	[sflag:s24] =	ssyncset.done $0x0  }
0x199: {  	[sflag:s24] =	ssyncadd.s32 $0xFFFFC000  }
0x19a: {  	[hbm4b:s7+s3] =	stream.linear.scatter [tilespmem:s18], [sflag:$0x7], $0x4000, $0x38;
	[tilespmem:$0x10800] =	vst v63  }
0x19b: {  	_ =	swait.ge [sflag:s25], $0x4000  }
0x19c: {  	[sflag:s25] =	ssyncset.done $0x0  }
0x19d: {  	[sflag:s25] =	ssyncadd.s32 $0xFFFFC000  }
0x19e: {  	[hbm4b:s8+s3] =	stream.linear.scatter [tilespmem:s20], [sflag:$0x8], $0x4000, $0x38;
	[tilespmem:$0x10800] =	vst v63  }
0x19f: {  	_ =	swait.ge [sflag:s26], $0x4000  }
0x1a0: {  	[sflag:s26] =	ssyncset.done $0x0  }
0x1a1: {  	[sflag:s26] =	ssyncadd.s32 $0xFFFFC000  }
0x1a2: {  	[hbm4b:s9+s3] =	stream.linear.scatter [tilespmem:s22], [sflag:$0x9], $0x4000, $0x38;
	[tilespmem:$0x10800] =	vst v63  }
0x1a3: {  	_ =	swait.ge [sflag:s28], $0x4000  }
0x1a4: {  	[sflag:s28] =	ssyncset.done $0x0  }
0x1a5: {  	[sflag:s28] =	ssyncadd.s32 $0xFFFFC000  }
0x1a6: {  	_ =	swait.ge [sflag:s29], $0x4000  }
0x1a7: {  	[sflag:s29] =	ssyncset.done $0x0  }
0x1a8: {  	[sflag:s29] =	ssyncadd.s32 $0xFFFFC000  }
0x1a9: {  	p0 =	sne.s32 s10, $0x1;
	_ =	swait.ge [sflag:s30], $0x4000  }
.Ltmp0:
0x1aa: {  	[sflag:s30] =	ssyncset.done $0x0;
	(pc) =	sbr.rel @p0 .LBB2_1-.Ltmp0, $4  }
0x1ab: {  	[sflag:s30] =	ssyncadd.s32 $0xFFFFC000  }
0x1ac: {  	_ =	swait.ge [sflag:s31], $0x4000  }
0x1ad: {  	[sflag:s31] =	ssyncset.done $0x0  }
0x1ae: {  	s10 =	sadd.s32 $0xFFFFFFFF, s10;
	[sflag:s31] =	ssyncadd.s32 $0xFFFFC000  }
0x1af: {  	_ =	sfence.sel $0x180000  }
0x1b0: {  	[bflag:$0x0] =	sbarrier.arrive $0xFFFF  }
0x1b1: {  	_ =	strace $0x90000047  }
0x1b2: {  	[bflag:$0x2] =	sbarrier.arrive $0xFFFF  }
0x1b3: {  	p0 =	sne.s32 s0, $0x0;
	s0 =	rddreg [dreg:$0x3]  }
0x1b4: {  	s0 =	sadd.s32 @!p0 $0x100000, s0  }
0x1b5: {  	[sflag:s0] =	ssyncadd.tile.s32 @!p0 $0x1;
	_ =	shalt  }
.Lfunc_end2:
_tile_overlayer_lowered:
.L_overlay_start_2:
0x1b6: {  	(tag) =	ssettag $0x2  }
0x1b7: {  	s0 =	rddreg [dreg:$0x0];
	s2 =	stileid.u32  }
0x1b8: {  	s1 =	rddreg [dreg:$0x1];
	p0 =	sne.s32 s2, $0x0  }
0x1b9: {  	s3 =	rddreg [dreg:$0x2];
	[bflag:$0x3] =	sbarrier.arrive $0xFFFF;
	s2 =	simm.s32 @!p0 $0x1C0A  }
0x1ba: {  	[timem:s3], [sflag:s2] =	dma.local @!p0 [hbm:s0], s1  }
0x1bb: {  	s0 =	simm.s32 @!p0 $0xA  }
0x1bc: {  	_ =	swait.ge @!p0 [sflag:s0], s1  }
0x1bd: {  	s1 =	ssub.s32 @!p0 $0x0, s1;
	[sflag:s0] =	ssyncset.done @!p0 $0x0  }
0x1be: {  	[sflag:s0] =	ssyncadd.s32 @!p0 s1  }
0x1bf: {  	[bflag:$0x3] =	sbarrier.arrive $0xFFFF  }
0x1c0: {  	_ =	shalt  }

</sc_bundles>
